<compile_context>
chip_gen: v7x
topology: tpu7x:2x2x1
jax: 0.10.2.dev20260603
libtpu: 0.0.44.dev20260713+nightly
codegen_flags: <defaults>
</compile_context>

<pallas_src>
import functools

import jax
import jax.numpy as jnp
from jax import lax
from jax.experimental import pallas as pl
from jax.experimental.pallas import tpu as pltpu
from jax.experimental.pallas import tpu_sc as plsc

_PI = 3.1415926235897933
_GAMMA = 12.0
_EPSILON = 2.0
_HIDDEN = 500
_EMB_RANGE = (_GAMMA + _EPSILON) / _HIDDEN
_PHASE_W = 0.5 * _EMB_RANGE
_INV_C = _PI / _EMB_RANGE

_NENTITY = 100000
_BATCH = 1024
_NEG = 200
_NTAIL = _NEG + 1
_D = 2 * _HIDDEN
_DPAD = 1024

_NW = 32
_NSPLIT = 8
_CB = _BATCH // _NSPLIT
_ROWS_PER_W = _CB * _NTAIL // _NW
_CH = 12
_NCHUNK = _ROWS_PER_W // _CH

_C2 = -1.0 / 2.0
_C4 = 1.0 / 24.0
_C6 = -1.0 / 720.0
_C8 = 1.0 / 40320.0
_C10 = -1.0 / 3628800.0


def _sc_gather_body(idx_hbm, ent_hbm, out_hbm, idx_v, buf0, buf1, g0, g1, s0, s1):
    wid = lax.axis_index("s") * 2 + lax.axis_index("c")
    base = wid * _ROWS_PER_W
    pltpu.sync_copy(idx_hbm.at[wid], idx_v)

    bufs = (buf0, buf1)
    gsems = (g0, g1)
    ssems = (s0, s1)

    def start_gather(k, b):
        pltpu.async_copy(ent_hbm.at[idx_v.at[k]], bufs[b], gsems[b])

    def wait_gather(k, b):
        pltpu.make_async_copy(ent_hbm.at[idx_v.at[k]], bufs[b], gsems[b]).wait()

    def emit(k, b):
        dst = out_hbm.at[pl.ds(base + k * _CH, _CH)]
        pltpu.async_copy(bufs[b], dst, ssems[b])
        pltpu.make_async_copy(bufs[b], dst, ssems[b]).wait()

    start_gather(0, 0)
    start_gather(1, 1)

    def body(g, carry):
        for b in range(2):
            k = 2 * g + b
            wait_gather(k, b)
            emit(k, b)
            start_gather(k + 2, b)
        return carry

    npairs = (_NCHUNK - 2) // 2
    lax.fori_loop(0, npairs, body, 0, unroll=False)
    for k in range(2 * npairs, _NCHUNK):
        b = k % 2
        if k >= 2 * npairs + 2:
            start_gather(k, b)
        wait_gather(k, b)
        emit(k, b)


@functools.lru_cache(maxsize=1)
def _make_sc_gather():
    return functools.partial(
        pl.kernel,
        out_type=jax.ShapeDtypeStruct((_CB * _NTAIL, 8, 128), jnp.float32),
        mesh=plsc.VectorSubcoreMesh(core_axis_name="c", subcore_axis_name="s"),
        compiler_params=pltpu.CompilerParams(use_tc_tiling_on_sc=False),
        scratch_types=[
            pltpu.VMEM((_NCHUNK, _CH), jnp.int32),
            pltpu.VMEM((_CH, 8, 128), jnp.float32),
            pltpu.VMEM((_CH, 8, 128), jnp.float32),
            pltpu.SemaphoreType.DMA,
            pltpu.SemaphoreType.DMA,
            pltpu.SemaphoreType.DMA,
            pltpu.SemaphoreType.DMA,
        ],
    )(_sc_gather_body)


_REPACK_BLK = 1024


def _repack_body(in_ref, out_ref):
    x = in_ref[...]
    xt = x.T
    for j in range(7):
        out_ref[:, j, :] = xt[:, 128 * j : 128 * (j + 1)]
    out_ref[:, 7, :] = jnp.concatenate(
        [xt[:, 896:_D], jnp.zeros((_REPACK_BLK, _DPAD - _D), jnp.float32)], axis=1
    )


def _repack(entity_embedding):
    return pl.pallas_call(
        _repack_body,
        grid=(pl.cdiv(_NENTITY, _REPACK_BLK),),
        in_specs=[pl.BlockSpec((_D, _REPACK_BLK), lambda i: (0, i))],
        out_specs=pl.BlockSpec((_REPACK_BLK, 8, 128), lambda i: (i, 0, 0)),
        out_shape=jax.ShapeDtypeStruct((_NENTITY, 8, 128), jnp.float32),
    )(entity_embedding.T)


def _abs_sin(x):
    u = jnp.abs(x)
    u = jnp.where(u > _PI, u - _PI, u)
    t = u - (_PI * 0.5)
    t2 = t * t
    c = 1.0 + t2 * (_C2 + t2 * (_C4 + t2 * (_C6 + t2 * _C8)))
    return jnp.abs(c)


_BSTEP = 4


def _score_body(hp_ref, *refs):
    out_ref = refs[-1]
    g_ref = refs[-2]
    half_inv = _INV_C * 0.5
    pos = (
        lax.broadcasted_iota(jnp.int32, (8, 128), 0) * 128
        + lax.broadcasted_iota(jnp.int32, (8, 128), 1)
    )
    ph_mask = pos < _HIDDEN

    pairs = tuple((refs[2 * i], refs[2 * i + 1]) for i in range(_BSTEP))
    for half, (h_ref, r_ref) in enumerate(pairs):
        hrow = h_ref[0]
        phr_pad = r_ref[0, 0]
        mrb_pad = r_ref[0, 1]
        cpad = r_ref[0, 2]

        apad = (hrow + phr_pad) * half_inv
        bpad = hrow * mrb_pad

        g = g_ref[half * _NTAIL : (half + 1) * _NTAIL]

        x = apad[None] - g * half_inv
        term_ph = jnp.where(ph_mask[None], _abs_sin(x), 0.0)
        ph_sum = jnp.sum(jnp.sum(term_ph, axis=1), axis=1)

        r = bpad[None] - g * cpad[None]
        r_sum = jnp.sum(jnp.sum(r * r, axis=1), axis=1)

        out_ref[half, 0, :] = _GAMMA - (ph_sum * _PHASE_W + jnp.sqrt(r_sum))


def _score_chunk(head_part_c, ent_packed, rel_pad, gathered_c):
    def _head_spec(i):
        return pl.BlockSpec(
            (1, 8, 128), lambda b, hp, i=i: (hp[_BSTEP * b + i, 0], 0, 0)
        )

    def _rel_spec(i):
        return pl.BlockSpec(
            (1, 3, 8, 128), lambda b, hp, i=i: (hp[_BSTEP * b + i, 1], 0, 0, 0)
        )

    in_specs = []
    operands = []
    for i in range(_BSTEP):
        in_specs += [_head_spec(i), _rel_spec(i)]
        operands += [ent_packed, rel_pad]
    in_specs.append(
        pl.BlockSpec((_BSTEP * _NTAIL, 8, 128), lambda b, hp: (b, 0, 0))
    )
    operands.append(gathered_c)

    grid_spec = pltpu.PrefetchScalarGridSpec(
        num_scalar_prefetch=1,
        grid=(_CB // _BSTEP,),
        in_specs=in_specs,
        out_specs=pl.BlockSpec((_BSTEP, 1, _NTAIL), lambda b, hp: (b, 0, 0)),
    )
    return pl.pallas_call(
        _score_body,
        grid_spec=grid_spec,
        out_shape=jax.ShapeDtypeStruct((_CB, 1, _NTAIL), jnp.float32),
    )(head_part_c, *operands)


def _make_rel_pad(relation_embedding):
    nr = relation_embedding.shape[0]
    ph_r = relation_embedding[:, :_HIDDEN]
    mod_r = jnp.abs(relation_embedding[:, _HIDDEN : 2 * _HIDDEN])
    bias = jnp.minimum(relation_embedding[:, 2 * _HIDDEN :], 1.0)
    bias = jnp.where(bias < -mod_r, -mod_r, bias)
    z500 = jnp.zeros((nr, _HIDDEN), jnp.float32)
    z24 = jnp.zeros((nr, _DPAD - 2 * _HIDDEN), jnp.float32)
    phr_pad = jnp.concatenate([ph_r, z500, z24], axis=1)
    mrb_pad = jnp.concatenate([z500, mod_r + bias, z24], axis=1)
    c_pad = jnp.concatenate([z500, 1.0 - bias, z24], axis=1)
    return jnp.stack([phr_pad, mrb_pad, c_pad], axis=1).reshape(nr, 3, 8, 128)


def kernel(entity_embedding, relation_embedding, head_part, tail_part):
    idx_all = jnp.concatenate([head_part[:, 2:3], tail_part], axis=1)

    ent_packed = _repack(entity_embedding)
    rel_pad = _make_rel_pad(relation_embedding)

    sc_gather = _make_sc_gather()
    outs = []
    for c in range(_NSPLIT):
        idx_c = idx_all[c * _CB : (c + 1) * _CB].reshape(_NW, _NCHUNK, _CH)
        gathered_c = sc_gather(idx_c, ent_packed)
        hp_c = head_part[c * _CB : (c + 1) * _CB]
        outs.append(_score_chunk(hp_c, ent_packed, rel_pad, gathered_c))
    return jnp.concatenate(outs, axis=0).reshape(_BATCH, _NTAIL)

# --- scband reference (transcript-rebuilt; emitter-appended) ---
"""Pipeline reference for scband-hake-reverse-30511447671223 (READ-ONLY COPY).

The authoritative reference and input builder live on the scoring server;
editing this copy changes nothing except your own understanding.
"""

import jax, jax.numpy as jnp
import numpy as np

PI = 3.1415926235897933
GAMMA = 12.0
EPSILON = 2.0
HIDDEN = 500
EMB_RANGE = (GAMMA + EPSILON) / HIDDEN  # 0.028
PHASE_W = 0.5 * EMB_RANGE
MOD_W = 1.0
NENTITY = 100000
NRELATION = 1000
BATCH = 1024
NEG = 200


def setup_inputs(seed: int = 0) -> dict:
    key = jax.random.key(seed)
    k1, k2, k3, k4, k5 = jax.random.split(key, 5)
    entity_embedding = jax.random.uniform(k1, (NENTITY, 2 * HIDDEN), minval=-EMB_RANGE, maxval=EMB_RANGE, dtype=jnp.float32)
    relation_embedding = jax.random.uniform(k2, (NRELATION, 3 * HIDDEN), minval=-EMB_RANGE, maxval=EMB_RANGE, dtype=jnp.float32)
    ent_idx = jax.random.randint(k3, (BATCH, 2), 0, NENTITY, dtype=jnp.int32)
    rel_idx = jax.random.randint(k4, (BATCH, 1), 0, NRELATION, dtype=jnp.int32)
    head_part = jnp.concatenate([ent_idx[:, :1], rel_idx, ent_idx[:, 1:]], axis=1)
    tail_part = jax.random.randint(k5, (BATCH, NEG), 0, NENTITY, dtype=jnp.int32)
    return {
        "entity_embedding": entity_embedding,
        "relation_embedding": relation_embedding,
        "head_part": head_part,
        "tail_part": tail_part,
    }


def _func(head, rel, tail):
    phase_head, mod_head = jnp.split(head, 2, axis=2)
    phase_relation, mod_relation, bias_relation = jnp.split(rel, 3, axis=2)
    phase_tail, mod_tail = jnp.split(tail, 2, axis=2)

    phase_head = phase_head / (EMB_RANGE / PI)
    phase_relation = phase_relation / (EMB_RANGE / PI)
    phase_tail = phase_tail / (EMB_RANGE / PI)

    phase_score = phase_head + phase_relation - phase_tail

    mod_relation = jnp.abs(mod_relation)
    bias_relation = jnp.minimum(bias_relation, 1.0)
    indicator = bias_relation < -mod_relation
    bias_relation = jnp.where(indicator, -mod_relation, bias_relation)

    r_score = mod_head * (mod_relation + bias_relation) - mod_tail * (1.0 - bias_relation)

    phase_score = jnp.sum(jnp.abs(jnp.sin(phase_score / 2.0)), axis=2) * PHASE_W
    r_score = jnp.linalg.norm(r_score, axis=2) * MOD_W
    score = GAMMA - (phase_score + r_score)
    return score


def reference(entity_embedding, relation_embedding, head_part, tail_part):
    batch_size, negative_sample_size = tail_part.shape
    head = jnp.take(entity_embedding, head_part[:, 0], axis=0)[:, None, :]
    relation = jnp.take(relation_embedding, head_part[:, 1], axis=0)[:, None, :]
    pos_tail = jnp.take(entity_embedding, head_part[:, 2], axis=0)[:, None, :]
    neg_tail = jnp.take(entity_embedding, tail_part.reshape(-1), axis=0).reshape(batch_size, negative_sample_size, -1)
    tail = jnp.concatenate([pos_tail, neg_tail], axis=1)
    return _func(head, relation, tail)

if __name__ == "__main__":
    import jax
    _d = setup_inputs()
    print(jax.jit(kernel)(*tuple(_d.values())))

</pallas_src>

<mosaic_0001>
#map = affine_map<(d0, d1) -> (0, 0, 0)>
module attributes {stable_mosaic.version = 14 : i64} {
  func.func @_sc_gather_body(%arg0: i32, %arg1: i32, %arg2: memref<32x67x12xi32, #tpu.memory_space<hbm>>, %arg3: memref<100000x8x128xf32, #tpu.memory_space<hbm>>, %arg4: memref<25728x8x128xf32, #tpu.memory_space<hbm>>, %arg5: memref<67x12xi32, #tpu.memory_space<vmem>>, %arg6: memref<12x8x128xf32, #tpu.memory_space<vmem>>, %arg7: memref<12x8x128xf32, #tpu.memory_space<vmem>>, %arg8: memref<!tpu.dma_semaphore, #tpu.memory_space<semaphore_mem>>, %arg9: memref<!tpu.dma_semaphore, #tpu.memory_space<semaphore_mem>>, %arg10: memref<!tpu.dma_semaphore, #tpu.memory_space<semaphore_mem>>, %arg11: memref<!tpu.dma_semaphore, #tpu.memory_space<semaphore_mem>>) attributes {dimension_semantics = [#tpu.dimension_semantics<core_parallel>, #tpu.dimension_semantics<subcore_parallel>], iteration_bounds = array<i64: 2, 16>, scalar_prefetch = 0 : i64, scratch_operands = 7 : i64, tpu.core_type = #tpu.core_type<sc_vector_subcore>, window_params = [{transform_indices = #map}, {transform_indices = #map}, {transform_indices = #map}]} {
    %mul3A = arith.constant 2 : i32
    %mul3A_0 = arith.muli %arg1, %mul3A : i32
    %add3A = arith.addi %mul3A_0, %arg0 : i32
    %mul3A_1 = arith.constant 804 : i32
    %mul3A_2 = arith.muli %add3A, %mul3A_1 : i32
    "tpu.region"() ({
      %run_scoped3A = tpu.sem_alloc : memref<!tpu.dma_semaphore, #tpu.memory_space<semaphore_mem>>
      %dma_start3A_96 = arith.constant 0 : i32
      %dma_start3A_97 = arith.constant 0 : i32
      %dma_start3A_98 = tpu.memref_slice %arg2[%add3A, %dma_start3A_96, %dma_start3A_97] : memref<32x67x12xi32, #tpu.memory_space<hbm>> -> memref<1x67x12xi32, #tpu.memory_space<hbm>>
      %dma_start3A_99 = tpu.memref_squeeze %dma_start3A_98 : memref<1x67x12xi32, #tpu.memory_space<hbm>> -> memref<67x12xi32, #tpu.memory_space<hbm>>
      %dma_start3A_100 = arith.constant 0 : i32
      %dma_start3A_101 = arith.constant 0 : i32
      %dma_start3A_102 = tpu.memref_slice %arg2[%add3A, %dma_start3A_100, %dma_start3A_101] : memref<32x67x12xi32, #tpu.memory_space<hbm>> -> memref<1x67x12xi32, #tpu.memory_space<hbm>>
      %dma_start3A_103 = tpu.memref_squeeze %dma_start3A_102 : memref<1x67x12xi32, #tpu.memory_space<hbm>> -> memref<67x12xi32, #tpu.memory_space<hbm>>
      tpu.enqueue_dma source(%dma_start3A_103 : memref<67x12xi32, #tpu.memory_space<hbm>>) target(%arg5 : memref<67x12xi32, #tpu.memory_space<vmem>>) target_semaphore(%run_scoped3A : memref<!tpu.dma_semaphore, #tpu.memory_space<semaphore_mem>>)
      %dma_wait3A_104 = arith.constant 0 : i32
      %dma_wait3A_105 = arith.constant 0 : i32
      %dma_wait3A_106 = tpu.memref_slice %arg2[%add3A, %dma_wait3A_104, %dma_wait3A_105] : memref<32x67x12xi32, #tpu.memory_space<hbm>> -> memref<1x67x12xi32, #tpu.memory_space<hbm>>
      %dma_wait3A_107 = tpu.memref_squeeze %dma_wait3A_106 : memref<1x67x12xi32, #tpu.memory_space<hbm>> -> memref<67x12xi32, #tpu.memory_space<hbm>>
      %dma_wait3A_108 = arith.constant 0 : i32
      %dma_wait3A_109 = arith.constant 0 : i32
      %dma_wait3A_110 = tpu.memref_slice %arg2[%add3A, %dma_wait3A_108, %dma_wait3A_109] : memref<32x67x12xi32, #tpu.memory_space<hbm>> -> memref<1x67x12xi32, #tpu.memory_space<hbm>>
      %dma_wait3A_111 = tpu.memref_squeeze %dma_wait3A_110 : memref<1x67x12xi32, #tpu.memory_space<hbm>> -> memref<67x12xi32, #tpu.memory_space<hbm>>
      tpu.wait_dma2 semaphore(%run_scoped3A : memref<!tpu.dma_semaphore, #tpu.memory_space<semaphore_mem>>) src(%dma_wait3A_111 : memref<67x12xi32, #tpu.memory_space<hbm>>) dst(%arg5 : memref<67x12xi32, #tpu.memory_space<vmem>>)
      tpu.yield
    }) : () -> ()
    %dma_start3A = arith.constant 0 : i32
    %dma_start3A_3 = arith.constant 0 : i32
    %dma_start3A_4 = tpu.memref_slice %arg5[%dma_start3A, %dma_start3A_3] : memref<67x12xi32, #tpu.memory_space<vmem>> -> memref<1x12xi32, #tpu.memory_space<vmem>>
    %dma_start3A_5 = tpu.memref_squeeze %dma_start3A_4 : memref<1x12xi32, #tpu.memory_space<vmem>> -> memref<12xi32, #tpu.memory_space<vmem>>
    %dma_start3A_6 = arith.constant 0 : i32
    %dma_start3A_7 = arith.constant 0 : i32
    %dma_start3A_8 = arith.constant 0 : i32
    %dma_start3A_9 = tpu.memref_slice %arg3[%dma_start3A_6, %dma_start3A_7, %dma_start3A_8] : memref<100000x8x128xf32, #tpu.memory_space<hbm>> -> memref<100000x8x128xf32, #tpu.memory_space<hbm>>
    tpu.enqueue_indirect_dma source(%dma_start3A_9 : memref<100000x8x128xf32, #tpu.memory_space<hbm>>) target(%arg6 : memref<12x8x128xf32, #tpu.memory_space<vmem>>) offsets(%dma_start3A_5 : memref<12xi32, #tpu.memory_space<vmem>>) semaphore(%arg8 : memref<!tpu.dma_semaphore, #tpu.memory_space<semaphore_mem>>)
    %dma_start3A_10 = arith.constant 1 : i32
    %dma_start3A_11 = arith.constant 0 : i32
    %dma_start3A_12 = tpu.memref_slice %arg5[%dma_start3A_10, %dma_start3A_11] : memref<67x12xi32, #tpu.memory_space<vmem>> -> memref<1x12xi32, #tpu.memory_space<vmem>>
    %dma_start3A_13 = tpu.memref_squeeze %dma_start3A_12 : memref<1x12xi32, #tpu.memory_space<vmem>> -> memref<12xi32, #tpu.memory_space<vmem>>
    %dma_start3A_14 = arith.constant 0 : i32
    %dma_start3A_15 = arith.constant 0 : i32
    %dma_start3A_16 = arith.constant 0 : i32
    %dma_start3A_17 = tpu.memref_slice %arg3[%dma_start3A_14, %dma_start3A_15, %dma_start3A_16] : memref<100000x8x128xf32, #tpu.memory_space<hbm>> -> memref<100000x8x128xf32, #tpu.memory_space<hbm>>
    tpu.enqueue_indirect_dma source(%dma_start3A_17 : memref<100000x8x128xf32, #tpu.memory_space<hbm>>) target(%arg7 : memref<12x8x128xf32, #tpu.memory_space<vmem>>) offsets(%dma_start3A_13 : memref<12xi32, #tpu.memory_space<vmem>>) semaphore(%arg9 : memref<!tpu.dma_semaphore, #tpu.memory_space<semaphore_mem>>)
    %scan3A = arith.constant 0 : i32
    %scan3A_18 = arith.constant 0 : i32
    %scan3A_19 = arith.constant 32 : i32
    %scan3A_20 = arith.addi %scan3A_18, %scan3A_19 : i32
    %scan3A_21 = arith.constant 1 : i32
    scf.for %scan3A_96 = %scan3A_18 to %scan3A_20 step %scan3A_21  : i32 {
      %mul3A_97 = arith.constant 2 : i32
      %mul3A_98 = arith.muli %mul3A_97, %scan3A_96 : i32
      %add3A_99 = arith.constant 0 : i32
      %add3A_100 = arith.addi %mul3A_98, %add3A_99 : i32
      %dma_wait3A_101 = arith.constant 0 : i32
      %dma_wait3A_102 = tpu.memref_slice %arg5[%add3A_100, %dma_wait3A_101] : memref<67x12xi32, #tpu.memory_space<vmem>> -> memref<1x12xi32, #tpu.memory_space<vmem>>
      %dma_wait3A_103 = tpu.memref_squeeze %dma_wait3A_102 : memref<1x12xi32, #tpu.memory_space<vmem>> -> memref<12xi32, #tpu.memory_space<vmem>>
      %dma_wait3A_104 = arith.constant 0 : i32
      %dma_wait3A_105 = arith.constant 0 : i32
      %dma_wait3A_106 = arith.constant 0 : i32
      %dma_wait3A_107 = tpu.memref_slice %arg3[%dma_wait3A_104, %dma_wait3A_105, %dma_wait3A_106] : memref<100000x8x128xf32, #tpu.memory_space<hbm>> -> memref<100000x8x128xf32, #tpu.memory_space<hbm>>
      tpu.wait_indirect_dma semaphore(%arg8 : memref<!tpu.dma_semaphore, #tpu.memory_space<semaphore_mem>>) src(%dma_wait3A_107 : memref<100000x8x128xf32, #tpu.memory_space<hbm>>) dst(%arg6 : memref<12x8x128xf32, #tpu.memory_space<vmem>>)
      %mul3A_108 = arith.constant 12 : i32
      %mul3A_109 = arith.muli %add3A_100, %mul3A_108 : i32
      %add3A_110 = arith.addi %mul3A_2, %mul3A_109 : i32
      %dma_start3A_111 = arith.constant 0 : i32
      %dma_start3A_112 = arith.constant 0 : i32
      %dma_start3A_113 = tpu.memref_slice %arg4[%add3A_110, %dma_start3A_111, %dma_start3A_112] : memref<25728x8x128xf32, #tpu.memory_space<hbm>> -> memref<12x8x128xf32, #tpu.memory_space<hbm>>
      %dma_start3A_114 = arith.constant 0 : i32
      %dma_start3A_115 = arith.constant 0 : i32
      %dma_start3A_116 = tpu.memref_slice %arg4[%add3A_110, %dma_start3A_114, %dma_start3A_115] : memref<25728x8x128xf32, #tpu.memory_space<hbm>> -> memref<12x8x128xf32, #tpu.memory_space<hbm>>
      tpu.enqueue_dma source(%arg6 : memref<12x8x128xf32, #tpu.memory_space<vmem>>) target(%dma_start3A_116 : memref<12x8x128xf32, #tpu.memory_space<hbm>>) target_semaphore(%arg10 : memref<!tpu.dma_semaphore, #tpu.memory_space<semaphore_mem>>)
      %dma_wait3A_117 = arith.constant 0 : i32
      %dma_wait3A_118 = arith.constant 0 : i32
      %dma_wait3A_119 = tpu.memref_slice %arg4[%add3A_110, %dma_wait3A_117, %dma_wait3A_118] : memref<25728x8x128xf32, #tpu.memory_space<hbm>> -> memref<12x8x128xf32, #tpu.memory_space<hbm>>
      %dma_wait3A_120 = arith.constant 0 : i32
      %dma_wait3A_121 = arith.constant 0 : i32
      %dma_wait3A_122 = tpu.memref_slice %arg4[%add3A_110, %dma_wait3A_120, %dma_wait3A_121] : memref<25728x8x128xf32, #tpu.memory_space<hbm>> -> memref<12x8x128xf32, #tpu.memory_space<hbm>>
      tpu.wait_dma2 semaphore(%arg10 : memref<!tpu.dma_semaphore, #tpu.memory_space<semaphore_mem>>) src(%arg6 : memref<12x8x128xf32, #tpu.memory_space<vmem>>) dst(%dma_wait3A_122 : memref<12x8x128xf32, #tpu.memory_space<hbm>>)
      %add3A_123 = arith.constant 2 : i32
      %add3A_124 = arith.addi %add3A_100, %add3A_123 : i32
      %dma_start3A_125 = arith.constant 0 : i32
      %dma_start3A_126 = tpu.memref_slice %arg5[%add3A_124, %dma_start3A_125] : memref<67x12xi32, #tpu.memory_space<vmem>> -> memref<1x12xi32, #tpu.memory_space<vmem>>
      %dma_start3A_127 = tpu.memref_squeeze %dma_start3A_126 : memref<1x12xi32, #tpu.memory_space<vmem>> -> memref<12xi32, #tpu.memory_space<vmem>>
      %dma_start3A_128 = arith.constant 0 : i32
      %dma_start3A_129 = arith.constant 0 : i32
      %dma_start3A_130 = arith.constant 0 : i32
      %dma_start3A_131 = tpu.memref_slice %arg3[%dma_start3A_128, %dma_start3A_129, %dma_start3A_130] : memref<100000x8x128xf32, #tpu.memory_space<hbm>> -> memref<100000x8x128xf32, #tpu.memory_space<hbm>>
      tpu.enqueue_indirect_dma source(%dma_start3A_131 : memref<100000x8x128xf32, #tpu.memory_space<hbm>>) target(%arg6 : memref<12x8x128xf32, #tpu.memory_space<vmem>>) offsets(%dma_start3A_127 : memref<12xi32, #tpu.memory_space<vmem>>) semaphore(%arg8 : memref<!tpu.dma_semaphore, #tpu.memory_space<semaphore_mem>>)
      %mul3A_132 = arith.constant 2 : i32
      %mul3A_133 = arith.muli %mul3A_132, %scan3A_96 : i32
      %add3A_134 = arith.constant 1 : i32
      %add3A_135 = arith.addi %mul3A_133, %add3A_134 : i32
      %dma_wait3A_136 = arith.constant 0 : i32
      %dma_wait3A_137 = tpu.memref_slice %arg5[%add3A_135, %dma_wait3A_136] : memref<67x12xi32, #tpu.memory_space<vmem>> -> memref<1x12xi32, #tpu.memory_space<vmem>>
      %dma_wait3A_138 = tpu.memref_squeeze %dma_wait3A_137 : memref<1x12xi32, #tpu.memory_space<vmem>> -> memref<12xi32, #tpu.memory_space<vmem>>
      %dma_wait3A_139 = arith.constant 0 : i32
      %dma_wait3A_140 = arith.constant 0 : i32
      %dma_wait3A_141 = arith.constant 0 : i32
      %dma_wait3A_142 = tpu.memref_slice %arg3[%dma_wait3A_139, %dma_wait3A_140, %dma_wait3A_141] : memref<100000x8x128xf32, #tpu.memory_space<hbm>> -> memref<100000x8x128xf32, #tpu.memory_space<hbm>>
      tpu.wait_indirect_dma semaphore(%arg9 : memref<!tpu.dma_semaphore, #tpu.memory_space<semaphore_mem>>) src(%dma_wait3A_142 : memref<100000x8x128xf32, #tpu.memory_space<hbm>>) dst(%arg7 : memref<12x8x128xf32, #tpu.memory_space<vmem>>)
      %mul3A_143 = arith.constant 12 : i32
      %mul3A_144 = arith.muli %add3A_135, %mul3A_143 : i32
      %add3A_145 = arith.addi %mul3A_2, %mul3A_144 : i32
      %dma_start3A_146 = arith.constant 0 : i32
      %dma_start3A_147 = arith.constant 0 : i32
      %dma_start3A_148 = tpu.memref_slice %arg4[%add3A_145, %dma_start3A_146, %dma_start3A_147] : memref<25728x8x128xf32, #tpu.memory_space<hbm>> -> memref<12x8x128xf32, #tpu.memory_space<hbm>>
      %dma_start3A_149 = arith.constant 0 : i32
      %dma_start3A_150 = arith.constant 0 : i32
      %dma_start3A_151 = tpu.memref_slice %arg4[%add3A_145, %dma_start3A_149, %dma_start3A_150] : memref<25728x8x128xf32, #tpu.memory_space<hbm>> -> memref<12x8x128xf32, #tpu.memory_space<hbm>>
      tpu.enqueue_dma source(%arg7 : memref<12x8x128xf32, #tpu.memory_space<vmem>>) target(%dma_start3A_151 : memref<12x8x128xf32, #tpu.memory_space<hbm>>) target_semaphore(%arg11 : memref<!tpu.dma_semaphore, #tpu.memory_space<semaphore_mem>>)
      %dma_wait3A_152 = arith.constant 0 : i32
      %dma_wait3A_153 = arith.constant 0 : i32
      %dma_wait3A_154 = tpu.memref_slice %arg4[%add3A_145, %dma_wait3A_152, %dma_wait3A_153] : memref<25728x8x128xf32, #tpu.memory_space<hbm>> -> memref<12x8x128xf32, #tpu.memory_space<hbm>>
      %dma_wait3A_155 = arith.constant 0 : i32
      %dma_wait3A_156 = arith.constant 0 : i32
      %dma_wait3A_157 = tpu.memref_slice %arg4[%add3A_145, %dma_wait3A_155, %dma_wait3A_156] : memref<25728x8x128xf32, #tpu.memory_space<hbm>> -> memref<12x8x128xf32, #tpu.memory_space<hbm>>
      tpu.wait_dma2 semaphore(%arg11 : memref<!tpu.dma_semaphore, #tpu.memory_space<semaphore_mem>>) src(%arg7 : memref<12x8x128xf32, #tpu.memory_space<vmem>>) dst(%dma_wait3A_157 : memref<12x8x128xf32, #tpu.memory_space<hbm>>)
      %add3A_158 = arith.constant 2 : i32
      %add3A_159 = arith.addi %add3A_135, %add3A_158 : i32
      %dma_start3A_160 = arith.constant 0 : i32
      %dma_start3A_161 = tpu.memref_slice %arg5[%add3A_159, %dma_start3A_160] : memref<67x12xi32, #tpu.memory_space<vmem>> -> memref<1x12xi32, #tpu.memory_space<vmem>>
      %dma_start3A_162 = tpu.memref_squeeze %dma_start3A_161 : memref<1x12xi32, #tpu.memory_space<vmem>> -> memref<12xi32, #tpu.memory_space<vmem>>
      %dma_start3A_163 = arith.constant 0 : i32
      %dma_start3A_164 = arith.constant 0 : i32
      %dma_start3A_165 = arith.constant 0 : i32
      %dma_start3A_166 = tpu.memref_slice %arg3[%dma_start3A_163, %dma_start3A_164, %dma_start3A_165] : memref<100000x8x128xf32, #tpu.memory_space<hbm>> -> memref<100000x8x128xf32, #tpu.memory_space<hbm>>
      tpu.enqueue_indirect_dma source(%dma_start3A_166 : memref<100000x8x128xf32, #tpu.memory_space<hbm>>) target(%arg7 : memref<12x8x128xf32, #tpu.memory_space<vmem>>) offsets(%dma_start3A_162 : memref<12xi32, #tpu.memory_space<vmem>>) semaphore(%arg9 : memref<!tpu.dma_semaphore, #tpu.memory_space<semaphore_mem>>)
    }
    %scan3A_22 = arith.constant 32 : i32
    %dma_wait3A = arith.constant 64 : i32
    %dma_wait3A_23 = arith.constant 0 : i32
    %dma_wait3A_24 = tpu.memref_slice %arg5[%dma_wait3A, %dma_wait3A_23] : memref<67x12xi32, #tpu.memory_space<vmem>> -> memref<1x12xi32, #tpu.memory_space<vmem>>
    %dma_wait3A_25 = tpu.memref_squeeze %dma_wait3A_24 : memref<1x12xi32, #tpu.memory_space<vmem>> -> memref<12xi32, #tpu.memory_space<vmem>>
    %dma_wait3A_26 = arith.constant 0 : i32
    %dma_wait3A_27 = arith.constant 0 : i32
    %dma_wait3A_28 = arith.constant 0 : i32
    %dma_wait3A_29 = tpu.memref_slice %arg3[%dma_wait3A_26, %dma_wait3A_27, %dma_wait3A_28] : memref<100000x8x128xf32, #tpu.memory_space<hbm>> -> memref<100000x8x128xf32, #tpu.memory_space<hbm>>
    tpu.wait_indirect_dma semaphore(%arg8 : memref<!tpu.dma_semaphore, #tpu.memory_space<semaphore_mem>>) src(%dma_wait3A_29 : memref<100000x8x128xf32, #tpu.memory_space<hbm>>) dst(%arg6 : memref<12x8x128xf32, #tpu.memory_space<vmem>>)
    %add3A_30 = arith.constant 768 : i32
    %add3A_31 = arith.addi %mul3A_2, %add3A_30 : i32
    %dma_start3A_32 = arith.constant 0 : i32
    %dma_start3A_33 = arith.constant 0 : i32
    %dma_start3A_34 = tpu.memref_slice %arg4[%add3A_31, %dma_start3A_32, %dma_start3A_33] : memref<25728x8x128xf32, #tpu.memory_space<hbm>> -> memref<12x8x128xf32, #tpu.memory_space<hbm>>
    %dma_start3A_35 = arith.constant 0 : i32
    %dma_start3A_36 = arith.constant 0 : i32
    %dma_start3A_37 = tpu.memref_slice %arg4[%add3A_31, %dma_start3A_35, %dma_start3A_36] : memref<25728x8x128xf32, #tpu.memory_space<hbm>> -> memref<12x8x128xf32, #tpu.memory_space<hbm>>
    tpu.enqueue_dma source(%arg6 : memref<12x8x128xf32, #tpu.memory_space<vmem>>) target(%dma_start3A_37 : memref<12x8x128xf32, #tpu.memory_space<hbm>>) target_semaphore(%arg10 : memref<!tpu.dma_semaphore, #tpu.memory_space<semaphore_mem>>)
    %dma_wait3A_38 = arith.constant 0 : i32
    %dma_wait3A_39 = arith.constant 0 : i32
    %dma_wait3A_40 = tpu.memref_slice %arg4[%add3A_31, %dma_wait3A_38, %dma_wait3A_39] : memref<25728x8x128xf32, #tpu.memory_space<hbm>> -> memref<12x8x128xf32, #tpu.memory_space<hbm>>
    %dma_wait3A_41 = arith.constant 0 : i32
    %dma_wait3A_42 = arith.constant 0 : i32
    %dma_wait3A_43 = tpu.memref_slice %arg4[%add3A_31, %dma_wait3A_41, %dma_wait3A_42] : memref<25728x8x128xf32, #tpu.memory_space<hbm>> -> memref<12x8x128xf32, #tpu.memory_space<hbm>>
    tpu.wait_dma2 semaphore(%arg10 : memref<!tpu.dma_semaphore, #tpu.memory_space<semaphore_mem>>) src(%arg6 : memref<12x8x128xf32, #tpu.memory_space<vmem>>) dst(%dma_wait3A_43 : memref<12x8x128xf32, #tpu.memory_space<hbm>>)
    %dma_wait3A_44 = arith.constant 65 : i32
    %dma_wait3A_45 = arith.constant 0 : i32
    %dma_wait3A_46 = tpu.memref_slice %arg5[%dma_wait3A_44, %dma_wait3A_45] : memref<67x12xi32, #tpu.memory_space<vmem>> -> memref<1x12xi32, #tpu.memory_space<vmem>>
    %dma_wait3A_47 = tpu.memref_squeeze %dma_wait3A_46 : memref<1x12xi32, #tpu.memory_space<vmem>> -> memref<12xi32, #tpu.memory_space<vmem>>
    %dma_wait3A_48 = arith.constant 0 : i32
    %dma_wait3A_49 = arith.constant 0 : i32
    %dma_wait3A_50 = arith.constant 0 : i32
    %dma_wait3A_51 = tpu.memref_slice %arg3[%dma_wait3A_48, %dma_wait3A_49, %dma_wait3A_50] : memref<100000x8x128xf32, #tpu.memory_space<hbm>> -> memref<100000x8x128xf32, #tpu.memory_space<hbm>>
    tpu.wait_indirect_dma semaphore(%arg9 : memref<!tpu.dma_semaphore, #tpu.memory_space<semaphore_mem>>) src(%dma_wait3A_51 : memref<100000x8x128xf32, #tpu.memory_space<hbm>>) dst(%arg7 : memref<12x8x128xf32, #tpu.memory_space<vmem>>)
    %add3A_52 = arith.constant 780 : i32
    %add3A_53 = arith.addi %mul3A_2, %add3A_52 : i32
    %dma_start3A_54 = arith.constant 0 : i32
    %dma_start3A_55 = arith.constant 0 : i32
    %dma_start3A_56 = tpu.memref_slice %arg4[%add3A_53, %dma_start3A_54, %dma_start3A_55] : memref<25728x8x128xf32, #tpu.memory_space<hbm>> -> memref<12x8x128xf32, #tpu.memory_space<hbm>>
    %dma_start3A_57 = arith.constant 0 : i32
    %dma_start3A_58 = arith.constant 0 : i32
    %dma_start3A_59 = tpu.memref_slice %arg4[%add3A_53, %dma_start3A_57, %dma_start3A_58] : memref<25728x8x128xf32, #tpu.memory_space<hbm>> -> memref<12x8x128xf32, #tpu.memory_space<hbm>>
    tpu.enqueue_dma source(%arg7 : memref<12x8x128xf32, #tpu.memory_space<vmem>>) target(%dma_start3A_59 : memref<12x8x128xf32, #tpu.memory_space<hbm>>) target_semaphore(%arg11 : memref<!tpu.dma_semaphore, #tpu.memory_space<semaphore_mem>>)
    %dma_wait3A_60 = arith.constant 0 : i32
    %dma_wait3A_61 = arith.constant 0 : i32
    %dma_wait3A_62 = tpu.memref_slice %arg4[%add3A_53, %dma_wait3A_60, %dma_wait3A_61] : memref<25728x8x128xf32, #tpu.memory_space<hbm>> -> memref<12x8x128xf32, #tpu.memory_space<hbm>>
    %dma_wait3A_63 = arith.constant 0 : i32
    %dma_wait3A_64 = arith.constant 0 : i32
    %dma_wait3A_65 = tpu.memref_slice %arg4[%add3A_53, %dma_wait3A_63, %dma_wait3A_64] : memref<25728x8x128xf32, #tpu.memory_space<hbm>> -> memref<12x8x128xf32, #tpu.memory_space<hbm>>
    tpu.wait_dma2 semaphore(%arg11 : memref<!tpu.dma_semaphore, #tpu.memory_space<semaphore_mem>>) src(%arg7 : memref<12x8x128xf32, #tpu.memory_space<vmem>>) dst(%dma_wait3A_65 : memref<12x8x128xf32, #tpu.memory_space<hbm>>)
    %dma_start3A_66 = arith.constant 66 : i32
    %dma_start3A_67 = arith.constant 0 : i32
    %dma_start3A_68 = tpu.memref_slice %arg5[%dma_start3A_66, %dma_start3A_67] : memref<67x12xi32, #tpu.memory_space<vmem>> -> memref<1x12xi32, #tpu.memory_space<vmem>>
    %dma_start3A_69 = tpu.memref_squeeze %dma_start3A_68 : memref<1x12xi32, #tpu.memory_space<vmem>> -> memref<12xi32, #tpu.memory_space<vmem>>
    %dma_start3A_70 = arith.constant 0 : i32
    %dma_start3A_71 = arith.constant 0 : i32
    %dma_start3A_72 = arith.constant 0 : i32
    %dma_start3A_73 = tpu.memref_slice %arg3[%dma_start3A_70, %dma_start3A_71, %dma_start3A_72] : memref<100000x8x128xf32, #tpu.memory_space<hbm>> -> memref<100000x8x128xf32, #tpu.memory_space<hbm>>
    tpu.enqueue_indirect_dma source(%dma_start3A_73 : memref<100000x8x128xf32, #tpu.memory_space<hbm>>) target(%arg6 : memref<12x8x128xf32, #tpu.memory_space<vmem>>) offsets(%dma_start3A_69 : memref<12xi32, #tpu.memory_space<vmem>>) semaphore(%arg8 : memref<!tpu.dma_semaphore, #tpu.memory_space<semaphore_mem>>)
    %dma_wait3A_74 = arith.constant 66 : i32
    %dma_wait3A_75 = arith.constant 0 : i32
    %dma_wait3A_76 = tpu.memref_slice %arg5[%dma_wait3A_74, %dma_wait3A_75] : memref<67x12xi32, #tpu.memory_space<vmem>> -> memref<1x12xi32, #tpu.memory_space<vmem>>
    %dma_wait3A_77 = tpu.memref_squeeze %dma_wait3A_76 : memref<1x12xi32, #tpu.memory_space<vmem>> -> memref<12xi32, #tpu.memory_space<vmem>>
    %dma_wait3A_78 = arith.constant 0 : i32
    %dma_wait3A_79 = arith.constant 0 : i32
    %dma_wait3A_80 = arith.constant 0 : i32
    %dma_wait3A_81 = tpu.memref_slice %arg3[%dma_wait3A_78, %dma_wait3A_79, %dma_wait3A_80] : memref<100000x8x128xf32, #tpu.memory_space<hbm>> -> memref<100000x8x128xf32, #tpu.memory_space<hbm>>
    tpu.wait_indirect_dma semaphore(%arg8 : memref<!tpu.dma_semaphore, #tpu.memory_space<semaphore_mem>>) src(%dma_wait3A_81 : memref<100000x8x128xf32, #tpu.memory_space<hbm>>) dst(%arg6 : memref<12x8x128xf32, #tpu.memory_space<vmem>>)
    %add3A_82 = arith.constant 792 : i32
    %add3A_83 = arith.addi %mul3A_2, %add3A_82 : i32
    %dma_start3A_84 = arith.constant 0 : i32
    %dma_start3A_85 = arith.constant 0 : i32
    %dma_start3A_86 = tpu.memref_slice %arg4[%add3A_83, %dma_start3A_84, %dma_start3A_85] : memref<25728x8x128xf32, #tpu.memory_space<hbm>> -> memref<12x8x128xf32, #tpu.memory_space<hbm>>
    %dma_start3A_87 = arith.constant 0 : i32
    %dma_start3A_88 = arith.constant 0 : i32
    %dma_start3A_89 = tpu.memref_slice %arg4[%add3A_83, %dma_start3A_87, %dma_start3A_88] : memref<25728x8x128xf32, #tpu.memory_space<hbm>> -> memref<12x8x128xf32, #tpu.memory_space<hbm>>
    tpu.enqueue_dma source(%arg6 : memref<12x8x128xf32, #tpu.memory_space<vmem>>) target(%dma_start3A_89 : memref<12x8x128xf32, #tpu.memory_space<hbm>>) target_semaphore(%arg10 : memref<!tpu.dma_semaphore, #tpu.memory_space<semaphore_mem>>)
    %dma_wait3A_90 = arith.constant 0 : i32
    %dma_wait3A_91 = arith.constant 0 : i32
    %dma_wait3A_92 = tpu.memref_slice %arg4[%add3A_83, %dma_wait3A_90, %dma_wait3A_91] : memref<25728x8x128xf32, #tpu.memory_space<hbm>> -> memref<12x8x128xf32, #tpu.memory_space<hbm>>
    %dma_wait3A_93 = arith.constant 0 : i32
    %dma_wait3A_94 = arith.constant 0 : i32
    %dma_wait3A_95 = tpu.memref_slice %arg4[%add3A_83, %dma_wait3A_93, %dma_wait3A_94] : memref<25728x8x128xf32, #tpu.memory_space<hbm>> -> memref<12x8x128xf32, #tpu.memory_space<hbm>>
    tpu.wait_dma2 semaphore(%arg10 : memref<!tpu.dma_semaphore, #tpu.memory_space<semaphore_mem>>) src(%arg6 : memref<12x8x128xf32, #tpu.memory_space<vmem>>) dst(%dma_wait3A_95 : memref<12x8x128xf32, #tpu.memory_space<hbm>>)
    return
  }
}

#map = affine_map<(d0, d1) -> (0, 0, 0)>
module attributes {stable_mosaic.version = 14 : i64} {
  func.func @_sc_gather_body(%arg0: i32, %arg1: i32, %arg2: memref<32x67x12xi32, #tpu.memory_space<hbm>>, %arg3: memref<100000x8x128xf32, #tpu.memory_space<hbm>>, %arg4: memref<25728x8x128xf32, #tpu.memory_space<hbm>>, %arg5: memref<67x12xi32, #tpu.memory_space<vmem>>, %arg6: memref<12x8x128xf32, #tpu.memory_space<vmem>>, %arg7: memref<12x8x128xf32, #tpu.memory_space<vmem>>, %arg8: memref<!tpu.dma_semaphore, #tpu.memory_space<semaphore_mem>>, %arg9: memref<!tpu.dma_semaphore, #tpu.memory_space<semaphore_mem>>, %arg10: memref<!tpu.dma_semaphore, #tpu.memory_space<semaphore_mem>>, %arg11: memref<!tpu.dma_semaphore, #tpu.memory_space<semaphore_mem>>) attributes {dimension_semantics = [#tpu.dimension_semantics<core_parallel>, #tpu.dimension_semantics<subcore_parallel>], iteration_bounds = array<i64: 2, 16>, scalar_prefetch = 0 : i64, scratch_operands = 7 : i64, tpu.core_type = #tpu.core_type<sc_vector_subcore>, window_params = [{transform_indices = #map}, {transform_indices = #map}, {transform_indices = #map}]} {
    %mul3A = arith.constant 2 : i32
    %mul3A_0 = arith.muli %arg1, %mul3A : i32
    %add3A = arith.addi %mul3A_0, %arg0 : i32
    %mul3A_1 = arith.constant 804 : i32
    %mul3A_2 = arith.muli %add3A, %mul3A_1 : i32
    "tpu.region"() ({
      %run_scoped3A = tpu.sem_alloc : memref<!tpu.dma_semaphore, #tpu.memory_space<semaphore_mem>>
      %dma_start3A_96 = arith.constant 0 : i32
      %dma_start3A_97 = arith.constant 0 : i32
      %dma_start3A_98 = tpu.memref_slice %arg2[%add3A, %dma_start3A_96, %dma_start3A_97] : memref<32x67x12xi32, #tpu.memory_space<hbm>> -> memref<1x67x12xi32, #tpu.memory_space<hbm>>
      %dma_start3A_99 = tpu.memref_squeeze %dma_start3A_98 : memref<1x67x12xi32, #tpu.memory_space<hbm>> -> memref<67x12xi32, #tpu.memory_space<hbm>>
      %dma_start3A_100 = arith.constant 0 : i32
      %dma_start3A_101 = arith.constant 0 : i32
      %dma_start3A_102 = tpu.memref_slice %arg2[%add3A, %dma_start3A_100, %dma_start3A_101] : memref<32x67x12xi32, #tpu.memory_space<hbm>> -> memref<1x67x12xi32, #tpu.memory_space<hbm>>
      %dma_start3A_103 = tpu.memref_squeeze %dma_start3A_102 : memref<1x67x12xi32, #tpu.memory_space<hbm>> -> memref<67x12xi32, #tpu.memory_space<hbm>>
      tpu.enqueue_dma source(%dma_start3A_103 : memref<67x12xi32, #tpu.memory_space<hbm>>) target(%arg5 : memref<67x12xi32, #tpu.memory_space<vmem>>) target_semaphore(%run_scoped3A : memref<!tpu.dma_semaphore, #tpu.memory_space<semaphore_mem>>)
      %dma_wait3A_104 = arith.constant 0 : i32
      %dma_wait3A_105 = arith.constant 0 : i32
      %dma_wait3A_106 = tpu.memref_slice %arg2[%add3A, %dma_wait3A_104, %dma_wait3A_105] : memref<32x67x12xi32, #tpu.memory_space<hbm>> -> memref<1x67x12xi32, #tpu.memory_space<hbm>>
      %dma_wait3A_107 = tpu.memref_squeeze %dma_wait3A_106 : memref<1x67x12xi32, #tpu.memory_space<hbm>> -> memref<67x12xi32, #tpu.memory_space<hbm>>
      %dma_wait3A_108 = arith.constant 0 : i32
      %dma_wait3A_109 = arith.constant 0 : i32
      %dma_wait3A_110 = tpu.memref_slice %arg2[%add3A, %dma_wait3A_108, %dma_wait3A_109] : memref<32x67x12xi32, #tpu.memory_space<hbm>> -> memref<1x67x12xi32, #tpu.memory_space<hbm>>
      %dma_wait3A_111 = tpu.memref_squeeze %dma_wait3A_110 : memref<1x67x12xi32, #tpu.memory_space<hbm>> -> memref<67x12xi32, #tpu.memory_space<hbm>>
      tpu.wait_dma2 semaphore(%run_scoped3A : memref<!tpu.dma_semaphore, #tpu.memory_space<semaphore_mem>>) src(%dma_wait3A_111 : memref<67x12xi32, #tpu.memory_space<hbm>>) dst(%arg5 : memref<67x12xi32, #tpu.memory_space<vmem>>)
      tpu.yield
    }) : () -> ()
    %dma_start3A = arith.constant 0 : i32
    %dma_start3A_3 = arith.constant 0 : i32
    %dma_start3A_4 = tpu.memref_slice %arg5[%dma_start3A, %dma_start3A_3] : memref<67x12xi32, #tpu.memory_space<vmem>> -> memref<1x12xi32, #tpu.memory_space<vmem>>
    %dma_start3A_5 = tpu.memref_squeeze %dma_start3A_4 : memref<1x12xi32, #tpu.memory_space<vmem>> -> memref<12xi32, #tpu.memory_space<vmem>>
    %dma_start3A_6 = arith.constant 0 : i32
    %dma_start3A_7 = arith.constant 0 : i32
    %dma_start3A_8 = arith.constant 0 : i32
    %dma_start3A_9 = tpu.memref_slice %arg3[%dma_start3A_6, %dma_start3A_7, %dma_start3A_8] : memref<100000x8x128xf32, #tpu.memory_space<hbm>> -> memref<100000x8x128xf32, #tpu.memory_space<hbm>>
    tpu.enqueue_indirect_dma source(%dma_start3A_9 : memref<100000x8x128xf32, #tpu.memory_space<hbm>>) target(%arg6 : memref<12x8x128xf32, #tpu.memory_space<vmem>>) offsets(%dma_start3A_5 : memref<12xi32, #tpu.memory_space<vmem>>) semaphore(%arg8 : memref<!tpu.dma_semaphore, #tpu.memory_space<semaphore_mem>>)
    %dma_start3A_10 = arith.constant 1 : i32
    %dma_start3A_11 = arith.constant 0 : i32
    %dma_start3A_12 = tpu.memref_slice %arg5[%dma_start3A_10, %dma_start3A_11] : memref<67x12xi32, #tpu.memory_space<vmem>> -> memref<1x12xi32, #tpu.memory_space<vmem>>
    %dma_start3A_13 = tpu.memref_squeeze %dma_start3A_12 : memref<1x12xi32, #tpu.memory_space<vmem>> -> memref<12xi32, #tpu.memory_space<vmem>>
    %dma_start3A_14 = arith.constant 0 : i32
    %dma_start3A_15 = arith.constant 0 : i32
    %dma_start3A_16 = arith.constant 0 : i32
    %dma_start3A_17 = tpu.memref_slice %arg3[%dma_start3A_14, %dma_start3A_15, %dma_start3A_16] : memref<100000x8x128xf32, #tpu.memory_space<hbm>> -> memref<100000x8x128xf32, #tpu.memory_space<hbm>>
    tpu.enqueue_indirect_dma source(%dma_start3A_17 : memref<100000x8x128xf32, #tpu.memory_space<hbm>>) target(%arg7 : memref<12x8x128xf32, #tpu.memory_space<vmem>>) offsets(%dma_start3A_13 : memref<12xi32, #tpu.memory_space<vmem>>) semaphore(%arg9 : memref<!tpu.dma_semaphore, #tpu.memory_space<semaphore_mem>>)
    %scan3A = arith.constant 0 : i32
    %scan3A_18 = arith.constant 0 : i32
    %scan3A_19 = arith.constant 32 : i32
    %scan3A_20 = arith.addi %scan3A_18, %scan3A_19 : i32
    %scan3A_21 = arith.constant 1 : i32
    scf.for %scan3A_96 = %scan3A_18 to %scan3A_20 step %scan3A_21  : i32 {
      %mul3A_97 = arith.constant 2 : i32
      %mul3A_98 = arith.muli %mul3A_97, %scan3A_96 : i32
      %add3A_99 = arith.constant 0 : i32
      %add3A_100 = arith.addi %mul3A_98, %add3A_99 : i32
      %dma_wait3A_101 = arith.constant 0 : i32
      %dma_wait3A_102 = tpu.memref_slice %arg5[%add3A_100, %dma_wait3A_101] : memref<67x12xi32, #tpu.memory_space<vmem>> -> memref<1x12xi32, #tpu.memory_space<vmem>>
      %dma_wait3A_103 = tpu.memref_squeeze %dma_wait3A_102 : memref<1x12xi32, #tpu.memory_space<vmem>> -> memref<12xi32, #tpu.memory_space<vmem>>
      %dma_wait3A_104 = arith.constant 0 : i32
      %dma_wait3A_105 = arith.constant 0 : i32
      %dma_wait3A_106 = arith.constant 0 : i32
      %dma_wait3A_107 = tpu.memref_slice %arg3[%dma_wait3A_104, %dma_wait3A_105, %dma_wait3A_106] : memref<100000x8x128xf32, #tpu.memory_space<hbm>> -> memref<100000x8x128xf32, #tpu.memory_space<hbm>>
      tpu.wait_indirect_dma semaphore(%arg8 : memref<!tpu.dma_semaphore, #tpu.memory_space<semaphore_mem>>) src(%dma_wait3A_107 : memref<100000x8x128xf32, #tpu.memory_space<hbm>>) dst(%arg6 : memref<12x8x128xf32, #tpu.memory_space<vmem>>)
      %mul3A_108 = arith.constant 12 : i32
      %mul3A_109 = arith.muli %add3A_100, %mul3A_108 : i32
      %add3A_110 = arith.addi %mul3A_2, %mul3A_109 : i32
      %dma_start3A_111 = arith.constant 0 : i32
      %dma_start3A_112 = arith.constant 0 : i32
      %dma_start3A_113 = tpu.memref_slice %arg4[%add3A_110, %dma_start3A_111, %dma_start3A_112] : memref<25728x8x128xf32, #tpu.memory_space<hbm>> -> memref<12x8x128xf32, #tpu.memory_space<hbm>>
      %dma_start3A_114 = arith.constant 0 : i32
      %dma_start3A_115 = arith.constant 0 : i32
      %dma_start3A_116 = tpu.memref_slice %arg4[%add3A_110, %dma_start3A_114, %dma_start3A_115] : memref<25728x8x128xf32, #tpu.memory_space<hbm>> -> memref<12x8x128xf32, #tpu.memory_space<hbm>>
      tpu.enqueue_dma source(%arg6 : memref<12x8x128xf32, #tpu.memory_space<vmem>>) target(%dma_start3A_116 : memref<12x8x128xf32, #tpu.memory_space<hbm>>) target_semaphore(%arg10 : memref<!tpu.dma_semaphore, #tpu.memory_space<semaphore_mem>>)
      %dma_wait3A_117 = arith.constant 0 : i32
      %dma_wait3A_118 = arith.constant 0 : i32
      %dma_wait3A_119 = tpu.memref_slice %arg4[%add3A_110, %dma_wait3A_117, %dma_wait3A_118] : memref<25728x8x128xf32, #tpu.memory_space<hbm>> -> memref<12x8x128xf32, #tpu.memory_space<hbm>>
      %dma_wait3A_120 = arith.constant 0 : i32
      %dma_wait3A_121 = arith.constant 0 : i32
      %dma_wait3A_122 = tpu.memref_slice %arg4[%add3A_110, %dma_wait3A_120, %dma_wait3A_121] : memref<25728x8x128xf32, #tpu.memory_space<hbm>> -> memref<12x8x128xf32, #tpu.memory_space<hbm>>
      tpu.wait_dma2 semaphore(%arg10 : memref<!tpu.dma_semaphore, #tpu.memory_space<semaphore_mem>>) src(%arg6 : memref<12x8x128xf32, #tpu.memory_space<vmem>>) dst(%dma_wait3A_122 : memref<12x8x128xf32, #tpu.memory_space<hbm>>)
      %add3A_123 = arith.constant 2 : i32
      %add3A_124 = arith.addi %add3A_100, %add3A_123 : i32
      %dma_start3A_125 = arith.constant 0 : i32
      %dma_start3A_126 = tpu.memref_slice %arg5[%add3A_124, %dma_start3A_125] : memref<67x12xi32, #tpu.memory_space<vmem>> -> memref<1x12xi32, #tpu.memory_space<vmem>>
      %dma_start3A_127 = tpu.memref_squeeze %dma_start3A_126 : memref<1x12xi32, #tpu.memory_space<vmem>> -> memref<12xi32, #tpu.memory_space<vmem>>
      %dma_start3A_128 = arith.constant 0 : i32
      %dma_start3A_129 = arith.constant 0 : i32
      %dma_start3A_130 = arith.constant 0 : i32
      %dma_start3A_131 = tpu.memref_slice %arg3[%dma_start3A_128, %dma_start3A_129, %dma_start3A_130] : memref<100000x8x128xf32, #tpu.memory_space<hbm>> -> memref<100000x8x128xf32, #tpu.memory_space<hbm>>
      tpu.enqueue_indirect_dma source(%dma_start3A_131 : memref<100000x8x128xf32, #tpu.memory_space<hbm>>) target(%arg6 : memref<12x8x128xf32, #tpu.memory_space<vmem>>) offsets(%dma_start3A_127 : memref<12xi32, #tpu.memory_space<vmem>>) semaphore(%arg8 : memref<!tpu.dma_semaphore, #tpu.memory_space<semaphore_mem>>)
      %mul3A_132 = arith.constant 2 : i32
      %mul3A_133 = arith.muli %mul3A_132, %scan3A_96 : i32
      %add3A_134 = arith.constant 1 : i32
      %add3A_135 = arith.addi %mul3A_133, %add3A_134 : i32
      %dma_wait3A_136 = arith.constant 0 : i32
      %dma_wait3A_137 = tpu.memref_slice %arg5[%add3A_135, %dma_wait3A_136] : memref<67x12xi32, #tpu.memory_space<vmem>> -> memref<1x12xi32, #tpu.memory_space<vmem>>
      %dma_wait3A_138 = tpu.memref_squeeze %dma_wait3A_137 : memref<1x12xi32, #tpu.memory_space<vmem>> -> memref<12xi32, #tpu.memory_space<vmem>>
      %dma_wait3A_139 = arith.constant 0 : i32
      %dma_wait3A_140 = arith.constant 0 : i32
      %dma_wait3A_141 = arith.constant 0 : i32
      %dma_wait3A_142 = tpu.memref_slice %arg3[%dma_wait3A_139, %dma_wait3A_140, %dma_wait3A_141] : memref<100000x8x128xf32, #tpu.memory_space<hbm>> -> memref<100000x8x128xf32, #tpu.memory_space<hbm>>
      tpu.wait_indirect_dma semaphore(%arg9 : memref<!tpu.dma_semaphore, #tpu.memory_space<semaphore_mem>>) src(%dma_wait3A_142 : memref<100000x8x128xf32, #tpu.memory_space<hbm>>) dst(%arg7 : memref<12x8x128xf32, #tpu.memory_space<vmem>>)
      %mul3A_143 = arith.constant 12 : i32
      %mul3A_144 = arith.muli %add3A_135, %mul3A_143 : i32
      %add3A_145 = arith.addi %mul3A_2, %mul3A_144 : i32
      %dma_start3A_146 = arith.constant 0 : i32
      %dma_start3A_147 = arith.constant 0 : i32
      %dma_start3A_148 = tpu.memref_slice %arg4[%add3A_145, %dma_start3A_146, %dma_start3A_147] : memref<25728x8x128xf32, #tpu.memory_space<hbm>> -> memref<12x8x128xf32, #tpu.memory_space<hbm>>
      %dma_start3A_149 = arith.constant 0 : i32
      %dma_start3A_150 = arith.constant 0 : i32
      %dma_start3A_151 = tpu.memref_slice %arg4[%add3A_145, %dma_start3A_149, %dma_start3A_150] : memref<25728x8x128xf32, #tpu.memory_space<hbm>> -> memref<12x8x128xf32, #tpu.memory_space<hbm>>
      tpu.enqueue_dma source(%arg7 : memref<12x8x128xf32, #tpu.memory_space<vmem>>) target(%dma_start3A_151 : memref<12x8x128xf32, #tpu.memory_space<hbm>>) target_semaphore(%arg11 : memref<!tpu.dma_semaphore, #tpu.memory_space<semaphore_mem>>)
      %dma_wait3A_152 = arith.constant 0 : i32
      %dma_wait3A_153 = arith.constant 0 : i32
      %dma_wait3A_154 = tpu.memref_slice %arg4[%add3A_145, %dma_wait3A_152, %dma_wait3A_153] : memref<25728x8x128xf32, #tpu.memory_space<hbm>> -> memref<12x8x128xf32, #tpu.memory_space<hbm>>
      %dma_wait3A_155 = arith.constant 0 : i32
      %dma_wait3A_156 = arith.constant 0 : i32
      %dma_wait3A_157 = tpu.memref_slice %arg4[%add3A_145, %dma_wait3A_155, %dma_wait3A_156] : memref<25728x8x128xf32, #tpu.memory_space<hbm>> -> memref<12x8x128xf32, #tpu.memory_space<hbm>>
      tpu.wait_dma2 semaphore(%arg11 : memref<!tpu.dma_semaphore, #tpu.memory_space<semaphore_mem>>) src(%arg7 : memref<12x8x128xf32, #tpu.memory_space<vmem>>) dst(%dma_wait3A_157 : memref<12x8x128xf32, #tpu.memory_space<hbm>>)
      %add3A_158 = arith.constant 2 : i32
      %add3A_159 = arith.addi %add3A_135, %add3A_158 : i32
      %dma_start3A_160 = arith.constant 0 : i32
      %dma_start3A_161 = tpu.memref_slice %arg5[%add3A_159, %dma_start3A_160] : memref<67x12xi32, #tpu.memory_space<vmem>> -> memref<1x12xi32, #tpu.memory_space<vmem>>
      %dma_start3A_162 = tpu.memref_squeeze %dma_start3A_161 : memref<1x12xi32, #tpu.memory_space<vmem>> -> memref<12xi32, #tpu.memory_space<vmem>>
      %dma_start3A_163 = arith.constant 0 : i32
      %dma_start3A_164 = arith.constant 0 : i32
      %dma_start3A_165 = arith.constant 0 : i32
      %dma_start3A_166 = tpu.memref_slice %arg3[%dma_start3A_163, %dma_start3A_164, %dma_start3A_165] : memref<100000x8x128xf32, #tpu.memory_space<hbm>> -> memref<100000x8x128xf32, #tpu.memory_space<hbm>>
      tpu.enqueue_indirect_dma source(%dma_start3A_166 : memref<100000x8x128xf32, #tpu.memory_space<hbm>>) target(%arg7 : memref<12x8x128xf32, #tpu.memory_space<vmem>>) offsets(%dma_start3A_162 : memref<12xi32, #tpu.memory_space<vmem>>) semaphore(%arg9 : memref<!tpu.dma_semaphore, #tpu.memory_space<semaphore_mem>>)
    }
    %scan3A_22 = arith.constant 32 : i32
    %dma_wait3A = arith.constant 64 : i32
    %dma_wait3A_23 = arith.constant 0 : i32
    %dma_wait3A_24 = tpu.memref_slice %arg5[%dma_wait3A, %dma_wait3A_23] : memref<67x12xi32, #tpu.memory_space<vmem>> -> memref<1x12xi32, #tpu.memory_space<vmem>>
    %dma_wait3A_25 = tpu.memref_squeeze %dma_wait3A_24 : memref<1x12xi32, #tpu.memory_space<vmem>> -> memref<12xi32, #tpu.memory_space<vmem>>
    %dma_wait3A_26 = arith.constant 0 : i32
    %dma_wait3A_27 = arith.constant 0 : i32
    %dma_wait3A_28 = arith.constant 0 : i32
    %dma_wait3A_29 = tpu.memref_slice %arg3[%dma_wait3A_26, %dma_wait3A_27, %dma_wait3A_28] : memref<100000x8x128xf32, #tpu.memory_space<hbm>> -> memref<100000x8x128xf32, #tpu.memory_space<hbm>>
    tpu.wait_indirect_dma semaphore(%arg8 : memref<!tpu.dma_semaphore, #tpu.memory_space<semaphore_mem>>) src(%dma_wait3A_29 : memref<100000x8x128xf32, #tpu.memory_space<hbm>>) dst(%arg6 : memref<12x8x128xf32, #tpu.memory_space<vmem>>)
    %add3A_30 = arith.constant 768 : i32
    %add3A_31 = arith.addi %mul3A_2, %add3A_30 : i32
    %dma_start3A_32 = arith.constant 0 : i32
    %dma_start3A_33 = arith.constant 0 : i32
    %dma_start3A_34 = tpu.memref_slice %arg4[%add3A_31, %dma_start3A_32, %dma_start3A_33] : memref<25728x8x128xf32, #tpu.memory_space<hbm>> -> memref<12x8x128xf32, #tpu.memory_space<hbm>>
    %dma_start3A_35 = arith.constant 0 : i32
    %dma_start3A_36 = arith.constant 0 : i32
    %dma_start3A_37 = tpu.memref_slice %arg4[%add3A_31, %dma_start3A_35, %dma_start3A_36] : memref<25728x8x128xf32, #tpu.memory_space<hbm>> -> memref<12x8x128xf32, #tpu.memory_space<hbm>>
    tpu.enqueue_dma source(%arg6 : memref<12x8x128xf32, #tpu.memory_space<vmem>>) target(%dma_start3A_37 : memref<12x8x128xf32, #tpu.memory_space<hbm>>) target_semaphore(%arg10 : memref<!tpu.dma_semaphore, #tpu.memory_space<semaphore_mem>>)
    %dma_wait3A_38 = arith.constant 0 : i32
    %dma_wait3A_39 = arith.constant 0 : i32
    %dma_wait3A_40 = tpu.memref_slice %arg4[%add3A_31, %dma_wait3A_38, %dma_wait3A_39] : memref<25728x8x128xf32, #tpu.memory_space<hbm>> -> memref<12x8x128xf32, #tpu.memory_space<hbm>>
    %dma_wait3A_41 = arith.constant 0 : i32
    %dma_wait3A_42 = arith.constant 0 : i32
    %dma_wait3A_43 = tpu.memref_slice %arg4[%add3A_31, %dma_wait3A_41, %dma_wait3A_42] : memref<25728x8x128xf32, #tpu.memory_space<hbm>> -> memref<12x8x128xf32, #tpu.memory_space<hbm>>
    tpu.wait_dma2 semaphore(%arg10 : memref<!tpu.dma_semaphore, #tpu.memory_space<semaphore_mem>>) src(%arg6 : memref<12x8x128xf32, #tpu.memory_space<vmem>>) dst(%dma_wait3A_43 : memref<12x8x128xf32, #tpu.memory_space<hbm>>)
    %dma_wait3A_44 = arith.constant 65 : i32
    %dma_wait3A_45 = arith.constant 0 : i32
    %dma_wait3A_46 = tpu.memref_slice %arg5[%dma_wait3A_44, %dma_wait3A_45] : memref<67x12xi32, #tpu.memory_space<vmem>> -> memref<1x12xi32, #tpu.memory_space<vmem>>
    %dma_wait3A_47 = tpu.memref_squeeze %dma_wait3A_46 : memref<1x12xi32, #tpu.memory_space<vmem>> -> memref<12xi32, #tpu.memory_space<vmem>>
    %dma_wait3A_48 = arith.constant 0 : i32
    %dma_wait3A_49 = arith.constant 0 : i32
    %dma_wait3A_50 = arith.constant 0 : i32
    %dma_wait3A_51 = tpu.memref_slice %arg3[%dma_wait3A_48, %dma_wait3A_49, %dma_wait3A_50] : memref<100000x8x128xf32, #tpu.memory_space<hbm>> -> memref<100000x8x128xf32, #tpu.memory_space<hbm>>
    tpu.wait_indirect_dma semaphore(%arg9 : memref<!tpu.dma_semaphore, #tpu.memory_space<semaphore_mem>>) src(%dma_wait3A_51 : memref<100000x8x128xf32, #tpu.memory_space<hbm>>) dst(%arg7 : memref<12x8x128xf32, #tpu.memory_space<vmem>>)
    %add3A_52 = arith.constant 780 : i32
    %add3A_53 = arith.addi %mul3A_2, %add3A_52 : i32
    %dma_start3A_54 = arith.constant 0 : i32
    %dma_start3A_55 = arith.constant 0 : i32
    %dma_start3A_56 = tpu.memref_slice %arg4[%add3A_53, %dma_start3A_54, %dma_start3A_55] : memref<25728x8x128xf32, #tpu.memory_space<hbm>> -> memref<12x8x128xf32, #tpu.memory_space<hbm>>
    %dma_start3A_57 = arith.constant 0 : i32
    %dma_start3A_58 = arith.constant 0 : i32
    %dma_start3A_59 = tpu.memref_slice %arg4[%add3A_53, %dma_start3A_57, %dma_start3A_58] : memref<25728x8x128xf32, #tpu.memory_space<hbm>> -> memref<12x8x128xf32, #tpu.memory_space<hbm>>
    tpu.enqueue_dma source(%arg7 : memref<12x8x128xf32, #tpu.memory_space<vmem>>) target(%dma_start3A_59 : memref<12x8x128xf32, #tpu.memory_space<hbm>>) target_semaphore(%arg11 : memref<!tpu.dma_semaphore, #tpu.memory_space<semaphore_mem>>)
    %dma_wait3A_60 = arith.constant 0 : i32
    %dma_wait3A_61 = arith.constant 0 : i32
    %dma_wait3A_62 = tpu.memref_slice %arg4[%add3A_53, %dma_wait3A_60, %dma_wait3A_61] : memref<25728x8x128xf32, #tpu.memory_space<hbm>> -> memref<12x8x128xf32, #tpu.memory_space<hbm>>
    %dma_wait3A_63 = arith.constant 0 : i32
    %dma_wait3A_64 = arith.constant 0 : i32
    %dma_wait3A_65 = tpu.memref_slice %arg4[%add3A_53, %dma_wait3A_63, %dma_wait3A_64] : memref<25728x8x128xf32, #tpu.memory_space<hbm>> -> memref<12x8x128xf32, #tpu.memory_space<hbm>>
    tpu.wait_dma2 semaphore(%arg11 : memref<!tpu.dma_semaphore, #tpu.memory_space<semaphore_mem>>) src(%arg7 : memref<12x8x128xf32, #tpu.memory_space<vmem>>) dst(%dma_wait3A_65 : memref<12x8x128xf32, #tpu.memory_space<hbm>>)
    %dma_start3A_66 = arith.constant 66 : i32
    %dma_start3A_67 = arith.constant 0 : i32
    %dma_start3A_68 = tpu.memref_slice %arg5[%dma_start3A_66, %dma_start3A_67] : memref<67x12xi32, #tpu.memory_space<vmem>> -> memref<1x12xi32, #tpu.memory_space<vmem>>
    %dma_start3A_69 = tpu.memref_squeeze %dma_start3A_68 : memref<1x12xi32, #tpu.memory_space<vmem>> -> memref<12xi32, #tpu.memory_space<vmem>>
    %dma_start3A_70 = arith.constant 0 : i32
    %dma_start3A_71 = arith.constant 0 : i32
    %dma_start3A_72 = arith.constant 0 : i32
    %dma_start3A_73 = tpu.memref_slice %arg3[%dma_start3A_70, %dma_start3A_71, %dma_start3A_72] : memref<100000x8x128xf32, #tpu.memory_space<hbm>> -> memref<100000x8x128xf32, #tpu.memory_space<hbm>>
    tpu.enqueue_indirect_dma source(%dma_start3A_73 : memref<100000x8x128xf32, #tpu.memory_space<hbm>>) target(%arg6 : memref<12x8x128xf32, #tpu.memory_space<vmem>>) offsets(%dma_start3A_69 : memref<12xi32, #tpu.memory_space<vmem>>) semaphore(%arg8 : memref<!tpu.dma_semaphore, #tpu.memory_space<semaphore_mem>>)
    %dma_wait3A_74 = arith.constant 66 : i32
    %dma_wait3A_75 = arith.constant 0 : i32
    %dma_wait3A_76 = tpu.memref_slice %arg5[%dma_wait3A_74, %dma_wait3A_75] : memref<67x12xi32, #tpu.memory_space<vmem>> -> memref<1x12xi32, #tpu.memory_space<vmem>>
    %dma_wait3A_77 = tpu.memref_squeeze %dma_wait3A_76 : memref<1x12xi32, #tpu.memory_space<vmem>> -> memref<12xi32, #tpu.memory_space<vmem>>
    %dma_wait3A_78 = arith.constant 0 : i32
    %dma_wait3A_79 = arith.constant 0 : i32
    %dma_wait3A_80 = arith.constant 0 : i32
    %dma_wait3A_81 = tpu.memref_slice %arg3[%dma_wait3A_78, %dma_wait3A_79, %dma_wait3A_80] : memref<100000x8x128xf32, #tpu.memory_space<hbm>> -> memref<100000x8x128xf32, #tpu.memory_space<hbm>>
    tpu.wait_indirect_dma semaphore(%arg8 : memref<!tpu.dma_semaphore, #tpu.memory_space<semaphore_mem>>) src(%dma_wait3A_81 : memref<100000x8x128xf32, #tpu.memory_space<hbm>>) dst(%arg6 : memref<12x8x128xf32, #tpu.memory_space<vmem>>)
    %add3A_82 = arith.constant 792 : i32
    %add3A_83 = arith.addi %mul3A_2, %add3A_82 : i32
    %dma_start3A_84 = arith.constant 0 : i32
    %dma_start3A_85 = arith.constant 0 : i32
    %dma_start3A_86 = tpu.memref_slice %arg4[%add3A_83, %dma_start3A_84, %dma_start3A_85] : memref<25728x8x128xf32, #tpu.memory_space<hbm>> -> memref<12x8x128xf32, #tpu.memory_space<hbm>>
    %dma_start3A_87 = arith.constant 0 : i32
    %dma_start3A_88 = arith.constant 0 : i32
    %dma_start3A_89 = tpu.memref_slice %arg4[%add3A_83, %dma_start3A_87, %dma_start3A_88] : memref<25728x8x128xf32, #tpu.memory_space<hbm>> -> memref<12x8x128xf32, #tpu.memory_space<hbm>>
    tpu.enqueue_dma source(%arg6 : memref<12x8x128xf32, #tpu.memory_space<vmem>>) target(%dma_start3A_89 : memref<12x8x128xf32, #tpu.memory_space<hbm>>) target_semaphore(%arg10 : memref<!tpu.dma_semaphore, #tpu.memory_space<semaphore_mem>>)
    %dma_wait3A_90 = arith.constant 0 : i32
    %dma_wait3A_91 = arith.constant 0 : i32
    %dma_wait3A_92 = tpu.memref_slice %arg4[%add3A_83, %dma_wait3A_90, %dma_wait3A_91] : memref<25728x8x128xf32, #tpu.memory_space<hbm>> -> memref<12x8x128xf32, #tpu.memory_space<hbm>>
    %dma_wait3A_93 = arith.constant 0 : i32
    %dma_wait3A_94 = arith.constant 0 : i32
    %dma_wait3A_95 = tpu.memref_slice %arg4[%add3A_83, %dma_wait3A_93, %dma_wait3A_94] : memref<25728x8x128xf32, #tpu.memory_space<hbm>> -> memref<12x8x128xf32, #tpu.memory_space<hbm>>
    tpu.wait_dma2 semaphore(%arg10 : memref<!tpu.dma_semaphore, #tpu.memory_space<semaphore_mem>>) src(%arg6 : memref<12x8x128xf32, #tpu.memory_space<vmem>>) dst(%dma_wait3A_95 : memref<12x8x128xf32, #tpu.memory_space<hbm>>)
    return
  }
}

#map = affine_map<(d0, d1) -> (0, 0, 0)>
module attributes {stable_mosaic.version = 14 : i64} {
  func.func @_sc_gather_body(%arg0: i32, %arg1: i32, %arg2: memref<32x67x12xi32, #tpu.memory_space<hbm>>, %arg3: memref<100000x8x128xf32, #tpu.memory_space<hbm>>, %arg4: memref<25728x8x128xf32, #tpu.memory_space<hbm>>, %arg5: memref<67x12xi32, #tpu.memory_space<vmem>>, %arg6: memref<12x8x128xf32, #tpu.memory_space<vmem>>, %arg7: memref<12x8x128xf32, #tpu.memory_space<vmem>>, %arg8: memref<!tpu.dma_semaphore, #tpu.memory_space<semaphore_mem>>, %arg9: memref<!tpu.dma_semaphore, #tpu.memory_space<semaphore_mem>>, %arg10: memref<!tpu.dma_semaphore, #tpu.memory_space<semaphore_mem>>, %arg11: memref<!tpu.dma_semaphore, #tpu.memory_space<semaphore_mem>>) attributes {dimension_semantics = [#tpu.dimension_semantics<core_parallel>, #tpu.dimension_semantics<subcore_parallel>], iteration_bounds = array<i64: 2, 16>, scalar_prefetch = 0 : i64, scratch_operands = 7 : i64, tpu.core_type = #tpu.core_type<sc_vector_subcore>, window_params = [{transform_indices = #map}, {transform_indices = #map}, {transform_indices = #map}]} {
    %mul3A = arith.constant 2 : i32
    %mul3A_0 = arith.muli %arg1, %mul3A : i32
    %add3A = arith.addi %mul3A_0, %arg0 : i32
    %mul3A_1 = arith.constant 804 : i32
    %mul3A_2 = arith.muli %add3A, %mul3A_1 : i32
    "tpu.region"() ({
      %run_scoped3A = tpu.sem_alloc : memref<!tpu.dma_semaphore, #tpu.memory_space<semaphore_mem>>
      %dma_start3A_96 = arith.constant 0 : i32
      %dma_start3A_97 = arith.constant 0 : i32
      %dma_start3A_98 = tpu.memref_slice %arg2[%add3A, %dma_start3A_96, %dma_start3A_97] : memref<32x67x12xi32, #tpu.memory_space<hbm>> -> memref<1x67x12xi32, #tpu.memory_space<hbm>>
      %dma_start3A_99 = tpu.memref_squeeze %dma_start3A_98 : memref<1x67x12xi32, #tpu.memory_space<hbm>> -> memref<67x12xi32, #tpu.memory_space<hbm>>
      %dma_start3A_100 = arith.constant 0 : i32
      %dma_start3A_101 = arith.constant 0 : i32
      %dma_start3A_102 = tpu.memref_slice %arg2[%add3A, %dma_start3A_100, %dma_start3A_101] : memref<32x67x12xi32, #tpu.memory_space<hbm>> -> memref<1x67x12xi32, #tpu.memory_space<hbm>>
      %dma_start3A_103 = tpu.memref_squeeze %dma_start3A_102 : memref<1x67x12xi32, #tpu.memory_space<hbm>> -> memref<67x12xi32, #tpu.memory_space<hbm>>
      tpu.enqueue_dma source(%dma_start3A_103 : memref<67x12xi32, #tpu.memory_space<hbm>>) target(%arg5 : memref<67x12xi32, #tpu.memory_space<vmem>>) target_semaphore(%run_scoped3A : memref<!tpu.dma_semaphore, #tpu.memory_space<semaphore_mem>>)
      %dma_wait3A_104 = arith.constant 0 : i32
      %dma_wait3A_105 = arith.constant 0 : i32
      %dma_wait3A_106 = tpu.memref_slice %arg2[%add3A, %dma_wait3A_104, %dma_wait3A_105] : memref<32x67x12xi32, #tpu.memory_space<hbm>> -> memref<1x67x12xi32, #tpu.memory_space<hbm>>
      %dma_wait3A_107 = tpu.memref_squeeze %dma_wait3A_106 : memref<1x67x12xi32, #tpu.memory_space<hbm>> -> memref<67x12xi32, #tpu.memory_space<hbm>>
      %dma_wait3A_108 = arith.constant 0 : i32
      %dma_wait3A_109 = arith.constant 0 : i32
      %dma_wait3A_110 = tpu.memref_slice %arg2[%add3A, %dma_wait3A_108, %dma_wait3A_109] : memref<32x67x12xi32, #tpu.memory_space<hbm>> -> memref<1x67x12xi32, #tpu.memory_space<hbm>>
      %dma_wait3A_111 = tpu.memref_squeeze %dma_wait3A_110 : memref<1x67x12xi32, #tpu.memory_space<hbm>> -> memref<67x12xi32, #tpu.memory_space<hbm>>
      tpu.wait_dma2 semaphore(%run_scoped3A : memref<!tpu.dma_semaphore, #tpu.memory_space<semaphore_mem>>) src(%dma_wait3A_111 : memref<67x12xi32, #tpu.memory_space<hbm>>) dst(%arg5 : memref<67x12xi32, #tpu.memory_space<vmem>>)
      tpu.yield
    }) : () -> ()
    %dma_start3A = arith.constant 0 : i32
    %dma_start3A_3 = arith.constant 0 : i32
    %dma_start3A_4 = tpu.memref_slice %arg5[%dma_start3A, %dma_start3A_3] : memref<67x12xi32, #tpu.memory_space<vmem>> -> memref<1x12xi32, #tpu.memory_space<vmem>>
    %dma_start3A_5 = tpu.memref_squeeze %dma_start3A_4 : memref<1x12xi32, #tpu.memory_space<vmem>> -> memref<12xi32, #tpu.memory_space<vmem>>
    %dma_start3A_6 = arith.constant 0 : i32
    %dma_start3A_7 = arith.constant 0 : i32
    %dma_start3A_8 = arith.constant 0 : i32
    %dma_start3A_9 = tpu.memref_slice %arg3[%dma_start3A_6, %dma_start3A_7, %dma_start3A_8] : memref<100000x8x128xf32, #tpu.memory_space<hbm>> -> memref<100000x8x128xf32, #tpu.memory_space<hbm>>
    tpu.enqueue_indirect_dma source(%dma_start3A_9 : memref<100000x8x128xf32, #tpu.memory_space<hbm>>) target(%arg6 : memref<12x8x128xf32, #tpu.memory_space<vmem>>) offsets(%dma_start3A_5 : memref<12xi32, #tpu.memory_space<vmem>>) semaphore(%arg8 : memref<!tpu.dma_semaphore, #tpu.memory_space<semaphore_mem>>)
    %dma_start3A_10 = arith.constant 1 : i32
    %dma_start3A_11 = arith.constant 0 : i32
    %dma_start3A_12 = tpu.memref_slice %arg5[%dma_start3A_10, %dma_start3A_11] : memref<67x12xi32, #tpu.memory_space<vmem>> -> memref<1x12xi32, #tpu.memory_space<vmem>>
    %dma_start3A_13 = tpu.memref_squeeze %dma_start3A_12 : memref<1x12xi32, #tpu.memory_space<vmem>> -> memref<12xi32, #tpu.memory_space<vmem>>
    %dma_start3A_14 = arith.constant 0 : i32
    %dma_start3A_15 = arith.constant 0 : i32
    %dma_start3A_16 = arith.constant 0 : i32
    %dma_start3A_17 = tpu.memref_slice %arg3[%dma_start3A_14, %dma_start3A_15, %dma_start3A_16] : memref<100000x8x128xf32, #tpu.memory_space<hbm>> -> memref<100000x8x128xf32, #tpu.memory_space<hbm>>
    tpu.enqueue_indirect_dma source(%dma_start3A_17 : memref<100000x8x128xf32, #tpu.memory_space<hbm>>) target(%arg7 : memref<12x8x128xf32, #tpu.memory_space<vmem>>) offsets(%dma_start3A_13 : memref<12xi32, #tpu.memory_space<vmem>>) semaphore(%arg9 : memref<!tpu.dma_semaphore, #tpu.memory_space<semaphore_mem>>)
    %scan3A = arith.constant 0 : i32
    %scan3A_18 = arith.constant 0 : i32
    %scan3A_19 = arith.constant 32 : i32
    %scan3A_20 = arith.addi %scan3A_18, %scan3A_19 : i32
    %scan3A_21 = arith.constant 1 : i32
    scf.for %scan3A_96 = %scan3A_18 to %scan3A_20 step %scan3A_21  : i32 {
      %mul3A_97 = arith.constant 2 : i32
      %mul3A_98 = arith.muli %mul3A_97, %scan3A_96 : i32
      %add3A_99 = arith.constant 0 : i32
      %add3A_100 = arith.addi %mul3A_98, %add3A_99 : i32
      %dma_wait3A_101 = arith.constant 0 : i32
      %dma_wait3A_102 = tpu.memref_slice %arg5[%add3A_100, %dma_wait3A_101] : memref<67x12xi32, #tpu.memory_space<vmem>> -> memref<1x12xi32, #tpu.memory_space<vmem>>
      %dma_wait3A_103 = tpu.memref_squeeze %dma_wait3A_102 : memref<1x12xi32, #tpu.memory_space<vmem>> -> memref<12xi32, #tpu.memory_space<vmem>>
      %dma_wait3A_104 = arith.constant 0 : i32
      %dma_wait3A_105 = arith.constant 0 : i32
      %dma_wait3A_106 = arith.constant 0 : i32
      %dma_wait3A_107 = tpu.memref_slice %arg3[%dma_wait3A_104, %dma_wait3A_105, %dma_wait3A_106] : memref<100000x8x128xf32, #tpu.memory_space<hbm>> -> memref<100000x8x128xf32, #tpu.memory_space<hbm>>
      tpu.wait_indirect_dma semaphore(%arg8 : memref<!tpu.dma_semaphore, #tpu.memory_space<semaphore_mem>>) src(%dma_wait3A_107 : memref<100000x8x128xf32, #tpu.memory_space<hbm>>) dst(%arg6 : memref<12x8x128xf32, #tpu.memory_space<vmem>>)
      %mul3A_108 = arith.constant 12 : i32
      %mul3A_109 = arith.muli %add3A_100, %mul3A_108 : i32
      %add3A_110 = arith.addi %mul3A_2, %mul3A_109 : i32
      %dma_start3A_111 = arith.constant 0 : i32
      %dma_start3A_112 = arith.constant 0 : i32
      %dma_start3A_113 = tpu.memref_slice %arg4[%add3A_110, %dma_start3A_111, %dma_start3A_112] : memref<25728x8x128xf32, #tpu.memory_space<hbm>> -> memref<12x8x128xf32, #tpu.memory_space<hbm>>
      %dma_start3A_114 = arith.constant 0 : i32
      %dma_start3A_115 = arith.constant 0 : i32
      %dma_start3A_116 = tpu.memref_slice %arg4[%add3A_110, %dma_start3A_114, %dma_start3A_115] : memref<25728x8x128xf32, #tpu.memory_space<hbm>> -> memref<12x8x128xf32, #tpu.memory_space<hbm>>
      tpu.enqueue_dma source(%arg6 : memref<12x8x128xf32, #tpu.memory_space<vmem>>) target(%dma_start3A_116 : memref<12x8x128xf32, #tpu.memory_space<hbm>>) target_semaphore(%arg10 : memref<!tpu.dma_semaphore, #tpu.memory_space<semaphore_mem>>)
      %dma_wait3A_117 = arith.constant 0 : i32
      %dma_wait3A_118 = arith.constant 0 : i32
      %dma_wait3A_119 = tpu.memref_slice %arg4[%add3A_110, %dma_wait3A_117, %dma_wait3A_118] : memref<25728x8x128xf32, #tpu.memory_space<hbm>> -> memref<12x8x128xf32, #tpu.memory_space<hbm>>
      %dma_wait3A_120 = arith.constant 0 : i32
      %dma_wait3A_121 = arith.constant 0 : i32
      %dma_wait3A_122 = tpu.memref_slice %arg4[%add3A_110, %dma_wait3A_120, %dma_wait3A_121] : memref<25728x8x128xf32, #tpu.memory_space<hbm>> -> memref<12x8x128xf32, #tpu.memory_space<hbm>>
      tpu.wait_dma2 semaphore(%arg10 : memref<!tpu.dma_semaphore, #tpu.memory_space<semaphore_mem>>) src(%arg6 : memref<12x8x128xf32, #tpu.memory_space<vmem>>) dst(%dma_wait3A_122 : memref<12x8x128xf32, #tpu.memory_space<hbm>>)
      %add3A_123 = arith.constant 2 : i32
      %add3A_124 = arith.addi %add3A_100, %add3A_123 : i32
      %dma_start3A_125 = arith.constant 0 : i32
      %dma_start3A_126 = tpu.memref_slice %arg5[%add3A_124, %dma_start3A_125] : memref<67x12xi32, #tpu.memory_space<vmem>> -> memref<1x12xi32, #tpu.memory_space<vmem>>
      %dma_start3A_127 = tpu.memref_squeeze %dma_start3A_126 : memref<1x12xi32, #tpu.memory_space<vmem>> -> memref<12xi32, #tpu.memory_space<vmem>>
      %dma_start3A_128 = arith.constant 0 : i32
      %dma_start3A_129 = arith.constant 0 : i32
      %dma_start3A_130 = arith.constant 0 : i32
      %dma_start3A_131 = tpu.memref_slice %arg3[%dma_start3A_128, %dma_start3A_129, %dma_start3A_130] : memref<100000x8x128xf32, #tpu.memory_space<hbm>> -> memref<100000x8x128xf32, #tpu.memory_space<hbm>>
      tpu.enqueue_indirect_dma source(%dma_start3A_131 : memref<100000x8x128xf32, #tpu.memory_space<hbm>>) target(%arg6 : memref<12x8x128xf32, #tpu.memory_space<vmem>>) offsets(%dma_start3A_127 : memref<12xi32, #tpu.memory_space<vmem>>) semaphore(%arg8 : memref<!tpu.dma_semaphore, #tpu.memory_space<semaphore_mem>>)
      %mul3A_132 = arith.constant 2 : i32
      %mul3A_133 = arith.muli %mul3A_132, %scan3A_96 : i32
      %add3A_134 = arith.constant 1 : i32
      %add3A_135 = arith.addi %mul3A_133, %add3A_134 : i32
      %dma_wait3A_136 = arith.constant 0 : i32
      %dma_wait3A_137 = tpu.memref_slice %arg5[%add3A_135, %dma_wait3A_136] : memref<67x12xi32, #tpu.memory_space<vmem>> -> memref<1x12xi32, #tpu.memory_space<vmem>>
      %dma_wait3A_138 = tpu.memref_squeeze %dma_wait3A_137 : memref<1x12xi32, #tpu.memory_space<vmem>> -> memref<12xi32, #tpu.memory_space<vmem>>
      %dma_wait3A_139 = arith.constant 0 : i32
      %dma_wait3A_140 = arith.constant 0 : i32
      %dma_wait3A_141 = arith.constant 0 : i32
      %dma_wait3A_142 = tpu.memref_slice %arg3[%dma_wait3A_139, %dma_wait3A_140, %dma_wait3A_141] : memref<100000x8x128xf32, #tpu.memory_space<hbm>> -> memref<100000x8x128xf32, #tpu.memory_space<hbm>>
      tpu.wait_indirect_dma semaphore(%arg9 : memref<!tpu.dma_semaphore, #tpu.memory_space<semaphore_mem>>) src(%dma_wait3A_142 : memref<100000x8x128xf32, #tpu.memory_space<hbm>>) dst(%arg7 : memref<12x8x128xf32, #tpu.memory_space<vmem>>)
      %mul3A_143 = arith.constant 12 : i32
      %mul3A_144 = arith.muli %add3A_135, %mul3A_143 : i32
      %add3A_145 = arith.addi %mul3A_2, %mul3A_144 : i32
      %dma_start3A_146 = arith.constant 0 : i32
      %dma_start3A_147 = arith.constant 0 : i32
      %dma_start3A_148 = tpu.memref_slice %arg4[%add3A_145, %dma_start3A_146, %dma_start3A_147] : memref<25728x8x128xf32, #tpu.memory_space<hbm>> -> memref<12x8x128xf32, #tpu.memory_space<hbm>>
      %dma_start3A_149 = arith.constant 0 : i32
      %dma_start3A_150 = arith.constant 0 : i32
      %dma_start3A_151 = tpu.memref_slice %arg4[%add3A_145, %dma_start3A_149, %dma_start3A_150] : memref<25728x8x128xf32, #tpu.memory_space<hbm>> -> memref<12x8x128xf32, #tpu.memory_space<hbm>>
      tpu.enqueue_dma source(%arg7 : memref<12x8x128xf32, #tpu.memory_space<vmem>>) target(%dma_start3A_151 : memref<12x8x128xf32, #tpu.memory_space<hbm>>) target_semaphore(%arg11 : memref<!tpu.dma_semaphore, #tpu.memory_space<semaphore_mem>>)
      %dma_wait3A_152 = arith.constant 0 : i32
      %dma_wait3A_153 = arith.constant 0 : i32
      %dma_wait3A_154 = tpu.memref_slice %arg4[%add3A_145, %dma_wait3A_152, %dma_wait3A_153] : memref<25728x8x128xf32, #tpu.memory_space<hbm>> -> memref<12x8x128xf32, #tpu.memory_space<hbm>>
      %dma_wait3A_155 = arith.constant 0 : i32
      %dma_wait3A_156 = arith.constant 0 : i32
      %dma_wait3A_157 = tpu.memref_slice %arg4[%add3A_145, %dma_wait3A_155, %dma_wait3A_156] : memref<25728x8x128xf32, #tpu.memory_space<hbm>> -> memref<12x8x128xf32, #tpu.memory_space<hbm>>
      tpu.wait_dma2 semaphore(%arg11 : memref<!tpu.dma_semaphore, #tpu.memory_space<semaphore_mem>>) src(%arg7 : memref<12x8x128xf32, #tpu.memory_space<vmem>>) dst(%dma_wait3A_157 : memref<12x8x128xf32, #tpu.memory_space<hbm>>)
      %add3A_158 = arith.constant 2 : i32
      %add3A_159 = arith.addi %add3A_135, %add3A_158 : i32
      %dma_start3A_160 = arith.constant 0 : i32
      %dma_start3A_161 = tpu.memref_slice %arg5[%add3A_159, %dma_start3A_160] : memref<67x12xi32, #tpu.memory_space<vmem>> -> memref<1x12xi32, #tpu.memory_space<vmem>>
      %dma_start3A_162 = tpu.memref_squeeze %dma_start3A_161 : memref<1x12xi32, #tpu.memory_space<vmem>> -> memref<12xi32, #tpu.memory_space<vmem>>
      %dma_start3A_163 = arith.constant 0 : i32
      %dma_start3A_164 = arith.constant 0 : i32
      %dma_start3A_165 = arith.constant 0 : i32
      %dma_start3A_166 = tpu.memref_slice %arg3[%dma_start3A_163, %dma_start3A_164, %dma_start3A_165] : memref<100000x8x128xf32, #tpu.memory_space<hbm>> -> memref<100000x8x128xf32, #tpu.memory_space<hbm>>
      tpu.enqueue_indirect_dma source(%dma_start3A_166 : memref<100000x8x128xf32, #tpu.memory_space<hbm>>) target(%arg7 : memref<12x8x128xf32, #tpu.memory_space<vmem>>) offsets(%dma_start3A_162 : memref<12xi32, #tpu.memory_space<vmem>>) semaphore(%arg9 : memref<!tpu.dma_semaphore, #tpu.memory_space<semaphore_mem>>)
    }
    %scan3A_22 = arith.constant 32 : i32
    %dma_wait3A = arith.constant 64 : i32
    %dma_wait3A_23 = arith.constant 0 : i32
    %dma_wait3A_24 = tpu.memref_slice %arg5[%dma_wait3A, %dma_wait3A_23] : memref<67x12xi32, #tpu.memory_space<vmem>> -> memref<1x12xi32, #tpu.memory_space<vmem>>
    %dma_wait3A_25 = tpu.memref_squeeze %dma_wait3A_24 : memref<1x12xi32, #tpu.memory_space<vmem>> -> memref<12xi32, #tpu.memory_space<vmem>>
    %dma_wait3A_26 = arith.constant 0 : i32
    %dma_wait3A_27 = arith.constant 0 : i32
    %dma_wait3A_28 = arith.constant 0 : i32
    %dma_wait3A_29 = tpu.memref_slice %arg3[%dma_wait3A_26, %dma_wait3A_27, %dma_wait3A_28] : memref<100000x8x128xf32, #tpu.memory_space<hbm>> -> memref<100000x8x128xf32, #tpu.memory_space<hbm>>
    tpu.wait_indirect_dma semaphore(%arg8 : memref<!tpu.dma_semaphore, #tpu.memory_space<semaphore_mem>>) src(%dma_wait3A_29 : memref<100000x8x128xf32, #tpu.memory_space<hbm>>) dst(%arg6 : memref<12x8x128xf32, #tpu.memory_space<vmem>>)
    %add3A_30 = arith.constant 768 : i32
    %add3A_31 = arith.addi %mul3A_2, %add3A_30 : i32
    %dma_start3A_32 = arith.constant 0 : i32
    %dma_start3A_33 = arith.constant 0 : i32
    %dma_start3A_34 = tpu.memref_slice %arg4[%add3A_31, %dma_start3A_32, %dma_start3A_33] : memref<25728x8x128xf32, #tpu.memory_space<hbm>> -> memref<12x8x128xf32, #tpu.memory_space<hbm>>
    %dma_start3A_35 = arith.constant 0 : i32
    %dma_start3A_36 = arith.constant 0 : i32
    %dma_start3A_37 = tpu.memref_slice %arg4[%add3A_31, %dma_start3A_35, %dma_start3A_36] : memref<25728x8x128xf32, #tpu.memory_space<hbm>> -> memref<12x8x128xf32, #tpu.memory_space<hbm>>
    tpu.enqueue_dma source(%arg6 : memref<12x8x128xf32, #tpu.memory_space<vmem>>) target(%dma_start3A_37 : memref<12x8x128xf32, #tpu.memory_space<hbm>>) target_semaphore(%arg10 : memref<!tpu.dma_semaphore, #tpu.memory_space<semaphore_mem>>)
    %dma_wait3A_38 = arith.constant 0 : i32
    %dma_wait3A_39 = arith.constant 0 : i32
    %dma_wait3A_40 = tpu.memref_slice %arg4[%add3A_31, %dma_wait3A_38, %dma_wait3A_39] : memref<25728x8x128xf32, #tpu.memory_space<hbm>> -> memref<12x8x128xf32, #tpu.memory_space<hbm>>
    %dma_wait3A_41 = arith.constant 0 : i32
    %dma_wait3A_42 = arith.constant 0 : i32
    %dma_wait3A_43 = tpu.memref_slice %arg4[%add3A_31, %dma_wait3A_41, %dma_wait3A_42] : memref<25728x8x128xf32, #tpu.memory_space<hbm>> -> memref<12x8x128xf32, #tpu.memory_space<hbm>>
    tpu.wait_dma2 semaphore(%arg10 : memref<!tpu.dma_semaphore, #tpu.memory_space<semaphore_mem>>) src(%arg6 : memref<12x8x128xf32, #tpu.memory_space<vmem>>) dst(%dma_wait3A_43 : memref<12x8x128xf32, #tpu.memory_space<hbm>>)
    %dma_wait3A_44 = arith.constant 65 : i32
    %dma_wait3A_45 = arith.constant 0 : i32
    %dma_wait3A_46 = tpu.memref_slice %arg5[%dma_wait3A_44, %dma_wait3A_45] : memref<67x12xi32, #tpu.memory_space<vmem>> -> memref<1x12xi32, #tpu.memory_space<vmem>>
    %dma_wait3A_47 = tpu.memref_squeeze %dma_wait3A_46 : memref<1x12xi32, #tpu.memory_space<vmem>> -> memref<12xi32, #tpu.memory_space<vmem>>
    %dma_wait3A_48 = arith.constant 0 : i32
    %dma_wait3A_49 = arith.constant 0 : i32
    %dma_wait3A_50 = arith.constant 0 : i32
    %dma_wait3A_51 = tpu.memref_slice %arg3[%dma_wait3A_48, %dma_wait3A_49, %dma_wait3A_50] : memref<100000x8x128xf32, #tpu.memory_space<hbm>> -> memref<100000x8x128xf32, #tpu.memory_space<hbm>>
    tpu.wait_indirect_dma semaphore(%arg9 : memref<!tpu.dma_semaphore, #tpu.memory_space<semaphore_mem>>) src(%dma_wait3A_51 : memref<100000x8x128xf32, #tpu.memory_space<hbm>>) dst(%arg7 : memref<12x8x128xf32, #tpu.memory_space<vmem>>)
    %add3A_52 = arith.constant 780 : i32
    %add3A_53 = arith.addi %mul3A_2, %add3A_52 : i32
    %dma_start3A_54 = arith.constant 0 : i32
    %dma_start3A_55 = arith.constant 0 : i32
    %dma_start3A_56 = tpu.memref_slice %arg4[%add3A_53, %dma_start3A_54, %dma_start3A_55] : memref<25728x8x128xf32, #tpu.memory_space<hbm>> -> memref<12x8x128xf32, #tpu.memory_space<hbm>>
    %dma_start3A_57 = arith.constant 0 : i32
    %dma_start3A_58 = arith.constant 0 : i32
    %dma_start3A_59 = tpu.memref_slice %arg4[%add3A_53, %dma_start3A_57, %dma_start3A_58] : memref<25728x8x128xf32, #tpu.memory_space<hbm>> -> memref<12x8x128xf32, #tpu.memory_space<hbm>>
    tpu.enqueue_dma source(%arg7 : memref<12x8x128xf32, #tpu.memory_space<vmem>>) target(%dma_start3A_59 : memref<12x8x128xf32, #tpu.memory_space<hbm>>) target_semaphore(%arg11 : memref<!tpu.dma_semaphore, #tpu.memory_space<semaphore_mem>>)
    %dma_wait3A_60 = arith.constant 0 : i32
    %dma_wait3A_61 = arith.constant 0 : i32
    %dma_wait3A_62 = tpu.memref_slice %arg4[%add3A_53, %dma_wait3A_60, %dma_wait3A_61] : memref<25728x8x128xf32, #tpu.memory_space<hbm>> -> memref<12x8x128xf32, #tpu.memory_space<hbm>>
    %dma_wait3A_63 = arith.constant 0 : i32
    %dma_wait3A_64 = arith.constant 0 : i32
    %dma_wait3A_65 = tpu.memref_slice %arg4[%add3A_53, %dma_wait3A_63, %dma_wait3A_64] : memref<25728x8x128xf32, #tpu.memory_space<hbm>> -> memref<12x8x128xf32, #tpu.memory_space<hbm>>
    tpu.wait_dma2 semaphore(%arg11 : memref<!tpu.dma_semaphore, #tpu.memory_space<semaphore_mem>>) src(%arg7 : memref<12x8x128xf32, #tpu.memory_space<vmem>>) dst(%dma_wait3A_65 : memref<12x8x128xf32, #tpu.memory_space<hbm>>)
    %dma_start3A_66 = arith.constant 66 : i32
    %dma_start3A_67 = arith.constant 0 : i32
    %dma_start3A_68 = tpu.memref_slice %arg5[%dma_start3A_66, %dma_start3A_67] : memref<67x12xi32, #tpu.memory_space<vmem>> -> memref<1x12xi32, #tpu.memory_space<vmem>>
    %dma_start3A_69 = tpu.memref_squeeze %dma_start3A_68 : memref<1x12xi32, #tpu.memory_space<vmem>> -> memref<12xi32, #tpu.memory_space<vmem>>
    %dma_start3A_70 = arith.constant 0 : i32
    %dma_start3A_71 = arith.constant 0 : i32
    %dma_start3A_72 = arith.constant 0 : i32
    %dma_start3A_73 = tpu.memref_slice %arg3[%dma_start3A_70, %dma_start3A_71, %dma_start3A_72] : memref<100000x8x128xf32, #tpu.memory_space<hbm>> -> memref<100000x8x128xf32, #tpu.memory_space<hbm>>
    tpu.enqueue_indirect_dma source(%dma_start3A_73 : memref<100000x8x128xf32, #tpu.memory_space<hbm>>) target(%arg6 : memref<12x8x128xf32, #tpu.memory_space<vmem>>) offsets(%dma_start3A_69 : memref<12xi32, #tpu.memory_space<vmem>>) semaphore(%arg8 : memref<!tpu.dma_semaphore, #tpu.memory_space<semaphore_mem>>)
    %dma_wait3A_74 = arith.constant 66 : i32
    %dma_wait3A_75 = arith.constant 0 : i32
    %dma_wait3A_76 = tpu.memref_slice %arg5[%dma_wait3A_74, %dma_wait3A_75] : memref<67x12xi32, #tpu.memory_space<vmem>> -> memref<1x12xi32, #tpu.memory_space<vmem>>
    %dma_wait3A_77 = tpu.memref_squeeze %dma_wait3A_76 : memref<1x12xi32, #tpu.memory_space<vmem>> -> memref<12xi32, #tpu.memory_space<vmem>>
    %dma_wait3A_78 = arith.constant 0 : i32
    %dma_wait3A_79 = arith.constant 0 : i32
    %dma_wait3A_80 = arith.constant 0 : i32
    %dma_wait3A_81 = tpu.memref_slice %arg3[%dma_wait3A_78, %dma_wait3A_79, %dma_wait3A_80] : memref<100000x8x128xf32, #tpu.memory_space<hbm>> -> memref<100000x8x128xf32, #tpu.memory_space<hbm>>
    tpu.wait_indirect_dma semaphore(%arg8 : memref<!tpu.dma_semaphore, #tpu.memory_space<semaphore_mem>>) src(%dma_wait3A_81 : memref<100000x8x128xf32, #tpu.memory_space<hbm>>) dst(%arg6 : memref<12x8x128xf32, #tpu.memory_space<vmem>>)
    %add3A_82 = arith.constant 792 : i32
    %add3A_83 = arith.addi %mul3A_2, %add3A_82 : i32
    %dma_start3A_84 = arith.constant 0 : i32
    %dma_start3A_85 = arith.constant 0 : i32
    %dma_start3A_86 = tpu.memref_slice %arg4[%add3A_83, %dma_start3A_84, %dma_start3A_85] : memref<25728x8x128xf32, #tpu.memory_space<hbm>> -> memref<12x8x128xf32, #tpu.memory_space<hbm>>
    %dma_start3A_87 = arith.constant 0 : i32
    %dma_start3A_88 = arith.constant 0 : i32
    %dma_start3A_89 = tpu.memref_slice %arg4[%add3A_83, %dma_start3A_87, %dma_start3A_88] : memref<25728x8x128xf32, #tpu.memory_space<hbm>> -> memref<12x8x128xf32, #tpu.memory_space<hbm>>
    tpu.enqueue_dma source(%arg6 : memref<12x8x128xf32, #tpu.memory_space<vmem>>) target(%dma_start3A_89 : memref<12x8x128xf32, #tpu.memory_space<hbm>>) target_semaphore(%arg10 : memref<!tpu.dma_semaphore, #tpu.memory_space<semaphore_mem>>)
    %dma_wait3A_90 = arith.constant 0 : i32
    %dma_wait3A_91 = arith.constant 0 : i32
    %dma_wait3A_92 = tpu.memref_slice %arg4[%add3A_83, %dma_wait3A_90, %dma_wait3A_91] : memref<25728x8x128xf32, #tpu.memory_space<hbm>> -> memref<12x8x128xf32, #tpu.memory_space<hbm>>
    %dma_wait3A_93 = arith.constant 0 : i32
    %dma_wait3A_94 = arith.constant 0 : i32
    %dma_wait3A_95 = tpu.memref_slice %arg4[%add3A_83, %dma_wait3A_93, %dma_wait3A_94] : memref<25728x8x128xf32, #tpu.memory_space<hbm>> -> memref<12x8x128xf32, #tpu.memory_space<hbm>>
    tpu.wait_dma2 semaphore(%arg10 : memref<!tpu.dma_semaphore, #tpu.memory_space<semaphore_mem>>) src(%arg6 : memref<12x8x128xf32, #tpu.memory_space<vmem>>) dst(%dma_wait3A_95 : memref<12x8x128xf32, #tpu.memory_space<hbm>>)
    return
  }
}

#map = affine_map<(d0, d1) -> (0, 0, 0)>
module attributes {stable_mosaic.version = 14 : i64} {
  func.func @_sc_gather_body(%arg0: i32, %arg1: i32, %arg2: memref<32x67x12xi32, #tpu.memory_space<hbm>>, %arg3: memref<100000x8x128xf32, #tpu.memory_space<hbm>>, %arg4: memref<25728x8x128xf32, #tpu.memory_space<hbm>>, %arg5: memref<67x12xi32, #tpu.memory_space<vmem>>, %arg6: memref<12x8x128xf32, #tpu.memory_space<vmem>>, %arg7: memref<12x8x128xf32, #tpu.memory_space<vmem>>, %arg8: memref<!tpu.dma_semaphore, #tpu.memory_space<semaphore_mem>>, %arg9: memref<!tpu.dma_semaphore, #tpu.memory_space<semaphore_mem>>, %arg10: memref<!tpu.dma_semaphore, #tpu.memory_space<semaphore_mem>>, %arg11: memref<!tpu.dma_semaphore, #tpu.memory_space<semaphore_mem>>) attributes {dimension_semantics = [#tpu.dimension_semantics<core_parallel>, #tpu.dimension_semantics<subcore_parallel>], iteration_bounds = array<i64: 2, 16>, scalar_prefetch = 0 : i64, scratch_operands = 7 : i64, tpu.core_type = #tpu.core_type<sc_vector_subcore>, window_params = [{transform_indices = #map}, {transform_indices = #map}, {transform_indices = #map}]} {
    %mul3A = arith.constant 2 : i32
    %mul3A_0 = arith.muli %arg1, %mul3A : i32
    %add3A = arith.addi %mul3A_0, %arg0 : i32
    %mul3A_1 = arith.constant 804 : i32
    %mul3A_2 = arith.muli %add3A, %mul3A_1 : i32
    "tpu.region"() ({
      %run_scoped3A = tpu.sem_alloc : memref<!tpu.dma_semaphore, #tpu.memory_space<semaphore_mem>>
      %dma_start3A_96 = arith.constant 0 : i32
      %dma_start3A_97 = arith.constant 0 : i32
      %dma_start3A_98 = tpu.memref_slice %arg2[%add3A, %dma_start3A_96, %dma_start3A_97] : memref<32x67x12xi32, #tpu.memory_space<hbm>> -> memref<1x67x12xi32, #tpu.memory_space<hbm>>
      %dma_start3A_99 = tpu.memref_squeeze %dma_start3A_98 : memref<1x67x12xi32, #tpu.memory_space<hbm>> -> memref<67x12xi32, #tpu.memory_space<hbm>>
      %dma_start3A_100 = arith.constant 0 : i32
      %dma_start3A_101 = arith.constant 0 : i32
      %dma_start3A_102 = tpu.memref_slice %arg2[%add3A, %dma_start3A_100, %dma_start3A_101] : memref<32x67x12xi32, #tpu.memory_space<hbm>> -> memref<1x67x12xi32, #tpu.memory_space<hbm>>
      %dma_start3A_103 = tpu.memref_squeeze %dma_start3A_102 : memref<1x67x12xi32, #tpu.memory_space<hbm>> -> memref<67x12xi32, #tpu.memory_space<hbm>>
      tpu.enqueue_dma source(%dma_start3A_103 : memref<67x12xi32, #tpu.memory_space<hbm>>) target(%arg5 : memref<67x12xi32, #tpu.memory_space<vmem>>) target_semaphore(%run_scoped3A : memref<!tpu.dma_semaphore, #tpu.memory_space<semaphore_mem>>)
      %dma_wait3A_104 = arith.constant 0 : i32
      %dma_wait3A_105 = arith.constant 0 : i32
      %dma_wait3A_106 = tpu.memref_slice %arg2[%add3A, %dma_wait3A_104, %dma_wait3A_105] : memref<32x67x12xi32, #tpu.memory_space<hbm>> -> memref<1x67x12xi32, #tpu.memory_space<hbm>>
      %dma_wait3A_107 = tpu.memref_squeeze %dma_wait3A_106 : memref<1x67x12xi32, #tpu.memory_space<hbm>> -> memref<67x12xi32, #tpu.memory_space<hbm>>
      %dma_wait3A_108 = arith.constant 0 : i32
      %dma_wait3A_109 = arith.constant 0 : i32
      %dma_wait3A_110 = tpu.memref_slice %arg2[%add3A, %dma_wait3A_108, %dma_wait3A_109] : memref<32x67x12xi32, #tpu.memory_space<hbm>> -> memref<1x67x12xi32, #tpu.memory_space<hbm>>
      %dma_wait3A_111 = tpu.memref_squeeze %dma_wait3A_110 : memref<1x67x12xi32, #tpu.memory_space<hbm>> -> memref<67x12xi32, #tpu.memory_space<hbm>>
      tpu.wait_dma2 semaphore(%run_scoped3A : memref<!tpu.dma_semaphore, #tpu.memory_space<semaphore_mem>>) src(%dma_wait3A_111 : memref<67x12xi32, #tpu.memory_space<hbm>>) dst(%arg5 : memref<67x12xi32, #tpu.memory_space<vmem>>)
      tpu.yield
    }) : () -> ()
    %dma_start3A = arith.constant 0 : i32
    %dma_start3A_3 = arith.constant 0 : i32
    %dma_start3A_4 = tpu.memref_slice %arg5[%dma_start3A, %dma_start3A_3] : memref<67x12xi32, #tpu.memory_space<vmem>> -> memref<1x12xi32, #tpu.memory_space<vmem>>
    %dma_start3A_5 = tpu.memref_squeeze %dma_start3A_4 : memref<1x12xi32, #tpu.memory_space<vmem>> -> memref<12xi32, #tpu.memory_space<vmem>>
    %dma_start3A_6 = arith.constant 0 : i32
    %dma_start3A_7 = arith.constant 0 : i32
    %dma_start3A_8 = arith.constant 0 : i32
    %dma_start3A_9 = tpu.memref_slice %arg3[%dma_start3A_6, %dma_start3A_7, %dma_start3A_8] : memref<100000x8x128xf32, #tpu.memory_space<hbm>> -> memref<100000x8x128xf32, #tpu.memory_space<hbm>>
    tpu.enqueue_indirect_dma source(%dma_start3A_9 : memref<100000x8x128xf32, #tpu.memory_space<hbm>>) target(%arg6 : memref<12x8x128xf32, #tpu.memory_space<vmem>>) offsets(%dma_start3A_5 : memref<12xi32, #tpu.memory_space<vmem>>) semaphore(%arg8 : memref<!tpu.dma_semaphore, #tpu.memory_space<semaphore_mem>>)
    %dma_start3A_10 = arith.constant 1 : i32
    %dma_start3A_11 = arith.constant 0 : i32
    %dma_start3A_12 = tpu.memref_slice %arg5[%dma_start3A_10, %dma_start3A_11] : memref<67x12xi32, #tpu.memory_space<vmem>> -> memref<1x12xi32, #tpu.memory_space<vmem>>
    %dma_start3A_13 = tpu.memref_squeeze %dma_start3A_12 : memref<1x12xi32, #tpu.memory_space<vmem>> -> memref<12xi32, #tpu.memory_space<vmem>>
    %dma_start3A_14 = arith.constant 0 : i32
    %dma_start3A_15 = arith.constant 0 : i32
    %dma_start3A_16 = arith.constant 0 : i32
    %dma_start3A_17 = tpu.memref_slice %arg3[%dma_start3A_14, %dma_start3A_15, %dma_start3A_16] : memref<100000x8x128xf32, #tpu.memory_space<hbm>> -> memref<100000x8x128xf32, #tpu.memory_space<hbm>>
    tpu.enqueue_indirect_dma source(%dma_start3A_17 : memref<100000x8x128xf32, #tpu.memory_space<hbm>>) target(%arg7 : memref<12x8x128xf32, #tpu.memory_space<vmem>>) offsets(%dma_start3A_13 : memref<12xi32, #tpu.memory_space<vmem>>) semaphore(%arg9 : memref<!tpu.dma_semaphore, #tpu.memory_space<semaphore_mem>>)
    %scan3A = arith.constant 0 : i32
    %scan3A_18 = arith.constant 0 : i32
    %scan3A_19 = arith.constant 32 : i32
    %scan3A_20 = arith.addi %scan3A_18, %scan3A_19 : i32
    %scan3A_21 = arith.constant 1 : i32
    scf.for %scan3A_96 = %scan3A_18 to %scan3A_20 step %scan3A_21  : i32 {
      %mul3A_97 = arith.constant 2 : i32
      %mul3A_98 = arith.muli %mul3A_97, %scan3A_96 : i32
      %add3A_99 = arith.constant 0 : i32
      %add3A_100 = arith.addi %mul3A_98, %add3A_99 : i32
      %dma_wait3A_101 = arith.constant 0 : i32
      %dma_wait3A_102 = tpu.memref_slice %arg5[%add3A_100, %dma_wait3A_101] : memref<67x12xi32, #tpu.memory_space<vmem>> -> memref<1x12xi32, #tpu.memory_space<vmem>>
      %dma_wait3A_103 = tpu.memref_squeeze %dma_wait3A_102 : memref<1x12xi32, #tpu.memory_space<vmem>> -> memref<12xi32, #tpu.memory_space<vmem>>
      %dma_wait3A_104 = arith.constant 0 : i32
      %dma_wait3A_105 = arith.constant 0 : i32
      %dma_wait3A_106 = arith.constant 0 : i32
      %dma_wait3A_107 = tpu.memref_slice %arg3[%dma_wait3A_104, %dma_wait3A_105, %dma_wait3A_106] : memref<100000x8x128xf32, #tpu.memory_space<hbm>> -> memref<100000x8x128xf32, #tpu.memory_space<hbm>>
      tpu.wait_indirect_dma semaphore(%arg8 : memref<!tpu.dma_semaphore, #tpu.memory_space<semaphore_mem>>) src(%dma_wait3A_107 : memref<100000x8x128xf32, #tpu.memory_space<hbm>>) dst(%arg6 : memref<12x8x128xf32, #tpu.memory_space<vmem>>)
      %mul3A_108 = arith.constant 12 : i32
      %mul3A_109 = arith.muli %add3A_100, %mul3A_108 : i32
      %add3A_110 = arith.addi %mul3A_2, %mul3A_109 : i32
      %dma_start3A_111 = arith.constant 0 : i32
      %dma_start3A_112 = arith.constant 0 : i32
      %dma_start3A_113 = tpu.memref_slice %arg4[%add3A_110, %dma_start3A_111, %dma_start3A_112] : memref<25728x8x128xf32, #tpu.memory_space<hbm>> -> memref<12x8x128xf32, #tpu.memory_space<hbm>>
      %dma_start3A_114 = arith.constant 0 : i32
      %dma_start3A_115 = arith.constant 0 : i32
      %dma_start3A_116 = tpu.memref_slice %arg4[%add3A_110, %dma_start3A_114, %dma_start3A_115] : memref<25728x8x128xf32, #tpu.memory_space<hbm>> -> memref<12x8x128xf32, #tpu.memory_space<hbm>>
      tpu.enqueue_dma source(%arg6 : memref<12x8x128xf32, #tpu.memory_space<vmem>>) target(%dma_start3A_116 : memref<12x8x128xf32, #tpu.memory_space<hbm>>) target_semaphore(%arg10 : memref<!tpu.dma_semaphore, #tpu.memory_space<semaphore_mem>>)
      %dma_wait3A_117 = arith.constant 0 : i32
      %dma_wait3A_118 = arith.constant 0 : i32
      %dma_wait3A_119 = tpu.memref_slice %arg4[%add3A_110, %dma_wait3A_117, %dma_wait3A_118] : memref<25728x8x128xf32, #tpu.memory_space<hbm>> -> memref<12x8x128xf32, #tpu.memory_space<hbm>>
      %dma_wait3A_120 = arith.constant 0 : i32
      %dma_wait3A_121 = arith.constant 0 : i32
      %dma_wait3A_122 = tpu.memref_slice %arg4[%add3A_110, %dma_wait3A_120, %dma_wait3A_121] : memref<25728x8x128xf32, #tpu.memory_space<hbm>> -> memref<12x8x128xf32, #tpu.memory_space<hbm>>
      tpu.wait_dma2 semaphore(%arg10 : memref<!tpu.dma_semaphore, #tpu.memory_space<semaphore_mem>>) src(%arg6 : memref<12x8x128xf32, #tpu.memory_space<vmem>>) dst(%dma_wait3A_122 : memref<12x8x128xf32, #tpu.memory_space<hbm>>)
      %add3A_123 = arith.constant 2 : i32
      %add3A_124 = arith.addi %add3A_100, %add3A_123 : i32
      %dma_start3A_125 = arith.constant 0 : i32
      %dma_start3A_126 = tpu.memref_slice %arg5[%add3A_124, %dma_start3A_125] : memref<67x12xi32, #tpu.memory_space<vmem>> -> memref<1x12xi32, #tpu.memory_space<vmem>>
      %dma_start3A_127 = tpu.memref_squeeze %dma_start3A_126 : memref<1x12xi32, #tpu.memory_space<vmem>> -> memref<12xi32, #tpu.memory_space<vmem>>
      %dma_start3A_128 = arith.constant 0 : i32
      %dma_start3A_129 = arith.constant 0 : i32
      %dma_start3A_130 = arith.constant 0 : i32
      %dma_start3A_131 = tpu.memref_slice %arg3[%dma_start3A_128, %dma_start3A_129, %dma_start3A_130] : memref<100000x8x128xf32, #tpu.memory_space<hbm>> -> memref<100000x8x128xf32, #tpu.memory_space<hbm>>
      tpu.enqueue_indirect_dma source(%dma_start3A_131 : memref<100000x8x128xf32, #tpu.memory_space<hbm>>) target(%arg6 : memref<12x8x128xf32, #tpu.memory_space<vmem>>) offsets(%dma_start3A_127 : memref<12xi32, #tpu.memory_space<vmem>>) semaphore(%arg8 : memref<!tpu.dma_semaphore, #tpu.memory_space<semaphore_mem>>)
      %mul3A_132 = arith.constant 2 : i32
      %mul3A_133 = arith.muli %mul3A_132, %scan3A_96 : i32
      %add3A_134 = arith.constant 1 : i32
      %add3A_135 = arith.addi %mul3A_133, %add3A_134 : i32
      %dma_wait3A_136 = arith.constant 0 : i32
      %dma_wait3A_137 = tpu.memref_slice %arg5[%add3A_135, %dma_wait3A_136] : memref<67x12xi32, #tpu.memory_space<vmem>> -> memref<1x12xi32, #tpu.memory_space<vmem>>
      %dma_wait3A_138 = tpu.memref_squeeze %dma_wait3A_137 : memref<1x12xi32, #tpu.memory_space<vmem>> -> memref<12xi32, #tpu.memory_space<vmem>>
      %dma_wait3A_139 = arith.constant 0 : i32
      %dma_wait3A_140 = arith.constant 0 : i32
      %dma_wait3A_141 = arith.constant 0 : i32
      %dma_wait3A_142 = tpu.memref_slice %arg3[%dma_wait3A_139, %dma_wait3A_140, %dma_wait3A_141] : memref<100000x8x128xf32, #tpu.memory_space<hbm>> -> memref<100000x8x128xf32, #tpu.memory_space<hbm>>
      tpu.wait_indirect_dma semaphore(%arg9 : memref<!tpu.dma_semaphore, #tpu.memory_space<semaphore_mem>>) src(%dma_wait3A_142 : memref<100000x8x128xf32, #tpu.memory_space<hbm>>) dst(%arg7 : memref<12x8x128xf32, #tpu.memory_space<vmem>>)
      %mul3A_143 = arith.constant 12 : i32
      %mul3A_144 = arith.muli %add3A_135, %mul3A_143 : i32
      %add3A_145 = arith.addi %mul3A_2, %mul3A_144 : i32
      %dma_start3A_146 = arith.constant 0 : i32
      %dma_start3A_147 = arith.constant 0 : i32
      %dma_start3A_148 = tpu.memref_slice %arg4[%add3A_145, %dma_start3A_146, %dma_start3A_147] : memref<25728x8x128xf32, #tpu.memory_space<hbm>> -> memref<12x8x128xf32, #tpu.memory_space<hbm>>
      %dma_start3A_149 = arith.constant 0 : i32
      %dma_start3A_150 = arith.constant 0 : i32
      %dma_start3A_151 = tpu.memref_slice %arg4[%add3A_145, %dma_start3A_149, %dma_start3A_150] : memref<25728x8x128xf32, #tpu.memory_space<hbm>> -> memref<12x8x128xf32, #tpu.memory_space<hbm>>
      tpu.enqueue_dma source(%arg7 : memref<12x8x128xf32, #tpu.memory_space<vmem>>) target(%dma_start3A_151 : memref<12x8x128xf32, #tpu.memory_space<hbm>>) target_semaphore(%arg11 : memref<!tpu.dma_semaphore, #tpu.memory_space<semaphore_mem>>)
      %dma_wait3A_152 = arith.constant 0 : i32
      %dma_wait3A_153 = arith.constant 0 : i32
      %dma_wait3A_154 = tpu.memref_slice %arg4[%add3A_145, %dma_wait3A_152, %dma_wait3A_153] : memref<25728x8x128xf32, #tpu.memory_space<hbm>> -> memref<12x8x128xf32, #tpu.memory_space<hbm>>
      %dma_wait3A_155 = arith.constant 0 : i32
      %dma_wait3A_156 = arith.constant 0 : i32
      %dma_wait3A_157 = tpu.memref_slice %arg4[%add3A_145, %dma_wait3A_155, %dma_wait3A_156] : memref<25728x8x128xf32, #tpu.memory_space<hbm>> -> memref<12x8x128xf32, #tpu.memory_space<hbm>>
      tpu.wait_dma2 semaphore(%arg11 : memref<!tpu.dma_semaphore, #tpu.memory_space<semaphore_mem>>) src(%arg7 : memref<12x8x128xf32, #tpu.memory_space<vmem>>) dst(%dma_wait3A_157 : memref<12x8x128xf32, #tpu.memory_space<hbm>>)
      %add3A_158 = arith.constant 2 : i32
      %add3A_159 = arith.addi %add3A_135, %add3A_158 : i32
      %dma_start3A_160 = arith.constant 0 : i32
      %dma_start3A_161 = tpu.memref_slice %arg5[%add3A_159, %dma_start3A_160] : memref<67x12xi32, #tpu.memory_space<vmem>> -> memref<1x12xi32, #tpu.memory_space<vmem>>
      %dma_start3A_162 = tpu.memref_squeeze %dma_start3A_161 : memref<1x12xi32, #tpu.memory_space<vmem>> -> memref<12xi32, #tpu.memory_space<vmem>>
      %dma_start3A_163 = arith.constant 0 : i32
      %dma_start3A_164 = arith.constant 0 : i32
      %dma_start3A_165 = arith.constant 0 : i32
      %dma_start3A_166 = tpu.memref_slice %arg3[%dma_start3A_163, %dma_start3A_164, %dma_start3A_165] : memref<100000x8x128xf32, #tpu.memory_space<hbm>> -> memref<100000x8x128xf32, #tpu.memory_space<hbm>>
      tpu.enqueue_indirect_dma source(%dma_start3A_166 : memref<100000x8x128xf32, #tpu.memory_space<hbm>>) target(%arg7 : memref<12x8x128xf32, #tpu.memory_space<vmem>>) offsets(%dma_start3A_162 : memref<12xi32, #tpu.memory_space<vmem>>) semaphore(%arg9 : memref<!tpu.dma_semaphore, #tpu.memory_space<semaphore_mem>>)
    }
    %scan3A_22 = arith.constant 32 : i32
    %dma_wait3A = arith.constant 64 : i32
    %dma_wait3A_23 = arith.constant 0 : i32
    %dma_wait3A_24 = tpu.memref_slice %arg5[%dma_wait3A, %dma_wait3A_23] : memref<67x12xi32, #tpu.memory_space<vmem>> -> memref<1x12xi32, #tpu.memory_space<vmem>>
    %dma_wait3A_25 = tpu.memref_squeeze %dma_wait3A_24 : memref<1x12xi32, #tpu.memory_space<vmem>> -> memref<12xi32, #tpu.memory_space<vmem>>
    %dma_wait3A_26 = arith.constant 0 : i32
    %dma_wait3A_27 = arith.constant 0 : i32
    %dma_wait3A_28 = arith.constant 0 : i32
    %dma_wait3A_29 = tpu.memref_slice %arg3[%dma_wait3A_26, %dma_wait3A_27, %dma_wait3A_28] : memref<100000x8x128xf32, #tpu.memory_space<hbm>> -> memref<100000x8x128xf32, #tpu.memory_space<hbm>>
    tpu.wait_indirect_dma semaphore(%arg8 : memref<!tpu.dma_semaphore, #tpu.memory_space<semaphore_mem>>) src(%dma_wait3A_29 : memref<100000x8x128xf32, #tpu.memory_space<hbm>>) dst(%arg6 : memref<12x8x128xf32, #tpu.memory_space<vmem>>)
    %add3A_30 = arith.constant 768 : i32
    %add3A_31 = arith.addi %mul3A_2, %add3A_30 : i32
    %dma_start3A_32 = arith.constant 0 : i32
    %dma_start3A_33 = arith.constant 0 : i32
    %dma_start3A_34 = tpu.memref_slice %arg4[%add3A_31, %dma_start3A_32, %dma_start3A_33] : memref<25728x8x128xf32, #tpu.memory_space<hbm>> -> memref<12x8x128xf32, #tpu.memory_space<hbm>>
    %dma_start3A_35 = arith.constant 0 : i32
    %dma_start3A_36 = arith.constant 0 : i32
    %dma_start3A_37 = tpu.memref_slice %arg4[%add3A_31, %dma_start3A_35, %dma_start3A_36] : memref<25728x8x128xf32, #tpu.memory_space<hbm>> -> memref<12x8x128xf32, #tpu.memory_space<hbm>>
    tpu.enqueue_dma source(%arg6 : memref<12x8x128xf32, #tpu.memory_space<vmem>>) target(%dma_start3A_37 : memref<12x8x128xf32, #tpu.memory_space<hbm>>) target_semaphore(%arg10 : memref<!tpu.dma_semaphore, #tpu.memory_space<semaphore_mem>>)
    %dma_wait3A_38 = arith.constant 0 : i32
    %dma_wait3A_39 = arith.constant 0 : i32
    %dma_wait3A_40 = tpu.memref_slice %arg4[%add3A_31, %dma_wait3A_38, %dma_wait3A_39] : memref<25728x8x128xf32, #tpu.memory_space<hbm>> -> memref<12x8x128xf32, #tpu.memory_space<hbm>>
    %dma_wait3A_41 = arith.constant 0 : i32
    %dma_wait3A_42 = arith.constant 0 : i32
    %dma_wait3A_43 = tpu.memref_slice %arg4[%add3A_31, %dma_wait3A_41, %dma_wait3A_42] : memref<25728x8x128xf32, #tpu.memory_space<hbm>> -> memref<12x8x128xf32, #tpu.memory_space<hbm>>
    tpu.wait_dma2 semaphore(%arg10 : memref<!tpu.dma_semaphore, #tpu.memory_space<semaphore_mem>>) src(%arg6 : memref<12x8x128xf32, #tpu.memory_space<vmem>>) dst(%dma_wait3A_43 : memref<12x8x128xf32, #tpu.memory_space<hbm>>)
    %dma_wait3A_44 = arith.constant 65 : i32
    %dma_wait3A_45 = arith.constant 0 : i32
    %dma_wait3A_46 = tpu.memref_slice %arg5[%dma_wait3A_44, %dma_wait3A_45] : memref<67x12xi32, #tpu.memory_space<vmem>> -> memref<1x12xi32, #tpu.memory_space<vmem>>
    %dma_wait3A_47 = tpu.memref_squeeze %dma_wait3A_46 : memref<1x12xi32, #tpu.memory_space<vmem>> -> memref<12xi32, #tpu.memory_space<vmem>>
    %dma_wait3A_48 = arith.constant 0 : i32
    %dma_wait3A_49 = arith.constant 0 : i32
    %dma_wait3A_50 = arith.constant 0 : i32
    %dma_wait3A_51 = tpu.memref_slice %arg3[%dma_wait3A_48, %dma_wait3A_49, %dma_wait3A_50] : memref<100000x8x128xf32, #tpu.memory_space<hbm>> -> memref<100000x8x128xf32, #tpu.memory_space<hbm>>
    tpu.wait_indirect_dma semaphore(%arg9 : memref<!tpu.dma_semaphore, #tpu.memory_space<semaphore_mem>>) src(%dma_wait3A_51 : memref<100000x8x128xf32, #tpu.memory_space<hbm>>) dst(%arg7 : memref<12x8x128xf32, #tpu.memory_space<vmem>>)
    %add3A_52 = arith.constant 780 : i32
    %add3A_53 = arith.addi %mul3A_2, %add3A_52 : i32
    %dma_start3A_54 = arith.constant 0 : i32
    %dma_start3A_55 = arith.constant 0 : i32
    %dma_start3A_56 = tpu.memref_slice %arg4[%add3A_53, %dma_start3A_54, %dma_start3A_55] : memref<25728x8x128xf32, #tpu.memory_space<hbm>> -> memref<12x8x128xf32, #tpu.memory_space<hbm>>
    %dma_start3A_57 = arith.constant 0 : i32
    %dma_start3A_58 = arith.constant 0 : i32
    %dma_start3A_59 = tpu.memref_slice %arg4[%add3A_53, %dma_start3A_57, %dma_start3A_58] : memref<25728x8x128xf32, #tpu.memory_space<hbm>> -> memref<12x8x128xf32, #tpu.memory_space<hbm>>
    tpu.enqueue_dma source(%arg7 : memref<12x8x128xf32, #tpu.memory_space<vmem>>) target(%dma_start3A_59 : memref<12x8x128xf32, #tpu.memory_space<hbm>>) target_semaphore(%arg11 : memref<!tpu.dma_semaphore, #tpu.memory_space<semaphore_mem>>)
    %dma_wait3A_60 = arith.constant 0 : i32
    %dma_wait3A_61 = arith.constant 0 : i32
    %dma_wait3A_62 = tpu.memref_slice %arg4[%add3A_53, %dma_wait3A_60, %dma_wait3A_61] : memref<25728x8x128xf32, #tpu.memory_space<hbm>> -> memref<12x8x128xf32, #tpu.memory_space<hbm>>
    %dma_wait3A_63 = arith.constant 0 : i32
    %dma_wait3A_64 = arith.constant 0 : i32
    %dma_wait3A_65 = tpu.memref_slice %arg4[%add3A_53, %dma_wait3A_63, %dma_wait3A_64] : memref<25728x8x128xf32, #tpu.memory_space<hbm>> -> memref<12x8x128xf32, #tpu.memory_space<hbm>>
    tpu.wait_dma2 semaphore(%arg11 : memref<!tpu.dma_semaphore, #tpu.memory_space<semaphore_mem>>) src(%arg7 : memref<12x8x128xf32, #tpu.memory_space<vmem>>) dst(%dma_wait3A_65 : memref<12x8x128xf32, #tpu.memory_space<hbm>>)
    %dma_start3A_66 = arith.constant 66 : i32
    %dma_start3A_67 = arith.constant 0 : i32
    %dma_start3A_68 = tpu.memref_slice %arg5[%dma_start3A_66, %dma_start3A_67] : memref<67x12xi32, #tpu.memory_space<vmem>> -> memref<1x12xi32, #tpu.memory_space<vmem>>
    %dma_start3A_69 = tpu.memref_squeeze %dma_start3A_68 : memref<1x12xi32, #tpu.memory_space<vmem>> -> memref<12xi32, #tpu.memory_space<vmem>>
    %dma_start3A_70 = arith.constant 0 : i32
    %dma_start3A_71 = arith.constant 0 : i32
    %dma_start3A_72 = arith.constant 0 : i32
    %dma_start3A_73 = tpu.memref_slice %arg3[%dma_start3A_70, %dma_start3A_71, %dma_start3A_72] : memref<100000x8x128xf32, #tpu.memory_space<hbm>> -> memref<100000x8x128xf32, #tpu.memory_space<hbm>>
    tpu.enqueue_indirect_dma source(%dma_start3A_73 : memref<100000x8x128xf32, #tpu.memory_space<hbm>>) target(%arg6 : memref<12x8x128xf32, #tpu.memory_space<vmem>>) offsets(%dma_start3A_69 : memref<12xi32, #tpu.memory_space<vmem>>) semaphore(%arg8 : memref<!tpu.dma_semaphore, #tpu.memory_space<semaphore_mem>>)
    %dma_wait3A_74 = arith.constant 66 : i32
    %dma_wait3A_75 = arith.constant 0 : i32
    %dma_wait3A_76 = tpu.memref_slice %arg5[%dma_wait3A_74, %dma_wait3A_75] : memref<67x12xi32, #tpu.memory_space<vmem>> -> memref<1x12xi32, #tpu.memory_space<vmem>>
    %dma_wait3A_77 = tpu.memref_squeeze %dma_wait3A_76 : memref<1x12xi32, #tpu.memory_space<vmem>> -> memref<12xi32, #tpu.memory_space<vmem>>
    %dma_wait3A_78 = arith.constant 0 : i32
    %dma_wait3A_79 = arith.constant 0 : i32
    %dma_wait3A_80 = arith.constant 0 : i32
    %dma_wait3A_81 = tpu.memref_slice %arg3[%dma_wait3A_78, %dma_wait3A_79, %dma_wait3A_80] : memref<100000x8x128xf32, #tpu.memory_space<hbm>> -> memref<100000x8x128xf32, #tpu.memory_space<hbm>>
    tpu.wait_indirect_dma semaphore(%arg8 : memref<!tpu.dma_semaphore, #tpu.memory_space<semaphore_mem>>) src(%dma_wait3A_81 : memref<100000x8x128xf32, #tpu.memory_space<hbm>>) dst(%arg6 : memref<12x8x128xf32, #tpu.memory_space<vmem>>)
    %add3A_82 = arith.constant 792 : i32
    %add3A_83 = arith.addi %mul3A_2, %add3A_82 : i32
    %dma_start3A_84 = arith.constant 0 : i32
    %dma_start3A_85 = arith.constant 0 : i32
    %dma_start3A_86 = tpu.memref_slice %arg4[%add3A_83, %dma_start3A_84, %dma_start3A_85] : memref<25728x8x128xf32, #tpu.memory_space<hbm>> -> memref<12x8x128xf32, #tpu.memory_space<hbm>>
    %dma_start3A_87 = arith.constant 0 : i32
    %dma_start3A_88 = arith.constant 0 : i32
    %dma_start3A_89 = tpu.memref_slice %arg4[%add3A_83, %dma_start3A_87, %dma_start3A_88] : memref<25728x8x128xf32, #tpu.memory_space<hbm>> -> memref<12x8x128xf32, #tpu.memory_space<hbm>>
    tpu.enqueue_dma source(%arg6 : memref<12x8x128xf32, #tpu.memory_space<vmem>>) target(%dma_start3A_89 : memref<12x8x128xf32, #tpu.memory_space<hbm>>) target_semaphore(%arg10 : memref<!tpu.dma_semaphore, #tpu.memory_space<semaphore_mem>>)
    %dma_wait3A_90 = arith.constant 0 : i32
    %dma_wait3A_91 = arith.constant 0 : i32
    %dma_wait3A_92 = tpu.memref_slice %arg4[%add3A_83, %dma_wait3A_90, %dma_wait3A_91] : memref<25728x8x128xf32, #tpu.memory_space<hbm>> -> memref<12x8x128xf32, #tpu.memory_space<hbm>>
    %dma_wait3A_93 = arith.constant 0 : i32
    %dma_wait3A_94 = arith.constant 0 : i32
    %dma_wait3A_95 = tpu.memref_slice %arg4[%add3A_83, %dma_wait3A_93, %dma_wait3A_94] : memref<25728x8x128xf32, #tpu.memory_space<hbm>> -> memref<12x8x128xf32, #tpu.memory_space<hbm>>
    tpu.wait_dma2 semaphore(%arg10 : memref<!tpu.dma_semaphore, #tpu.memory_space<semaphore_mem>>) src(%arg6 : memref<12x8x128xf32, #tpu.memory_space<vmem>>) dst(%dma_wait3A_95 : memref<12x8x128xf32, #tpu.memory_space<hbm>>)
    return
  }
}

#map = affine_map<(d0, d1) -> (0, 0, 0)>
module attributes {stable_mosaic.version = 14 : i64} {
  func.func @_sc_gather_body(%arg0: i32, %arg1: i32, %arg2: memref<32x67x12xi32, #tpu.memory_space<hbm>>, %arg3: memref<100000x8x128xf32, #tpu.memory_space<hbm>>, %arg4: memref<25728x8x128xf32, #tpu.memory_space<hbm>>, %arg5: memref<67x12xi32, #tpu.memory_space<vmem>>, %arg6: memref<12x8x128xf32, #tpu.memory_space<vmem>>, %arg7: memref<12x8x128xf32, #tpu.memory_space<vmem>>, %arg8: memref<!tpu.dma_semaphore, #tpu.memory_space<semaphore_mem>>, %arg9: memref<!tpu.dma_semaphore, #tpu.memory_space<semaphore_mem>>, %arg10: memref<!tpu.dma_semaphore, #tpu.memory_space<semaphore_mem>>, %arg11: memref<!tpu.dma_semaphore, #tpu.memory_space<semaphore_mem>>) attributes {dimension_semantics = [#tpu.dimension_semantics<core_parallel>, #tpu.dimension_semantics<subcore_parallel>], iteration_bounds = array<i64: 2, 16>, scalar_prefetch = 0 : i64, scratch_operands = 7 : i64, tpu.core_type = #tpu.core_type<sc_vector_subcore>, window_params = [{transform_indices = #map}, {transform_indices = #map}, {transform_indices = #map}]} {
    %mul3A = arith.constant 2 : i32
    %mul3A_0 = arith.muli %arg1, %mul3A : i32
    %add3A = arith.addi %mul3A_0, %arg0 : i32
    %mul3A_1 = arith.constant 804 : i32
    %mul3A_2 = arith.muli %add3A, %mul3A_1 : i32
    "tpu.region"() ({
      %run_scoped3A = tpu.sem_alloc : memref<!tpu.dma_semaphore, #tpu.memory_space<semaphore_mem>>
      %dma_start3A_96 = arith.constant 0 : i32
      %dma_start3A_97 = arith.constant 0 : i32
      %dma_start3A_98 = tpu.memref_slice %arg2[%add3A, %dma_start3A_96, %dma_start3A_97] : memref<32x67x12xi32, #tpu.memory_space<hbm>> -> memref<1x67x12xi32, #tpu.memory_space<hbm>>
      %dma_start3A_99 = tpu.memref_squeeze %dma_start3A_98 : memref<1x67x12xi32, #tpu.memory_space<hbm>> -> memref<67x12xi32, #tpu.memory_space<hbm>>
      %dma_start3A_100 = arith.constant 0 : i32
      %dma_start3A_101 = arith.constant 0 : i32
      %dma_start3A_102 = tpu.memref_slice %arg2[%add3A, %dma_start3A_100, %dma_start3A_101] : memref<32x67x12xi32, #tpu.memory_space<hbm>> -> memref<1x67x12xi32, #tpu.memory_space<hbm>>
      %dma_start3A_103 = tpu.memref_squeeze %dma_start3A_102 : memref<1x67x12xi32, #tpu.memory_space<hbm>> -> memref<67x12xi32, #tpu.memory_space<hbm>>
      tpu.enqueue_dma source(%dma_start3A_103 : memref<67x12xi32, #tpu.memory_space<hbm>>) target(%arg5 : memref<67x12xi32, #tpu.memory_space<vmem>>) target_semaphore(%run_scoped3A : memref<!tpu.dma_semaphore, #tpu.memory_space<semaphore_mem>>)
      %dma_wait3A_104 = arith.constant 0 : i32
      %dma_wait3A_105 = arith.constant 0 : i32
      %dma_wait3A_106 = tpu.memref_slice %arg2[%add3A, %dma_wait3A_104, %dma_wait3A_105] : memref<32x67x12xi32, #tpu.memory_space<hbm>> -> memref<1x67x12xi32, #tpu.memory_space<hbm>>
      %dma_wait3A_107 = tpu.memref_squeeze %dma_wait3A_106 : memref<1x67x12xi32, #tpu.memory_space<hbm>> -> memref<67x12xi32, #tpu.memory_space<hbm>>
      %dma_wait3A_108 = arith.constant 0 : i32
      %dma_wait3A_109 = arith.constant 0 : i32
      %dma_wait3A_110 = tpu.memref_slice %arg2[%add3A, %dma_wait3A_108, %dma_wait3A_109] : memref<32x67x12xi32, #tpu.memory_space<hbm>> -> memref<1x67x12xi32, #tpu.memory_space<hbm>>
      %dma_wait3A_111 = tpu.memref_squeeze %dma_wait3A_110 : memref<1x67x12xi32, #tpu.memory_space<hbm>> -> memref<67x12xi32, #tpu.memory_space<hbm>>
      tpu.wait_dma2 semaphore(%run_scoped3A : memref<!tpu.dma_semaphore, #tpu.memory_space<semaphore_mem>>) src(%dma_wait3A_111 : memref<67x12xi32, #tpu.memory_space<hbm>>) dst(%arg5 : memref<67x12xi32, #tpu.memory_space<vmem>>)
      tpu.yield
    }) : () -> ()
    %dma_start3A = arith.constant 0 : i32
    %dma_start3A_3 = arith.constant 0 : i32
    %dma_start3A_4 = tpu.memref_slice %arg5[%dma_start3A, %dma_start3A_3] : memref<67x12xi32, #tpu.memory_space<vmem>> -> memref<1x12xi32, #tpu.memory_space<vmem>>
    %dma_start3A_5 = tpu.memref_squeeze %dma_start3A_4 : memref<1x12xi32, #tpu.memory_space<vmem>> -> memref<12xi32, #tpu.memory_space<vmem>>
    %dma_start3A_6 = arith.constant 0 : i32
    %dma_start3A_7 = arith.constant 0 : i32
    %dma_start3A_8 = arith.constant 0 : i32
    %dma_start3A_9 = tpu.memref_slice %arg3[%dma_start3A_6, %dma_start3A_7, %dma_start3A_8] : memref<100000x8x128xf32, #tpu.memory_space<hbm>> -> memref<100000x8x128xf32, #tpu.memory_space<hbm>>
    tpu.enqueue_indirect_dma source(%dma_start3A_9 : memref<100000x8x128xf32, #tpu.memory_space<hbm>>) target(%arg6 : memref<12x8x128xf32, #tpu.memory_space<vmem>>) offsets(%dma_start3A_5 : memref<12xi32, #tpu.memory_space<vmem>>) semaphore(%arg8 : memref<!tpu.dma_semaphore, #tpu.memory_space<semaphore_mem>>)
    %dma_start3A_10 = arith.constant 1 : i32
    %dma_start3A_11 = arith.constant 0 : i32
    %dma_start3A_12 = tpu.memref_slice %arg5[%dma_start3A_10, %dma_start3A_11] : memref<67x12xi32, #tpu.memory_space<vmem>> -> memref<1x12xi32, #tpu.memory_space<vmem>>
    %dma_start3A_13 = tpu.memref_squeeze %dma_start3A_12 : memref<1x12xi32, #tpu.memory_space<vmem>> -> memref<12xi32, #tpu.memory_space<vmem>>
    %dma_start3A_14 = arith.constant 0 : i32
    %dma_start3A_15 = arith.constant 0 : i32
    %dma_start3A_16 = arith.constant 0 : i32
    %dma_start3A_17 = tpu.memref_slice %arg3[%dma_start3A_14, %dma_start3A_15, %dma_start3A_16] : memref<100000x8x128xf32, #tpu.memory_space<hbm>> -> memref<100000x8x128xf32, #tpu.memory_space<hbm>>
    tpu.enqueue_indirect_dma source(%dma_start3A_17 : memref<100000x8x128xf32, #tpu.memory_space<hbm>>) target(%arg7 : memref<12x8x128xf32, #tpu.memory_space<vmem>>) offsets(%dma_start3A_13 : memref<12xi32, #tpu.memory_space<vmem>>) semaphore(%arg9 : memref<!tpu.dma_semaphore, #tpu.memory_space<semaphore_mem>>)
    %scan3A = arith.constant 0 : i32
    %scan3A_18 = arith.constant 0 : i32
    %scan3A_19 = arith.constant 32 : i32
    %scan3A_20 = arith.addi %scan3A_18, %scan3A_19 : i32
    %scan3A_21 = arith.constant 1 : i32
    scf.for %scan3A_96 = %scan3A_18 to %scan3A_20 step %scan3A_21  : i32 {
      %mul3A_97 = arith.constant 2 : i32
      %mul3A_98 = arith.muli %mul3A_97, %scan3A_96 : i32
      %add3A_99 = arith.constant 0 : i32
      %add3A_100 = arith.addi %mul3A_98, %add3A_99 : i32
      %dma_wait3A_101 = arith.constant 0 : i32
      %dma_wait3A_102 = tpu.memref_slice %arg5[%add3A_100, %dma_wait3A_101] : memref<67x12xi32, #tpu.memory_space<vmem>> -> memref<1x12xi32, #tpu.memory_space<vmem>>
      %dma_wait3A_103 = tpu.memref_squeeze %dma_wait3A_102 : memref<1x12xi32, #tpu.memory_space<vmem>> -> memref<12xi32, #tpu.memory_space<vmem>>
      %dma_wait3A_104 = arith.constant 0 : i32
      %dma_wait3A_105 = arith.constant 0 : i32
      %dma_wait3A_106 = arith.constant 0 : i32
      %dma_wait3A_107 = tpu.memref_slice %arg3[%dma_wait3A_104, %dma_wait3A_105, %dma_wait3A_106] : memref<100000x8x128xf32, #tpu.memory_space<hbm>> -> memref<100000x8x128xf32, #tpu.memory_space<hbm>>
      tpu.wait_indirect_dma semaphore(%arg8 : memref<!tpu.dma_semaphore, #tpu.memory_space<semaphore_mem>>) src(%dma_wait3A_107 : memref<100000x8x128xf32, #tpu.memory_space<hbm>>) dst(%arg6 : memref<12x8x128xf32, #tpu.memory_space<vmem>>)
      %mul3A_108 = arith.constant 12 : i32
      %mul3A_109 = arith.muli %add3A_100, %mul3A_108 : i32
      %add3A_110 = arith.addi %mul3A_2, %mul3A_109 : i32
      %dma_start3A_111 = arith.constant 0 : i32
      %dma_start3A_112 = arith.constant 0 : i32
      %dma_start3A_113 = tpu.memref_slice %arg4[%add3A_110, %dma_start3A_111, %dma_start3A_112] : memref<25728x8x128xf32, #tpu.memory_space<hbm>> -> memref<12x8x128xf32, #tpu.memory_space<hbm>>
      %dma_start3A_114 = arith.constant 0 : i32
      %dma_start3A_115 = arith.constant 0 : i32
      %dma_start3A_116 = tpu.memref_slice %arg4[%add3A_110, %dma_start3A_114, %dma_start3A_115] : memref<25728x8x128xf32, #tpu.memory_space<hbm>> -> memref<12x8x128xf32, #tpu.memory_space<hbm>>
      tpu.enqueue_dma source(%arg6 : memref<12x8x128xf32, #tpu.memory_space<vmem>>) target(%dma_start3A_116 : memref<12x8x128xf32, #tpu.memory_space<hbm>>) target_semaphore(%arg10 : memref<!tpu.dma_semaphore, #tpu.memory_space<semaphore_mem>>)
      %dma_wait3A_117 = arith.constant 0 : i32
      %dma_wait3A_118 = arith.constant 0 : i32
      %dma_wait3A_119 = tpu.memref_slice %arg4[%add3A_110, %dma_wait3A_117, %dma_wait3A_118] : memref<25728x8x128xf32, #tpu.memory_space<hbm>> -> memref<12x8x128xf32, #tpu.memory_space<hbm>>
      %dma_wait3A_120 = arith.constant 0 : i32
      %dma_wait3A_121 = arith.constant 0 : i32
      %dma_wait3A_122 = tpu.memref_slice %arg4[%add3A_110, %dma_wait3A_120, %dma_wait3A_121] : memref<25728x8x128xf32, #tpu.memory_space<hbm>> -> memref<12x8x128xf32, #tpu.memory_space<hbm>>
      tpu.wait_dma2 semaphore(%arg10 : memref<!tpu.dma_semaphore, #tpu.memory_space<semaphore_mem>>) src(%arg6 : memref<12x8x128xf32, #tpu.memory_space<vmem>>) dst(%dma_wait3A_122 : memref<12x8x128xf32, #tpu.memory_space<hbm>>)
      %add3A_123 = arith.constant 2 : i32
      %add3A_124 = arith.addi %add3A_100, %add3A_123 : i32
      %dma_start3A_125 = arith.constant 0 : i32
      %dma_start3A_126 = tpu.memref_slice %arg5[%add3A_124, %dma_start3A_125] : memref<67x12xi32, #tpu.memory_space<vmem>> -> memref<1x12xi32, #tpu.memory_space<vmem>>
      %dma_start3A_127 = tpu.memref_squeeze %dma_start3A_126 : memref<1x12xi32, #tpu.memory_space<vmem>> -> memref<12xi32, #tpu.memory_space<vmem>>
      %dma_start3A_128 = arith.constant 0 : i32
      %dma_start3A_129 = arith.constant 0 : i32
      %dma_start3A_130 = arith.constant 0 : i32
      %dma_start3A_131 = tpu.memref_slice %arg3[%dma_start3A_128, %dma_start3A_129, %dma_start3A_130] : memref<100000x8x128xf32, #tpu.memory_space<hbm>> -> memref<100000x8x128xf32, #tpu.memory_space<hbm>>
      tpu.enqueue_indirect_dma source(%dma_start3A_131 : memref<100000x8x128xf32, #tpu.memory_space<hbm>>) target(%arg6 : memref<12x8x128xf32, #tpu.memory_space<vmem>>) offsets(%dma_start3A_127 : memref<12xi32, #tpu.memory_space<vmem>>) semaphore(%arg8 : memref<!tpu.dma_semaphore, #tpu.memory_space<semaphore_mem>>)
      %mul3A_132 = arith.constant 2 : i32
      %mul3A_133 = arith.muli %mul3A_132, %scan3A_96 : i32
      %add3A_134 = arith.constant 1 : i32
      %add3A_135 = arith.addi %mul3A_133, %add3A_134 : i32
      %dma_wait3A_136 = arith.constant 0 : i32
      %dma_wait3A_137 = tpu.memref_slice %arg5[%add3A_135, %dma_wait3A_136] : memref<67x12xi32, #tpu.memory_space<vmem>> -> memref<1x12xi32, #tpu.memory_space<vmem>>
      %dma_wait3A_138 = tpu.memref_squeeze %dma_wait3A_137 : memref<1x12xi32, #tpu.memory_space<vmem>> -> memref<12xi32, #tpu.memory_space<vmem>>
      %dma_wait3A_139 = arith.constant 0 : i32
      %dma_wait3A_140 = arith.constant 0 : i32
      %dma_wait3A_141 = arith.constant 0 : i32
      %dma_wait3A_142 = tpu.memref_slice %arg3[%dma_wait3A_139, %dma_wait3A_140, %dma_wait3A_141] : memref<100000x8x128xf32, #tpu.memory_space<hbm>> -> memref<100000x8x128xf32, #tpu.memory_space<hbm>>
      tpu.wait_indirect_dma semaphore(%arg9 : memref<!tpu.dma_semaphore, #tpu.memory_space<semaphore_mem>>) src(%dma_wait3A_142 : memref<100000x8x128xf32, #tpu.memory_space<hbm>>) dst(%arg7 : memref<12x8x128xf32, #tpu.memory_space<vmem>>)
      %mul3A_143 = arith.constant 12 : i32
      %mul3A_144 = arith.muli %add3A_135, %mul3A_143 : i32
      %add3A_145 = arith.addi %mul3A_2, %mul3A_144 : i32
      %dma_start3A_146 = arith.constant 0 : i32
      %dma_start3A_147 = arith.constant 0 : i32
      %dma_start3A_148 = tpu.memref_slice %arg4[%add3A_145, %dma_start3A_146, %dma_start3A_147] : memref<25728x8x128xf32, #tpu.memory_space<hbm>> -> memref<12x8x128xf32, #tpu.memory_space<hbm>>
      %dma_start3A_149 = arith.constant 0 : i32
      %dma_start3A_150 = arith.constant 0 : i32
      %dma_start3A_151 = tpu.memref_slice %arg4[%add3A_145, %dma_start3A_149, %dma_start3A_150] : memref<25728x8x128xf32, #tpu.memory_space<hbm>> -> memref<12x8x128xf32, #tpu.memory_space<hbm>>
      tpu.enqueue_dma source(%arg7 : memref<12x8x128xf32, #tpu.memory_space<vmem>>) target(%dma_start3A_151 : memref<12x8x128xf32, #tpu.memory_space<hbm>>) target_semaphore(%arg11 : memref<!tpu.dma_semaphore, #tpu.memory_space<semaphore_mem>>)
      %dma_wait3A_152 = arith.constant 0 : i32
      %dma_wait3A_153 = arith.constant 0 : i32
      %dma_wait3A_154 = tpu.memref_slice %arg4[%add3A_145, %dma_wait3A_152, %dma_wait3A_153] : memref<25728x8x128xf32, #tpu.memory_space<hbm>> -> memref<12x8x128xf32, #tpu.memory_space<hbm>>
      %dma_wait3A_155 = arith.constant 0 : i32
      %dma_wait3A_156 = arith.constant 0 : i32
      %dma_wait3A_157 = tpu.memref_slice %arg4[%add3A_145, %dma_wait3A_155, %dma_wait3A_156] : memref<25728x8x128xf32, #tpu.memory_space<hbm>> -> memref<12x8x128xf32, #tpu.memory_space<hbm>>
      tpu.wait_dma2 semaphore(%arg11 : memref<!tpu.dma_semaphore, #tpu.memory_space<semaphore_mem>>) src(%arg7 : memref<12x8x128xf32, #tpu.memory_space<vmem>>) dst(%dma_wait3A_157 : memref<12x8x128xf32, #tpu.memory_space<hbm>>)
      %add3A_158 = arith.constant 2 : i32
      %add3A_159 = arith.addi %add3A_135, %add3A_158 : i32
      %dma_start3A_160 = arith.constant 0 : i32
      %dma_start3A_161 = tpu.memref_slice %arg5[%add3A_159, %dma_start3A_160] : memref<67x12xi32, #tpu.memory_space<vmem>> -> memref<1x12xi32, #tpu.memory_space<vmem>>
      %dma_start3A_162 = tpu.memref_squeeze %dma_start3A_161 : memref<1x12xi32, #tpu.memory_space<vmem>> -> memref<12xi32, #tpu.memory_space<vmem>>
      %dma_start3A_163 = arith.constant 0 : i32
      %dma_start3A_164 = arith.constant 0 : i32
      %dma_start3A_165 = arith.constant 0 : i32
      %dma_start3A_166 = tpu.memref_slice %arg3[%dma_start3A_163, %dma_start3A_164, %dma_start3A_165] : memref<100000x8x128xf32, #tpu.memory_space<hbm>> -> memref<100000x8x128xf32, #tpu.memory_space<hbm>>
      tpu.enqueue_indirect_dma source(%dma_start3A_166 : memref<100000x8x128xf32, #tpu.memory_space<hbm>>) target(%arg7 : memref<12x8x128xf32, #tpu.memory_space<vmem>>) offsets(%dma_start3A_162 : memref<12xi32, #tpu.memory_space<vmem>>) semaphore(%arg9 : memref<!tpu.dma_semaphore, #tpu.memory_space<semaphore_mem>>)
    }
    %scan3A_22 = arith.constant 32 : i32
    %dma_wait3A = arith.constant 64 : i32
    %dma_wait3A_23 = arith.constant 0 : i32
    %dma_wait3A_24 = tpu.memref_slice %arg5[%dma_wait3A, %dma_wait3A_23] : memref<67x12xi32, #tpu.memory_space<vmem>> -> memref<1x12xi32, #tpu.memory_space<vmem>>
    %dma_wait3A_25 = tpu.memref_squeeze %dma_wait3A_24 : memref<1x12xi32, #tpu.memory_space<vmem>> -> memref<12xi32, #tpu.memory_space<vmem>>
    %dma_wait3A_26 = arith.constant 0 : i32
    %dma_wait3A_27 = arith.constant 0 : i32
    %dma_wait3A_28 = arith.constant 0 : i32
    %dma_wait3A_29 = tpu.memref_slice %arg3[%dma_wait3A_26, %dma_wait3A_27, %dma_wait3A_28] : memref<100000x8x128xf32, #tpu.memory_space<hbm>> -> memref<100000x8x128xf32, #tpu.memory_space<hbm>>
    tpu.wait_indirect_dma semaphore(%arg8 : memref<!tpu.dma_semaphore, #tpu.memory_space<semaphore_mem>>) src(%dma_wait3A_29 : memref<100000x8x128xf32, #tpu.memory_space<hbm>>) dst(%arg6 : memref<12x8x128xf32, #tpu.memory_space<vmem>>)
    %add3A_30 = arith.constant 768 : i32
    %add3A_31 = arith.addi %mul3A_2, %add3A_30 : i32
    %dma_start3A_32 = arith.constant 0 : i32
    %dma_start3A_33 = arith.constant 0 : i32
    %dma_start3A_34 = tpu.memref_slice %arg4[%add3A_31, %dma_start3A_32, %dma_start3A_33] : memref<25728x8x128xf32, #tpu.memory_space<hbm>> -> memref<12x8x128xf32, #tpu.memory_space<hbm>>
    %dma_start3A_35 = arith.constant 0 : i32
    %dma_start3A_36 = arith.constant 0 : i32
    %dma_start3A_37 = tpu.memref_slice %arg4[%add3A_31, %dma_start3A_35, %dma_start3A_36] : memref<25728x8x128xf32, #tpu.memory_space<hbm>> -> memref<12x8x128xf32, #tpu.memory_space<hbm>>
    tpu.enqueue_dma source(%arg6 : memref<12x8x128xf32, #tpu.memory_space<vmem>>) target(%dma_start3A_37 : memref<12x8x128xf32, #tpu.memory_space<hbm>>) target_semaphore(%arg10 : memref<!tpu.dma_semaphore, #tpu.memory_space<semaphore_mem>>)
    %dma_wait3A_38 = arith.constant 0 : i32
    %dma_wait3A_39 = arith.constant 0 : i32
    %dma_wait3A_40 = tpu.memref_slice %arg4[%add3A_31, %dma_wait3A_38, %dma_wait3A_39] : memref<25728x8x128xf32, #tpu.memory_space<hbm>> -> memref<12x8x128xf32, #tpu.memory_space<hbm>>
    %dma_wait3A_41 = arith.constant 0 : i32
    %dma_wait3A_42 = arith.constant 0 : i32
    %dma_wait3A_43 = tpu.memref_slice %arg4[%add3A_31, %dma_wait3A_41, %dma_wait3A_42] : memref<25728x8x128xf32, #tpu.memory_space<hbm>> -> memref<12x8x128xf32, #tpu.memory_space<hbm>>
    tpu.wait_dma2 semaphore(%arg10 : memref<!tpu.dma_semaphore, #tpu.memory_space<semaphore_mem>>) src(%arg6 : memref<12x8x128xf32, #tpu.memory_space<vmem>>) dst(%dma_wait3A_43 : memref<12x8x128xf32, #tpu.memory_space<hbm>>)
    %dma_wait3A_44 = arith.constant 65 : i32
    %dma_wait3A_45 = arith.constant 0 : i32
    %dma_wait3A_46 = tpu.memref_slice %arg5[%dma_wait3A_44, %dma_wait3A_45] : memref<67x12xi32, #tpu.memory_space<vmem>> -> memref<1x12xi32, #tpu.memory_space<vmem>>
    %dma_wait3A_47 = tpu.memref_squeeze %dma_wait3A_46 : memref<1x12xi32, #tpu.memory_space<vmem>> -> memref<12xi32, #tpu.memory_space<vmem>>
    %dma_wait3A_48 = arith.constant 0 : i32
    %dma_wait3A_49 = arith.constant 0 : i32
    %dma_wait3A_50 = arith.constant 0 : i32
    %dma_wait3A_51 = tpu.memref_slice %arg3[%dma_wait3A_48, %dma_wait3A_49, %dma_wait3A_50] : memref<100000x8x128xf32, #tpu.memory_space<hbm>> -> memref<100000x8x128xf32, #tpu.memory_space<hbm>>
    tpu.wait_indirect_dma semaphore(%arg9 : memref<!tpu.dma_semaphore, #tpu.memory_space<semaphore_mem>>) src(%dma_wait3A_51 : memref<100000x8x128xf32, #tpu.memory_space<hbm>>) dst(%arg7 : memref<12x8x128xf32, #tpu.memory_space<vmem>>)
    %add3A_52 = arith.constant 780 : i32
    %add3A_53 = arith.addi %mul3A_2, %add3A_52 : i32
    %dma_start3A_54 = arith.constant 0 : i32
    %dma_start3A_55 = arith.constant 0 : i32
    %dma_start3A_56 = tpu.memref_slice %arg4[%add3A_53, %dma_start3A_54, %dma_start3A_55] : memref<25728x8x128xf32, #tpu.memory_space<hbm>> -> memref<12x8x128xf32, #tpu.memory_space<hbm>>
    %dma_start3A_57 = arith.constant 0 : i32
    %dma_start3A_58 = arith.constant 0 : i32
    %dma_start3A_59 = tpu.memref_slice %arg4[%add3A_53, %dma_start3A_57, %dma_start3A_58] : memref<25728x8x128xf32, #tpu.memory_space<hbm>> -> memref<12x8x128xf32, #tpu.memory_space<hbm>>
    tpu.enqueue_dma source(%arg7 : memref<12x8x128xf32, #tpu.memory_space<vmem>>) target(%dma_start3A_59 : memref<12x8x128xf32, #tpu.memory_space<hbm>>) target_semaphore(%arg11 : memref<!tpu.dma_semaphore, #tpu.memory_space<semaphore_mem>>)
    %dma_wait3A_60 = arith.constant 0 : i32
    %dma_wait3A_61 = arith.constant 0 : i32
    %dma_wait3A_62 = tpu.memref_slice %arg4[%add3A_53, %dma_wait3A_60, %dma_wait3A_61] : memref<25728x8x128xf32, #tpu.memory_space<hbm>> -> memref<12x8x128xf32, #tpu.memory_space<hbm>>
    %dma_wait3A_63 = arith.constant 0 : i32
    %dma_wait3A_64 = arith.constant 0 : i32
    %dma_wait3A_65 = tpu.memref_slice %arg4[%add3A_53, %dma_wait3A_63, %dma_wait3A_64] : memref<25728x8x128xf32, #tpu.memory_space<hbm>> -> memref<12x8x128xf32, #tpu.memory_space<hbm>>
    tpu.wait_dma2 semaphore(%arg11 : memref<!tpu.dma_semaphore, #tpu.memory_space<semaphore_mem>>) src(%arg7 : memref<12x8x128xf32, #tpu.memory_space<vmem>>) dst(%dma_wait3A_65 : memref<12x8x128xf32, #tpu.memory_space<hbm>>)
    %dma_start3A_66 = arith.constant 66 : i32
    %dma_start3A_67 = arith.constant 0 : i32
    %dma_start3A_68 = tpu.memref_slice %arg5[%dma_start3A_66, %dma_start3A_67] : memref<67x12xi32, #tpu.memory_space<vmem>> -> memref<1x12xi32, #tpu.memory_space<vmem>>
    %dma_start3A_69 = tpu.memref_squeeze %dma_start3A_68 : memref<1x12xi32, #tpu.memory_space<vmem>> -> memref<12xi32, #tpu.memory_space<vmem>>
    %dma_start3A_70 = arith.constant 0 : i32
    %dma_start3A_71 = arith.constant 0 : i32
    %dma_start3A_72 = arith.constant 0 : i32
    %dma_start3A_73 = tpu.memref_slice %arg3[%dma_start3A_70, %dma_start3A_71, %dma_start3A_72] : memref<100000x8x128xf32, #tpu.memory_space<hbm>> -> memref<100000x8x128xf32, #tpu.memory_space<hbm>>
    tpu.enqueue_indirect_dma source(%dma_start3A_73 : memref<100000x8x128xf32, #tpu.memory_space<hbm>>) target(%arg6 : memref<12x8x128xf32, #tpu.memory_space<vmem>>) offsets(%dma_start3A_69 : memref<12xi32, #tpu.memory_space<vmem>>) semaphore(%arg8 : memref<!tpu.dma_semaphore, #tpu.memory_space<semaphore_mem>>)
    %dma_wait3A_74 = arith.constant 66 : i32
    %dma_wait3A_75 = arith.constant 0 : i32
    %dma_wait3A_76 = tpu.memref_slice %arg5[%dma_wait3A_74, %dma_wait3A_75] : memref<67x12xi32, #tpu.memory_space<vmem>> -> memref<1x12xi32, #tpu.memory_space<vmem>>
    %dma_wait3A_77 = tpu.memref_squeeze %dma_wait3A_76 : memref<1x12xi32, #tpu.memory_space<vmem>> -> memref<12xi32, #tpu.memory_space<vmem>>
    %dma_wait3A_78 = arith.constant 0 : i32
    %dma_wait3A_79 = arith.constant 0 : i32
    %dma_wait3A_80 = arith.constant 0 : i32
    %dma_wait3A_81 = tpu.memref_slice %arg3[%dma_wait3A_78, %dma_wait3A_79, %dma_wait3A_80] : memref<100000x8x128xf32, #tpu.memory_space<hbm>> -> memref<100000x8x128xf32, #tpu.memory_space<hbm>>
    tpu.wait_indirect_dma semaphore(%arg8 : memref<!tpu.dma_semaphore, #tpu.memory_space<semaphore_mem>>) src(%dma_wait3A_81 : memref<100000x8x128xf32, #tpu.memory_space<hbm>>) dst(%arg6 : memref<12x8x128xf32, #tpu.memory_space<vmem>>)
    %add3A_82 = arith.constant 792 : i32
    %add3A_83 = arith.addi %mul3A_2, %add3A_82 : i32
    %dma_start3A_84 = arith.constant 0 : i32
    %dma_start3A_85 = arith.constant 0 : i32
    %dma_start3A_86 = tpu.memref_slice %arg4[%add3A_83, %dma_start3A_84, %dma_start3A_85] : memref<25728x8x128xf32, #tpu.memory_space<hbm>> -> memref<12x8x128xf32, #tpu.memory_space<hbm>>
    %dma_start3A_87 = arith.constant 0 : i32
    %dma_start3A_88 = arith.constant 0 : i32
    %dma_start3A_89 = tpu.memref_slice %arg4[%add3A_83, %dma_start3A_87, %dma_start3A_88] : memref<25728x8x128xf32, #tpu.memory_space<hbm>> -> memref<12x8x128xf32, #tpu.memory_space<hbm>>
    tpu.enqueue_dma source(%arg6 : memref<12x8x128xf32, #tpu.memory_space<vmem>>) target(%dma_start3A_89 : memref<12x8x128xf32, #tpu.memory_space<hbm>>) target_semaphore(%arg10 : memref<!tpu.dma_semaphore, #tpu.memory_space<semaphore_mem>>)
    %dma_wait3A_90 = arith.constant 0 : i32
    %dma_wait3A_91 = arith.constant 0 : i32
    %dma_wait3A_92 = tpu.memref_slice %arg4[%add3A_83, %dma_wait3A_90, %dma_wait3A_91] : memref<25728x8x128xf32, #tpu.memory_space<hbm>> -> memref<12x8x128xf32, #tpu.memory_space<hbm>>
    %dma_wait3A_93 = arith.constant 0 : i32
    %dma_wait3A_94 = arith.constant 0 : i32
    %dma_wait3A_95 = tpu.memref_slice %arg4[%add3A_83, %dma_wait3A_93, %dma_wait3A_94] : memref<25728x8x128xf32, #tpu.memory_space<hbm>> -> memref<12x8x128xf32, #tpu.memory_space<hbm>>
    tpu.wait_dma2 semaphore(%arg10 : memref<!tpu.dma_semaphore, #tpu.memory_space<semaphore_mem>>) src(%arg6 : memref<12x8x128xf32, #tpu.memory_space<vmem>>) dst(%dma_wait3A_95 : memref<12x8x128xf32, #tpu.memory_space<hbm>>)
    return
  }
}

#map = affine_map<(d0, d1) -> (0, 0, 0)>
module attributes {stable_mosaic.version = 14 : i64} {
  func.func @_sc_gather_body(%arg0: i32, %arg1: i32, %arg2: memref<32x67x12xi32, #tpu.memory_space<hbm>>, %arg3: memref<100000x8x128xf32, #tpu.memory_space<hbm>>, %arg4: memref<25728x8x128xf32, #tpu.memory_space<hbm>>, %arg5: memref<67x12xi32, #tpu.memory_space<vmem>>, %arg6: memref<12x8x128xf32, #tpu.memory_space<vmem>>, %arg7: memref<12x8x128xf32, #tpu.memory_space<vmem>>, %arg8: memref<!tpu.dma_semaphore, #tpu.memory_space<semaphore_mem>>, %arg9: memref<!tpu.dma_semaphore, #tpu.memory_space<semaphore_mem>>, %arg10: memref<!tpu.dma_semaphore, #tpu.memory_space<semaphore_mem>>, %arg11: memref<!tpu.dma_semaphore, #tpu.memory_space<semaphore_mem>>) attributes {dimension_semantics = [#tpu.dimension_semantics<core_parallel>, #tpu.dimension_semantics<subcore_parallel>], iteration_bounds = array<i64: 2, 16>, scalar_prefetch = 0 : i64, scratch_operands = 7 : i64, tpu.core_type = #tpu.core_type<sc_vector_subcore>, window_params = [{transform_indices = #map}, {transform_indices = #map}, {transform_indices = #map}]} {
    %mul3A = arith.constant 2 : i32
    %mul3A_0 = arith.muli %arg1, %mul3A : i32
    %add3A = arith.addi %mul3A_0, %arg0 : i32
    %mul3A_1 = arith.constant 804 : i32
    %mul3A_2 = arith.muli %add3A, %mul3A_1 : i32
    "tpu.region"() ({
      %run_scoped3A = tpu.sem_alloc : memref<!tpu.dma_semaphore, #tpu.memory_space<semaphore_mem>>
      %dma_start3A_96 = arith.constant 0 : i32
      %dma_start3A_97 = arith.constant 0 : i32
      %dma_start3A_98 = tpu.memref_slice %arg2[%add3A, %dma_start3A_96, %dma_start3A_97] : memref<32x67x12xi32, #tpu.memory_space<hbm>> -> memref<1x67x12xi32, #tpu.memory_space<hbm>>
      %dma_start3A_99 = tpu.memref_squeeze %dma_start3A_98 : memref<1x67x12xi32, #tpu.memory_space<hbm>> -> memref<67x12xi32, #tpu.memory_space<hbm>>
      %dma_start3A_100 = arith.constant 0 : i32
      %dma_start3A_101 = arith.constant 0 : i32
      %dma_start3A_102 = tpu.memref_slice %arg2[%add3A, %dma_start3A_100, %dma_start3A_101] : memref<32x67x12xi32, #tpu.memory_space<hbm>> -> memref<1x67x12xi32, #tpu.memory_space<hbm>>
      %dma_start3A_103 = tpu.memref_squeeze %dma_start3A_102 : memref<1x67x12xi32, #tpu.memory_space<hbm>> -> memref<67x12xi32, #tpu.memory_space<hbm>>
      tpu.enqueue_dma source(%dma_start3A_103 : memref<67x12xi32, #tpu.memory_space<hbm>>) target(%arg5 : memref<67x12xi32, #tpu.memory_space<vmem>>) target_semaphore(%run_scoped3A : memref<!tpu.dma_semaphore, #tpu.memory_space<semaphore_mem>>)
      %dma_wait3A_104 = arith.constant 0 : i32
      %dma_wait3A_105 = arith.constant 0 : i32
      %dma_wait3A_106 = tpu.memref_slice %arg2[%add3A, %dma_wait3A_104, %dma_wait3A_105] : memref<32x67x12xi32, #tpu.memory_space<hbm>> -> memref<1x67x12xi32, #tpu.memory_space<hbm>>
      %dma_wait3A_107 = tpu.memref_squeeze %dma_wait3A_106 : memref<1x67x12xi32, #tpu.memory_space<hbm>> -> memref<67x12xi32, #tpu.memory_space<hbm>>
      %dma_wait3A_108 = arith.constant 0 : i32
      %dma_wait3A_109 = arith.constant 0 : i32
      %dma_wait3A_110 = tpu.memref_slice %arg2[%add3A, %dma_wait3A_108, %dma_wait3A_109] : memref<32x67x12xi32, #tpu.memory_space<hbm>> -> memref<1x67x12xi32, #tpu.memory_space<hbm>>
      %dma_wait3A_111 = tpu.memref_squeeze %dma_wait3A_110 : memref<1x67x12xi32, #tpu.memory_space<hbm>> -> memref<67x12xi32, #tpu.memory_space<hbm>>
      tpu.wait_dma2 semaphore(%run_scoped3A : memref<!tpu.dma_semaphore, #tpu.memory_space<semaphore_mem>>) src(%dma_wait3A_111 : memref<67x12xi32, #tpu.memory_space<hbm>>) dst(%arg5 : memref<67x12xi32, #tpu.memory_space<vmem>>)
      tpu.yield
    }) : () -> ()
    %dma_start3A = arith.constant 0 : i32
    %dma_start3A_3 = arith.constant 0 : i32
    %dma_start3A_4 = tpu.memref_slice %arg5[%dma_start3A, %dma_start3A_3] : memref<67x12xi32, #tpu.memory_space<vmem>> -> memref<1x12xi32, #tpu.memory_space<vmem>>
    %dma_start3A_5 = tpu.memref_squeeze %dma_start3A_4 : memref<1x12xi32, #tpu.memory_space<vmem>> -> memref<12xi32, #tpu.memory_space<vmem>>
    %dma_start3A_6 = arith.constant 0 : i32
    %dma_start3A_7 = arith.constant 0 : i32
    %dma_start3A_8 = arith.constant 0 : i32
    %dma_start3A_9 = tpu.memref_slice %arg3[%dma_start3A_6, %dma_start3A_7, %dma_start3A_8] : memref<100000x8x128xf32, #tpu.memory_space<hbm>> -> memref<100000x8x128xf32, #tpu.memory_space<hbm>>
    tpu.enqueue_indirect_dma source(%dma_start3A_9 : memref<100000x8x128xf32, #tpu.memory_space<hbm>>) target(%arg6 : memref<12x8x128xf32, #tpu.memory_space<vmem>>) offsets(%dma_start3A_5 : memref<12xi32, #tpu.memory_space<vmem>>) semaphore(%arg8 : memref<!tpu.dma_semaphore, #tpu.memory_space<semaphore_mem>>)
    %dma_start3A_10 = arith.constant 1 : i32
    %dma_start3A_11 = arith.constant 0 : i32
    %dma_start3A_12 = tpu.memref_slice %arg5[%dma_start3A_10, %dma_start3A_11] : memref<67x12xi32, #tpu.memory_space<vmem>> -> memref<1x12xi32, #tpu.memory_space<vmem>>
    %dma_start3A_13 = tpu.memref_squeeze %dma_start3A_12 : memref<1x12xi32, #tpu.memory_space<vmem>> -> memref<12xi32, #tpu.memory_space<vmem>>
    %dma_start3A_14 = arith.constant 0 : i32
    %dma_start3A_15 = arith.constant 0 : i32
    %dma_start3A_16 = arith.constant 0 : i32
    %dma_start3A_17 = tpu.memref_slice %arg3[%dma_start3A_14, %dma_start3A_15, %dma_start3A_16] : memref<100000x8x128xf32, #tpu.memory_space<hbm>> -> memref<100000x8x128xf32, #tpu.memory_space<hbm>>
    tpu.enqueue_indirect_dma source(%dma_start3A_17 : memref<100000x8x128xf32, #tpu.memory_space<hbm>>) target(%arg7 : memref<12x8x128xf32, #tpu.memory_space<vmem>>) offsets(%dma_start3A_13 : memref<12xi32, #tpu.memory_space<vmem>>) semaphore(%arg9 : memref<!tpu.dma_semaphore, #tpu.memory_space<semaphore_mem>>)
    %scan3A = arith.constant 0 : i32
    %scan3A_18 = arith.constant 0 : i32
    %scan3A_19 = arith.constant 32 : i32
    %scan3A_20 = arith.addi %scan3A_18, %scan3A_19 : i32
    %scan3A_21 = arith.constant 1 : i32
    scf.for %scan3A_96 = %scan3A_18 to %scan3A_20 step %scan3A_21  : i32 {
      %mul3A_97 = arith.constant 2 : i32
      %mul3A_98 = arith.muli %mul3A_97, %scan3A_96 : i32
      %add3A_99 = arith.constant 0 : i32
      %add3A_100 = arith.addi %mul3A_98, %add3A_99 : i32
      %dma_wait3A_101 = arith.constant 0 : i32
      %dma_wait3A_102 = tpu.memref_slice %arg5[%add3A_100, %dma_wait3A_101] : memref<67x12xi32, #tpu.memory_space<vmem>> -> memref<1x12xi32, #tpu.memory_space<vmem>>
      %dma_wait3A_103 = tpu.memref_squeeze %dma_wait3A_102 : memref<1x12xi32, #tpu.memory_space<vmem>> -> memref<12xi32, #tpu.memory_space<vmem>>
      %dma_wait3A_104 = arith.constant 0 : i32
      %dma_wait3A_105 = arith.constant 0 : i32
      %dma_wait3A_106 = arith.constant 0 : i32
      %dma_wait3A_107 = tpu.memref_slice %arg3[%dma_wait3A_104, %dma_wait3A_105, %dma_wait3A_106] : memref<100000x8x128xf32, #tpu.memory_space<hbm>> -> memref<100000x8x128xf32, #tpu.memory_space<hbm>>
      tpu.wait_indirect_dma semaphore(%arg8 : memref<!tpu.dma_semaphore, #tpu.memory_space<semaphore_mem>>) src(%dma_wait3A_107 : memref<100000x8x128xf32, #tpu.memory_space<hbm>>) dst(%arg6 : memref<12x8x128xf32, #tpu.memory_space<vmem>>)
      %mul3A_108 = arith.constant 12 : i32
      %mul3A_109 = arith.muli %add3A_100, %mul3A_108 : i32
      %add3A_110 = arith.addi %mul3A_2, %mul3A_109 : i32
      %dma_start3A_111 = arith.constant 0 : i32
      %dma_start3A_112 = arith.constant 0 : i32
      %dma_start3A_113 = tpu.memref_slice %arg4[%add3A_110, %dma_start3A_111, %dma_start3A_112] : memref<25728x8x128xf32, #tpu.memory_space<hbm>> -> memref<12x8x128xf32, #tpu.memory_space<hbm>>
      %dma_start3A_114 = arith.constant 0 : i32
      %dma_start3A_115 = arith.constant 0 : i32
      %dma_start3A_116 = tpu.memref_slice %arg4[%add3A_110, %dma_start3A_114, %dma_start3A_115] : memref<25728x8x128xf32, #tpu.memory_space<hbm>> -> memref<12x8x128xf32, #tpu.memory_space<hbm>>
      tpu.enqueue_dma source(%arg6 : memref<12x8x128xf32, #tpu.memory_space<vmem>>) target(%dma_start3A_116 : memref<12x8x128xf32, #tpu.memory_space<hbm>>) target_semaphore(%arg10 : memref<!tpu.dma_semaphore, #tpu.memory_space<semaphore_mem>>)
      %dma_wait3A_117 = arith.constant 0 : i32
      %dma_wait3A_118 = arith.constant 0 : i32
      %dma_wait3A_119 = tpu.memref_slice %arg4[%add3A_110, %dma_wait3A_117, %dma_wait3A_118] : memref<25728x8x128xf32, #tpu.memory_space<hbm>> -> memref<12x8x128xf32, #tpu.memory_space<hbm>>
      %dma_wait3A_120 = arith.constant 0 : i32
      %dma_wait3A_121 = arith.constant 0 : i32
      %dma_wait3A_122 = tpu.memref_slice %arg4[%add3A_110, %dma_wait3A_120, %dma_wait3A_121] : memref<25728x8x128xf32, #tpu.memory_space<hbm>> -> memref<12x8x128xf32, #tpu.memory_space<hbm>>
      tpu.wait_dma2 semaphore(%arg10 : memref<!tpu.dma_semaphore, #tpu.memory_space<semaphore_mem>>) src(%arg6 : memref<12x8x128xf32, #tpu.memory_space<vmem>>) dst(%dma_wait3A_122 : memref<12x8x128xf32, #tpu.memory_space<hbm>>)
      %add3A_123 = arith.constant 2 : i32
      %add3A_124 = arith.addi %add3A_100, %add3A_123 : i32
      %dma_start3A_125 = arith.constant 0 : i32
      %dma_start3A_126 = tpu.memref_slice %arg5[%add3A_124, %dma_start3A_125] : memref<67x12xi32, #tpu.memory_space<vmem>> -> memref<1x12xi32, #tpu.memory_space<vmem>>
      %dma_start3A_127 = tpu.memref_squeeze %dma_start3A_126 : memref<1x12xi32, #tpu.memory_space<vmem>> -> memref<12xi32, #tpu.memory_space<vmem>>
      %dma_start3A_128 = arith.constant 0 : i32
      %dma_start3A_129 = arith.constant 0 : i32
      %dma_start3A_130 = arith.constant 0 : i32
      %dma_start3A_131 = tpu.memref_slice %arg3[%dma_start3A_128, %dma_start3A_129, %dma_start3A_130] : memref<100000x8x128xf32, #tpu.memory_space<hbm>> -> memref<100000x8x128xf32, #tpu.memory_space<hbm>>
      tpu.enqueue_indirect_dma source(%dma_start3A_131 : memref<100000x8x128xf32, #tpu.memory_space<hbm>>) target(%arg6 : memref<12x8x128xf32, #tpu.memory_space<vmem>>) offsets(%dma_start3A_127 : memref<12xi32, #tpu.memory_space<vmem>>) semaphore(%arg8 : memref<!tpu.dma_semaphore, #tpu.memory_space<semaphore_mem>>)
      %mul3A_132 = arith.constant 2 : i32
      %mul3A_133 = arith.muli %mul3A_132, %scan3A_96 : i32
      %add3A_134 = arith.constant 1 : i32
      %add3A_135 = arith.addi %mul3A_133, %add3A_134 : i32
      %dma_wait3A_136 = arith.constant 0 : i32
      %dma_wait3A_137 = tpu.memref_slice %arg5[%add3A_135, %dma_wait3A_136] : memref<67x12xi32, #tpu.memory_space<vmem>> -> memref<1x12xi32, #tpu.memory_space<vmem>>
      %dma_wait3A_138 = tpu.memref_squeeze %dma_wait3A_137 : memref<1x12xi32, #tpu.memory_space<vmem>> -> memref<12xi32, #tpu.memory_space<vmem>>
      %dma_wait3A_139 = arith.constant 0 : i32
      %dma_wait3A_140 = arith.constant 0 : i32
      %dma_wait3A_141 = arith.constant 0 : i32
      %dma_wait3A_142 = tpu.memref_slice %arg3[%dma_wait3A_139, %dma_wait3A_140, %dma_wait3A_141] : memref<100000x8x128xf32, #tpu.memory_space<hbm>> -> memref<100000x8x128xf32, #tpu.memory_space<hbm>>
      tpu.wait_indirect_dma semaphore(%arg9 : memref<!tpu.dma_semaphore, #tpu.memory_space<semaphore_mem>>) src(%dma_wait3A_142 : memref<100000x8x128xf32, #tpu.memory_space<hbm>>) dst(%arg7 : memref<12x8x128xf32, #tpu.memory_space<vmem>>)
      %mul3A_143 = arith.constant 12 : i32
      %mul3A_144 = arith.muli %add3A_135, %mul3A_143 : i32
      %add3A_145 = arith.addi %mul3A_2, %mul3A_144 : i32
      %dma_start3A_146 = arith.constant 0 : i32
      %dma_start3A_147 = arith.constant 0 : i32
      %dma_start3A_148 = tpu.memref_slice %arg4[%add3A_145, %dma_start3A_146, %dma_start3A_147] : memref<25728x8x128xf32, #tpu.memory_space<hbm>> -> memref<12x8x128xf32, #tpu.memory_space<hbm>>
      %dma_start3A_149 = arith.constant 0 : i32
      %dma_start3A_150 = arith.constant 0 : i32
      %dma_start3A_151 = tpu.memref_slice %arg4[%add3A_145, %dma_start3A_149, %dma_start3A_150] : memref<25728x8x128xf32, #tpu.memory_space<hbm>> -> memref<12x8x128xf32, #tpu.memory_space<hbm>>
      tpu.enqueue_dma source(%arg7 : memref<12x8x128xf32, #tpu.memory_space<vmem>>) target(%dma_start3A_151 : memref<12x8x128xf32, #tpu.memory_space<hbm>>) target_semaphore(%arg11 : memref<!tpu.dma_semaphore, #tpu.memory_space<semaphore_mem>>)
      %dma_wait3A_152 = arith.constant 0 : i32
      %dma_wait3A_153 = arith.constant 0 : i32
      %dma_wait3A_154 = tpu.memref_slice %arg4[%add3A_145, %dma_wait3A_152, %dma_wait3A_153] : memref<25728x8x128xf32, #tpu.memory_space<hbm>> -> memref<12x8x128xf32, #tpu.memory_space<hbm>>
      %dma_wait3A_155 = arith.constant 0 : i32
      %dma_wait3A_156 = arith.constant 0 : i32
      %dma_wait3A_157 = tpu.memref_slice %arg4[%add3A_145, %dma_wait3A_155, %dma_wait3A_156] : memref<25728x8x128xf32, #tpu.memory_space<hbm>> -> memref<12x8x128xf32, #tpu.memory_space<hbm>>
      tpu.wait_dma2 semaphore(%arg11 : memref<!tpu.dma_semaphore, #tpu.memory_space<semaphore_mem>>) src(%arg7 : memref<12x8x128xf32, #tpu.memory_space<vmem>>) dst(%dma_wait3A_157 : memref<12x8x128xf32, #tpu.memory_space<hbm>>)
      %add3A_158 = arith.constant 2 : i32
      %add3A_159 = arith.addi %add3A_135, %add3A_158 : i32
      %dma_start3A_160 = arith.constant 0 : i32
      %dma_start3A_161 = tpu.memref_slice %arg5[%add3A_159, %dma_start3A_160] : memref<67x12xi32, #tpu.memory_space<vmem>> -> memref<1x12xi32, #tpu.memory_space<vmem>>
      %dma_start3A_162 = tpu.memref_squeeze %dma_start3A_161 : memref<1x12xi32, #tpu.memory_space<vmem>> -> memref<12xi32, #tpu.memory_space<vmem>>
      %dma_start3A_163 = arith.constant 0 : i32
      %dma_start3A_164 = arith.constant 0 : i32
      %dma_start3A_165 = arith.constant 0 : i32
      %dma_start3A_166 = tpu.memref_slice %arg3[%dma_start3A_163, %dma_start3A_164, %dma_start3A_165] : memref<100000x8x128xf32, #tpu.memory_space<hbm>> -> memref<100000x8x128xf32, #tpu.memory_space<hbm>>
      tpu.enqueue_indirect_dma source(%dma_start3A_166 : memref<100000x8x128xf32, #tpu.memory_space<hbm>>) target(%arg7 : memref<12x8x128xf32, #tpu.memory_space<vmem>>) offsets(%dma_start3A_162 : memref<12xi32, #tpu.memory_space<vmem>>) semaphore(%arg9 : memref<!tpu.dma_semaphore, #tpu.memory_space<semaphore_mem>>)
    }
    %scan3A_22 = arith.constant 32 : i32
    %dma_wait3A = arith.constant 64 : i32
    %dma_wait3A_23 = arith.constant 0 : i32
    %dma_wait3A_24 = tpu.memref_slice %arg5[%dma_wait3A, %dma_wait3A_23] : memref<67x12xi32, #tpu.memory_space<vmem>> -> memref<1x12xi32, #tpu.memory_space<vmem>>
    %dma_wait3A_25 = tpu.memref_squeeze %dma_wait3A_24 : memref<1x12xi32, #tpu.memory_space<vmem>> -> memref<12xi32, #tpu.memory_space<vmem>>
    %dma_wait3A_26 = arith.constant 0 : i32
    %dma_wait3A_27 = arith.constant 0 : i32
    %dma_wait3A_28 = arith.constant 0 : i32
    %dma_wait3A_29 = tpu.memref_slice %arg3[%dma_wait3A_26, %dma_wait3A_27, %dma_wait3A_28] : memref<100000x8x128xf32, #tpu.memory_space<hbm>> -> memref<100000x8x128xf32, #tpu.memory_space<hbm>>
    tpu.wait_indirect_dma semaphore(%arg8 : memref<!tpu.dma_semaphore, #tpu.memory_space<semaphore_mem>>) src(%dma_wait3A_29 : memref<100000x8x128xf32, #tpu.memory_space<hbm>>) dst(%arg6 : memref<12x8x128xf32, #tpu.memory_space<vmem>>)
    %add3A_30 = arith.constant 768 : i32
    %add3A_31 = arith.addi %mul3A_2, %add3A_30 : i32
    %dma_start3A_32 = arith.constant 0 : i32
    %dma_start3A_33 = arith.constant 0 : i32
    %dma_start3A_34 = tpu.memref_slice %arg4[%add3A_31, %dma_start3A_32, %dma_start3A_33] : memref<25728x8x128xf32, #tpu.memory_space<hbm>> -> memref<12x8x128xf32, #tpu.memory_space<hbm>>
    %dma_start3A_35 = arith.constant 0 : i32
    %dma_start3A_36 = arith.constant 0 : i32
    %dma_start3A_37 = tpu.memref_slice %arg4[%add3A_31, %dma_start3A_35, %dma_start3A_36] : memref<25728x8x128xf32, #tpu.memory_space<hbm>> -> memref<12x8x128xf32, #tpu.memory_space<hbm>>
    tpu.enqueue_dma source(%arg6 : memref<12x8x128xf32, #tpu.memory_space<vmem>>) target(%dma_start3A_37 : memref<12x8x128xf32, #tpu.memory_space<hbm>>) target_semaphore(%arg10 : memref<!tpu.dma_semaphore, #tpu.memory_space<semaphore_mem>>)
    %dma_wait3A_38 = arith.constant 0 : i32
    %dma_wait3A_39 = arith.constant 0 : i32
    %dma_wait3A_40 = tpu.memref_slice %arg4[%add3A_31, %dma_wait3A_38, %dma_wait3A_39] : memref<25728x8x128xf32, #tpu.memory_space<hbm>> -> memref<12x8x128xf32, #tpu.memory_space<hbm>>
    %dma_wait3A_41 = arith.constant 0 : i32
    %dma_wait3A_42 = arith.constant 0 : i32
    %dma_wait3A_43 = tpu.memref_slice %arg4[%add3A_31, %dma_wait3A_41, %dma_wait3A_42] : memref<25728x8x128xf32, #tpu.memory_space<hbm>> -> memref<12x8x128xf32, #tpu.memory_space<hbm>>
    tpu.wait_dma2 semaphore(%arg10 : memref<!tpu.dma_semaphore, #tpu.memory_space<semaphore_mem>>) src(%arg6 : memref<12x8x128xf32, #tpu.memory_space<vmem>>) dst(%dma_wait3A_43 : memref<12x8x128xf32, #tpu.memory_space<hbm>>)
    %dma_wait3A_44 = arith.constant 65 : i32
    %dma_wait3A_45 = arith.constant 0 : i32
    %dma_wait3A_46 = tpu.memref_slice %arg5[%dma_wait3A_44, %dma_wait3A_45] : memref<67x12xi32, #tpu.memory_space<vmem>> -> memref<1x12xi32, #tpu.memory_space<vmem>>
    %dma_wait3A_47 = tpu.memref_squeeze %dma_wait3A_46 : memref<1x12xi32, #tpu.memory_space<vmem>> -> memref<12xi32, #tpu.memory_space<vmem>>
    %dma_wait3A_48 = arith.constant 0 : i32
    %dma_wait3A_49 = arith.constant 0 : i32
    %dma_wait3A_50 = arith.constant 0 : i32
    %dma_wait3A_51 = tpu.memref_slice %arg3[%dma_wait3A_48, %dma_wait3A_49, %dma_wait3A_50] : memref<100000x8x128xf32, #tpu.memory_space<hbm>> -> memref<100000x8x128xf32, #tpu.memory_space<hbm>>
    tpu.wait_indirect_dma semaphore(%arg9 : memref<!tpu.dma_semaphore, #tpu.memory_space<semaphore_mem>>) src(%dma_wait3A_51 : memref<100000x8x128xf32, #tpu.memory_space<hbm>>) dst(%arg7 : memref<12x8x128xf32, #tpu.memory_space<vmem>>)
    %add3A_52 = arith.constant 780 : i32
    %add3A_53 = arith.addi %mul3A_2, %add3A_52 : i32
    %dma_start3A_54 = arith.constant 0 : i32
    %dma_start3A_55 = arith.constant 0 : i32
    %dma_start3A_56 = tpu.memref_slice %arg4[%add3A_53, %dma_start3A_54, %dma_start3A_55] : memref<25728x8x128xf32, #tpu.memory_space<hbm>> -> memref<12x8x128xf32, #tpu.memory_space<hbm>>
    %dma_start3A_57 = arith.constant 0 : i32
    %dma_start3A_58 = arith.constant 0 : i32
    %dma_start3A_59 = tpu.memref_slice %arg4[%add3A_53, %dma_start3A_57, %dma_start3A_58] : memref<25728x8x128xf32, #tpu.memory_space<hbm>> -> memref<12x8x128xf32, #tpu.memory_space<hbm>>
    tpu.enqueue_dma source(%arg7 : memref<12x8x128xf32, #tpu.memory_space<vmem>>) target(%dma_start3A_59 : memref<12x8x128xf32, #tpu.memory_space<hbm>>) target_semaphore(%arg11 : memref<!tpu.dma_semaphore, #tpu.memory_space<semaphore_mem>>)
    %dma_wait3A_60 = arith.constant 0 : i32
    %dma_wait3A_61 = arith.constant 0 : i32
    %dma_wait3A_62 = tpu.memref_slice %arg4[%add3A_53, %dma_wait3A_60, %dma_wait3A_61] : memref<25728x8x128xf32, #tpu.memory_space<hbm>> -> memref<12x8x128xf32, #tpu.memory_space<hbm>>
    %dma_wait3A_63 = arith.constant 0 : i32
    %dma_wait3A_64 = arith.constant 0 : i32
    %dma_wait3A_65 = tpu.memref_slice %arg4[%add3A_53, %dma_wait3A_63, %dma_wait3A_64] : memref<25728x8x128xf32, #tpu.memory_space<hbm>> -> memref<12x8x128xf32, #tpu.memory_space<hbm>>
    tpu.wait_dma2 semaphore(%arg11 : memref<!tpu.dma_semaphore, #tpu.memory_space<semaphore_mem>>) src(%arg7 : memref<12x8x128xf32, #tpu.memory_space<vmem>>) dst(%dma_wait3A_65 : memref<12x8x128xf32, #tpu.memory_space<hbm>>)
    %dma_start3A_66 = arith.constant 66 : i32
    %dma_start3A_67 = arith.constant 0 : i32
    %dma_start3A_68 = tpu.memref_slice %arg5[%dma_start3A_66, %dma_start3A_67] : memref<67x12xi32, #tpu.memory_space<vmem>> -> memref<1x12xi32, #tpu.memory_space<vmem>>
    %dma_start3A_69 = tpu.memref_squeeze %dma_start3A_68 : memref<1x12xi32, #tpu.memory_space<vmem>> -> memref<12xi32, #tpu.memory_space<vmem>>
    %dma_start3A_70 = arith.constant 0 : i32
    %dma_start3A_71 = arith.constant 0 : i32
    %dma_start3A_72 = arith.constant 0 : i32
    %dma_start3A_73 = tpu.memref_slice %arg3[%dma_start3A_70, %dma_start3A_71, %dma_start3A_72] : memref<100000x8x128xf32, #tpu.memory_space<hbm>> -> memref<100000x8x128xf32, #tpu.memory_space<hbm>>
    tpu.enqueue_indirect_dma source(%dma_start3A_73 : memref<100000x8x128xf32, #tpu.memory_space<hbm>>) target(%arg6 : memref<12x8x128xf32, #tpu.memory_space<vmem>>) offsets(%dma_start3A_69 : memref<12xi32, #tpu.memory_space<vmem>>) semaphore(%arg8 : memref<!tpu.dma_semaphore, #tpu.memory_space<semaphore_mem>>)
    %dma_wait3A_74 = arith.constant 66 : i32
    %dma_wait3A_75 = arith.constant 0 : i32
    %dma_wait3A_76 = tpu.memref_slice %arg5[%dma_wait3A_74, %dma_wait3A_75] : memref<67x12xi32, #tpu.memory_space<vmem>> -> memref<1x12xi32, #tpu.memory_space<vmem>>
    %dma_wait3A_77 = tpu.memref_squeeze %dma_wait3A_76 : memref<1x12xi32, #tpu.memory_space<vmem>> -> memref<12xi32, #tpu.memory_space<vmem>>
    %dma_wait3A_78 = arith.constant 0 : i32
    %dma_wait3A_79 = arith.constant 0 : i32
    %dma_wait3A_80 = arith.constant 0 : i32
    %dma_wait3A_81 = tpu.memref_slice %arg3[%dma_wait3A_78, %dma_wait3A_79, %dma_wait3A_80] : memref<100000x8x128xf32, #tpu.memory_space<hbm>> -> memref<100000x8x128xf32, #tpu.memory_space<hbm>>
    tpu.wait_indirect_dma semaphore(%arg8 : memref<!tpu.dma_semaphore, #tpu.memory_space<semaphore_mem>>) src(%dma_wait3A_81 : memref<100000x8x128xf32, #tpu.memory_space<hbm>>) dst(%arg6 : memref<12x8x128xf32, #tpu.memory_space<vmem>>)
    %add3A_82 = arith.constant 792 : i32
    %add3A_83 = arith.addi %mul3A_2, %add3A_82 : i32
    %dma_start3A_84 = arith.constant 0 : i32
    %dma_start3A_85 = arith.constant 0 : i32
    %dma_start3A_86 = tpu.memref_slice %arg4[%add3A_83, %dma_start3A_84, %dma_start3A_85] : memref<25728x8x128xf32, #tpu.memory_space<hbm>> -> memref<12x8x128xf32, #tpu.memory_space<hbm>>
    %dma_start3A_87 = arith.constant 0 : i32
    %dma_start3A_88 = arith.constant 0 : i32
    %dma_start3A_89 = tpu.memref_slice %arg4[%add3A_83, %dma_start3A_87, %dma_start3A_88] : memref<25728x8x128xf32, #tpu.memory_space<hbm>> -> memref<12x8x128xf32, #tpu.memory_space<hbm>>
    tpu.enqueue_dma source(%arg6 : memref<12x8x128xf32, #tpu.memory_space<vmem>>) target(%dma_start3A_89 : memref<12x8x128xf32, #tpu.memory_space<hbm>>) target_semaphore(%arg10 : memref<!tpu.dma_semaphore, #tpu.memory_space<semaphore_mem>>)
    %dma_wait3A_90 = arith.constant 0 : i32
    %dma_wait3A_91 = arith.constant 0 : i32
    %dma_wait3A_92 = tpu.memref_slice %arg4[%add3A_83, %dma_wait3A_90, %dma_wait3A_91] : memref<25728x8x128xf32, #tpu.memory_space<hbm>> -> memref<12x8x128xf32, #tpu.memory_space<hbm>>
    %dma_wait3A_93 = arith.constant 0 : i32
    %dma_wait3A_94 = arith.constant 0 : i32
    %dma_wait3A_95 = tpu.memref_slice %arg4[%add3A_83, %dma_wait3A_93, %dma_wait3A_94] : memref<25728x8x128xf32, #tpu.memory_space<hbm>> -> memref<12x8x128xf32, #tpu.memory_space<hbm>>
    tpu.wait_dma2 semaphore(%arg10 : memref<!tpu.dma_semaphore, #tpu.memory_space<semaphore_mem>>) src(%arg6 : memref<12x8x128xf32, #tpu.memory_space<vmem>>) dst(%dma_wait3A_95 : memref<12x8x128xf32, #tpu.memory_space<hbm>>)
    return
  }
}

#map = affine_map<(d0, d1) -> (0, 0, 0)>
module attributes {stable_mosaic.version = 14 : i64} {
  func.func @_sc_gather_body(%arg0: i32, %arg1: i32, %arg2: memref<32x67x12xi32, #tpu.memory_space<hbm>>, %arg3: memref<100000x8x128xf32, #tpu.memory_space<hbm>>, %arg4: memref<25728x8x128xf32, #tpu.memory_space<hbm>>, %arg5: memref<67x12xi32, #tpu.memory_space<vmem>>, %arg6: memref<12x8x128xf32, #tpu.memory_space<vmem>>, %arg7: memref<12x8x128xf32, #tpu.memory_space<vmem>>, %arg8: memref<!tpu.dma_semaphore, #tpu.memory_space<semaphore_mem>>, %arg9: memref<!tpu.dma_semaphore, #tpu.memory_space<semaphore_mem>>, %arg10: memref<!tpu.dma_semaphore, #tpu.memory_space<semaphore_mem>>, %arg11: memref<!tpu.dma_semaphore, #tpu.memory_space<semaphore_mem>>) attributes {dimension_semantics = [#tpu.dimension_semantics<core_parallel>, #tpu.dimension_semantics<subcore_parallel>], iteration_bounds = array<i64: 2, 16>, scalar_prefetch = 0 : i64, scratch_operands = 7 : i64, tpu.core_type = #tpu.core_type<sc_vector_subcore>, window_params = [{transform_indices = #map}, {transform_indices = #map}, {transform_indices = #map}]} {
    %mul3A = arith.constant 2 : i32
    %mul3A_0 = arith.muli %arg1, %mul3A : i32
    %add3A = arith.addi %mul3A_0, %arg0 : i32
    %mul3A_1 = arith.constant 804 : i32
    %mul3A_2 = arith.muli %add3A, %mul3A_1 : i32
    "tpu.region"() ({
      %run_scoped3A = tpu.sem_alloc : memref<!tpu.dma_semaphore, #tpu.memory_space<semaphore_mem>>
      %dma_start3A_96 = arith.constant 0 : i32
      %dma_start3A_97 = arith.constant 0 : i32
      %dma_start3A_98 = tpu.memref_slice %arg2[%add3A, %dma_start3A_96, %dma_start3A_97] : memref<32x67x12xi32, #tpu.memory_space<hbm>> -> memref<1x67x12xi32, #tpu.memory_space<hbm>>
      %dma_start3A_99 = tpu.memref_squeeze %dma_start3A_98 : memref<1x67x12xi32, #tpu.memory_space<hbm>> -> memref<67x12xi32, #tpu.memory_space<hbm>>
      %dma_start3A_100 = arith.constant 0 : i32
      %dma_start3A_101 = arith.constant 0 : i32
      %dma_start3A_102 = tpu.memref_slice %arg2[%add3A, %dma_start3A_100, %dma_start3A_101] : memref<32x67x12xi32, #tpu.memory_space<hbm>> -> memref<1x67x12xi32, #tpu.memory_space<hbm>>
      %dma_start3A_103 = tpu.memref_squeeze %dma_start3A_102 : memref<1x67x12xi32, #tpu.memory_space<hbm>> -> memref<67x12xi32, #tpu.memory_space<hbm>>
      tpu.enqueue_dma source(%dma_start3A_103 : memref<67x12xi32, #tpu.memory_space<hbm>>) target(%arg5 : memref<67x12xi32, #tpu.memory_space<vmem>>) target_semaphore(%run_scoped3A : memref<!tpu.dma_semaphore, #tpu.memory_space<semaphore_mem>>)
      %dma_wait3A_104 = arith.constant 0 : i32
      %dma_wait3A_105 = arith.constant 0 : i32
      %dma_wait3A_106 = tpu.memref_slice %arg2[%add3A, %dma_wait3A_104, %dma_wait3A_105] : memref<32x67x12xi32, #tpu.memory_space<hbm>> -> memref<1x67x12xi32, #tpu.memory_space<hbm>>
      %dma_wait3A_107 = tpu.memref_squeeze %dma_wait3A_106 : memref<1x67x12xi32, #tpu.memory_space<hbm>> -> memref<67x12xi32, #tpu.memory_space<hbm>>
      %dma_wait3A_108 = arith.constant 0 : i32
      %dma_wait3A_109 = arith.constant 0 : i32
      %dma_wait3A_110 = tpu.memref_slice %arg2[%add3A, %dma_wait3A_108, %dma_wait3A_109] : memref<32x67x12xi32, #tpu.memory_space<hbm>> -> memref<1x67x12xi32, #tpu.memory_space<hbm>>
      %dma_wait3A_111 = tpu.memref_squeeze %dma_wait3A_110 : memref<1x67x12xi32, #tpu.memory_space<hbm>> -> memref<67x12xi32, #tpu.memory_space<hbm>>
      tpu.wait_dma2 semaphore(%run_scoped3A : memref<!tpu.dma_semaphore, #tpu.memory_space<semaphore_mem>>) src(%dma_wait3A_111 : memref<67x12xi32, #tpu.memory_space<hbm>>) dst(%arg5 : memref<67x12xi32, #tpu.memory_space<vmem>>)
      tpu.yield
    }) : () -> ()
    %dma_start3A = arith.constant 0 : i32
    %dma_start3A_3 = arith.constant 0 : i32
    %dma_start3A_4 = tpu.memref_slice %arg5[%dma_start3A, %dma_start3A_3] : memref<67x12xi32, #tpu.memory_space<vmem>> -> memref<1x12xi32, #tpu.memory_space<vmem>>
    %dma_start3A_5 = tpu.memref_squeeze %dma_start3A_4 : memref<1x12xi32, #tpu.memory_space<vmem>> -> memref<12xi32, #tpu.memory_space<vmem>>
    %dma_start3A_6 = arith.constant 0 : i32
    %dma_start3A_7 = arith.constant 0 : i32
    %dma_start3A_8 = arith.constant 0 : i32
    %dma_start3A_9 = tpu.memref_slice %arg3[%dma_start3A_6, %dma_start3A_7, %dma_start3A_8] : memref<100000x8x128xf32, #tpu.memory_space<hbm>> -> memref<100000x8x128xf32, #tpu.memory_space<hbm>>
    tpu.enqueue_indirect_dma source(%dma_start3A_9 : memref<100000x8x128xf32, #tpu.memory_space<hbm>>) target(%arg6 : memref<12x8x128xf32, #tpu.memory_space<vmem>>) offsets(%dma_start3A_5 : memref<12xi32, #tpu.memory_space<vmem>>) semaphore(%arg8 : memref<!tpu.dma_semaphore, #tpu.memory_space<semaphore_mem>>)
    %dma_start3A_10 = arith.constant 1 : i32
    %dma_start3A_11 = arith.constant 0 : i32
    %dma_start3A_12 = tpu.memref_slice %arg5[%dma_start3A_10, %dma_start3A_11] : memref<67x12xi32, #tpu.memory_space<vmem>> -> memref<1x12xi32, #tpu.memory_space<vmem>>
    %dma_start3A_13 = tpu.memref_squeeze %dma_start3A_12 : memref<1x12xi32, #tpu.memory_space<vmem>> -> memref<12xi32, #tpu.memory_space<vmem>>
    %dma_start3A_14 = arith.constant 0 : i32
    %dma_start3A_15 = arith.constant 0 : i32
    %dma_start3A_16 = arith.constant 0 : i32
    %dma_start3A_17 = tpu.memref_slice %arg3[%dma_start3A_14, %dma_start3A_15, %dma_start3A_16] : memref<100000x8x128xf32, #tpu.memory_space<hbm>> -> memref<100000x8x128xf32, #tpu.memory_space<hbm>>
    tpu.enqueue_indirect_dma source(%dma_start3A_17 : memref<100000x8x128xf32, #tpu.memory_space<hbm>>) target(%arg7 : memref<12x8x128xf32, #tpu.memory_space<vmem>>) offsets(%dma_start3A_13 : memref<12xi32, #tpu.memory_space<vmem>>) semaphore(%arg9 : memref<!tpu.dma_semaphore, #tpu.memory_space<semaphore_mem>>)
    %scan3A = arith.constant 0 : i32
    %scan3A_18 = arith.constant 0 : i32
    %scan3A_19 = arith.constant 32 : i32
    %scan3A_20 = arith.addi %scan3A_18, %scan3A_19 : i32
    %scan3A_21 = arith.constant 1 : i32
    scf.for %scan3A_96 = %scan3A_18 to %scan3A_20 step %scan3A_21  : i32 {
      %mul3A_97 = arith.constant 2 : i32
      %mul3A_98 = arith.muli %mul3A_97, %scan3A_96 : i32
      %add3A_99 = arith.constant 0 : i32
      %add3A_100 = arith.addi %mul3A_98, %add3A_99 : i32
      %dma_wait3A_101 = arith.constant 0 : i32
      %dma_wait3A_102 = tpu.memref_slice %arg5[%add3A_100, %dma_wait3A_101] : memref<67x12xi32, #tpu.memory_space<vmem>> -> memref<1x12xi32, #tpu.memory_space<vmem>>
      %dma_wait3A_103 = tpu.memref_squeeze %dma_wait3A_102 : memref<1x12xi32, #tpu.memory_space<vmem>> -> memref<12xi32, #tpu.memory_space<vmem>>
      %dma_wait3A_104 = arith.constant 0 : i32
      %dma_wait3A_105 = arith.constant 0 : i32
      %dma_wait3A_106 = arith.constant 0 : i32
      %dma_wait3A_107 = tpu.memref_slice %arg3[%dma_wait3A_104, %dma_wait3A_105, %dma_wait3A_106] : memref<100000x8x128xf32, #tpu.memory_space<hbm>> -> memref<100000x8x128xf32, #tpu.memory_space<hbm>>
      tpu.wait_indirect_dma semaphore(%arg8 : memref<!tpu.dma_semaphore, #tpu.memory_space<semaphore_mem>>) src(%dma_wait3A_107 : memref<100000x8x128xf32, #tpu.memory_space<hbm>>) dst(%arg6 : memref<12x8x128xf32, #tpu.memory_space<vmem>>)
      %mul3A_108 = arith.constant 12 : i32
      %mul3A_109 = arith.muli %add3A_100, %mul3A_108 : i32
      %add3A_110 = arith.addi %mul3A_2, %mul3A_109 : i32
      %dma_start3A_111 = arith.constant 0 : i32
      %dma_start3A_112 = arith.constant 0 : i32
      %dma_start3A_113 = tpu.memref_slice %arg4[%add3A_110, %dma_start3A_111, %dma_start3A_112] : memref<25728x8x128xf32, #tpu.memory_space<hbm>> -> memref<12x8x128xf32, #tpu.memory_space<hbm>>
      %dma_start3A_114 = arith.constant 0 : i32
      %dma_start3A_115 = arith.constant 0 : i32
      %dma_start3A_116 = tpu.memref_slice %arg4[%add3A_110, %dma_start3A_114, %dma_start3A_115] : memref<25728x8x128xf32, #tpu.memory_space<hbm>> -> memref<12x8x128xf32, #tpu.memory_space<hbm>>
      tpu.enqueue_dma source(%arg6 : memref<12x8x128xf32, #tpu.memory_space<vmem>>) target(%dma_start3A_116 : memref<12x8x128xf32, #tpu.memory_space<hbm>>) target_semaphore(%arg10 : memref<!tpu.dma_semaphore, #tpu.memory_space<semaphore_mem>>)
      %dma_wait3A_117 = arith.constant 0 : i32
      %dma_wait3A_118 = arith.constant 0 : i32
      %dma_wait3A_119 = tpu.memref_slice %arg4[%add3A_110, %dma_wait3A_117, %dma_wait3A_118] : memref<25728x8x128xf32, #tpu.memory_space<hbm>> -> memref<12x8x128xf32, #tpu.memory_space<hbm>>
      %dma_wait3A_120 = arith.constant 0 : i32
      %dma_wait3A_121 = arith.constant 0 : i32
      %dma_wait3A_122 = tpu.memref_slice %arg4[%add3A_110, %dma_wait3A_120, %dma_wait3A_121] : memref<25728x8x128xf32, #tpu.memory_space<hbm>> -> memref<12x8x128xf32, #tpu.memory_space<hbm>>
      tpu.wait_dma2 semaphore(%arg10 : memref<!tpu.dma_semaphore, #tpu.memory_space<semaphore_mem>>) src(%arg6 : memref<12x8x128xf32, #tpu.memory_space<vmem>>) dst(%dma_wait3A_122 : memref<12x8x128xf32, #tpu.memory_space<hbm>>)
      %add3A_123 = arith.constant 2 : i32
      %add3A_124 = arith.addi %add3A_100, %add3A_123 : i32
      %dma_start3A_125 = arith.constant 0 : i32
      %dma_start3A_126 = tpu.memref_slice %arg5[%add3A_124, %dma_start3A_125] : memref<67x12xi32, #tpu.memory_space<vmem>> -> memref<1x12xi32, #tpu.memory_space<vmem>>
      %dma_start3A_127 = tpu.memref_squeeze %dma_start3A_126 : memref<1x12xi32, #tpu.memory_space<vmem>> -> memref<12xi32, #tpu.memory_space<vmem>>
      %dma_start3A_128 = arith.constant 0 : i32
      %dma_start3A_129 = arith.constant 0 : i32
      %dma_start3A_130 = arith.constant 0 : i32
      %dma_start3A_131 = tpu.memref_slice %arg3[%dma_start3A_128, %dma_start3A_129, %dma_start3A_130] : memref<100000x8x128xf32, #tpu.memory_space<hbm>> -> memref<100000x8x128xf32, #tpu.memory_space<hbm>>
      tpu.enqueue_indirect_dma source(%dma_start3A_131 : memref<100000x8x128xf32, #tpu.memory_space<hbm>>) target(%arg6 : memref<12x8x128xf32, #tpu.memory_space<vmem>>) offsets(%dma_start3A_127 : memref<12xi32, #tpu.memory_space<vmem>>) semaphore(%arg8 : memref<!tpu.dma_semaphore, #tpu.memory_space<semaphore_mem>>)
      %mul3A_132 = arith.constant 2 : i32
      %mul3A_133 = arith.muli %mul3A_132, %scan3A_96 : i32
      %add3A_134 = arith.constant 1 : i32
      %add3A_135 = arith.addi %mul3A_133, %add3A_134 : i32
      %dma_wait3A_136 = arith.constant 0 : i32
      %dma_wait3A_137 = tpu.memref_slice %arg5[%add3A_135, %dma_wait3A_136] : memref<67x12xi32, #tpu.memory_space<vmem>> -> memref<1x12xi32, #tpu.memory_space<vmem>>
      %dma_wait3A_138 = tpu.memref_squeeze %dma_wait3A_137 : memref<1x12xi32, #tpu.memory_space<vmem>> -> memref<12xi32, #tpu.memory_space<vmem>>
      %dma_wait3A_139 = arith.constant 0 : i32
      %dma_wait3A_140 = arith.constant 0 : i32
      %dma_wait3A_141 = arith.constant 0 : i32
      %dma_wait3A_142 = tpu.memref_slice %arg3[%dma_wait3A_139, %dma_wait3A_140, %dma_wait3A_141] : memref<100000x8x128xf32, #tpu.memory_space<hbm>> -> memref<100000x8x128xf32, #tpu.memory_space<hbm>>
      tpu.wait_indirect_dma semaphore(%arg9 : memref<!tpu.dma_semaphore, #tpu.memory_space<semaphore_mem>>) src(%dma_wait3A_142 : memref<100000x8x128xf32, #tpu.memory_space<hbm>>) dst(%arg7 : memref<12x8x128xf32, #tpu.memory_space<vmem>>)
      %mul3A_143 = arith.constant 12 : i32
      %mul3A_144 = arith.muli %add3A_135, %mul3A_143 : i32
      %add3A_145 = arith.addi %mul3A_2, %mul3A_144 : i32
      %dma_start3A_146 = arith.constant 0 : i32
      %dma_start3A_147 = arith.constant 0 : i32
      %dma_start3A_148 = tpu.memref_slice %arg4[%add3A_145, %dma_start3A_146, %dma_start3A_147] : memref<25728x8x128xf32, #tpu.memory_space<hbm>> -> memref<12x8x128xf32, #tpu.memory_space<hbm>>
      %dma_start3A_149 = arith.constant 0 : i32
      %dma_start3A_150 = arith.constant 0 : i32
      %dma_start3A_151 = tpu.memref_slice %arg4[%add3A_145, %dma_start3A_149, %dma_start3A_150] : memref<25728x8x128xf32, #tpu.memory_space<hbm>> -> memref<12x8x128xf32, #tpu.memory_space<hbm>>
      tpu.enqueue_dma source(%arg7 : memref<12x8x128xf32, #tpu.memory_space<vmem>>) target(%dma_start3A_151 : memref<12x8x128xf32, #tpu.memory_space<hbm>>) target_semaphore(%arg11 : memref<!tpu.dma_semaphore, #tpu.memory_space<semaphore_mem>>)
      %dma_wait3A_152 = arith.constant 0 : i32
      %dma_wait3A_153 = arith.constant 0 : i32
      %dma_wait3A_154 = tpu.memref_slice %arg4[%add3A_145, %dma_wait3A_152, %dma_wait3A_153] : memref<25728x8x128xf32, #tpu.memory_space<hbm>> -> memref<12x8x128xf32, #tpu.memory_space<hbm>>
      %dma_wait3A_155 = arith.constant 0 : i32
      %dma_wait3A_156 = arith.constant 0 : i32
      %dma_wait3A_157 = tpu.memref_slice %arg4[%add3A_145, %dma_wait3A_155, %dma_wait3A_156] : memref<25728x8x128xf32, #tpu.memory_space<hbm>> -> memref<12x8x128xf32, #tpu.memory_space<hbm>>
      tpu.wait_dma2 semaphore(%arg11 : memref<!tpu.dma_semaphore, #tpu.memory_space<semaphore_mem>>) src(%arg7 : memref<12x8x128xf32, #tpu.memory_space<vmem>>) dst(%dma_wait3A_157 : memref<12x8x128xf32, #tpu.memory_space<hbm>>)
      %add3A_158 = arith.constant 2 : i32
      %add3A_159 = arith.addi %add3A_135, %add3A_158 : i32
      %dma_start3A_160 = arith.constant 0 : i32
      %dma_start3A_161 = tpu.memref_slice %arg5[%add3A_159, %dma_start3A_160] : memref<67x12xi32, #tpu.memory_space<vmem>> -> memref<1x12xi32, #tpu.memory_space<vmem>>
      %dma_start3A_162 = tpu.memref_squeeze %dma_start3A_161 : memref<1x12xi32, #tpu.memory_space<vmem>> -> memref<12xi32, #tpu.memory_space<vmem>>
      %dma_start3A_163 = arith.constant 0 : i32
      %dma_start3A_164 = arith.constant 0 : i32
      %dma_start3A_165 = arith.constant 0 : i32
      %dma_start3A_166 = tpu.memref_slice %arg3[%dma_start3A_163, %dma_start3A_164, %dma_start3A_165] : memref<100000x8x128xf32, #tpu.memory_space<hbm>> -> memref<100000x8x128xf32, #tpu.memory_space<hbm>>
      tpu.enqueue_indirect_dma source(%dma_start3A_166 : memref<100000x8x128xf32, #tpu.memory_space<hbm>>) target(%arg7 : memref<12x8x128xf32, #tpu.memory_space<vmem>>) offsets(%dma_start3A_162 : memref<12xi32, #tpu.memory_space<vmem>>) semaphore(%arg9 : memref<!tpu.dma_semaphore, #tpu.memory_space<semaphore_mem>>)
    }
    %scan3A_22 = arith.constant 32 : i32
    %dma_wait3A = arith.constant 64 : i32
    %dma_wait3A_23 = arith.constant 0 : i32
    %dma_wait3A_24 = tpu.memref_slice %arg5[%dma_wait3A, %dma_wait3A_23] : memref<67x12xi32, #tpu.memory_space<vmem>> -> memref<1x12xi32, #tpu.memory_space<vmem>>
    %dma_wait3A_25 = tpu.memref_squeeze %dma_wait3A_24 : memref<1x12xi32, #tpu.memory_space<vmem>> -> memref<12xi32, #tpu.memory_space<vmem>>
    %dma_wait3A_26 = arith.constant 0 : i32
    %dma_wait3A_27 = arith.constant 0 : i32
    %dma_wait3A_28 = arith.constant 0 : i32
    %dma_wait3A_29 = tpu.memref_slice %arg3[%dma_wait3A_26, %dma_wait3A_27, %dma_wait3A_28] : memref<100000x8x128xf32, #tpu.memory_space<hbm>> -> memref<100000x8x128xf32, #tpu.memory_space<hbm>>
    tpu.wait_indirect_dma semaphore(%arg8 : memref<!tpu.dma_semaphore, #tpu.memory_space<semaphore_mem>>) src(%dma_wait3A_29 : memref<100000x8x128xf32, #tpu.memory_space<hbm>>) dst(%arg6 : memref<12x8x128xf32, #tpu.memory_space<vmem>>)
    %add3A_30 = arith.constant 768 : i32
    %add3A_31 = arith.addi %mul3A_2, %add3A_30 : i32
    %dma_start3A_32 = arith.constant 0 : i32
    %dma_start3A_33 = arith.constant 0 : i32
    %dma_start3A_34 = tpu.memref_slice %arg4[%add3A_31, %dma_start3A_32, %dma_start3A_33] : memref<25728x8x128xf32, #tpu.memory_space<hbm>> -> memref<12x8x128xf32, #tpu.memory_space<hbm>>
    %dma_start3A_35 = arith.constant 0 : i32
    %dma_start3A_36 = arith.constant 0 : i32
    %dma_start3A_37 = tpu.memref_slice %arg4[%add3A_31, %dma_start3A_35, %dma_start3A_36] : memref<25728x8x128xf32, #tpu.memory_space<hbm>> -> memref<12x8x128xf32, #tpu.memory_space<hbm>>
    tpu.enqueue_dma source(%arg6 : memref<12x8x128xf32, #tpu.memory_space<vmem>>) target(%dma_start3A_37 : memref<12x8x128xf32, #tpu.memory_space<hbm>>) target_semaphore(%arg10 : memref<!tpu.dma_semaphore, #tpu.memory_space<semaphore_mem>>)
    %dma_wait3A_38 = arith.constant 0 : i32
    %dma_wait3A_39 = arith.constant 0 : i32
    %dma_wait3A_40 = tpu.memref_slice %arg4[%add3A_31, %dma_wait3A_38, %dma_wait3A_39] : memref<25728x8x128xf32, #tpu.memory_space<hbm>> -> memref<12x8x128xf32, #tpu.memory_space<hbm>>
    %dma_wait3A_41 = arith.constant 0 : i32
    %dma_wait3A_42 = arith.constant 0 : i32
    %dma_wait3A_43 = tpu.memref_slice %arg4[%add3A_31, %dma_wait3A_41, %dma_wait3A_42] : memref<25728x8x128xf32, #tpu.memory_space<hbm>> -> memref<12x8x128xf32, #tpu.memory_space<hbm>>
    tpu.wait_dma2 semaphore(%arg10 : memref<!tpu.dma_semaphore, #tpu.memory_space<semaphore_mem>>) src(%arg6 : memref<12x8x128xf32, #tpu.memory_space<vmem>>) dst(%dma_wait3A_43 : memref<12x8x128xf32, #tpu.memory_space<hbm>>)
    %dma_wait3A_44 = arith.constant 65 : i32
    %dma_wait3A_45 = arith.constant 0 : i32
    %dma_wait3A_46 = tpu.memref_slice %arg5[%dma_wait3A_44, %dma_wait3A_45] : memref<67x12xi32, #tpu.memory_space<vmem>> -> memref<1x12xi32, #tpu.memory_space<vmem>>
    %dma_wait3A_47 = tpu.memref_squeeze %dma_wait3A_46 : memref<1x12xi32, #tpu.memory_space<vmem>> -> memref<12xi32, #tpu.memory_space<vmem>>
    %dma_wait3A_48 = arith.constant 0 : i32
    %dma_wait3A_49 = arith.constant 0 : i32
    %dma_wait3A_50 = arith.constant 0 : i32
    %dma_wait3A_51 = tpu.memref_slice %arg3[%dma_wait3A_48, %dma_wait3A_49, %dma_wait3A_50] : memref<100000x8x128xf32, #tpu.memory_space<hbm>> -> memref<100000x8x128xf32, #tpu.memory_space<hbm>>
    tpu.wait_indirect_dma semaphore(%arg9 : memref<!tpu.dma_semaphore, #tpu.memory_space<semaphore_mem>>) src(%dma_wait3A_51 : memref<100000x8x128xf32, #tpu.memory_space<hbm>>) dst(%arg7 : memref<12x8x128xf32, #tpu.memory_space<vmem>>)
    %add3A_52 = arith.constant 780 : i32
    %add3A_53 = arith.addi %mul3A_2, %add3A_52 : i32
    %dma_start3A_54 = arith.constant 0 : i32
    %dma_start3A_55 = arith.constant 0 : i32
    %dma_start3A_56 = tpu.memref_slice %arg4[%add3A_53, %dma_start3A_54, %dma_start3A_55] : memref<25728x8x128xf32, #tpu.memory_space<hbm>> -> memref<12x8x128xf32, #tpu.memory_space<hbm>>
    %dma_start3A_57 = arith.constant 0 : i32
    %dma_start3A_58 = arith.constant 0 : i32
    %dma_start3A_59 = tpu.memref_slice %arg4[%add3A_53, %dma_start3A_57, %dma_start3A_58] : memref<25728x8x128xf32, #tpu.memory_space<hbm>> -> memref<12x8x128xf32, #tpu.memory_space<hbm>>
    tpu.enqueue_dma source(%arg7 : memref<12x8x128xf32, #tpu.memory_space<vmem>>) target(%dma_start3A_59 : memref<12x8x128xf32, #tpu.memory_space<hbm>>) target_semaphore(%arg11 : memref<!tpu.dma_semaphore, #tpu.memory_space<semaphore_mem>>)
    %dma_wait3A_60 = arith.constant 0 : i32
    %dma_wait3A_61 = arith.constant 0 : i32
    %dma_wait3A_62 = tpu.memref_slice %arg4[%add3A_53, %dma_wait3A_60, %dma_wait3A_61] : memref<25728x8x128xf32, #tpu.memory_space<hbm>> -> memref<12x8x128xf32, #tpu.memory_space<hbm>>
    %dma_wait3A_63 = arith.constant 0 : i32
    %dma_wait3A_64 = arith.constant 0 : i32
    %dma_wait3A_65 = tpu.memref_slice %arg4[%add3A_53, %dma_wait3A_63, %dma_wait3A_64] : memref<25728x8x128xf32, #tpu.memory_space<hbm>> -> memref<12x8x128xf32, #tpu.memory_space<hbm>>
    tpu.wait_dma2 semaphore(%arg11 : memref<!tpu.dma_semaphore, #tpu.memory_space<semaphore_mem>>) src(%arg7 : memref<12x8x128xf32, #tpu.memory_space<vmem>>) dst(%dma_wait3A_65 : memref<12x8x128xf32, #tpu.memory_space<hbm>>)
    %dma_start3A_66 = arith.constant 66 : i32
    %dma_start3A_67 = arith.constant 0 : i32
    %dma_start3A_68 = tpu.memref_slice %arg5[%dma_start3A_66, %dma_start3A_67] : memref<67x12xi32, #tpu.memory_space<vmem>> -> memref<1x12xi32, #tpu.memory_space<vmem>>
    %dma_start3A_69 = tpu.memref_squeeze %dma_start3A_68 : memref<1x12xi32, #tpu.memory_space<vmem>> -> memref<12xi32, #tpu.memory_space<vmem>>
    %dma_start3A_70 = arith.constant 0 : i32
    %dma_start3A_71 = arith.constant 0 : i32
    %dma_start3A_72 = arith.constant 0 : i32
    %dma_start3A_73 = tpu.memref_slice %arg3[%dma_start3A_70, %dma_start3A_71, %dma_start3A_72] : memref<100000x8x128xf32, #tpu.memory_space<hbm>> -> memref<100000x8x128xf32, #tpu.memory_space<hbm>>
    tpu.enqueue_indirect_dma source(%dma_start3A_73 : memref<100000x8x128xf32, #tpu.memory_space<hbm>>) target(%arg6 : memref<12x8x128xf32, #tpu.memory_space<vmem>>) offsets(%dma_start3A_69 : memref<12xi32, #tpu.memory_space<vmem>>) semaphore(%arg8 : memref<!tpu.dma_semaphore, #tpu.memory_space<semaphore_mem>>)
    %dma_wait3A_74 = arith.constant 66 : i32
    %dma_wait3A_75 = arith.constant 0 : i32
    %dma_wait3A_76 = tpu.memref_slice %arg5[%dma_wait3A_74, %dma_wait3A_75] : memref<67x12xi32, #tpu.memory_space<vmem>> -> memref<1x12xi32, #tpu.memory_space<vmem>>
    %dma_wait3A_77 = tpu.memref_squeeze %dma_wait3A_76 : memref<1x12xi32, #tpu.memory_space<vmem>> -> memref<12xi32, #tpu.memory_space<vmem>>
    %dma_wait3A_78 = arith.constant 0 : i32
    %dma_wait3A_79 = arith.constant 0 : i32
    %dma_wait3A_80 = arith.constant 0 : i32
    %dma_wait3A_81 = tpu.memref_slice %arg3[%dma_wait3A_78, %dma_wait3A_79, %dma_wait3A_80] : memref<100000x8x128xf32, #tpu.memory_space<hbm>> -> memref<100000x8x128xf32, #tpu.memory_space<hbm>>
    tpu.wait_indirect_dma semaphore(%arg8 : memref<!tpu.dma_semaphore, #tpu.memory_space<semaphore_mem>>) src(%dma_wait3A_81 : memref<100000x8x128xf32, #tpu.memory_space<hbm>>) dst(%arg6 : memref<12x8x128xf32, #tpu.memory_space<vmem>>)
    %add3A_82 = arith.constant 792 : i32
    %add3A_83 = arith.addi %mul3A_2, %add3A_82 : i32
    %dma_start3A_84 = arith.constant 0 : i32
    %dma_start3A_85 = arith.constant 0 : i32
    %dma_start3A_86 = tpu.memref_slice %arg4[%add3A_83, %dma_start3A_84, %dma_start3A_85] : memref<25728x8x128xf32, #tpu.memory_space<hbm>> -> memref<12x8x128xf32, #tpu.memory_space<hbm>>
    %dma_start3A_87 = arith.constant 0 : i32
    %dma_start3A_88 = arith.constant 0 : i32
    %dma_start3A_89 = tpu.memref_slice %arg4[%add3A_83, %dma_start3A_87, %dma_start3A_88] : memref<25728x8x128xf32, #tpu.memory_space<hbm>> -> memref<12x8x128xf32, #tpu.memory_space<hbm>>
    tpu.enqueue_dma source(%arg6 : memref<12x8x128xf32, #tpu.memory_space<vmem>>) target(%dma_start3A_89 : memref<12x8x128xf32, #tpu.memory_space<hbm>>) target_semaphore(%arg10 : memref<!tpu.dma_semaphore, #tpu.memory_space<semaphore_mem>>)
    %dma_wait3A_90 = arith.constant 0 : i32
    %dma_wait3A_91 = arith.constant 0 : i32
    %dma_wait3A_92 = tpu.memref_slice %arg4[%add3A_83, %dma_wait3A_90, %dma_wait3A_91] : memref<25728x8x128xf32, #tpu.memory_space<hbm>> -> memref<12x8x128xf32, #tpu.memory_space<hbm>>
    %dma_wait3A_93 = arith.constant 0 : i32
    %dma_wait3A_94 = arith.constant 0 : i32
    %dma_wait3A_95 = tpu.memref_slice %arg4[%add3A_83, %dma_wait3A_93, %dma_wait3A_94] : memref<25728x8x128xf32, #tpu.memory_space<hbm>> -> memref<12x8x128xf32, #tpu.memory_space<hbm>>
    tpu.wait_dma2 semaphore(%arg10 : memref<!tpu.dma_semaphore, #tpu.memory_space<semaphore_mem>>) src(%arg6 : memref<12x8x128xf32, #tpu.memory_space<vmem>>) dst(%dma_wait3A_95 : memref<12x8x128xf32, #tpu.memory_space<hbm>>)
    return
  }
}

#map = affine_map<(d0, d1) -> (0, 0, 0)>
module attributes {stable_mosaic.version = 14 : i64} {
  func.func @_sc_gather_body(%arg0: i32, %arg1: i32, %arg2: memref<32x67x12xi32, #tpu.memory_space<hbm>>, %arg3: memref<100000x8x128xf32, #tpu.memory_space<hbm>>, %arg4: memref<25728x8x128xf32, #tpu.memory_space<hbm>>, %arg5: memref<67x12xi32, #tpu.memory_space<vmem>>, %arg6: memref<12x8x128xf32, #tpu.memory_space<vmem>>, %arg7: memref<12x8x128xf32, #tpu.memory_space<vmem>>, %arg8: memref<!tpu.dma_semaphore, #tpu.memory_space<semaphore_mem>>, %arg9: memref<!tpu.dma_semaphore, #tpu.memory_space<semaphore_mem>>, %arg10: memref<!tpu.dma_semaphore, #tpu.memory_space<semaphore_mem>>, %arg11: memref<!tpu.dma_semaphore, #tpu.memory_space<semaphore_mem>>) attributes {dimension_semantics = [#tpu.dimension_semantics<core_parallel>, #tpu.dimension_semantics<subcore_parallel>], iteration_bounds = array<i64: 2, 16>, scalar_prefetch = 0 : i64, scratch_operands = 7 : i64, tpu.core_type = #tpu.core_type<sc_vector_subcore>, window_params = [{transform_indices = #map}, {transform_indices = #map}, {transform_indices = #map}]} {
    %mul3A = arith.constant 2 : i32
    %mul3A_0 = arith.muli %arg1, %mul3A : i32
    %add3A = arith.addi %mul3A_0, %arg0 : i32
    %mul3A_1 = arith.constant 804 : i32
    %mul3A_2 = arith.muli %add3A, %mul3A_1 : i32
    "tpu.region"() ({
      %run_scoped3A = tpu.sem_alloc : memref<!tpu.dma_semaphore, #tpu.memory_space<semaphore_mem>>
      %dma_start3A_96 = arith.constant 0 : i32
      %dma_start3A_97 = arith.constant 0 : i32
      %dma_start3A_98 = tpu.memref_slice %arg2[%add3A, %dma_start3A_96, %dma_start3A_97] : memref<32x67x12xi32, #tpu.memory_space<hbm>> -> memref<1x67x12xi32, #tpu.memory_space<hbm>>
      %dma_start3A_99 = tpu.memref_squeeze %dma_start3A_98 : memref<1x67x12xi32, #tpu.memory_space<hbm>> -> memref<67x12xi32, #tpu.memory_space<hbm>>
      %dma_start3A_100 = arith.constant 0 : i32
      %dma_start3A_101 = arith.constant 0 : i32
      %dma_start3A_102 = tpu.memref_slice %arg2[%add3A, %dma_start3A_100, %dma_start3A_101] : memref<32x67x12xi32, #tpu.memory_space<hbm>> -> memref<1x67x12xi32, #tpu.memory_space<hbm>>
      %dma_start3A_103 = tpu.memref_squeeze %dma_start3A_102 : memref<1x67x12xi32, #tpu.memory_space<hbm>> -> memref<67x12xi32, #tpu.memory_space<hbm>>
      tpu.enqueue_dma source(%dma_start3A_103 : memref<67x12xi32, #tpu.memory_space<hbm>>) target(%arg5 : memref<67x12xi32, #tpu.memory_space<vmem>>) target_semaphore(%run_scoped3A : memref<!tpu.dma_semaphore, #tpu.memory_space<semaphore_mem>>)
      %dma_wait3A_104 = arith.constant 0 : i32
      %dma_wait3A_105 = arith.constant 0 : i32
      %dma_wait3A_106 = tpu.memref_slice %arg2[%add3A, %dma_wait3A_104, %dma_wait3A_105] : memref<32x67x12xi32, #tpu.memory_space<hbm>> -> memref<1x67x12xi32, #tpu.memory_space<hbm>>
      %dma_wait3A_107 = tpu.memref_squeeze %dma_wait3A_106 : memref<1x67x12xi32, #tpu.memory_space<hbm>> -> memref<67x12xi32, #tpu.memory_space<hbm>>
      %dma_wait3A_108 = arith.constant 0 : i32
      %dma_wait3A_109 = arith.constant 0 : i32
      %dma_wait3A_110 = tpu.memref_slice %arg2[%add3A, %dma_wait3A_108, %dma_wait3A_109] : memref<32x67x12xi32, #tpu.memory_space<hbm>> -> memref<1x67x12xi32, #tpu.memory_space<hbm>>
      %dma_wait3A_111 = tpu.memref_squeeze %dma_wait3A_110 : memref<1x67x12xi32, #tpu.memory_space<hbm>> -> memref<67x12xi32, #tpu.memory_space<hbm>>
      tpu.wait_dma2 semaphore(%run_scoped3A : memref<!tpu.dma_semaphore, #tpu.memory_space<semaphore_mem>>) src(%dma_wait3A_111 : memref<67x12xi32, #tpu.memory_space<hbm>>) dst(%arg5 : memref<67x12xi32, #tpu.memory_space<vmem>>)
      tpu.yield
    }) : () -> ()
    %dma_start3A = arith.constant 0 : i32
    %dma_start3A_3 = arith.constant 0 : i32
    %dma_start3A_4 = tpu.memref_slice %arg5[%dma_start3A, %dma_start3A_3] : memref<67x12xi32, #tpu.memory_space<vmem>> -> memref<1x12xi32, #tpu.memory_space<vmem>>
    %dma_start3A_5 = tpu.memref_squeeze %dma_start3A_4 : memref<1x12xi32, #tpu.memory_space<vmem>> -> memref<12xi32, #tpu.memory_space<vmem>>
    %dma_start3A_6 = arith.constant 0 : i32
    %dma_start3A_7 = arith.constant 0 : i32
    %dma_start3A_8 = arith.constant 0 : i32
    %dma_start3A_9 = tpu.memref_slice %arg3[%dma_start3A_6, %dma_start3A_7, %dma_start3A_8] : memref<100000x8x128xf32, #tpu.memory_space<hbm>> -> memref<100000x8x128xf32, #tpu.memory_space<hbm>>
    tpu.enqueue_indirect_dma source(%dma_start3A_9 : memref<100000x8x128xf32, #tpu.memory_space<hbm>>) target(%arg6 : memref<12x8x128xf32, #tpu.memory_space<vmem>>) offsets(%dma_start3A_5 : memref<12xi32, #tpu.memory_space<vmem>>) semaphore(%arg8 : memref<!tpu.dma_semaphore, #tpu.memory_space<semaphore_mem>>)
    %dma_start3A_10 = arith.constant 1 : i32
    %dma_start3A_11 = arith.constant 0 : i32
    %dma_start3A_12 = tpu.memref_slice %arg5[%dma_start3A_10, %dma_start3A_11] : memref<67x12xi32, #tpu.memory_space<vmem>> -> memref<1x12xi32, #tpu.memory_space<vmem>>
    %dma_start3A_13 = tpu.memref_squeeze %dma_start3A_12 : memref<1x12xi32, #tpu.memory_space<vmem>> -> memref<12xi32, #tpu.memory_space<vmem>>
    %dma_start3A_14 = arith.constant 0 : i32
    %dma_start3A_15 = arith.constant 0 : i32
    %dma_start3A_16 = arith.constant 0 : i32
    %dma_start3A_17 = tpu.memref_slice %arg3[%dma_start3A_14, %dma_start3A_15, %dma_start3A_16] : memref<100000x8x128xf32, #tpu.memory_space<hbm>> -> memref<100000x8x128xf32, #tpu.memory_space<hbm>>
    tpu.enqueue_indirect_dma source(%dma_start3A_17 : memref<100000x8x128xf32, #tpu.memory_space<hbm>>) target(%arg7 : memref<12x8x128xf32, #tpu.memory_space<vmem>>) offsets(%dma_start3A_13 : memref<12xi32, #tpu.memory_space<vmem>>) semaphore(%arg9 : memref<!tpu.dma_semaphore, #tpu.memory_space<semaphore_mem>>)
    %scan3A = arith.constant 0 : i32
    %scan3A_18 = arith.constant 0 : i32
    %scan3A_19 = arith.constant 32 : i32
    %scan3A_20 = arith.addi %scan3A_18, %scan3A_19 : i32
    %scan3A_21 = arith.constant 1 : i32
    scf.for %scan3A_96 = %scan3A_18 to %scan3A_20 step %scan3A_21  : i32 {
      %mul3A_97 = arith.constant 2 : i32
      %mul3A_98 = arith.muli %mul3A_97, %scan3A_96 : i32
      %add3A_99 = arith.constant 0 : i32
      %add3A_100 = arith.addi %mul3A_98, %add3A_99 : i32
      %dma_wait3A_101 = arith.constant 0 : i32
      %dma_wait3A_102 = tpu.memref_slice %arg5[%add3A_100, %dma_wait3A_101] : memref<67x12xi32, #tpu.memory_space<vmem>> -> memref<1x12xi32, #tpu.memory_space<vmem>>
      %dma_wait3A_103 = tpu.memref_squeeze %dma_wait3A_102 : memref<1x12xi32, #tpu.memory_space<vmem>> -> memref<12xi32, #tpu.memory_space<vmem>>
      %dma_wait3A_104 = arith.constant 0 : i32
      %dma_wait3A_105 = arith.constant 0 : i32
      %dma_wait3A_106 = arith.constant 0 : i32
      %dma_wait3A_107 = tpu.memref_slice %arg3[%dma_wait3A_104, %dma_wait3A_105, %dma_wait3A_106] : memref<100000x8x128xf32, #tpu.memory_space<hbm>> -> memref<100000x8x128xf32, #tpu.memory_space<hbm>>
      tpu.wait_indirect_dma semaphore(%arg8 : memref<!tpu.dma_semaphore, #tpu.memory_space<semaphore_mem>>) src(%dma_wait3A_107 : memref<100000x8x128xf32, #tpu.memory_space<hbm>>) dst(%arg6 : memref<12x8x128xf32, #tpu.memory_space<vmem>>)
      %mul3A_108 = arith.constant 12 : i32
      %mul3A_109 = arith.muli %add3A_100, %mul3A_108 : i32
      %add3A_110 = arith.addi %mul3A_2, %mul3A_109 : i32
      %dma_start3A_111 = arith.constant 0 : i32
      %dma_start3A_112 = arith.constant 0 : i32
      %dma_start3A_113 = tpu.memref_slice %arg4[%add3A_110, %dma_start3A_111, %dma_start3A_112] : memref<25728x8x128xf32, #tpu.memory_space<hbm>> -> memref<12x8x128xf32, #tpu.memory_space<hbm>>
      %dma_start3A_114 = arith.constant 0 : i32
      %dma_start3A_115 = arith.constant 0 : i32
      %dma_start3A_116 = tpu.memref_slice %arg4[%add3A_110, %dma_start3A_114, %dma_start3A_115] : memref<25728x8x128xf32, #tpu.memory_space<hbm>> -> memref<12x8x128xf32, #tpu.memory_space<hbm>>
      tpu.enqueue_dma source(%arg6 : memref<12x8x128xf32, #tpu.memory_space<vmem>>) target(%dma_start3A_116 : memref<12x8x128xf32, #tpu.memory_space<hbm>>) target_semaphore(%arg10 : memref<!tpu.dma_semaphore, #tpu.memory_space<semaphore_mem>>)
      %dma_wait3A_117 = arith.constant 0 : i32
      %dma_wait3A_118 = arith.constant 0 : i32
      %dma_wait3A_119 = tpu.memref_slice %arg4[%add3A_110, %dma_wait3A_117, %dma_wait3A_118] : memref<25728x8x128xf32, #tpu.memory_space<hbm>> -> memref<12x8x128xf32, #tpu.memory_space<hbm>>
      %dma_wait3A_120 = arith.constant 0 : i32
      %dma_wait3A_121 = arith.constant 0 : i32
      %dma_wait3A_122 = tpu.memref_slice %arg4[%add3A_110, %dma_wait3A_120, %dma_wait3A_121] : memref<25728x8x128xf32, #tpu.memory_space<hbm>> -> memref<12x8x128xf32, #tpu.memory_space<hbm>>
      tpu.wait_dma2 semaphore(%arg10 : memref<!tpu.dma_semaphore, #tpu.memory_space<semaphore_mem>>) src(%arg6 : memref<12x8x128xf32, #tpu.memory_space<vmem>>) dst(%dma_wait3A_122 : memref<12x8x128xf32, #tpu.memory_space<hbm>>)
      %add3A_123 = arith.constant 2 : i32
      %add3A_124 = arith.addi %add3A_100, %add3A_123 : i32
      %dma_start3A_125 = arith.constant 0 : i32
      %dma_start3A_126 = tpu.memref_slice %arg5[%add3A_124, %dma_start3A_125] : memref<67x12xi32, #tpu.memory_space<vmem>> -> memref<1x12xi32, #tpu.memory_space<vmem>>
      %dma_start3A_127 = tpu.memref_squeeze %dma_start3A_126 : memref<1x12xi32, #tpu.memory_space<vmem>> -> memref<12xi32, #tpu.memory_space<vmem>>
      %dma_start3A_128 = arith.constant 0 : i32
      %dma_start3A_129 = arith.constant 0 : i32
      %dma_start3A_130 = arith.constant 0 : i32
      %dma_start3A_131 = tpu.memref_slice %arg3[%dma_start3A_128, %dma_start3A_129, %dma_start3A_130] : memref<100000x8x128xf32, #tpu.memory_space<hbm>> -> memref<100000x8x128xf32, #tpu.memory_space<hbm>>
      tpu.enqueue_indirect_dma source(%dma_start3A_131 : memref<100000x8x128xf32, #tpu.memory_space<hbm>>) target(%arg6 : memref<12x8x128xf32, #tpu.memory_space<vmem>>) offsets(%dma_start3A_127 : memref<12xi32, #tpu.memory_space<vmem>>) semaphore(%arg8 : memref<!tpu.dma_semaphore, #tpu.memory_space<semaphore_mem>>)
      %mul3A_132 = arith.constant 2 : i32
      %mul3A_133 = arith.muli %mul3A_132, %scan3A_96 : i32
      %add3A_134 = arith.constant 1 : i32
      %add3A_135 = arith.addi %mul3A_133, %add3A_134 : i32
      %dma_wait3A_136 = arith.constant 0 : i32
      %dma_wait3A_137 = tpu.memref_slice %arg5[%add3A_135, %dma_wait3A_136] : memref<67x12xi32, #tpu.memory_space<vmem>> -> memref<1x12xi32, #tpu.memory_space<vmem>>
      %dma_wait3A_138 = tpu.memref_squeeze %dma_wait3A_137 : memref<1x12xi32, #tpu.memory_space<vmem>> -> memref<12xi32, #tpu.memory_space<vmem>>
      %dma_wait3A_139 = arith.constant 0 : i32
      %dma_wait3A_140 = arith.constant 0 : i32
      %dma_wait3A_141 = arith.constant 0 : i32
      %dma_wait3A_142 = tpu.memref_slice %arg3[%dma_wait3A_139, %dma_wait3A_140, %dma_wait3A_141] : memref<100000x8x128xf32, #tpu.memory_space<hbm>> -> memref<100000x8x128xf32, #tpu.memory_space<hbm>>
      tpu.wait_indirect_dma semaphore(%arg9 : memref<!tpu.dma_semaphore, #tpu.memory_space<semaphore_mem>>) src(%dma_wait3A_142 : memref<100000x8x128xf32, #tpu.memory_space<hbm>>) dst(%arg7 : memref<12x8x128xf32, #tpu.memory_space<vmem>>)
      %mul3A_143 = arith.constant 12 : i32
      %mul3A_144 = arith.muli %add3A_135, %mul3A_143 : i32
      %add3A_145 = arith.addi %mul3A_2, %mul3A_144 : i32
      %dma_start3A_146 = arith.constant 0 : i32
      %dma_start3A_147 = arith.constant 0 : i32
      %dma_start3A_148 = tpu.memref_slice %arg4[%add3A_145, %dma_start3A_146, %dma_start3A_147] : memref<25728x8x128xf32, #tpu.memory_space<hbm>> -> memref<12x8x128xf32, #tpu.memory_space<hbm>>
      %dma_start3A_149 = arith.constant 0 : i32
      %dma_start3A_150 = arith.constant 0 : i32
      %dma_start3A_151 = tpu.memref_slice %arg4[%add3A_145, %dma_start3A_149, %dma_start3A_150] : memref<25728x8x128xf32, #tpu.memory_space<hbm>> -> memref<12x8x128xf32, #tpu.memory_space<hbm>>
      tpu.enqueue_dma source(%arg7 : memref<12x8x128xf32, #tpu.memory_space<vmem>>) target(%dma_start3A_151 : memref<12x8x128xf32, #tpu.memory_space<hbm>>) target_semaphore(%arg11 : memref<!tpu.dma_semaphore, #tpu.memory_space<semaphore_mem>>)
      %dma_wait3A_152 = arith.constant 0 : i32
      %dma_wait3A_153 = arith.constant 0 : i32
      %dma_wait3A_154 = tpu.memref_slice %arg4[%add3A_145, %dma_wait3A_152, %dma_wait3A_153] : memref<25728x8x128xf32, #tpu.memory_space<hbm>> -> memref<12x8x128xf32, #tpu.memory_space<hbm>>
      %dma_wait3A_155 = arith.constant 0 : i32
      %dma_wait3A_156 = arith.constant 0 : i32
      %dma_wait3A_157 = tpu.memref_slice %arg4[%add3A_145, %dma_wait3A_155, %dma_wait3A_156] : memref<25728x8x128xf32, #tpu.memory_space<hbm>> -> memref<12x8x128xf32, #tpu.memory_space<hbm>>
      tpu.wait_dma2 semaphore(%arg11 : memref<!tpu.dma_semaphore, #tpu.memory_space<semaphore_mem>>) src(%arg7 : memref<12x8x128xf32, #tpu.memory_space<vmem>>) dst(%dma_wait3A_157 : memref<12x8x128xf32, #tpu.memory_space<hbm>>)
      %add3A_158 = arith.constant 2 : i32
      %add3A_159 = arith.addi %add3A_135, %add3A_158 : i32
      %dma_start3A_160 = arith.constant 0 : i32
      %dma_start3A_161 = tpu.memref_slice %arg5[%add3A_159, %dma_start3A_160] : memref<67x12xi32, #tpu.memory_space<vmem>> -> memref<1x12xi32, #tpu.memory_space<vmem>>
      %dma_start3A_162 = tpu.memref_squeeze %dma_start3A_161 : memref<1x12xi32, #tpu.memory_space<vmem>> -> memref<12xi32, #tpu.memory_space<vmem>>
      %dma_start3A_163 = arith.constant 0 : i32
      %dma_start3A_164 = arith.constant 0 : i32
      %dma_start3A_165 = arith.constant 0 : i32
      %dma_start3A_166 = tpu.memref_slice %arg3[%dma_start3A_163, %dma_start3A_164, %dma_start3A_165] : memref<100000x8x128xf32, #tpu.memory_space<hbm>> -> memref<100000x8x128xf32, #tpu.memory_space<hbm>>
      tpu.enqueue_indirect_dma source(%dma_start3A_166 : memref<100000x8x128xf32, #tpu.memory_space<hbm>>) target(%arg7 : memref<12x8x128xf32, #tpu.memory_space<vmem>>) offsets(%dma_start3A_162 : memref<12xi32, #tpu.memory_space<vmem>>) semaphore(%arg9 : memref<!tpu.dma_semaphore, #tpu.memory_space<semaphore_mem>>)
    }
    %scan3A_22 = arith.constant 32 : i32
    %dma_wait3A = arith.constant 64 : i32
    %dma_wait3A_23 = arith.constant 0 : i32
    %dma_wait3A_24 = tpu.memref_slice %arg5[%dma_wait3A, %dma_wait3A_23] : memref<67x12xi32, #tpu.memory_space<vmem>> -> memref<1x12xi32, #tpu.memory_space<vmem>>
    %dma_wait3A_25 = tpu.memref_squeeze %dma_wait3A_24 : memref<1x12xi32, #tpu.memory_space<vmem>> -> memref<12xi32, #tpu.memory_space<vmem>>
    %dma_wait3A_26 = arith.constant 0 : i32
    %dma_wait3A_27 = arith.constant 0 : i32
    %dma_wait3A_28 = arith.constant 0 : i32
    %dma_wait3A_29 = tpu.memref_slice %arg3[%dma_wait3A_26, %dma_wait3A_27, %dma_wait3A_28] : memref<100000x8x128xf32, #tpu.memory_space<hbm>> -> memref<100000x8x128xf32, #tpu.memory_space<hbm>>
    tpu.wait_indirect_dma semaphore(%arg8 : memref<!tpu.dma_semaphore, #tpu.memory_space<semaphore_mem>>) src(%dma_wait3A_29 : memref<100000x8x128xf32, #tpu.memory_space<hbm>>) dst(%arg6 : memref<12x8x128xf32, #tpu.memory_space<vmem>>)
    %add3A_30 = arith.constant 768 : i32
    %add3A_31 = arith.addi %mul3A_2, %add3A_30 : i32
    %dma_start3A_32 = arith.constant 0 : i32
    %dma_start3A_33 = arith.constant 0 : i32
    %dma_start3A_34 = tpu.memref_slice %arg4[%add3A_31, %dma_start3A_32, %dma_start3A_33] : memref<25728x8x128xf32, #tpu.memory_space<hbm>> -> memref<12x8x128xf32, #tpu.memory_space<hbm>>
    %dma_start3A_35 = arith.constant 0 : i32
    %dma_start3A_36 = arith.constant 0 : i32
    %dma_start3A_37 = tpu.memref_slice %arg4[%add3A_31, %dma_start3A_35, %dma_start3A_36] : memref<25728x8x128xf32, #tpu.memory_space<hbm>> -> memref<12x8x128xf32, #tpu.memory_space<hbm>>
    tpu.enqueue_dma source(%arg6 : memref<12x8x128xf32, #tpu.memory_space<vmem>>) target(%dma_start3A_37 : memref<12x8x128xf32, #tpu.memory_space<hbm>>) target_semaphore(%arg10 : memref<!tpu.dma_semaphore, #tpu.memory_space<semaphore_mem>>)
    %dma_wait3A_38 = arith.constant 0 : i32
    %dma_wait3A_39 = arith.constant 0 : i32
    %dma_wait3A_40 = tpu.memref_slice %arg4[%add3A_31, %dma_wait3A_38, %dma_wait3A_39] : memref<25728x8x128xf32, #tpu.memory_space<hbm>> -> memref<12x8x128xf32, #tpu.memory_space<hbm>>
    %dma_wait3A_41 = arith.constant 0 : i32
    %dma_wait3A_42 = arith.constant 0 : i32
    %dma_wait3A_43 = tpu.memref_slice %arg4[%add3A_31, %dma_wait3A_41, %dma_wait3A_42] : memref<25728x8x128xf32, #tpu.memory_space<hbm>> -> memref<12x8x128xf32, #tpu.memory_space<hbm>>
    tpu.wait_dma2 semaphore(%arg10 : memref<!tpu.dma_semaphore, #tpu.memory_space<semaphore_mem>>) src(%arg6 : memref<12x8x128xf32, #tpu.memory_space<vmem>>) dst(%dma_wait3A_43 : memref<12x8x128xf32, #tpu.memory_space<hbm>>)
    %dma_wait3A_44 = arith.constant 65 : i32
    %dma_wait3A_45 = arith.constant 0 : i32
    %dma_wait3A_46 = tpu.memref_slice %arg5[%dma_wait3A_44, %dma_wait3A_45] : memref<67x12xi32, #tpu.memory_space<vmem>> -> memref<1x12xi32, #tpu.memory_space<vmem>>
    %dma_wait3A_47 = tpu.memref_squeeze %dma_wait3A_46 : memref<1x12xi32, #tpu.memory_space<vmem>> -> memref<12xi32, #tpu.memory_space<vmem>>
    %dma_wait3A_48 = arith.constant 0 : i32
    %dma_wait3A_49 = arith.constant 0 : i32
    %dma_wait3A_50 = arith.constant 0 : i32
    %dma_wait3A_51 = tpu.memref_slice %arg3[%dma_wait3A_48, %dma_wait3A_49, %dma_wait3A_50] : memref<100000x8x128xf32, #tpu.memory_space<hbm>> -> memref<100000x8x128xf32, #tpu.memory_space<hbm>>
    tpu.wait_indirect_dma semaphore(%arg9 : memref<!tpu.dma_semaphore, #tpu.memory_space<semaphore_mem>>) src(%dma_wait3A_51 : memref<100000x8x128xf32, #tpu.memory_space<hbm>>) dst(%arg7 : memref<12x8x128xf32, #tpu.memory_space<vmem>>)
    %add3A_52 = arith.constant 780 : i32
    %add3A_53 = arith.addi %mul3A_2, %add3A_52 : i32
    %dma_start3A_54 = arith.constant 0 : i32
    %dma_start3A_55 = arith.constant 0 : i32
    %dma_start3A_56 = tpu.memref_slice %arg4[%add3A_53, %dma_start3A_54, %dma_start3A_55] : memref<25728x8x128xf32, #tpu.memory_space<hbm>> -> memref<12x8x128xf32, #tpu.memory_space<hbm>>
    %dma_start3A_57 = arith.constant 0 : i32
    %dma_start3A_58 = arith.constant 0 : i32
    %dma_start3A_59 = tpu.memref_slice %arg4[%add3A_53, %dma_start3A_57, %dma_start3A_58] : memref<25728x8x128xf32, #tpu.memory_space<hbm>> -> memref<12x8x128xf32, #tpu.memory_space<hbm>>
    tpu.enqueue_dma source(%arg7 : memref<12x8x128xf32, #tpu.memory_space<vmem>>) target(%dma_start3A_59 : memref<12x8x128xf32, #tpu.memory_space<hbm>>) target_semaphore(%arg11 : memref<!tpu.dma_semaphore, #tpu.memory_space<semaphore_mem>>)
    %dma_wait3A_60 = arith.constant 0 : i32
    %dma_wait3A_61 = arith.constant 0 : i32
    %dma_wait3A_62 = tpu.memref_slice %arg4[%add3A_53, %dma_wait3A_60, %dma_wait3A_61] : memref<25728x8x128xf32, #tpu.memory_space<hbm>> -> memref<12x8x128xf32, #tpu.memory_space<hbm>>
    %dma_wait3A_63 = arith.constant 0 : i32
    %dma_wait3A_64 = arith.constant 0 : i32
    %dma_wait3A_65 = tpu.memref_slice %arg4[%add3A_53, %dma_wait3A_63, %dma_wait3A_64] : memref<25728x8x128xf32, #tpu.memory_space<hbm>> -> memref<12x8x128xf32, #tpu.memory_space<hbm>>
    tpu.wait_dma2 semaphore(%arg11 : memref<!tpu.dma_semaphore, #tpu.memory_space<semaphore_mem>>) src(%arg7 : memref<12x8x128xf32, #tpu.memory_space<vmem>>) dst(%dma_wait3A_65 : memref<12x8x128xf32, #tpu.memory_space<hbm>>)
    %dma_start3A_66 = arith.constant 66 : i32
    %dma_start3A_67 = arith.constant 0 : i32
    %dma_start3A_68 = tpu.memref_slice %arg5[%dma_start3A_66, %dma_start3A_67] : memref<67x12xi32, #tpu.memory_space<vmem>> -> memref<1x12xi32, #tpu.memory_space<vmem>>
    %dma_start3A_69 = tpu.memref_squeeze %dma_start3A_68 : memref<1x12xi32, #tpu.memory_space<vmem>> -> memref<12xi32, #tpu.memory_space<vmem>>
    %dma_start3A_70 = arith.constant 0 : i32
    %dma_start3A_71 = arith.constant 0 : i32
    %dma_start3A_72 = arith.constant 0 : i32
    %dma_start3A_73 = tpu.memref_slice %arg3[%dma_start3A_70, %dma_start3A_71, %dma_start3A_72] : memref<100000x8x128xf32, #tpu.memory_space<hbm>> -> memref<100000x8x128xf32, #tpu.memory_space<hbm>>
    tpu.enqueue_indirect_dma source(%dma_start3A_73 : memref<100000x8x128xf32, #tpu.memory_space<hbm>>) target(%arg6 : memref<12x8x128xf32, #tpu.memory_space<vmem>>) offsets(%dma_start3A_69 : memref<12xi32, #tpu.memory_space<vmem>>) semaphore(%arg8 : memref<!tpu.dma_semaphore, #tpu.memory_space<semaphore_mem>>)
    %dma_wait3A_74 = arith.constant 66 : i32
    %dma_wait3A_75 = arith.constant 0 : i32
    %dma_wait3A_76 = tpu.memref_slice %arg5[%dma_wait3A_74, %dma_wait3A_75] : memref<67x12xi32, #tpu.memory_space<vmem>> -> memref<1x12xi32, #tpu.memory_space<vmem>>
    %dma_wait3A_77 = tpu.memref_squeeze %dma_wait3A_76 : memref<1x12xi32, #tpu.memory_space<vmem>> -> memref<12xi32, #tpu.memory_space<vmem>>
    %dma_wait3A_78 = arith.constant 0 : i32
    %dma_wait3A_79 = arith.constant 0 : i32
    %dma_wait3A_80 = arith.constant 0 : i32
    %dma_wait3A_81 = tpu.memref_slice %arg3[%dma_wait3A_78, %dma_wait3A_79, %dma_wait3A_80] : memref<100000x8x128xf32, #tpu.memory_space<hbm>> -> memref<100000x8x128xf32, #tpu.memory_space<hbm>>
    tpu.wait_indirect_dma semaphore(%arg8 : memref<!tpu.dma_semaphore, #tpu.memory_space<semaphore_mem>>) src(%dma_wait3A_81 : memref<100000x8x128xf32, #tpu.memory_space<hbm>>) dst(%arg6 : memref<12x8x128xf32, #tpu.memory_space<vmem>>)
    %add3A_82 = arith.constant 792 : i32
    %add3A_83 = arith.addi %mul3A_2, %add3A_82 : i32
    %dma_start3A_84 = arith.constant 0 : i32
    %dma_start3A_85 = arith.constant 0 : i32
    %dma_start3A_86 = tpu.memref_slice %arg4[%add3A_83, %dma_start3A_84, %dma_start3A_85] : memref<25728x8x128xf32, #tpu.memory_space<hbm>> -> memref<12x8x128xf32, #tpu.memory_space<hbm>>
    %dma_start3A_87 = arith.constant 0 : i32
    %dma_start3A_88 = arith.constant 0 : i32
    %dma_start3A_89 = tpu.memref_slice %arg4[%add3A_83, %dma_start3A_87, %dma_start3A_88] : memref<25728x8x128xf32, #tpu.memory_space<hbm>> -> memref<12x8x128xf32, #tpu.memory_space<hbm>>
    tpu.enqueue_dma source(%arg6 : memref<12x8x128xf32, #tpu.memory_space<vmem>>) target(%dma_start3A_89 : memref<12x8x128xf32, #tpu.memory_space<hbm>>) target_semaphore(%arg10 : memref<!tpu.dma_semaphore, #tpu.memory_space<semaphore_mem>>)
    %dma_wait3A_90 = arith.constant 0 : i32
    %dma_wait3A_91 = arith.constant 0 : i32
    %dma_wait3A_92 = tpu.memref_slice %arg4[%add3A_83, %dma_wait3A_90, %dma_wait3A_91] : memref<25728x8x128xf32, #tpu.memory_space<hbm>> -> memref<12x8x128xf32, #tpu.memory_space<hbm>>
    %dma_wait3A_93 = arith.constant 0 : i32
    %dma_wait3A_94 = arith.constant 0 : i32
    %dma_wait3A_95 = tpu.memref_slice %arg4[%add3A_83, %dma_wait3A_93, %dma_wait3A_94] : memref<25728x8x128xf32, #tpu.memory_space<hbm>> -> memref<12x8x128xf32, #tpu.memory_space<hbm>>
    tpu.wait_dma2 semaphore(%arg10 : memref<!tpu.dma_semaphore, #tpu.memory_space<semaphore_mem>>) src(%arg6 : memref<12x8x128xf32, #tpu.memory_space<vmem>>) dst(%dma_wait3A_95 : memref<12x8x128xf32, #tpu.memory_space<hbm>>)
    return
  }
}

module attributes {stable_mosaic.version = 14 : i64} {
  func.func @_repack_body(%arg0: i32, %arg1: memref<1000x1024xf32, #tpu.memory_space<vmem>>, %arg2: memref<1024x8x128xf32, #tpu.memory_space<vmem>>) attributes {dimension_semantics = [#tpu.dimension_semantics<arbitrary>], iteration_bounds = array<i64: 98>, scalar_prefetch = 0 : i64, scratch_operands = 0 : i64, tpu.core_type = #tpu.core_type<tc>, window_params = [{transform_indices = @transform_0, window_bounds = array<i64: 1000, 1024>}, {transform_indices = @transform_1, window_bounds = array<i64: 1024, 8, 128>}]} {
    %get3A = arith.constant 0 : index
    %get3A_0 = arith.constant 0 : index
    %get3A_1 = vector.load %arg1[%get3A, %get3A_0] : memref<1000x1024xf32, #tpu.memory_space<vmem>>, vector<1000x1024xf32>
    %transpose3A = tpu.transpose %get3A_1, [1, 0] : vector<1000x1024xf32> -> vector<1024x1000xf32>
    %slice3A = vector.extract_strided_slice %transpose3A {offsets = [0, 0], sizes = [1024, 128], strides = [1, 1]} : vector<1024x1000xf32> to vector<1024x128xf32>
    %swap3A = arith.constant 0 : index
    %swap3A_2 = arith.constant 0 : index
    %swap3A_3 = arith.constant 0 : index
    %swap3A_4 = vector.load %arg2[%swap3A, %swap3A_2, %swap3A_3] : memref<1024x8x128xf32, #tpu.memory_space<vmem>>, vector<1024x1x128xf32>
    %swap3A_5 = vector.shape_cast %swap3A_4 : vector<1024x1x128xf32> to vector<1024x128xf32>
    %swap3A_6 = vector.shape_cast %slice3A : vector<1024x128xf32> to vector<1024x1x128xf32>
    tpu.vector_store %arg2[%swap3A, %swap3A_2, %swap3A_3], %swap3A_6 {strides = array<i32>} : memref<1024x8x128xf32, #tpu.memory_space<vmem>>, vector<1024x1x128xf32>,
    %slice3A_7 = vector.extract_strided_slice %transpose3A {offsets = [0, 128], sizes = [1024, 128], strides = [1, 1]} : vector<1024x1000xf32> to vector<1024x128xf32>
    %swap3A_8 = arith.constant 0 : index
    %swap3A_9 = arith.constant 1 : index
    %swap3A_10 = arith.constant 0 : index
    %swap3A_11 = vector.load %arg2[%swap3A_8, %swap3A_9, %swap3A_10] : memref<1024x8x128xf32, #tpu.memory_space<vmem>>, vector<1024x1x128xf32>
    %swap3A_12 = vector.shape_cast %swap3A_11 : vector<1024x1x128xf32> to vector<1024x128xf32>
    %swap3A_13 = vector.shape_cast %slice3A_7 : vector<1024x128xf32> to vector<1024x1x128xf32>
    tpu.vector_store %arg2[%swap3A_8, %swap3A_9, %swap3A_10], %swap3A_13 {strides = array<i32>} : memref<1024x8x128xf32, #tpu.memory_space<vmem>>, vector<1024x1x128xf32>,
    %slice3A_14 = vector.extract_strided_slice %transpose3A {offsets = [0, 256], sizes = [1024, 128], strides = [1, 1]} : vector<1024x1000xf32> to vector<1024x128xf32>
    %swap3A_15 = arith.constant 0 : index
    %swap3A_16 = arith.constant 2 : index
    %swap3A_17 = arith.constant 0 : index
    %swap3A_18 = vector.load %arg2[%swap3A_15, %swap3A_16, %swap3A_17] : memref<1024x8x128xf32, #tpu.memory_space<vmem>>, vector<1024x1x128xf32>
    %swap3A_19 = vector.shape_cast %swap3A_18 : vector<1024x1x128xf32> to vector<1024x128xf32>
    %swap3A_20 = vector.shape_cast %slice3A_14 : vector<1024x128xf32> to vector<1024x1x128xf32>
    tpu.vector_store %arg2[%swap3A_15, %swap3A_16, %swap3A_17], %swap3A_20 {strides = array<i32>} : memref<1024x8x128xf32, #tpu.memory_space<vmem>>, vector<1024x1x128xf32>,
    %slice3A_21 = vector.extract_strided_slice %transpose3A {offsets = [0, 384], sizes = [1024, 128], strides = [1, 1]} : vector<1024x1000xf32> to vector<1024x128xf32>
    %swap3A_22 = arith.constant 0 : index
    %swap3A_23 = arith.constant 3 : index
    %swap3A_24 = arith.constant 0 : index
    %swap3A_25 = vector.load %arg2[%swap3A_22, %swap3A_23, %swap3A_24] : memref<1024x8x128xf32, #tpu.memory_space<vmem>>, vector<1024x1x128xf32>
    %swap3A_26 = vector.shape_cast %swap3A_25 : vector<1024x1x128xf32> to vector<1024x128xf32>
    %swap3A_27 = vector.shape_cast %slice3A_21 : vector<1024x128xf32> to vector<1024x1x128xf32>
    tpu.vector_store %arg2[%swap3A_22, %swap3A_23, %swap3A_24], %swap3A_27 {strides = array<i32>} : memref<1024x8x128xf32, #tpu.memory_space<vmem>>, vector<1024x1x128xf32>,
    %slice3A_28 = vector.extract_strided_slice %transpose3A {offsets = [0, 512], sizes = [1024, 128], strides = [1, 1]} : vector<1024x1000xf32> to vector<1024x128xf32>
    %swap3A_29 = arith.constant 0 : index
    %swap3A_30 = arith.constant 4 : index
    %swap3A_31 = arith.constant 0 : index
    %swap3A_32 = vector.load %arg2[%swap3A_29, %swap3A_30, %swap3A_31] : memref<1024x8x128xf32, #tpu.memory_space<vmem>>, vector<1024x1x128xf32>
    %swap3A_33 = vector.shape_cast %swap3A_32 : vector<1024x1x128xf32> to vector<1024x128xf32>
    %swap3A_34 = vector.shape_cast %slice3A_28 : vector<1024x128xf32> to vector<1024x1x128xf32>
    tpu.vector_store %arg2[%swap3A_29, %swap3A_30, %swap3A_31], %swap3A_34 {strides = array<i32>} : memref<1024x8x128xf32, #tpu.memory_space<vmem>>, vector<1024x1x128xf32>,
    %slice3A_35 = vector.extract_strided_slice %transpose3A {offsets = [0, 640], sizes = [1024, 128], strides = [1, 1]} : vector<1024x1000xf32> to vector<1024x128xf32>
    %swap3A_36 = arith.constant 0 : index
    %swap3A_37 = arith.constant 5 : index
    %swap3A_38 = arith.constant 0 : index
    %swap3A_39 = vector.load %arg2[%swap3A_36, %swap3A_37, %swap3A_38] : memref<1024x8x128xf32, #tpu.memory_space<vmem>>, vector<1024x1x128xf32>
    %swap3A_40 = vector.shape_cast %swap3A_39 : vector<1024x1x128xf32> to vector<1024x128xf32>
    %swap3A_41 = vector.shape_cast %slice3A_35 : vector<1024x128xf32> to vector<1024x1x128xf32>
    tpu.vector_store %arg2[%swap3A_36, %swap3A_37, %swap3A_38], %swap3A_41 {strides = array<i32>} : memref<1024x8x128xf32, #tpu.memory_space<vmem>>, vector<1024x1x128xf32>,
    %slice3A_42 = vector.extract_strided_slice %transpose3A {offsets = [0, 768], sizes = [1024, 128], strides = [1, 1]} : vector<1024x1000xf32> to vector<1024x128xf32>
    %swap3A_43 = arith.constant 0 : index
    %swap3A_44 = arith.constant 6 : index
    %swap3A_45 = arith.constant 0 : index
    %swap3A_46 = vector.load %arg2[%swap3A_43, %swap3A_44, %swap3A_45] : memref<1024x8x128xf32, #tpu.memory_space<vmem>>, vector<1024x1x128xf32>
    %swap3A_47 = vector.shape_cast %swap3A_46 : vector<1024x1x128xf32> to vector<1024x128xf32>
    %swap3A_48 = vector.shape_cast %slice3A_42 : vector<1024x128xf32> to vector<1024x1x128xf32>
    tpu.vector_store %arg2[%swap3A_43, %swap3A_44, %swap3A_45], %swap3A_48 {strides = array<i32>} : memref<1024x8x128xf32, #tpu.memory_space<vmem>>, vector<1024x1x128xf32>,
    %slice3A_49 = vector.extract_strided_slice %transpose3A {offsets = [0, 896], sizes = [1024, 104], strides = [1, 1]} : vector<1024x1000xf32> to vector<1024x104xf32>
    %broadcast_in_dim3A = arith.constant 0.000000e+00 : f32
    %broadcast_in_dim3A_50 = vector.broadcast %broadcast_in_dim3A : f32 to vector<1024x24xf32>
    %concatenate3A = tpu.concatenate %slice3A_49, %broadcast_in_dim3A_50 in 1 : vector<1024x104xf32>, vector<1024x24xf32> -> vector<1024x128xf32>
    %swap3A_51 = arith.constant 0 : index
    %swap3A_52 = arith.constant 7 : index
    %swap3A_53 = arith.constant 0 : index
    %swap3A_54 = vector.load %arg2[%swap3A_51, %swap3A_52, %swap3A_53] : memref<1024x8x128xf32, #tpu.memory_space<vmem>>, vector<1024x1x128xf32>
    %swap3A_55 = vector.shape_cast %swap3A_54 : vector<1024x1x128xf32> to vector<1024x128xf32>
    %swap3A_56 = vector.shape_cast %concatenate3A : vector<1024x128xf32> to vector<1024x1x128xf32>
    tpu.vector_store %arg2[%swap3A_51, %swap3A_52, %swap3A_53], %swap3A_56 {strides = array<i32>} : memref<1024x8x128xf32, #tpu.memory_space<vmem>>, vector<1024x1x128xf32>,
    return
  }
  func.func @transform_0(%arg0: i32) -> (i32, i32) {
    %c0_i32 = arith.constant 0 : i32
    %c0_i32_0 = arith.constant 0 : i32
    return %c0_i32, %arg0 : i32, i32
  }
  func.func @transform_1(%arg0: i32) -> (i32, i32, i32) {
    %c0_i32 = arith.constant 0 : i32
    %c0_i32_0 = arith.constant 0 : i32
    %c0_i32_1 = arith.constant 0 : i32
    return %arg0, %c0_i32, %c0_i32_0 : i32, i32, i32
  }
}

module attributes {stable_mosaic.version = 14 : i64} {
  func.func @_score_body(%arg0: i32, %arg1: memref<128x3xi32, #tpu.memory_space<smem>>, %arg2: memref<1x8x128xf32, #tpu.memory_space<vmem>>, %arg3: memref<1x3x8x128xf32, #tpu.memory_space<vmem>>, %arg4: memref<1x8x128xf32, #tpu.memory_space<vmem>>, %arg5: memref<1x3x8x128xf32, #tpu.memory_space<vmem>>, %arg6: memref<1x8x128xf32, #tpu.memory_space<vmem>>, %arg7: memref<1x3x8x128xf32, #tpu.memory_space<vmem>>, %arg8: memref<1x8x128xf32, #tpu.memory_space<vmem>>, %arg9: memref<1x3x8x128xf32, #tpu.memory_space<vmem>>, %arg10: memref<804x8x128xf32, #tpu.memory_space<vmem>>, %arg11: memref<4x1x201xf32, #tpu.memory_space<vmem>>) attributes {dimension_semantics = [#tpu.dimension_semantics<arbitrary>], iteration_bounds = array<i64: 32>, scalar_prefetch = 1 : i64, scratch_operands = 0 : i64, tpu.core_type = #tpu.core_type<tc>, window_params = [{transform_indices = @transform_0, window_bounds = array<i64: 1, 8, 128>}, {transform_indices = @transform_1, window_bounds = array<i64: 1, 3, 8, 128>}, {transform_indices = @transform_2, window_bounds = array<i64: 1, 8, 128>}, {transform_indices = @transform_3, window_bounds = array<i64: 1, 3, 8, 128>}, {transform_indices = @transform_4, window_bounds = array<i64: 1, 8, 128>}, {transform_indices = @transform_5, window_bounds = array<i64: 1, 3, 8, 128>}, {transform_indices = @transform_6, window_bounds = array<i64: 1, 8, 128>}, {transform_indices = @transform_7, window_bounds = array<i64: 1, 3, 8, 128>}, {transform_indices = @transform_8, window_bounds = array<i64: 804, 8, 128>}, {transform_indices = @transform_9, window_bounds = array<i64: 4, 1, 201>}]} {
    %iota3A = tpu.iota {dimensions = array<i32: 0>} : vector<8x128xi32>
    %mul3A = arith.constant 128 : i32
    %mul3A_0 = vector.broadcast %mul3A : i32 to vector<8x128xi32>
    %mul3A_1 = arith.muli %iota3A, %mul3A_0 : vector<8x128xi32>
    %iota3A_2 = tpu.iota {dimensions = array<i32: 1>} : vector<8x128xi32>
    %add3A = arith.addi %mul3A_1, %iota3A_2 : vector<8x128xi32>
    %lt3A = arith.constant 500 : i32
    %lt3A_3 = vector.broadcast %lt3A : i32 to vector<8x128xi32>
    %lt3A_4 = arith.cmpi slt, %add3A, %lt3A_3 : vector<8x128xi32>
    %get3A = arith.constant 0 : index
    %get3A_5 = arith.constant 0 : index
    %get3A_6 = arith.constant 0 : index
    %get3A_7 = vector.load %arg2[%get3A, %get3A_5, %get3A_6] : memref<1x8x128xf32, #tpu.memory_space<vmem>>, vector<1x8x128xf32>
    %get3A_8 = vector.shape_cast %get3A_7 : vector<1x8x128xf32> to vector<8x128xf32>
    %get3A_9 = arith.constant 0 : index
    %get3A_10 = arith.constant 0 : index
    %get3A_11 = arith.constant 0 : index
    %get3A_12 = arith.constant 0 : index
    %get3A_13 = vector.load %arg3[%get3A_9, %get3A_10, %get3A_11, %get3A_12] : memref<1x3x8x128xf32, #tpu.memory_space<vmem>>, vector<1x1x8x128xf32>
    %get3A_14 = vector.shape_cast %get3A_13 : vector<1x1x8x128xf32> to vector<8x128xf32>
    %get3A_15 = arith.constant 0 : index
    %get3A_16 = arith.constant 1 : index
    %get3A_17 = arith.constant 0 : index
    %get3A_18 = arith.constant 0 : index
    %get3A_19 = vector.load %arg3[%get3A_15, %get3A_16, %get3A_17, %get3A_18] : memref<1x3x8x128xf32, #tpu.memory_space<vmem>>, vector<1x1x8x128xf32>
    %get3A_20 = vector.shape_cast %get3A_19 : vector<1x1x8x128xf32> to vector<8x128xf32>
    %get3A_21 = arith.constant 0 : index
    %get3A_22 = arith.constant 2 : index
    %get3A_23 = arith.constant 0 : index
    %get3A_24 = arith.constant 0 : index
    %get3A_25 = vector.load %arg3[%get3A_21, %get3A_22, %get3A_23, %get3A_24] : memref<1x3x8x128xf32, #tpu.memory_space<vmem>>, vector<1x1x8x128xf32>
    %get3A_26 = vector.shape_cast %get3A_25 : vector<1x1x8x128xf32> to vector<8x128xf32>
    %add3A_27 = arith.addf %get3A_8, %get3A_14 : vector<8x128xf32>
    %mul3A_28 = arith.constant 56.0998688 : f32
    %mul3A_29 = vector.broadcast %mul3A_28 : f32 to vector<8x128xf32>
    %mul3A_30 = arith.mulf %add3A_27, %mul3A_29 : vector<8x128xf32>
    %mul3A_31 = arith.mulf %get3A_8, %get3A_20 : vector<8x128xf32>
    %get3A_32 = arith.constant 0 : index
    %get3A_33 = arith.constant 0 : index
    %get3A_34 = arith.constant 0 : index
    %get3A_35 = vector.load %arg10[%get3A_32, %get3A_33, %get3A_34] : memref<804x8x128xf32, #tpu.memory_space<vmem>>, vector<201x8x128xf32>
    %broadcast_in_dim3A = vector.shape_cast %mul3A_30 : vector<8x128xf32> to vector<1x8x128xf32>
    %mul3A_36 = arith.constant 56.0998688 : f32
    %mul3A_37 = vector.broadcast %mul3A_36 : f32 to vector<201x8x128xf32>
    %mul3A_38 = arith.mulf %get3A_35, %mul3A_37 : vector<201x8x128xf32>
    %sub3A = vector.broadcast %broadcast_in_dim3A : vector<1x8x128xf32> to vector<201x8x128xf32>
    %sub3A_39 = arith.subf %sub3A, %mul3A_38 : vector<201x8x128xf32>
    %broadcast_in_dim3A_40 = vector.shape_cast %lt3A_4 : vector<8x128xi1> to vector<1x8x128xi1>
    %abs3A = math.absf %sub3A_39 : vector<201x8x128xf32>
    %gt3A = arith.constant 3.14159274 : f32
    %gt3A_41 = vector.broadcast %gt3A : f32 to vector<201x8x128xf32>
    %gt3A_42 = arith.cmpf ogt, %abs3A, %gt3A_41 : vector<201x8x128xf32>
    %sub3A_43 = arith.constant 3.14159274 : f32
    %sub3A_44 = vector.broadcast %sub3A_43 : f32 to vector<201x8x128xf32>
    %sub3A_45 = arith.subf %abs3A, %sub3A_44 : vector<201x8x128xf32>
    %select_n3A = arith.select %gt3A_42, %sub3A_45, %abs3A : vector<201x8x128xi1>, vector<201x8x128xf32>
    %sub3A_46 = arith.constant 1.57079637 : f32
    %sub3A_47 = vector.broadcast %sub3A_46 : f32 to vector<201x8x128xf32>
    %sub3A_48 = arith.subf %select_n3A, %sub3A_47 : vector<201x8x128xf32>
    %mul3A_49 = arith.mulf %sub3A_48, %sub3A_48 : vector<201x8x128xf32>
    %mul3A_50 = arith.constant 2.48015876E-5 : f32
    %mul3A_51 = vector.broadcast %mul3A_50 : f32 to vector<201x8x128xf32>
    %mul3A_52 = arith.mulf %mul3A_49, %mul3A_51 : vector<201x8x128xf32>
    %add3A_53 = arith.constant -0.00138888892 : f32
    %add3A_54 = vector.broadcast %add3A_53 : f32 to vector<201x8x128xf32>
    %add3A_55 = arith.addf %add3A_54, %mul3A_52 : vector<201x8x128xf32>
    %mul3A_56 = arith.mulf %mul3A_49, %add3A_55 : vector<201x8x128xf32>
    %add3A_57 = arith.constant 0.0416666679 : f32
    %add3A_58 = vector.broadcast %add3A_57 : f32 to vector<201x8x128xf32>
    %add3A_59 = arith.addf %add3A_58, %mul3A_56 : vector<201x8x128xf32>
    %mul3A_60 = arith.mulf %mul3A_49, %add3A_59 : vector<201x8x128xf32>
    %add3A_61 = arith.constant -5.000000e-01 : f32
    %add3A_62 = vector.broadcast %add3A_61 : f32 to vector<201x8x128xf32>
    %add3A_63 = arith.addf %add3A_62, %mul3A_60 : vector<201x8x128xf32>
    %mul3A_64 = arith.mulf %mul3A_49, %add3A_63 : vector<201x8x128xf32>
    %add3A_65 = arith.constant 1.000000e+00 : f32
    %add3A_66 = vector.broadcast %add3A_65 : f32 to vector<201x8x128xf32>
    %add3A_67 = arith.addf %add3A_66, %mul3A_64 : vector<201x8x128xf32>
    %abs3A_68 = math.absf %add3A_67 : vector<201x8x128xf32>
    %jit3A = arith.constant 0.000000e+00 : f32
    %broadcast_in_dim3A_69 = vector.shape_cast %broadcast_in_dim3A_40 : vector<1x8x128xi1> to vector<1x8x128xi1>
    %broadcast_in_dim3A_70 = vector.broadcast %broadcast_in_dim3A_69 : vector<1x8x128xi1> to vector<201x8x128xi1>
    %broadcast_in_dim3A_71 = vector.broadcast %jit3A : f32 to vector<201x8x128xf32>
    %select_n3A_72 = arith.select %broadcast_in_dim3A_70, %abs3A_68, %broadcast_in_dim3A_71 : vector<201x8x128xi1>, vector<201x8x128xf32>
    %reduce_sum3A = arith.constant dense<0.000000e+00> : vector<201x128xf32>
    %reduce_sum3A_73 = vector.multi_reduction <add>, %select_n3A_72, %reduce_sum3A [1] : vector<201x8x128xf32> to vector<201x128xf32>
    %reduce_sum3A_74 = arith.constant dense<0.000000e+00> : vector<201xf32>
    %reduce_sum3A_75 = vector.multi_reduction <add>, %reduce_sum3A_73, %reduce_sum3A_74 [1] : vector<201x128xf32> to vector<201xf32>
    %broadcast_in_dim3A_76 = vector.shape_cast %mul3A_31 : vector<8x128xf32> to vector<1x8x128xf32>
    %broadcast_in_dim3A_77 = vector.shape_cast %get3A_26 : vector<8x128xf32> to vector<1x8x128xf32>
    %mul3A_78 = vector.broadcast %broadcast_in_dim3A_77 : vector<1x8x128xf32> to vector<201x8x128xf32>
    %mul3A_79 = arith.mulf %get3A_35, %mul3A_78 : vector<201x8x128xf32>
    %sub3A_80 = vector.broadcast %broadcast_in_dim3A_76 : vector<1x8x128xf32> to vector<201x8x128xf32>
    %sub3A_81 = arith.subf %sub3A_80, %mul3A_79 : vector<201x8x128xf32>
    %mul3A_82 = arith.mulf %sub3A_81, %sub3A_81 : vector<201x8x128xf32>
    %reduce_sum3A_83 = arith.constant dense<0.000000e+00> : vector<201x128xf32>
    %reduce_sum3A_84 = vector.multi_reduction <add>, %mul3A_82, %reduce_sum3A_83 [1] : vector<201x8x128xf32> to vector<201x128xf32>
    %reduce_sum3A_85 = arith.constant dense<0.000000e+00> : vector<201xf32>
    %reduce_sum3A_86 = vector.multi_reduction <add>, %reduce_sum3A_84, %reduce_sum3A_85 [1] : vector<201x128xf32> to vector<201xf32>
    %mul3A_87 = arith.constant 1.400000e-02 : f32
    %mul3A_88 = vector.broadcast %mul3A_87 : f32 to vector<201xf32>
    %mul3A_89 = arith.mulf %reduce_sum3A_75, %mul3A_88 : vector<201xf32>
    %sqrt3A = math.sqrt %reduce_sum3A_86 : vector<201xf32>
    %add3A_90 = arith.addf %mul3A_89, %sqrt3A : vector<201xf32>
    %sub3A_91 = arith.constant 1.200000e+01 : f32
    %sub3A_92 = vector.broadcast %sub3A_91 : f32 to vector<201xf32>
    %sub3A_93 = arith.subf %sub3A_92, %add3A_90 : vector<201xf32>
    %swap3A = arith.constant 0 : index
    %swap3A_94 = arith.constant 0 : index
    %swap3A_95 = arith.constant 0 : index
    %swap3A_96 = vector.load %arg11[%swap3A, %swap3A_94, %swap3A_95] : memref<4x1x201xf32, #tpu.memory_space<vmem>>, vector<1x1x201xf32>
    %swap3A_97 = vector.shape_cast %swap3A_96 : vector<1x1x201xf32> to vector<201xf32>
    %swap3A_98 = vector.shape_cast %sub3A_93 : vector<201xf32> to vector<1x1x201xf32>
    tpu.vector_store %arg11[%swap3A, %swap3A_94, %swap3A_95], %swap3A_98 {strides = array<i32>} : memref<4x1x201xf32, #tpu.memory_space<vmem>>, vector<1x1x201xf32>,
    %get3A_99 = arith.constant 0 : index
    %get3A_100 = arith.constant 0 : index
    %get3A_101 = arith.constant 0 : index
    %get3A_102 = vector.load %arg4[%get3A_99, %get3A_100, %get3A_101] : memref<1x8x128xf32, #tpu.memory_space<vmem>>, vector<1x8x128xf32>
    %get3A_103 = vector.shape_cast %get3A_102 : vector<1x8x128xf32> to vector<8x128xf32>
    %get3A_104 = arith.constant 0 : index
    %get3A_105 = arith.constant 0 : index
    %get3A_106 = arith.constant 0 : index
    %get3A_107 = arith.constant 0 : index
    %get3A_108 = vector.load %arg5[%get3A_104, %get3A_105, %get3A_106, %get3A_107] : memref<1x3x8x128xf32, #tpu.memory_space<vmem>>, vector<1x1x8x128xf32>
    %get3A_109 = vector.shape_cast %get3A_108 : vector<1x1x8x128xf32> to vector<8x128xf32>
    %get3A_110 = arith.constant 0 : index
    %get3A_111 = arith.constant 1 : index
    %get3A_112 = arith.constant 0 : index
    %get3A_113 = arith.constant 0 : index
    %get3A_114 = vector.load %arg5[%get3A_110, %get3A_111, %get3A_112, %get3A_113] : memref<1x3x8x128xf32, #tpu.memory_space<vmem>>, vector<1x1x8x128xf32>
    %get3A_115 = vector.shape_cast %get3A_114 : vector<1x1x8x128xf32> to vector<8x128xf32>
    %get3A_116 = arith.constant 0 : index
    %get3A_117 = arith.constant 2 : index
    %get3A_118 = arith.constant 0 : index
    %get3A_119 = arith.constant 0 : index
    %get3A_120 = vector.load %arg5[%get3A_116, %get3A_117, %get3A_118, %get3A_119] : memref<1x3x8x128xf32, #tpu.memory_space<vmem>>, vector<1x1x8x128xf32>
    %get3A_121 = vector.shape_cast %get3A_120 : vector<1x1x8x128xf32> to vector<8x128xf32>
    %add3A_122 = arith.addf %get3A_103, %get3A_109 : vector<8x128xf32>
    %mul3A_123 = arith.constant 56.0998688 : f32
    %mul3A_124 = vector.broadcast %mul3A_123 : f32 to vector<8x128xf32>
    %mul3A_125 = arith.mulf %add3A_122, %mul3A_124 : vector<8x128xf32>
    %mul3A_126 = arith.mulf %get3A_103, %get3A_115 : vector<8x128xf32>
    %get3A_127 = arith.constant 201 : index
    %get3A_128 = arith.constant 0 : index
    %get3A_129 = arith.constant 0 : index
    %get3A_130 = vector.load %arg10[%get3A_127, %get3A_128, %get3A_129] : memref<804x8x128xf32, #tpu.memory_space<vmem>>, vector<201x8x128xf32>
    %broadcast_in_dim3A_131 = vector.shape_cast %mul3A_125 : vector<8x128xf32> to vector<1x8x128xf32>
    %mul3A_132 = arith.constant 56.0998688 : f32
    %mul3A_133 = vector.broadcast %mul3A_132 : f32 to vector<201x8x128xf32>
    %mul3A_134 = arith.mulf %get3A_130, %mul3A_133 : vector<201x8x128xf32>
    %sub3A_135 = vector.broadcast %broadcast_in_dim3A_131 : vector<1x8x128xf32> to vector<201x8x128xf32>
    %sub3A_136 = arith.subf %sub3A_135, %mul3A_134 : vector<201x8x128xf32>
    %broadcast_in_dim3A_137 = vector.shape_cast %lt3A_4 : vector<8x128xi1> to vector<1x8x128xi1>
    %abs3A_138 = math.absf %sub3A_136 : vector<201x8x128xf32>
    %gt3A_139 = arith.constant 3.14159274 : f32
    %gt3A_140 = vector.broadcast %gt3A_139 : f32 to vector<201x8x128xf32>
    %gt3A_141 = arith.cmpf ogt, %abs3A_138, %gt3A_140 : vector<201x8x128xf32>
    %sub3A_142 = arith.constant 3.14159274 : f32
    %sub3A_143 = vector.broadcast %sub3A_142 : f32 to vector<201x8x128xf32>
    %sub3A_144 = arith.subf %abs3A_138, %sub3A_143 : vector<201x8x128xf32>
    %select_n3A_145 = arith.select %gt3A_141, %sub3A_144, %abs3A_138 : vector<201x8x128xi1>, vector<201x8x128xf32>
    %sub3A_146 = arith.constant 1.57079637 : f32
    %sub3A_147 = vector.broadcast %sub3A_146 : f32 to vector<201x8x128xf32>
    %sub3A_148 = arith.subf %select_n3A_145, %sub3A_147 : vector<201x8x128xf32>
    %mul3A_149 = arith.mulf %sub3A_148, %sub3A_148 : vector<201x8x128xf32>
    %mul3A_150 = arith.constant 2.48015876E-5 : f32
    %mul3A_151 = vector.broadcast %mul3A_150 : f32 to vector<201x8x128xf32>
    %mul3A_152 = arith.mulf %mul3A_149, %mul3A_151 : vector<201x8x128xf32>
    %add3A_153 = arith.constant -0.00138888892 : f32
    %add3A_154 = vector.broadcast %add3A_153 : f32 to vector<201x8x128xf32>
    %add3A_155 = arith.addf %add3A_154, %mul3A_152 : vector<201x8x128xf32>
    %mul3A_156 = arith.mulf %mul3A_149, %add3A_155 : vector<201x8x128xf32>
    %add3A_157 = arith.constant 0.0416666679 : f32
    %add3A_158 = vector.broadcast %add3A_157 : f32 to vector<201x8x128xf32>
    %add3A_159 = arith.addf %add3A_158, %mul3A_156 : vector<201x8x128xf32>
    %mul3A_160 = arith.mulf %mul3A_149, %add3A_159 : vector<201x8x128xf32>
    %add3A_161 = arith.constant -5.000000e-01 : f32
    %add3A_162 = vector.broadcast %add3A_161 : f32 to vector<201x8x128xf32>
    %add3A_163 = arith.addf %add3A_162, %mul3A_160 : vector<201x8x128xf32>
    %mul3A_164 = arith.mulf %mul3A_149, %add3A_163 : vector<201x8x128xf32>
    %add3A_165 = arith.constant 1.000000e+00 : f32
    %add3A_166 = vector.broadcast %add3A_165 : f32 to vector<201x8x128xf32>
    %add3A_167 = arith.addf %add3A_166, %mul3A_164 : vector<201x8x128xf32>
    %abs3A_168 = math.absf %add3A_167 : vector<201x8x128xf32>
    %jit3A_169 = arith.constant 0.000000e+00 : f32
    %broadcast_in_dim3A_170 = vector.shape_cast %broadcast_in_dim3A_137 : vector<1x8x128xi1> to vector<1x8x128xi1>
    %broadcast_in_dim3A_171 = vector.broadcast %broadcast_in_dim3A_170 : vector<1x8x128xi1> to vector<201x8x128xi1>
    %broadcast_in_dim3A_172 = vector.broadcast %jit3A_169 : f32 to vector<201x8x128xf32>
    %select_n3A_173 = arith.select %broadcast_in_dim3A_171, %abs3A_168, %broadcast_in_dim3A_172 : vector<201x8x128xi1>, vector<201x8x128xf32>
    %reduce_sum3A_174 = arith.constant dense<0.000000e+00> : vector<201x128xf32>
    %reduce_sum3A_175 = vector.multi_reduction <add>, %select_n3A_173, %reduce_sum3A_174 [1] : vector<201x8x128xf32> to vector<201x128xf32>
    %reduce_sum3A_176 = arith.constant dense<0.000000e+00> : vector<201xf32>
    %reduce_sum3A_177 = vector.multi_reduction <add>, %reduce_sum3A_175, %reduce_sum3A_176 [1] : vector<201x128xf32> to vector<201xf32>
    %broadcast_in_dim3A_178 = vector.shape_cast %mul3A_126 : vector<8x128xf32> to vector<1x8x128xf32>
    %broadcast_in_dim3A_179 = vector.shape_cast %get3A_121 : vector<8x128xf32> to vector<1x8x128xf32>
    %mul3A_180 = vector.broadcast %broadcast_in_dim3A_179 : vector<1x8x128xf32> to vector<201x8x128xf32>
    %mul3A_181 = arith.mulf %get3A_130, %mul3A_180 : vector<201x8x128xf32>
    %sub3A_182 = vector.broadcast %broadcast_in_dim3A_178 : vector<1x8x128xf32> to vector<201x8x128xf32>
    %sub3A_183 = arith.subf %sub3A_182, %mul3A_181 : vector<201x8x128xf32>
    %mul3A_184 = arith.mulf %sub3A_183, %sub3A_183 : vector<201x8x128xf32>
    %reduce_sum3A_185 = arith.constant dense<0.000000e+00> : vector<201x128xf32>
    %reduce_sum3A_186 = vector.multi_reduction <add>, %mul3A_184, %reduce_sum3A_185 [1] : vector<201x8x128xf32> to vector<201x128xf32>
    %reduce_sum3A_187 = arith.constant dense<0.000000e+00> : vector<201xf32>
    %reduce_sum3A_188 = vector.multi_reduction <add>, %reduce_sum3A_186, %reduce_sum3A_187 [1] : vector<201x128xf32> to vector<201xf32>
    %mul3A_189 = arith.constant 1.400000e-02 : f32
    %mul3A_190 = vector.broadcast %mul3A_189 : f32 to vector<201xf32>
    %mul3A_191 = arith.mulf %reduce_sum3A_177, %mul3A_190 : vector<201xf32>
    %sqrt3A_192 = math.sqrt %reduce_sum3A_188 : vector<201xf32>
    %add3A_193 = arith.addf %mul3A_191, %sqrt3A_192 : vector<201xf32>
    %sub3A_194 = arith.constant 1.200000e+01 : f32
    %sub3A_195 = vector.broadcast %sub3A_194 : f32 to vector<201xf32>
    %sub3A_196 = arith.subf %sub3A_195, %add3A_193 : vector<201xf32>
    %swap3A_197 = arith.constant 1 : index
    %swap3A_198 = arith.constant 0 : index
    %swap3A_199 = arith.constant 0 : index
    %swap3A_200 = vector.load %arg11[%swap3A_197, %swap3A_198, %swap3A_199] : memref<4x1x201xf32, #tpu.memory_space<vmem>>, vector<1x1x201xf32>
    %swap3A_201 = vector.shape_cast %swap3A_200 : vector<1x1x201xf32> to vector<201xf32>
    %swap3A_202 = vector.shape_cast %sub3A_196 : vector<201xf32> to vector<1x1x201xf32>
    tpu.vector_store %arg11[%swap3A_197, %swap3A_198, %swap3A_199], %swap3A_202 {strides = array<i32>} : memref<4x1x201xf32, #tpu.memory_space<vmem>>, vector<1x1x201xf32>,
    %get3A_203 = arith.constant 0 : index
    %get3A_204 = arith.constant 0 : index
    %get3A_205 = arith.constant 0 : index
    %get3A_206 = vector.load %arg6[%get3A_203, %get3A_204, %get3A_205] : memref<1x8x128xf32, #tpu.memory_space<vmem>>, vector<1x8x128xf32>
    %get3A_207 = vector.shape_cast %get3A_206 : vector<1x8x128xf32> to vector<8x128xf32>
    %get3A_208 = arith.constant 0 : index
    %get3A_209 = arith.constant 0 : index
    %get3A_210 = arith.constant 0 : index
    %get3A_211 = arith.constant 0 : index
    %get3A_212 = vector.load %arg7[%get3A_208, %get3A_209, %get3A_210, %get3A_211] : memref<1x3x8x128xf32, #tpu.memory_space<vmem>>, vector<1x1x8x128xf32>
    %get3A_213 = vector.shape_cast %get3A_212 : vector<1x1x8x128xf32> to vector<8x128xf32>
    %get3A_214 = arith.constant 0 : index
    %get3A_215 = arith.constant 1 : index
    %get3A_216 = arith.constant 0 : index
    %get3A_217 = arith.constant 0 : index
    %get3A_218 = vector.load %arg7[%get3A_214, %get3A_215, %get3A_216, %get3A_217] : memref<1x3x8x128xf32, #tpu.memory_space<vmem>>, vector<1x1x8x128xf32>
    %get3A_219 = vector.shape_cast %get3A_218 : vector<1x1x8x128xf32> to vector<8x128xf32>
    %get3A_220 = arith.constant 0 : index
    %get3A_221 = arith.constant 2 : index
    %get3A_222 = arith.constant 0 : index
    %get3A_223 = arith.constant 0 : index
    %get3A_224 = vector.load %arg7[%get3A_220, %get3A_221, %get3A_222, %get3A_223] : memref<1x3x8x128xf32, #tpu.memory_space<vmem>>, vector<1x1x8x128xf32>
    %get3A_225 = vector.shape_cast %get3A_224 : vector<1x1x8x128xf32> to vector<8x128xf32>
    %add3A_226 = arith.addf %get3A_207, %get3A_213 : vector<8x128xf32>
    %mul3A_227 = arith.constant 56.0998688 : f32
    %mul3A_228 = vector.broadcast %mul3A_227 : f32 to vector<8x128xf32>
    %mul3A_229 = arith.mulf %add3A_226, %mul3A_228 : vector<8x128xf32>
    %mul3A_230 = arith.mulf %get3A_207, %get3A_219 : vector<8x128xf32>
    %get3A_231 = arith.constant 402 : index
    %get3A_232 = arith.constant 0 : index
    %get3A_233 = arith.constant 0 : index
    %get3A_234 = vector.load %arg10[%get3A_231, %get3A_232, %get3A_233] : memref<804x8x128xf32, #tpu.memory_space<vmem>>, vector<201x8x128xf32>
    %broadcast_in_dim3A_235 = vector.shape_cast %mul3A_229 : vector<8x128xf32> to vector<1x8x128xf32>
    %mul3A_236 = arith.constant 56.0998688 : f32
    %mul3A_237 = vector.broadcast %mul3A_236 : f32 to vector<201x8x128xf32>
    %mul3A_238 = arith.mulf %get3A_234, %mul3A_237 : vector<201x8x128xf32>
    %sub3A_239 = vector.broadcast %broadcast_in_dim3A_235 : vector<1x8x128xf32> to vector<201x8x128xf32>
    %sub3A_240 = arith.subf %sub3A_239, %mul3A_238 : vector<201x8x128xf32>
    %broadcast_in_dim3A_241 = vector.shape_cast %lt3A_4 : vector<8x128xi1> to vector<1x8x128xi1>
    %abs3A_242 = math.absf %sub3A_240 : vector<201x8x128xf32>
    %gt3A_243 = arith.constant 3.14159274 : f32
    %gt3A_244 = vector.broadcast %gt3A_243 : f32 to vector<201x8x128xf32>
    %gt3A_245 = arith.cmpf ogt, %abs3A_242, %gt3A_244 : vector<201x8x128xf32>
    %sub3A_246 = arith.constant 3.14159274 : f32
    %sub3A_247 = vector.broadcast %sub3A_246 : f32 to vector<201x8x128xf32>
    %sub3A_248 = arith.subf %abs3A_242, %sub3A_247 : vector<201x8x128xf32>
    %select_n3A_249 = arith.select %gt3A_245, %sub3A_248, %abs3A_242 : vector<201x8x128xi1>, vector<201x8x128xf32>
    %sub3A_250 = arith.constant 1.57079637 : f32
    %sub3A_251 = vector.broadcast %sub3A_250 : f32 to vector<201x8x128xf32>
    %sub3A_252 = arith.subf %select_n3A_249, %sub3A_251 : vector<201x8x128xf32>
    %mul3A_253 = arith.mulf %sub3A_252, %sub3A_252 : vector<201x8x128xf32>
    %mul3A_254 = arith.constant 2.48015876E-5 : f32
    %mul3A_255 = vector.broadcast %mul3A_254 : f32 to vector<201x8x128xf32>
    %mul3A_256 = arith.mulf %mul3A_253, %mul3A_255 : vector<201x8x128xf32>
    %add3A_257 = arith.constant -0.00138888892 : f32
    %add3A_258 = vector.broadcast %add3A_257 : f32 to vector<201x8x128xf32>
    %add3A_259 = arith.addf %add3A_258, %mul3A_256 : vector<201x8x128xf32>
    %mul3A_260 = arith.mulf %mul3A_253, %add3A_259 : vector<201x8x128xf32>
    %add3A_261 = arith.constant 0.0416666679 : f32
    %add3A_262 = vector.broadcast %add3A_261 : f32 to vector<201x8x128xf32>
    %add3A_263 = arith.addf %add3A_262, %mul3A_260 : vector<201x8x128xf32>
    %mul3A_264 = arith.mulf %mul3A_253, %add3A_263 : vector<201x8x128xf32>
    %add3A_265 = arith.constant -5.000000e-01 : f32
    %add3A_266 = vector.broadcast %add3A_265 : f32 to vector<201x8x128xf32>
    %add3A_267 = arith.addf %add3A_266, %mul3A_264 : vector<201x8x128xf32>
    %mul3A_268 = arith.mulf %mul3A_253, %add3A_267 : vector<201x8x128xf32>
    %add3A_269 = arith.constant 1.000000e+00 : f32
    %add3A_270 = vector.broadcast %add3A_269 : f32 to vector<201x8x128xf32>
    %add3A_271 = arith.addf %add3A_270, %mul3A_268 : vector<201x8x128xf32>
    %abs3A_272 = math.absf %add3A_271 : vector<201x8x128xf32>
    %jit3A_273 = arith.constant 0.000000e+00 : f32
    %broadcast_in_dim3A_274 = vector.shape_cast %broadcast_in_dim3A_241 : vector<1x8x128xi1> to vector<1x8x128xi1>
    %broadcast_in_dim3A_275 = vector.broadcast %broadcast_in_dim3A_274 : vector<1x8x128xi1> to vector<201x8x128xi1>
    %broadcast_in_dim3A_276 = vector.broadcast %jit3A_273 : f32 to vector<201x8x128xf32>
    %select_n3A_277 = arith.select %broadcast_in_dim3A_275, %abs3A_272, %broadcast_in_dim3A_276 : vector<201x8x128xi1>, vector<201x8x128xf32>
    %reduce_sum3A_278 = arith.constant dense<0.000000e+00> : vector<201x128xf32>
    %reduce_sum3A_279 = vector.multi_reduction <add>, %select_n3A_277, %reduce_sum3A_278 [1] : vector<201x8x128xf32> to vector<201x128xf32>
    %reduce_sum3A_280 = arith.constant dense<0.000000e+00> : vector<201xf32>
    %reduce_sum3A_281 = vector.multi_reduction <add>, %reduce_sum3A_279, %reduce_sum3A_280 [1] : vector<201x128xf32> to vector<201xf32>
    %broadcast_in_dim3A_282 = vector.shape_cast %mul3A_230 : vector<8x128xf32> to vector<1x8x128xf32>
    %broadcast_in_dim3A_283 = vector.shape_cast %get3A_225 : vector<8x128xf32> to vector<1x8x128xf32>
    %mul3A_284 = vector.broadcast %broadcast_in_dim3A_283 : vector<1x8x128xf32> to vector<201x8x128xf32>
    %mul3A_285 = arith.mulf %get3A_234, %mul3A_284 : vector<201x8x128xf32>
    %sub3A_286 = vector.broadcast %broadcast_in_dim3A_282 : vector<1x8x128xf32> to vector<201x8x128xf32>
    %sub3A_287 = arith.subf %sub3A_286, %mul3A_285 : vector<201x8x128xf32>
    %mul3A_288 = arith.mulf %sub3A_287, %sub3A_287 : vector<201x8x128xf32>
    %reduce_sum3A_289 = arith.constant dense<0.000000e+00> : vector<201x128xf32>
    %reduce_sum3A_290 = vector.multi_reduction <add>, %mul3A_288, %reduce_sum3A_289 [1] : vector<201x8x128xf32> to vector<201x128xf32>
    %reduce_sum3A_291 = arith.constant dense<0.000000e+00> : vector<201xf32>
    %reduce_sum3A_292 = vector.multi_reduction <add>, %reduce_sum3A_290, %reduce_sum3A_291 [1] : vector<201x128xf32> to vector<201xf32>
    %mul3A_293 = arith.constant 1.400000e-02 : f32
    %mul3A_294 = vector.broadcast %mul3A_293 : f32 to vector<201xf32>
    %mul3A_295 = arith.mulf %reduce_sum3A_281, %mul3A_294 : vector<201xf32>
    %sqrt3A_296 = math.sqrt %reduce_sum3A_292 : vector<201xf32>
    %add3A_297 = arith.addf %mul3A_295, %sqrt3A_296 : vector<201xf32>
    %sub3A_298 = arith.constant 1.200000e+01 : f32
    %sub3A_299 = vector.broadcast %sub3A_298 : f32 to vector<201xf32>
    %sub3A_300 = arith.subf %sub3A_299, %add3A_297 : vector<201xf32>
    %swap3A_301 = arith.constant 2 : index
    %swap3A_302 = arith.constant 0 : index
    %swap3A_303 = arith.constant 0 : index
    %swap3A_304 = vector.load %arg11[%swap3A_301, %swap3A_302, %swap3A_303] : memref<4x1x201xf32, #tpu.memory_space<vmem>>, vector<1x1x201xf32>
    %swap3A_305 = vector.shape_cast %swap3A_304 : vector<1x1x201xf32> to vector<201xf32>
    %swap3A_306 = vector.shape_cast %sub3A_300 : vector<201xf32> to vector<1x1x201xf32>
    tpu.vector_store %arg11[%swap3A_301, %swap3A_302, %swap3A_303], %swap3A_306 {strides = array<i32>} : memref<4x1x201xf32, #tpu.memory_space<vmem>>, vector<1x1x201xf32>,
    %get3A_307 = arith.constant 0 : index
    %get3A_308 = arith.constant 0 : index
    %get3A_309 = arith.constant 0 : index
    %get3A_310 = vector.load %arg8[%get3A_307, %get3A_308, %get3A_309] : memref<1x8x128xf32, #tpu.memory_space<vmem>>, vector<1x8x128xf32>
    %get3A_311 = vector.shape_cast %get3A_310 : vector<1x8x128xf32> to vector<8x128xf32>
    %get3A_312 = arith.constant 0 : index
    %get3A_313 = arith.constant 0 : index
    %get3A_314 = arith.constant 0 : index
    %get3A_315 = arith.constant 0 : index
    %get3A_316 = vector.load %arg9[%get3A_312, %get3A_313, %get3A_314, %get3A_315] : memref<1x3x8x128xf32, #tpu.memory_space<vmem>>, vector<1x1x8x128xf32>
    %get3A_317 = vector.shape_cast %get3A_316 : vector<1x1x8x128xf32> to vector<8x128xf32>
    %get3A_318 = arith.constant 0 : index
    %get3A_319 = arith.constant 1 : index
    %get3A_320 = arith.constant 0 : index
    %get3A_321 = arith.constant 0 : index
    %get3A_322 = vector.load %arg9[%get3A_318, %get3A_319, %get3A_320, %get3A_321] : memref<1x3x8x128xf32, #tpu.memory_space<vmem>>, vector<1x1x8x128xf32>
    %get3A_323 = vector.shape_cast %get3A_322 : vector<1x1x8x128xf32> to vector<8x128xf32>
    %get3A_324 = arith.constant 0 : index
    %get3A_325 = arith.constant 2 : index
    %get3A_326 = arith.constant 0 : index
    %get3A_327 = arith.constant 0 : index
    %get3A_328 = vector.load %arg9[%get3A_324, %get3A_325, %get3A_326, %get3A_327] : memref<1x3x8x128xf32, #tpu.memory_space<vmem>>, vector<1x1x8x128xf32>
    %get3A_329 = vector.shape_cast %get3A_328 : vector<1x1x8x128xf32> to vector<8x128xf32>
    %add3A_330 = arith.addf %get3A_311, %get3A_317 : vector<8x128xf32>
    %mul3A_331 = arith.constant 56.0998688 : f32
    %mul3A_332 = vector.broadcast %mul3A_331 : f32 to vector<8x128xf32>
    %mul3A_333 = arith.mulf %add3A_330, %mul3A_332 : vector<8x128xf32>
    %mul3A_334 = arith.mulf %get3A_311, %get3A_323 : vector<8x128xf32>
    %get3A_335 = arith.constant 603 : index
    %get3A_336 = arith.constant 0 : index
    %get3A_337 = arith.constant 0 : index
    %get3A_338 = vector.load %arg10[%get3A_335, %get3A_336, %get3A_337] : memref<804x8x128xf32, #tpu.memory_space<vmem>>, vector<201x8x128xf32>
    %broadcast_in_dim3A_339 = vector.shape_cast %mul3A_333 : vector<8x128xf32> to vector<1x8x128xf32>
    %mul3A_340 = arith.constant 56.0998688 : f32
    %mul3A_341 = vector.broadcast %mul3A_340 : f32 to vector<201x8x128xf32>
    %mul3A_342 = arith.mulf %get3A_338, %mul3A_341 : vector<201x8x128xf32>
    %sub3A_343 = vector.broadcast %broadcast_in_dim3A_339 : vector<1x8x128xf32> to vector<201x8x128xf32>
    %sub3A_344 = arith.subf %sub3A_343, %mul3A_342 : vector<201x8x128xf32>
    %broadcast_in_dim3A_345 = vector.shape_cast %lt3A_4 : vector<8x128xi1> to vector<1x8x128xi1>
    %abs3A_346 = math.absf %sub3A_344 : vector<201x8x128xf32>
    %gt3A_347 = arith.constant 3.14159274 : f32
    %gt3A_348 = vector.broadcast %gt3A_347 : f32 to vector<201x8x128xf32>
    %gt3A_349 = arith.cmpf ogt, %abs3A_346, %gt3A_348 : vector<201x8x128xf32>
    %sub3A_350 = arith.constant 3.14159274 : f32
    %sub3A_351 = vector.broadcast %sub3A_350 : f32 to vector<201x8x128xf32>
    %sub3A_352 = arith.subf %abs3A_346, %sub3A_351 : vector<201x8x128xf32>
    %select_n3A_353 = arith.select %gt3A_349, %sub3A_352, %abs3A_346 : vector<201x8x128xi1>, vector<201x8x128xf32>
    %sub3A_354 = arith.constant 1.57079637 : f32
    %sub3A_355 = vector.broadcast %sub3A_354 : f32 to vector<201x8x128xf32>
    %sub3A_356 = arith.subf %select_n3A_353, %sub3A_355 : vector<201x8x128xf32>
    %mul3A_357 = arith.mulf %sub3A_356, %sub3A_356 : vector<201x8x128xf32>
    %mul3A_358 = arith.constant 2.48015876E-5 : f32
    %mul3A_359 = vector.broadcast %mul3A_358 : f32 to vector<201x8x128xf32>
    %mul3A_360 = arith.mulf %mul3A_357, %mul3A_359 : vector<201x8x128xf32>
    %add3A_361 = arith.constant -0.00138888892 : f32
    %add3A_362 = vector.broadcast %add3A_361 : f32 to vector<201x8x128xf32>
    %add3A_363 = arith.addf %add3A_362, %mul3A_360 : vector<201x8x128xf32>
    %mul3A_364 = arith.mulf %mul3A_357, %add3A_363 : vector<201x8x128xf32>
    %add3A_365 = arith.constant 0.0416666679 : f32
    %add3A_366 = vector.broadcast %add3A_365 : f32 to vector<201x8x128xf32>
    %add3A_367 = arith.addf %add3A_366, %mul3A_364 : vector<201x8x128xf32>
    %mul3A_368 = arith.mulf %mul3A_357, %add3A_367 : vector<201x8x128xf32>
    %add3A_369 = arith.constant -5.000000e-01 : f32
    %add3A_370 = vector.broadcast %add3A_369 : f32 to vector<201x8x128xf32>
    %add3A_371 = arith.addf %add3A_370, %mul3A_368 : vector<201x8x128xf32>
    %mul3A_372 = arith.mulf %mul3A_357, %add3A_371 : vector<201x8x128xf32>
    %add3A_373 = arith.constant 1.000000e+00 : f32
    %add3A_374 = vector.broadcast %add3A_373 : f32 to vector<201x8x128xf32>
    %add3A_375 = arith.addf %add3A_374, %mul3A_372 : vector<201x8x128xf32>
    %abs3A_376 = math.absf %add3A_375 : vector<201x8x128xf32>
    %jit3A_377 = arith.constant 0.000000e+00 : f32
    %broadcast_in_dim3A_378 = vector.shape_cast %broadcast_in_dim3A_345 : vector<1x8x128xi1> to vector<1x8x128xi1>
    %broadcast_in_dim3A_379 = vector.broadcast %broadcast_in_dim3A_378 : vector<1x8x128xi1> to vector<201x8x128xi1>
    %broadcast_in_dim3A_380 = vector.broadcast %jit3A_377 : f32 to vector<201x8x128xf32>
    %select_n3A_381 = arith.select %broadcast_in_dim3A_379, %abs3A_376, %broadcast_in_dim3A_380 : vector<201x8x128xi1>, vector<201x8x128xf32>
    %reduce_sum3A_382 = arith.constant dense<0.000000e+00> : vector<201x128xf32>
    %reduce_sum3A_383 = vector.multi_reduction <add>, %select_n3A_381, %reduce_sum3A_382 [1] : vector<201x8x128xf32> to vector<201x128xf32>
    %reduce_sum3A_384 = arith.constant dense<0.000000e+00> : vector<201xf32>
    %reduce_sum3A_385 = vector.multi_reduction <add>, %reduce_sum3A_383, %reduce_sum3A_384 [1] : vector<201x128xf32> to vector<201xf32>
    %broadcast_in_dim3A_386 = vector.shape_cast %mul3A_334 : vector<8x128xf32> to vector<1x8x128xf32>
    %broadcast_in_dim3A_387 = vector.shape_cast %get3A_329 : vector<8x128xf32> to vector<1x8x128xf32>
    %mul3A_388 = vector.broadcast %broadcast_in_dim3A_387 : vector<1x8x128xf32> to vector<201x8x128xf32>
    %mul3A_389 = arith.mulf %get3A_338, %mul3A_388 : vector<201x8x128xf32>
    %sub3A_390 = vector.broadcast %broadcast_in_dim3A_386 : vector<1x8x128xf32> to vector<201x8x128xf32>
    %sub3A_391 = arith.subf %sub3A_390, %mul3A_389 : vector<201x8x128xf32>
    %mul3A_392 = arith.mulf %sub3A_391, %sub3A_391 : vector<201x8x128xf32>
    %reduce_sum3A_393 = arith.constant dense<0.000000e+00> : vector<201x128xf32>
    %reduce_sum3A_394 = vector.multi_reduction <add>, %mul3A_392, %reduce_sum3A_393 [1] : vector<201x8x128xf32> to vector<201x128xf32>
    %reduce_sum3A_395 = arith.constant dense<0.000000e+00> : vector<201xf32>
    %reduce_sum3A_396 = vector.multi_reduction <add>, %reduce_sum3A_394, %reduce_sum3A_395 [1] : vector<201x128xf32> to vector<201xf32>
    %mul3A_397 = arith.constant 1.400000e-02 : f32
    %mul3A_398 = vector.broadcast %mul3A_397 : f32 to vector<201xf32>
    %mul3A_399 = arith.mulf %reduce_sum3A_385, %mul3A_398 : vector<201xf32>
    %sqrt3A_400 = math.sqrt %reduce_sum3A_396 : vector<201xf32>
    %add3A_401 = arith.addf %mul3A_399, %sqrt3A_400 : vector<201xf32>
    %sub3A_402 = arith.constant 1.200000e+01 : f32
    %sub3A_403 = vector.broadcast %sub3A_402 : f32 to vector<201xf32>
    %sub3A_404 = arith.subf %sub3A_403, %add3A_401 : vector<201xf32>
    %swap3A_405 = arith.constant 3 : index
    %swap3A_406 = arith.constant 0 : index
    %swap3A_407 = arith.constant 0 : index
    %swap3A_408 = vector.load %arg11[%swap3A_405, %swap3A_406, %swap3A_407] : memref<4x1x201xf32, #tpu.memory_space<vmem>>, vector<1x1x201xf32>
    %swap3A_409 = vector.shape_cast %swap3A_408 : vector<1x1x201xf32> to vector<201xf32>
    %swap3A_410 = vector.shape_cast %sub3A_404 : vector<201xf32> to vector<1x1x201xf32>
    tpu.vector_store %arg11[%swap3A_405, %swap3A_406, %swap3A_407], %swap3A_410 {strides = array<i32>} : memref<4x1x201xf32, #tpu.memory_space<vmem>>, vector<1x1x201xf32>,
    return
  }
  func.func @transform_0(%arg0: i32, %arg1: memref<128x3xi32, #tpu.memory_space<smem>>) -> (i32, i32, i32) {
    %mul3A = arith.constant 4 : i32
    %mul3A_0 = arith.muli %mul3A, %arg0 : i32
    %add3A = arith.constant 0 : i32
    %add3A_1 = arith.addi %mul3A_0, %add3A : i32
    %get3A = arith.index_cast %add3A_1 : i32 to index
    %get3A_2 = arith.constant 0 : index
    %get3A_3 = memref.load %arg1[%get3A, %get3A_2] : memref<128x3xi32, #tpu.memory_space<smem>>
    %c0_i32 = arith.constant 0 : i32
    %c0_i32_4 = arith.constant 0 : i32
    %c0_i32_5 = arith.constant 0 : i32
    return %get3A_3, %c0_i32, %c0_i32_4 : i32, i32, i32
  }
  func.func @transform_1(%arg0: i32, %arg1: memref<128x3xi32, #tpu.memory_space<smem>>) -> (i32, i32, i32, i32) {
    %mul3A = arith.constant 4 : i32
    %mul3A_0 = arith.muli %mul3A, %arg0 : i32
    %add3A = arith.constant 0 : i32
    %add3A_1 = arith.addi %mul3A_0, %add3A : i32
    %get3A = arith.index_cast %add3A_1 : i32 to index
    %get3A_2 = arith.constant 1 : index
    %get3A_3 = memref.load %arg1[%get3A, %get3A_2] : memref<128x3xi32, #tpu.memory_space<smem>>
    %c0_i32 = arith.constant 0 : i32
    %c0_i32_4 = arith.constant 0 : i32
    %c0_i32_5 = arith.constant 0 : i32
    %c0_i32_6 = arith.constant 0 : i32
    return %get3A_3, %c0_i32, %c0_i32_4, %c0_i32_5 : i32, i32, i32, i32
  }
  func.func @transform_2(%arg0: i32, %arg1: memref<128x3xi32, #tpu.memory_space<smem>>) -> (i32, i32, i32) {
    %mul3A = arith.constant 4 : i32
    %mul3A_0 = arith.muli %mul3A, %arg0 : i32
    %add3A = arith.constant 1 : i32
    %add3A_1 = arith.addi %mul3A_0, %add3A : i32
    %get3A = arith.index_cast %add3A_1 : i32 to index
    %get3A_2 = arith.constant 0 : index
    %get3A_3 = memref.load %arg1[%get3A, %get3A_2] : memref<128x3xi32, #tpu.memory_space<smem>>
    %c0_i32 = arith.constant 0 : i32
    %c0_i32_4 = arith.constant 0 : i32
    %c0_i32_5 = arith.constant 0 : i32
    return %get3A_3, %c0_i32, %c0_i32_4 : i32, i32, i32
  }
  func.func @transform_3(%arg0: i32, %arg1: memref<128x3xi32, #tpu.memory_space<smem>>) -> (i32, i32, i32, i32) {
    %mul3A = arith.constant 4 : i32
    %mul3A_0 = arith.muli %mul3A, %arg0 : i32
    %add3A = arith.constant 1 : i32
    %add3A_1 = arith.addi %mul3A_0, %add3A : i32
    %get3A = arith.index_cast %add3A_1 : i32 to index
    %get3A_2 = arith.constant 1 : index
    %get3A_3 = memref.load %arg1[%get3A, %get3A_2] : memref<128x3xi32, #tpu.memory_space<smem>>
    %c0_i32 = arith.constant 0 : i32
    %c0_i32_4 = arith.constant 0 : i32
    %c0_i32_5 = arith.constant 0 : i32
    %c0_i32_6 = arith.constant 0 : i32
    return %get3A_3, %c0_i32, %c0_i32_4, %c0_i32_5 : i32, i32, i32, i32
  }
  func.func @transform_4(%arg0: i32, %arg1: memref<128x3xi32, #tpu.memory_space<smem>>) -> (i32, i32, i32) {
    %mul3A = arith.constant 4 : i32
    %mul3A_0 = arith.muli %mul3A, %arg0 : i32
    %add3A = arith.constant 2 : i32
    %add3A_1 = arith.addi %mul3A_0, %add3A : i32
    %get3A = arith.index_cast %add3A_1 : i32 to index
    %get3A_2 = arith.constant 0 : index
    %get3A_3 = memref.load %arg1[%get3A, %get3A_2] : memref<128x3xi32, #tpu.memory_space<smem>>
    %c0_i32 = arith.constant 0 : i32
    %c0_i32_4 = arith.constant 0 : i32
    %c0_i32_5 = arith.constant 0 : i32
    return %get3A_3, %c0_i32, %c0_i32_4 : i32, i32, i32
  }
  func.func @transform_5(%arg0: i32, %arg1: memref<128x3xi32, #tpu.memory_space<smem>>) -> (i32, i32, i32, i32) {
    %mul3A = arith.constant 4 : i32
    %mul3A_0 = arith.muli %mul3A, %arg0 : i32
    %add3A = arith.constant 2 : i32
    %add3A_1 = arith.addi %mul3A_0, %add3A : i32
    %get3A = arith.index_cast %add3A_1 : i32 to index
    %get3A_2 = arith.constant 1 : index
    %get3A_3 = memref.load %arg1[%get3A, %get3A_2] : memref<128x3xi32, #tpu.memory_space<smem>>
    %c0_i32 = arith.constant 0 : i32
    %c0_i32_4 = arith.constant 0 : i32
    %c0_i32_5 = arith.constant 0 : i32
    %c0_i32_6 = arith.constant 0 : i32
    return %get3A_3, %c0_i32, %c0_i32_4, %c0_i32_5 : i32, i32, i32, i32
  }
  func.func @transform_6(%arg0: i32, %arg1: memref<128x3xi32, #tpu.memory_space<smem>>) -> (i32, i32, i32) {
    %mul3A = arith.constant 4 : i32
    %mul3A_0 = arith.muli %mul3A, %arg0 : i32
    %add3A = arith.constant 3 : i32
    %add3A_1 = arith.addi %mul3A_0, %add3A : i32
    %get3A = arith.index_cast %add3A_1 : i32 to index
    %get3A_2 = arith.constant 0 : index
    %get3A_3 = memref.load %arg1[%get3A, %get3A_2] : memref<128x3xi32, #tpu.memory_space<smem>>
    %c0_i32 = arith.constant 0 : i32
    %c0_i32_4 = arith.constant 0 : i32
    %c0_i32_5 = arith.constant 0 : i32
    return %get3A_3, %c0_i32, %c0_i32_4 : i32, i32, i32
  }
  func.func @transform_7(%arg0: i32, %arg1: memref<128x3xi32, #tpu.memory_space<smem>>) -> (i32, i32, i32, i32) {
    %mul3A = arith.constant 4 : i32
    %mul3A_0 = arith.muli %mul3A, %arg0 : i32
    %add3A = arith.constant 3 : i32
    %add3A_1 = arith.addi %mul3A_0, %add3A : i32
    %get3A = arith.index_cast %add3A_1 : i32 to index
    %get3A_2 = arith.constant 1 : index
    %get3A_3 = memref.load %arg1[%get3A, %get3A_2] : memref<128x3xi32, #tpu.memory_space<smem>>
    %c0_i32 = arith.constant 0 : i32
    %c0_i32_4 = arith.constant 0 : i32
    %c0_i32_5 = arith.constant 0 : i32
    %c0_i32_6 = arith.constant 0 : i32
    return %get3A_3, %c0_i32, %c0_i32_4, %c0_i32_5 : i32, i32, i32, i32
  }
  func.func @transform_8(%arg0: i32, %arg1: memref<128x3xi32, #tpu.memory_space<smem>>) -> (i32, i32, i32) {
    %c0_i32 = arith.constant 0 : i32
    %c0_i32_0 = arith.constant 0 : i32
    %c0_i32_1 = arith.constant 0 : i32
    return %arg0, %c0_i32, %c0_i32_0 : i32, i32, i32
  }
  func.func @transform_9(%arg0: i32, %arg1: memref<128x3xi32, #tpu.memory_space<smem>>) -> (i32, i32, i32) {
    %c0_i32 = arith.constant 0 : i32
    %c0_i32_0 = arith.constant 0 : i32
    %c0_i32_1 = arith.constant 0 : i32
    return %arg0, %c0_i32, %c0_i32_0 : i32, i32, i32
  }
}

</mosaic_0001>

<sc_bundles>
// kernel: kernel.19.cloned.1.call-start
scs
__scs_entry_jumppad:
0x0: {  	(pc) =	sbr.rel $0x88, $3  }
0x1: {  	(tag) =	ssettag $0x0;
	lr =	simm.s32 $0x1  }
0x2: {  	[smem:$0x3F9D] =	sst lr;
	_ =	strace $0xD0000000  }
0x3: {  	_ = 	snop  }
0x4: {  	_ = 	snop  }
0x5: {  	_ = 	snop  }
0x6: {  	_ = 	snop  }
0x7: {  	_ = 	snop  }
__scs_overlays_trampoline_lowered:
0x8: {  	[smem:$0x3FAC] =	sst s0  }
0x9: {  	[smem:$0x3FAD] =	sst s1  }
0xa: {  	[smem:$0x3FAE] =	sst s2  }
0xb: {  	[smem:$0x3FAF] =	sst s3  }
0xc: {  	[smem:$0x3FB0] =	sst s4  }
0xd: {  	[smem:$0x3FB1] =	sst s5  }
0xe: {  	[smem:$0x3FB2] =	sst s6  }
0xf: {  	[smem:$0x3FB3] =	sst s7  }
0x10: {  	[smem:$0x3FB4] =	sst s8  }
0x11: {  	[smem:$0x3FB5] =	sst s9;
	s0 =	simm.s32 @!p0 $0x0  }
0x12: {  	s1 =	sld [smem:$0x3F9B];
	s0 =	simm.s32 @p0 $0x1  }
0x13: {  	[smem:$0x3FB6] =	sst s0;
	s0 =	simm.s32 @!p1 $0x0  }
0x14: {  	s2 =	sld [smem:$0x3F9A];
	s0 =	simm.s32 @p1 $0x1  }
0x15: {  	[smem:$0x3FB7] =	sst s0;
	s0 =	simm.s32 @!p2 $0x0  }
0x16: {  	s3 =	sld [smem:$0x3FDB];
	s0 =	simm.s32 @p2 $0x1  }
0x17: {  	s4 =	simm.s32 $0x1BF5;
	[smem:$0x3FB9] =	sst s0  }
0x18: {  	s0 =	sld [smem:$0x3F9C];
	_ =	swait.ge [sflag:s4], $0x0  }
0x19: {  	s7 =	sld [smem:$0x3F9D]  }
0x1a: {  	s8 =	sadd.s32 $0xFFFFE003, lr  }
0x1b: {  	s9 =	sadd.s32 $0xFFFFFEF7, lr;
	s5 =	simm.s32 $0xFFFFFFFF;
	p2 =	slt.u32 s8, $0xFFFFF086  }
0x1c: {  	p1 =	slt.u32 s9, $0xF7A;
	s5 =	simm.s32 @!p2 $0x0  }
0x1d: {  	s5 =	simm.s32 @p1 $0x1;
	p0 =	seq.s32 s7, s2  }
0x1e: {  	s7 =	smul.u32 @!p0 $0xF7A, s2;
	p2 =	seq.s32 @!p0 s5, $0x0  }
0x1f: {  	s9 =	smul.u32 $0xF7A, s1;
	s8 =	simm.s32 @!p0 $0x1BF5;
	p2 =	por !p2, p0  }
0x20: {  	[sflag:s8] =	ssyncset.s32 @!p0 $0xFFFFF086;
	s6 =	sadd.s32 @!p0 s3, s7;
	s7 =	simm.s32 @!p0 $0x108  }
0x21: {  	s3 =	sadd.s32 s3, s9;
	s6 =	sadd.s32 @!p0 $0x88, s6;
	s7 =	simm.s32 @p2 $0x1082  }
0x22: {  	[simem:s7], [sflag:s8] =	dma.local @!p0 [hbm:s6], $0xF7A  }
0x23: {  	s9 =	sor.u32 $0xD0000000, s2;
	s6 =	simm.s32 $0x108;
	_ =	swait.ge @!p0 [sflag:s8], $0x0  }
0x24: {  	s3 =	sadd.s32 $0x88, s3;
	s6 =	simm.s32 @!p1 $0x1082;
	[sflag:s4] =	ssyncset.s32 $0xFFFFF086  }
0x25: {  	[simem:s6], [sflag:s4] =	dma.local [hbm:s3], $0xF7A  }
0x26: {  	[smem:$0x3F9D] =	sst s1;
	(tag) =	ssettag s2;
	_ =	strace s9  }
0x27: {  	s1 =	sld [smem:$0x3FAD]  }
0x28: {  	s2 =	sld [smem:$0x3FAE]  }
0x29: {  	s4 =	sld [smem:$0x3FB0]  }
0x2a: {  	p0 =	seq.s32 s5, $0x0;
	s5 =	sld [smem:$0x3FB1]  }
0x2b: {  	s6 =	sld [smem:$0x3FB2]  }
0x2c: {  	s7 =	sld [smem:$0x3FB3]  }
0x2d: {  	s3 =	simm.s32 $0x108;
	s8 =	sld [smem:$0x3FB4]  }
0x2e: {  	s3 =	simm.s32 @!p0 $0x1082;
	s9 =	sld [smem:$0x3FB5]  }
0x2f: {  	lr =	sadd.s32 s0, s3;
	s0 =	sld [smem:$0x3FAC]  }
0x30: {  	s3 =	sld [smem:$0x3FAF]  }
0x31: {  	[smem:$0x3FB8] =	sst s10  }
0x32: {  	s10 =	sld [smem:$0x3FB6];
	_ =	sdelay $0x3  }
0x33: {  	p0 =	seq.s32 s10, $0x1;
	s10 =	sld [smem:$0x3FB8];
	_ =	sdelay $0x3  }
0x34: {  	[smem:$0x3FB8] =	sst s10  }
0x35: {  	s10 =	sld [smem:$0x3FB7];
	_ =	sdelay $0x3  }
0x36: {  	p1 =	seq.s32 s10, $0x1;
	s10 =	sld [smem:$0x3FB8];
	_ =	sdelay $0x3  }
0x37: {  	[smem:$0x3FB8] =	sst s10  }
0x38: {  	s10 =	sld [smem:$0x3FB9]  }
0x39: {  	_ = 	snop;
	(pc) =	sbr.ind lr, $3  }
0x3a: {  	_ = 	snop  }
0x3b: {  	_ = 	snop  }
0x3c: {  	p2 =	seq.s32 s10, $0x1;
	s10 =	sld [smem:$0x3FB8]  }
0x3d: {  	_ =	shalt  }
0x3e: {  	_ =	shalt  }
0x3f: {  	_ =	shalt  }
0x40: {  	_ =	shalt  }
0x41: {  	_ =	shalt  }
0x42: {  	_ =	shalt  }
0x43: {  	_ =	shalt  }
0x44: {  	_ =	shalt  }
0x45: {  	_ =	shalt  }
0x46: {  	_ =	shalt  }
0x47: {  	_ =	shalt  }
0x48: {  	_ =	shalt  }
0x49: {  	_ =	shalt  }
0x4a: {  	_ =	shalt  }
0x4b: {  	_ =	shalt  }
0x4c: {  	_ =	shalt  }
0x4d: {  	_ =	shalt  }
0x4e: {  	_ =	shalt  }
0x4f: {  	_ =	shalt  }
0x50: {  	_ =	shalt  }
0x51: {  	_ =	shalt  }
0x52: {  	_ =	shalt  }
0x53: {  	_ =	shalt  }
0x54: {  	_ =	shalt  }
0x55: {  	_ =	shalt  }
0x56: {  	_ =	shalt  }
0x57: {  	_ =	shalt  }
0x58: {  	_ =	shalt  }
0x59: {  	_ =	shalt  }
0x5a: {  	_ =	shalt  }
0x5b: {  	_ =	shalt  }
0x5c: {  	_ =	shalt  }
0x5d: {  	_ =	shalt  }
0x5e: {  	_ =	shalt  }
0x5f: {  	_ =	shalt  }
0x60: {  	_ =	shalt  }
0x61: {  	_ =	shalt  }
0x62: {  	_ =	shalt  }
0x63: {  	_ =	shalt  }
0x64: {  	_ =	shalt  }
0x65: {  	_ =	shalt  }
0x66: {  	_ =	shalt  }
0x67: {  	_ =	shalt  }
0x68: {  	_ =	shalt  }
0x69: {  	_ =	shalt  }
0x6a: {  	_ =	shalt  }
0x6b: {  	_ =	shalt  }
0x6c: {  	_ =	shalt  }
0x6d: {  	_ =	shalt  }
0x6e: {  	_ =	shalt  }
0x6f: {  	_ =	shalt  }
0x70: {  	_ =	shalt  }
0x71: {  	_ =	shalt  }
0x72: {  	_ =	shalt  }
0x73: {  	_ =	shalt  }
0x74: {  	_ =	shalt  }
0x75: {  	_ =	shalt  }
0x76: {  	_ =	shalt  }
0x77: {  	_ =	shalt  }
0x78: {  	_ =	shalt  }
0x79: {  	_ =	shalt  }
0x7a: {  	_ =	shalt  }
0x7b: {  	_ =	shalt  }
0x7c: {  	_ =	shalt  }
0x7d: {  	_ =	shalt  }
0x7e: {  	_ =	shalt  }
0x7f: {  	_ =	shalt  }
0x80: {  	_ =	shalt  }
0x81: {  	_ =	shalt  }
0x82: {  	_ =	shalt  }
0x83: {  	_ =	shalt  }
0x84: {  	_ =	shalt  }
0x85: {  	_ =	shalt  }
0x86: {  	_ =	shalt  }
0x87: {  	_ =	shalt  }
.Lfunc_end0:
.L_simem_size_0:
called_computation_lowered:
.L_overlay_start_0:
0x88: {  	s2 =	sld [smem:$0x3FD9]  }
0x89: {  	s3 =	sld [smem:$0x3FFE];
	_ =	sdelay $0x1  }
0x8a: {  	s1 =	srdreg.scid  }
0x8b: {  	s0 =	sand.u32 $0x1, s1  }
0x8c: {  	s17 =	sshll.u32 s0, $0xA;
	s2 =	sadd.s32 s3, s2  }
0x8d: {  	s2 =	sadd.s32 s2, s17  }
0x8e: {  	[smem:$0x3FC4] =	sst s2  }
0x8f: {  	_ = 	snop  }
0x90: {  	s18 =	sld [smem:$0x3FD0];
	(tm) =	ssettm $0x1  }
0x91: {  	s19 =	sld [smem:$0x3FFB];
	_ =	sdelay $0x3  }
0x92: {  	_ =	strace s19  }
0x93: {  	s2 =	sld [smem:$0x3FFC];
	_ =	sdelay $0x3  }
0x94: {  	_ =	strace s2  }
0x95: {  	s2 =	sld [smem:$0x3FFD];
	_ =	sdelay $0x3  }
0x96: {  	_ =	strace s2  }
0x97: {  	_ =	strace $0x8FFFFFFF  }
0x98: {  	s20 =	sld [smem:$0x3FDB];
	_ =	sdelay $0x1  }
0x99: {  	s4 =	simm.s32 $_scs_section_size  }
0x9a: {  	s5 =	simm.s32 $_size__tile_overlayer_lowered;
	s6 =	simm.s32 $_tile_overlayer_lowered  }
0x9b: {  	s7 =	simm.s32 $0x1BFF;
	s21 =	sshll.u32 s6, $0x1;
	s4 =	sadd.s32 s4, s20  }
0x9c: {  	s22 =	simm.s32 $0x0;
	s5 =	sshll.u32 s5, $0x1;
	s6 =	sadd.s32 s21, s4  }
0x9d: {  	[timem:s22], [sflag:s7] =	dma.local [hbm:s6], s5  }
0x9e: {  	_ =	swait.ge [sflag:s7], s5  }
0x9f: {  	s5 =	ssub.s32 $0x0, s5;
	[sflag:s7] =	ssyncset.done $0x0  }
0xa0: {  	[sflag:s7] =	ssyncadd.s32 s5;
	_ =	sdelay $0x1  }
0xa1: {  	s23 =	simm.s32 $0x1B8B  }
0xa2: {  	_ =	swait.ge [sflag:s23], $0x1  }
0xa3: {  	[sflag:s23] =	ssyncset.done $0x0  }
0xa4: {  	[sflag:s23] =	ssyncadd.s32 $0xFFFFFFFF  }
0xa5: {  	s5 =	sld [smem:$0x0]  }
0xa6: {  	s6 =	sand.u32 $0xFFFFFFFE, s1  }
0xa7: {  	p0 =	sne.s32 s1, s6  }
0xa8: {  	s6 =	sshll.u32 @p0 s6, $0xE  }
0xa9: {  	s6 =	sadd.s32 @p0 $0x11B8D, s6;
	s7 =	sshll.u32 @p0 s5, $0x11  }
0xaa: {  	s6 =	sor.u32 @p0 s7, s6  }
0xab: {  	[sflag:s6] =	ssyncadd.remote.s32 @p0 $0x1;
	_ =	sdelay $0x1  }
0xac: {  	s6 =	simm.s32 @p0 $0x1B8D  }
0xad: {  	_ =	swait.eq @p0 [sflag:s6], $0x1  }
0xae: {  	[sflag:s6] =	ssyncadd.s32 @p0 $0xFFFFFFFF  }
0xaf: {  	s7 =	sshll.u32 @!p0 s1, $0xE  }
0xb0: {  	s7 =	sor.u32 @!p0 $0x4000, s7;
	s6 =	simm.s32 @!p0 $0x1B8D  }
0xb1: {  	s5 =	sshll.u32 @!p0 s5, $0x11;
	s7 =	sadd.s32 @!p0 $0x11B8D, s7;
	_ =	swait.eq @!p0 [sflag:s6], $0x1  }
0xb2: {  	s5 =	sor.u32 @!p0 s5, s7;
	[sflag:s6] =	ssyncadd.s32 @!p0 $0xFFFFFFFF  }
0xb3: {  	s25 =	simm.s32 $0x1B8E;
	s24 =	sld [smem:$0x3FFE];
	[sflag:s5] =	ssyncadd.remote.s32 @!p0 $0x1  }
0xb4: {  	s26 =	simm.s32 $execute0_lowered;
	[smem:$0x3FD2] =	sst s25  }
0xb5: {  	s6 =	sshll.u32 s26, $0x1;
	_ =	strace $0x80000058;
	[dreg:$0x1] =	wrdreg $0xFFFFFFFF  }
0xb6: {  	s28 =	simm.s32 $_size_execute0_lowered;
	s4 =	sadd.s32 s4, s6;
	[dreg:$0x0] =	wrdreg $0x0  }
0xb7: {  	s6 =	sshll.u32 s28, $0x1;
	[dreg:$0x2] =	wrdreg s4  }
0xb8: {  	[dreg:$0x3] =	wrdreg s6  }
0xb9: {  	[dreg:$0x4] =	wrdreg $0xC0  }
0xba: {  	_ =	task [dreg:s22], $0x5FFFF  }
0xbb: {  	[dreg:$0x1] =	wrdreg $0xFFFFFFFF  }
0xbc: {  	[dreg:$0x0] =	wrdreg $0x60  }
0xbd: {  	[dreg:$0x2] =	wrdreg s18  }
0xbe: {  	[dreg:$0x3] =	wrdreg s24  }
0xbf: {  	[dreg:$0x4] =	wrdreg $0x9  }
0xc0: {  	_ =	task.clear_ibuf [dreg:s22], $0x5FFFF;
	_ =	strace $0x90000058  }
0xc1: {  	s29 =	simm.s32 $0x9;
	_ =	strace $0x8000005A  }
0xc2: {  	_ =	swait.ge [sflag:s29], $0x1  }
0xc3: {  	[sflag:s29] =	ssyncadd.s32 $0xFFFFFFFF  }
0xc4: {  	_ =	strace $0x9000005A  }
0xc5: {  	_ =	sfence  }
0xc6: {  	s30 =	sld [smem:$0x0];
	_ =	sdelay $0x2  }
0xc7: {  	s31 =	sshll.u32 s1, $0xD;
	s1 =	sshrl.u32 s1, $0x2  }
0xc8: {  	s4 =	sand.u32 $0x4000, s31;
	s1 =	sadd.s32 s1, s30  }
0xc9: {  	s0 =	sor.u32 s4, s0;
	s1 =	sshll.u32 s1, $0x11  }
0xca: {  	s0 =	sor.u32 s1, s0  }
0xcb: {  	s0 =	sadd.s32 $0x8F2B, s0  }
0xcc: {  	[sflag:s0] =	ssyncadd.remote.s32 $0x1  }
0xcd: {  	_ =	sfence.sel $0xFFFF  }
0xce: {  	[dreg:$0x0] =	wrdreg $0xFFFFFFFF;
	(pc) =	sbr.abs _section_cstart, $3  }
0xcf: {  	[dreg:$0x1] =	wrdreg $0xFFFFFFFF  }
0xd0: {  	_ =	task.clear_ibuf [dreg:s22], $0x2FFFF;
	_ =	strace $0x9FFFFFFF  }
0xd1: {  	(tm) =	ssettm $0x7FFFFFFF  }
tec
execute0_lowered:
.L_overlay_start_1:
0x0: {  	(tag) =	ssettag $0x1  }
0x1: {  	s4 =	rddreg [dreg:$0x0];
	s1 =	srdreg.scid  }
0x2: {  	s0 =	stileid.u32;
	s3 =	rddreg [dreg:$0x1]  }
0x3: {  	s2 =	simm.s32 $0x0;
	s14 =	simm.s32 $0x10;
	s15 =	simm.s32 $0x3430  }
0x4: {  	s16 =	simm.s32 $0x1;
	s17 =	simm.s32 $0x3;
	s18 =	simm.s32 $0x2  }
0x5: {  	s19 =	simm.s32 $0x4;
	s20 =	simm.s32 $0x420;
	s21 =	simm.s32 $0x0  }
0x6: {  	s8 =	sand.u32 $0x1, s1;
	s1 =	rddreg [dreg:$0x2];
	s9 =	smul.u32 $0x648, s0  }
0x7: {  	s5 =	sshll.u32 s0, $0x1;
	[smem:$0x7FF] =	sst s2;
	s31 =	smul.u32 $0x32400, s0  }
0x8: {  	s10 =	sadd.s32 $0x1F1BA00, s3;
	s5 =	sor.u32 s8, s5;
	s12 =	smul.u32 $0x324, s8  }
0x9: {  	s3 =	sadd.s32 $0xC600, s3;
	s7 =	ssub.s32 $0x2, s8;
	s6 =	smul.u32 $0x86, s5  }
0xa: {  	_ =	strace $0x80000059;
	s5 =	smul.u32 $0xC9000, s5;
	s11 =	sshrl.u32 s7, $0x1  }
0xb: {  	s13 =	smul.u32 $0x19200, s8;
	s11 =	ssub.s32 s7, s11;
	s9 =	sadd.s32 s12, s9  }
0xc: {  	s12 =	simm.s32 $0xC;
	s5 =	sshrl.u32 s5, $0x3;
	s4 =	sadd.s32 s4, s6  }
0xd: {  	s9 =	sshll.u32 s9, $0x7;
	s8 =	smax.u32 s11, $0x1;
	s11 =	simm.s32 $0x5  }
0xe: {  	s30 =	sadd.s32 s10, s5;
	s9 =	sadd.s32 s10, s9;
	s10 =	sadd.s32 s31, s10  }
0xf: {  	s5 =	sadd.s32 $0x18000, s30;
	s6 =	sadd.s32 $0x18600, s30;
	s7 =	sadd.s32 $0x18C00, s30  }
0x10: {  	s9 =	sadd.s32 $0x600, s9;
	s10 =	sadd.s32 s13, s10;
	s13 =	simm.s32 $0x430  }
.LBB2_1:
0x11: {  	[tilespmem:s2], [sflag:$0x5] =	stream.linear.gather [hbm4b:s4+s2], $0x430, $0x38;
	[tilespmem:$0x6430] =	vst v63  }
0x12: {  	_ =	swait.ge [sflag:s11], $0x430  }
0x13: {  	[sflag:s11] =	ssyncset.done $0x0  }
0x14: {  	[sflag:s11] =	ssyncadd.s32 $0xFFFFFBD0  }
0x15: {  	[tilespmem:s13], [sflag:$0x1] =	stream.indirect.gather [hbm4b:s3+s12], $0x400, s2, s12, $0xb8;
	[tilespmem:$0x6430] =	vst v63  }
0x16: {  	_ = 	snop  }
0x17: {  	[tilespmem:s15], [sflag:$0x2] =	stream.indirect.gather [hbm4b:s3+s12], $0x400, s14, s12, $0xb8;
	[tilespmem:$0x6430] =	vst v63  }
0x18: {  	_ =	swait.ge [sflag:s16], $0x3000  }
0x19: {  	[sflag:s16] =	ssyncset.done $0x0  }
0x1a: {  	s22 =	sadd.s32 $0x0, s10;
	[sflag:s16] =	ssyncadd.s32 $0xFFFFD000  }
0x1b: {  	[hbm4b:s22+s2] =	stream.linear.scatter [tilespmem:s13], [sflag:$0x3], $0x3000, $0x38;
	[tilespmem:$0x6430] =	vst v63  }
0x1c: {  	_ =	swait.ge [sflag:s17], $0x3000  }
0x1d: {  	[sflag:s17] =	ssyncset.done $0x0  }
0x1e: {  	s30 =	simm.s32 $0x20;
	[sflag:s17] =	ssyncadd.s32 $0xFFFFD000  }
0x1f: {  	[tilespmem:s13], [sflag:$0x1] =	stream.indirect.gather [hbm4b:s3+s12], $0x400, s30, s12, $0xb8;
	[tilespmem:$0x6430] =	vst v63  }
0x20: {  	_ =	swait.ge [sflag:s18], $0x3000  }
0x21: {  	[sflag:s18] =	ssyncset.done $0x0  }
0x22: {  	s31 =	sadd.s32 $0x0, s9;
	[sflag:s18] =	ssyncadd.s32 $0xFFFFD000  }
0x23: {  	[hbm4b:s31+s2] =	stream.linear.scatter [tilespmem:s15], [sflag:$0x4], $0x3000, $0x38;
	[tilespmem:$0x6430] =	vst v63  }
0x24: {  	_ =	swait.ge [sflag:s19], $0x3000  }
0x25: {  	s23 =	simm.s32 $0xC00;
	[sflag:s19] =	ssyncset.done $0x0  }
0x26: {  	s24 =	simm.s32 $0x50;
	s22 =	simm.s32 $0x30;
	[sflag:s19] =	ssyncadd.s32 $0xFFFFD000  }
.LBB2_2:
0x27: {  	[tilespmem:s15], [sflag:$0x2] =	stream.indirect.gather [hbm4b:s3+s12], $0x400, s22, s12, $0xb8;
	[tilespmem:$0x6430] =	vst v63  }
0x28: {  	s25 =	smov.u32 s23;
	s22 =	smov.u32 s24  }
0x29: {  	p0 =	sne.s32 s23, $0x17400;
	s23 =	sadd.s32 $0xC00, s23;
	_ =	swait.ge [sflag:s16], $0x3000  }
0x2a: {  	[sflag:s16] =	ssyncset.done $0x0  }
0x2b: {  	s26 =	sadd.s32 s25, s10;
	[sflag:s16] =	ssyncadd.s32 $0xFFFFD000  }
0x2c: {  	[hbm4b:s26+s2] =	stream.linear.scatter [tilespmem:s13], [sflag:$0x3], $0x3000, $0x38;
	[tilespmem:$0x6430] =	vst v63  }
0x2d: {  	_ =	swait.ge [sflag:s17], $0x3000  }
0x2e: {  	[sflag:s17] =	ssyncset.done $0x0  }
0x2f: {  	s26 =	sadd.s32 $0xFFFFFFF0, s24;
	[sflag:s17] =	ssyncadd.s32 $0xFFFFD000  }
0x30: {  	[tilespmem:s13], [sflag:$0x1] =	stream.indirect.gather [hbm4b:s3+s12], $0x400, s26, s12, $0xb8;
	[tilespmem:$0x6430] =	vst v63  }
0x31: {  	_ =	swait.ge [sflag:s18], $0x3000  }
0x32: {  	[sflag:s18] =	ssyncset.done $0x0  }
.Ltmp0:
0x33: {  	s25 =	sadd.s32 s25, s9;
	[sflag:s18] =	ssyncadd.s32 $0xFFFFD000;
	(pc) =	sbr.rel @p0 .LBB2_2-.Ltmp0, $4  }
0x34: {  	[hbm4b:s25+s2] =	stream.linear.scatter [tilespmem:s15], [sflag:$0x4], $0x3000, $0x38;
	[tilespmem:$0x6430] =	vst v63  }
0x35: {  	_ =	swait.ge [sflag:s19], $0x3000  }
0x36: {  	[sflag:s19] =	ssyncset.done $0x0  }
0x37: {  	s24 =	sadd.s32 $0x20, s24;
	[sflag:s19] =	ssyncadd.s32 $0xFFFFD000  }
0x38: {  	[tilespmem:s15], [sflag:$0x2] =	stream.indirect.gather [hbm4b:s3+s12], $0x400, s22, s12, $0xb8;
	[tilespmem:$0x6430] =	vst v63  }
0x39: {  	_ =	swait.ge [sflag:s16], $0x3000  }
0x3a: {  	[sflag:s16] =	ssyncset.done $0x0  }
0x3b: {  	[sflag:s16] =	ssyncadd.s32 $0xFFFFD000  }
0x3c: {  	[hbm4b:s5+s2] =	stream.linear.scatter [tilespmem:s13], [sflag:$0x3], $0x3000, $0x38;
	[tilespmem:$0x6430] =	vst v63  }
0x3d: {  	_ =	swait.ge [sflag:s17], $0x3000  }
0x3e: {  	[sflag:s17] =	ssyncset.done $0x0  }
0x3f: {  	[sflag:s17] =	ssyncadd.s32 $0xFFFFD000  }
0x40: {  	_ =	swait.ge [sflag:s18], $0x3000  }
0x41: {  	[sflag:s18] =	ssyncset.done $0x0  }
0x42: {  	[sflag:s18] =	ssyncadd.s32 $0xFFFFD000  }
0x43: {  	[hbm4b:s6+s2] =	stream.linear.scatter [tilespmem:s15], [sflag:$0x4], $0x3000, $0x38;
	[tilespmem:$0x6430] =	vst v63  }
0x44: {  	_ =	swait.ge [sflag:s19], $0x3000  }
0x45: {  	[sflag:s19] =	ssyncset.done $0x0  }
0x46: {  	[sflag:s19] =	ssyncadd.s32 $0xFFFFD000  }
0x47: {  	[tilespmem:s13], [sflag:$0x1] =	stream.indirect.gather [hbm4b:s3+s12], $0x400, s20, s12, $0xb8;
	[tilespmem:$0x6430] =	vst v63  }
0x48: {  	s21 =	sadd.s32 $0x1, s21;
	_ =	swait.ge [sflag:s16], $0x3000  }
0x49: {  	p0 =	sne.s32 s21, s8;
	[sflag:s16] =	ssyncset.done $0x0  }
.Ltmp1:
0x4a: {  	[sflag:s16] =	ssyncadd.s32 $0xFFFFD000;
	(pc) =	sbr.rel @p0 .LBB2_1-.Ltmp1, $4  }
0x4b: {  	[hbm4b:s7+s2] =	stream.linear.scatter [tilespmem:s13], [sflag:$0x3], $0x3000, $0x38;
	[tilespmem:$0x6430] =	vst v63  }
0x4c: {  	_ =	swait.ge [sflag:s17], $0x3000  }
0x4d: {  	[sflag:s17] =	ssyncset.done $0x0  }
0x4e: {  	[sflag:s17] =	ssyncadd.s32 $0xFFFFD000  }
0x4f: {  	_ =	sfence.sel $0x180000  }
0x50: {  	[bflag:$0x0] =	sbarrier.arrive $0xFFFF  }
0x51: {  	p0 =	sne.s32 s0, $0x0;
	_ =	strace $0x90000059  }
0x52: {  	s0 =	sadd.s32 @!p0 $0x100000, s1;
	[bflag:$0x2] =	sbarrier.arrive $0xFFFF  }
0x53: {  	[sflag:s0] =	ssyncadd.tile.s32 @!p0 $0x1;
	_ =	shalt  }
.Lfunc_end2:
_tile_overlayer_lowered:
.L_overlay_start_2:
0x54: {  	(tag) =	ssettag $0x2  }
0x55: {  	s0 =	rddreg [dreg:$0x0];
	s2 =	stileid.u32  }
0x56: {  	s1 =	rddreg [dreg:$0x1];
	p0 =	sne.s32 s2, $0x0  }
0x57: {  	s3 =	rddreg [dreg:$0x2];
	[bflag:$0x3] =	sbarrier.arrive $0xFFFF;
	s2 =	simm.s32 @!p0 $0x1C05  }
0x58: {  	[timem:s3], [sflag:s2] =	dma.local @!p0 [hbm:s0], s1  }
0x59: {  	s0 =	simm.s32 @!p0 $0x5  }
0x5a: {  	_ =	swait.ge @!p0 [sflag:s0], s1  }
0x5b: {  	s1 =	ssub.s32 @!p0 $0x0, s1;
	[sflag:s0] =	ssyncset.done @!p0 $0x0  }
0x5c: {  	[sflag:s0] =	ssyncadd.s32 @!p0 s1  }
0x5d: {  	[bflag:$0x3] =	sbarrier.arrive $0xFFFF  }
0x5e: {  	_ =	shalt  }

// kernel: kernel.22.cloned.1.call-start
scs
__scs_entry_jumppad:
0x0: {  	(pc) =	sbr.rel $0x88, $3  }
0x1: {  	(tag) =	ssettag $0x0;
	lr =	simm.s32 $0x1  }
0x2: {  	[smem:$0x3F9D] =	sst lr;
	_ =	strace $0xD0000000  }
0x3: {  	_ = 	snop  }
0x4: {  	_ = 	snop  }
0x5: {  	_ = 	snop  }
0x6: {  	_ = 	snop  }
0x7: {  	_ = 	snop  }
__scs_overlays_trampoline_lowered:
0x8: {  	[smem:$0x3FAC] =	sst s0  }
0x9: {  	[smem:$0x3FAD] =	sst s1  }
0xa: {  	[smem:$0x3FAE] =	sst s2  }
0xb: {  	[smem:$0x3FAF] =	sst s3  }
0xc: {  	[smem:$0x3FB0] =	sst s4  }
0xd: {  	[smem:$0x3FB1] =	sst s5  }
0xe: {  	[smem:$0x3FB2] =	sst s6  }
0xf: {  	[smem:$0x3FB3] =	sst s7  }
0x10: {  	[smem:$0x3FB4] =	sst s8  }
0x11: {  	[smem:$0x3FB5] =	sst s9;
	s0 =	simm.s32 @!p0 $0x0  }
0x12: {  	s1 =	sld [smem:$0x3F9B];
	s0 =	simm.s32 @p0 $0x1  }
0x13: {  	[smem:$0x3FB6] =	sst s0;
	s0 =	simm.s32 @!p1 $0x0  }
0x14: {  	s2 =	sld [smem:$0x3F9A];
	s0 =	simm.s32 @p1 $0x1  }
0x15: {  	[smem:$0x3FB7] =	sst s0;
	s0 =	simm.s32 @!p2 $0x0  }
0x16: {  	s3 =	sld [smem:$0x3FDB];
	s0 =	simm.s32 @p2 $0x1  }
0x17: {  	s4 =	simm.s32 $0x1BF5;
	[smem:$0x3FB9] =	sst s0  }
0x18: {  	s0 =	sld [smem:$0x3F9C];
	_ =	swait.ge [sflag:s4], $0x0  }
0x19: {  	s7 =	sld [smem:$0x3F9D]  }
0x1a: {  	s8 =	sadd.s32 $0xFFFFE003, lr  }
0x1b: {  	s9 =	sadd.s32 $0xFFFFFEF7, lr;
	s5 =	simm.s32 $0xFFFFFFFF;
	p2 =	slt.u32 s8, $0xFFFFF086  }
0x1c: {  	p1 =	slt.u32 s9, $0xF7A;
	s5 =	simm.s32 @!p2 $0x0  }
0x1d: {  	s5 =	simm.s32 @p1 $0x1;
	p0 =	seq.s32 s7, s2  }
0x1e: {  	s7 =	smul.u32 @!p0 $0xF7A, s2;
	p2 =	seq.s32 @!p0 s5, $0x0  }
0x1f: {  	s9 =	smul.u32 $0xF7A, s1;
	s8 =	simm.s32 @!p0 $0x1BF5;
	p2 =	por !p2, p0  }
0x20: {  	[sflag:s8] =	ssyncset.s32 @!p0 $0xFFFFF086;
	s6 =	sadd.s32 @!p0 s3, s7;
	s7 =	simm.s32 @!p0 $0x108  }
0x21: {  	s3 =	sadd.s32 s3, s9;
	s6 =	sadd.s32 @!p0 $0x88, s6;
	s7 =	simm.s32 @p2 $0x1082  }
0x22: {  	[simem:s7], [sflag:s8] =	dma.local @!p0 [hbm:s6], $0xF7A  }
0x23: {  	s9 =	sor.u32 $0xD0000000, s2;
	s6 =	simm.s32 $0x108;
	_ =	swait.ge @!p0 [sflag:s8], $0x0  }
0x24: {  	s3 =	sadd.s32 $0x88, s3;
	s6 =	simm.s32 @!p1 $0x1082;
	[sflag:s4] =	ssyncset.s32 $0xFFFFF086  }
0x25: {  	[simem:s6], [sflag:s4] =	dma.local [hbm:s3], $0xF7A  }
0x26: {  	[smem:$0x3F9D] =	sst s1;
	(tag) =	ssettag s2;
	_ =	strace s9  }
0x27: {  	s1 =	sld [smem:$0x3FAD]  }
0x28: {  	s2 =	sld [smem:$0x3FAE]  }
0x29: {  	s4 =	sld [smem:$0x3FB0]  }
0x2a: {  	p0 =	seq.s32 s5, $0x0;
	s5 =	sld [smem:$0x3FB1]  }
0x2b: {  	s6 =	sld [smem:$0x3FB2]  }
0x2c: {  	s7 =	sld [smem:$0x3FB3]  }
0x2d: {  	s3 =	simm.s32 $0x108;
	s8 =	sld [smem:$0x3FB4]  }
0x2e: {  	s3 =	simm.s32 @!p0 $0x1082;
	s9 =	sld [smem:$0x3FB5]  }
0x2f: {  	lr =	sadd.s32 s0, s3;
	s0 =	sld [smem:$0x3FAC]  }
0x30: {  	s3 =	sld [smem:$0x3FAF]  }
0x31: {  	[smem:$0x3FB8] =	sst s10  }
0x32: {  	s10 =	sld [smem:$0x3FB6];
	_ =	sdelay $0x3  }
0x33: {  	p0 =	seq.s32 s10, $0x1;
	s10 =	sld [smem:$0x3FB8];
	_ =	sdelay $0x3  }
0x34: {  	[smem:$0x3FB8] =	sst s10  }
0x35: {  	s10 =	sld [smem:$0x3FB7];
	_ =	sdelay $0x3  }
0x36: {  	p1 =	seq.s32 s10, $0x1;
	s10 =	sld [smem:$0x3FB8];
	_ =	sdelay $0x3  }
0x37: {  	[smem:$0x3FB8] =	sst s10  }
0x38: {  	s10 =	sld [smem:$0x3FB9]  }
0x39: {  	_ = 	snop;
	(pc) =	sbr.ind lr, $3  }
0x3a: {  	_ = 	snop  }
0x3b: {  	_ = 	snop  }
0x3c: {  	p2 =	seq.s32 s10, $0x1;
	s10 =	sld [smem:$0x3FB8]  }
0x3d: {  	_ =	shalt  }
0x3e: {  	_ =	shalt  }
0x3f: {  	_ =	shalt  }
0x40: {  	_ =	shalt  }
0x41: {  	_ =	shalt  }
0x42: {  	_ =	shalt  }
0x43: {  	_ =	shalt  }
0x44: {  	_ =	shalt  }
0x45: {  	_ =	shalt  }
0x46: {  	_ =	shalt  }
0x47: {  	_ =	shalt  }
0x48: {  	_ =	shalt  }
0x49: {  	_ =	shalt  }
0x4a: {  	_ =	shalt  }
0x4b: {  	_ =	shalt  }
0x4c: {  	_ =	shalt  }
0x4d: {  	_ =	shalt  }
0x4e: {  	_ =	shalt  }
0x4f: {  	_ =	shalt  }
0x50: {  	_ =	shalt  }
0x51: {  	_ =	shalt  }
0x52: {  	_ =	shalt  }
0x53: {  	_ =	shalt  }
0x54: {  	_ =	shalt  }
0x55: {  	_ =	shalt  }
0x56: {  	_ =	shalt  }
0x57: {  	_ =	shalt  }
0x58: {  	_ =	shalt  }
0x59: {  	_ =	shalt  }
0x5a: {  	_ =	shalt  }
0x5b: {  	_ =	shalt  }
0x5c: {  	_ =	shalt  }
0x5d: {  	_ =	shalt  }
0x5e: {  	_ =	shalt  }
0x5f: {  	_ =	shalt  }
0x60: {  	_ =	shalt  }
0x61: {  	_ =	shalt  }
0x62: {  	_ =	shalt  }
0x63: {  	_ =	shalt  }
0x64: {  	_ =	shalt  }
0x65: {  	_ =	shalt  }
0x66: {  	_ =	shalt  }
0x67: {  	_ =	shalt  }
0x68: {  	_ =	shalt  }
0x69: {  	_ =	shalt  }
0x6a: {  	_ =	shalt  }
0x6b: {  	_ =	shalt  }
0x6c: {  	_ =	shalt  }
0x6d: {  	_ =	shalt  }
0x6e: {  	_ =	shalt  }
0x6f: {  	_ =	shalt  }
0x70: {  	_ =	shalt  }
0x71: {  	_ =	shalt  }
0x72: {  	_ =	shalt  }
0x73: {  	_ =	shalt  }
0x74: {  	_ =	shalt  }
0x75: {  	_ =	shalt  }
0x76: {  	_ =	shalt  }
0x77: {  	_ =	shalt  }
0x78: {  	_ =	shalt  }
0x79: {  	_ =	shalt  }
0x7a: {  	_ =	shalt  }
0x7b: {  	_ =	shalt  }
0x7c: {  	_ =	shalt  }
0x7d: {  	_ =	shalt  }
0x7e: {  	_ =	shalt  }
0x7f: {  	_ =	shalt  }
0x80: {  	_ =	shalt  }
0x81: {  	_ =	shalt  }
0x82: {  	_ =	shalt  }
0x83: {  	_ =	shalt  }
0x84: {  	_ =	shalt  }
0x85: {  	_ =	shalt  }
0x86: {  	_ =	shalt  }
0x87: {  	_ =	shalt  }
.Lfunc_end0:
.L_simem_size_0:
called_computation.1_lowered:
.L_overlay_start_0:
0x88: {  	s2 =	sld [smem:$0x3FD9]  }
0x89: {  	s3 =	sld [smem:$0x3FFE];
	_ =	sdelay $0x1  }
0x8a: {  	s1 =	srdreg.scid  }
0x8b: {  	s0 =	sand.u32 $0x1, s1  }
0x8c: {  	s17 =	sshll.u32 s0, $0xA;
	s2 =	sadd.s32 s3, s2  }
0x8d: {  	s2 =	sadd.s32 s2, s17  }
0x8e: {  	[smem:$0x3FC4] =	sst s2  }
0x8f: {  	_ = 	snop  }
0x90: {  	(tm) =	ssettm $0x1  }
0x91: {  	s18 =	sld [smem:$0x3FFB];
	_ =	sdelay $0x3  }
0x92: {  	_ =	strace s18  }
0x93: {  	s2 =	sld [smem:$0x3FFC];
	_ =	sdelay $0x3  }
0x94: {  	_ =	strace s2  }
0x95: {  	s2 =	sld [smem:$0x3FFD];
	_ =	sdelay $0x3  }
0x96: {  	_ =	strace s2  }
0x97: {  	_ =	strace $0x8FFFFFFF  }
0x98: {  	s19 =	sld [smem:$0x3FDB];
	_ =	sdelay $0x1  }
0x99: {  	s20 =	simm.s32 $_scs_section_size  }
0x9a: {  	s4 =	simm.s32 $_size__tile_overlayer_lowered;
	s5 =	simm.s32 $_tile_overlayer_lowered  }
0x9b: {  	s6 =	simm.s32 $0x1BFF;
	s21 =	sshll.u32 s5, $0x1;
	s3 =	sadd.s32 s20, s19  }
0x9c: {  	s22 =	simm.s32 $0x0;
	s4 =	sshll.u32 s4, $0x1;
	s5 =	sadd.s32 s21, s3  }
0x9d: {  	[timem:s22], [sflag:s6] =	dma.local [hbm:s5], s4  }
0x9e: {  	_ =	swait.ge [sflag:s6], s4  }
0x9f: {  	s4 =	ssub.s32 $0x0, s4;
	[sflag:s6] =	ssyncset.done $0x0  }
0xa0: {  	[sflag:s6] =	ssyncadd.s32 s4;
	_ =	sdelay $0x1  }
0xa1: {  	s23 =	simm.s32 $0x1B8B  }
0xa2: {  	_ =	swait.ge [sflag:s23], $0x1  }
0xa3: {  	[sflag:s23] =	ssyncset.done $0x0  }
0xa4: {  	[sflag:s23] =	ssyncadd.s32 $0xFFFFFFFF  }
0xa5: {  	s4 =	sld [smem:$0x0]  }
0xa6: {  	s5 =	sand.u32 $0xFFFFFFFE, s1  }
0xa7: {  	p0 =	sne.s32 s1, s5  }
0xa8: {  	s5 =	sshll.u32 @p0 s5, $0xE  }
0xa9: {  	s5 =	sadd.s32 @p0 $0x11B8D, s5;
	s6 =	sshll.u32 @p0 s4, $0x11  }
0xaa: {  	s5 =	sor.u32 @p0 s6, s5  }
0xab: {  	[sflag:s5] =	ssyncadd.remote.s32 @p0 $0x1;
	_ =	sdelay $0x1  }
0xac: {  	s5 =	simm.s32 @p0 $0x1B8D  }
0xad: {  	_ =	swait.eq @p0 [sflag:s5], $0x1  }
0xae: {  	[sflag:s5] =	ssyncadd.s32 @p0 $0xFFFFFFFF  }
0xaf: {  	s6 =	sshll.u32 @!p0 s1, $0xE  }
0xb0: {  	s6 =	sor.u32 @!p0 $0x4000, s6;
	s5 =	simm.s32 @!p0 $0x1B8D  }
0xb1: {  	s4 =	sshll.u32 @!p0 s4, $0x11;
	s6 =	sadd.s32 @!p0 $0x11B8D, s6;
	_ =	swait.eq @!p0 [sflag:s5], $0x1  }
0xb2: {  	s4 =	sor.u32 @!p0 s4, s6;
	[sflag:s5] =	ssyncadd.s32 @!p0 $0xFFFFFFFF  }
0xb3: {  	s25 =	simm.s32 $0x1B8E;
	s24 =	sld [smem:$0x3FFE];
	[sflag:s4] =	ssyncadd.remote.s32 @!p0 $0x1  }
0xb4: {  	s26 =	simm.s32 $execute0_lowered;
	[smem:$0x3FD2] =	sst s25  }
0xb5: {  	s5 =	sshll.u32 s26, $0x1;
	_ =	strace $0x8000005B;
	[dreg:$0x1] =	wrdreg $0xFFFFFFFF  }
0xb6: {  	s28 =	simm.s32 $_size_execute0_lowered;
	s3 =	sadd.s32 s3, s5;
	[dreg:$0x0] =	wrdreg $0x0  }
0xb7: {  	s5 =	sshll.u32 s28, $0x1;
	[dreg:$0x2] =	wrdreg s3  }
0xb8: {  	[dreg:$0x3] =	wrdreg s5  }
0xb9: {  	[dreg:$0x4] =	wrdreg $0xC0  }
0xba: {  	_ =	task [dreg:s22], $0x5FFFF  }
0xbb: {  	[dreg:$0x1] =	wrdreg $0xFFFFFFFF  }
0xbc: {  	[dreg:$0x0] =	wrdreg $0x60  }
0xbd: {  	[dreg:$0x2] =	wrdreg s24  }
0xbe: {  	[dreg:$0x3] =	wrdreg $0xA  }
0xbf: {  	_ =	task.clear_ibuf [dreg:s22], $0x4FFFF;
	_ =	strace $0x9000005B  }
0xc0: {  	s29 =	simm.s32 $0xA;
	_ =	strace $0x8000005D  }
0xc1: {  	_ =	swait.ge [sflag:s29], $0x1  }
0xc2: {  	[sflag:s29] =	ssyncadd.s32 $0xFFFFFFFF  }
0xc3: {  	_ =	strace $0x9000005D  }
0xc4: {  	_ =	sfence  }
0xc5: {  	s30 =	sld [smem:$0x0];
	_ =	sdelay $0x2  }
0xc6: {  	s31 =	sshll.u32 s1, $0xD;
	s1 =	sshrl.u32 s1, $0x2  }
0xc7: {  	s4 =	sand.u32 $0x4000, s31;
	s1 =	sadd.s32 s1, s30  }
0xc8: {  	s0 =	sor.u32 s4, s0;
	s1 =	sshll.u32 s1, $0x11  }
0xc9: {  	s0 =	sor.u32 s1, s0  }
0xca: {  	s0 =	sadd.s32 $0x8F2B, s0  }
0xcb: {  	[sflag:s0] =	ssyncadd.remote.s32 $0x1  }
0xcc: {  	_ =	sfence.sel $0xFFFF  }
0xcd: {  	[dreg:$0x0] =	wrdreg $0xFFFFFFFF;
	(pc) =	sbr.abs _section_cstart, $3  }
0xce: {  	[dreg:$0x1] =	wrdreg $0xFFFFFFFF  }
0xcf: {  	_ =	task.clear_ibuf [dreg:s22], $0x2FFFF;
	_ =	strace $0x9FFFFFFF  }
0xd0: {  	(tm) =	ssettm $0x7FFFFFFF  }
0xd1: {  	_ =	shalt  }
tec
execute0_lowered:
.L_overlay_start_1:
0x0: {  	(tag) =	ssettag $0x1  }
0x1: {  	s1 =	srdreg.scid  }
0x2: {  	s0 =	stileid.u32;
	s3 =	rddreg [dreg:$0x0];
	s2 =	simm.s32 $0x0  }
0x3: {  	s14 =	simm.s32 $0x10;
	s15 =	simm.s32 $0x3430;
	s16 =	simm.s32 $0x1  }
0x4: {  	s17 =	simm.s32 $0x3;
	s18 =	simm.s32 $0x2;
	s19 =	simm.s32 $0x4  }
0x5: {  	s20 =	simm.s32 $0x420;
	s21 =	simm.s32 $0x0;
	s7 =	smul.u32 $0x648, s0  }
0x6: {  	s8 =	sand.u32 $0x1, s1;
	s30 =	sshll.u32 s0, $0x1;
	s13 =	smul.u32 $0x32400, s0  }
0x7: {  	s1 =	rddreg [dreg:$0x1];
	s4 =	sor.u32 s8, s30;
	s11 =	smul.u32 $0x324, s8  }
0x8: {  	[smem:$0x7FF] =	sst s2;
	s6 =	ssub.s32 $0x2, s8;
	s5 =	smul.u32 $0x86, s4  }
0x9: {  	s10 =	sadd.s32 $0x223FA00, s3;
	s4 =	smul.u32 $0xC9000, s4;
	s9 =	sshrl.u32 s6, $0x1  }
0xa: {  	_ =	strace $0x8000005C;
	s31 =	smul.u32 $0x19200, s8;
	s9 =	ssub.s32 s6, s9  }
0xb: {  	s7 =	sadd.s32 s11, s7;
	s5 =	sadd.s32 s5, s3;
	s4 =	sshrl.u32 s4, $0x3  }
0xc: {  	s3 =	sadd.s32 $0xC600, s3;
	s11 =	sshll.u32 s7, $0x7;
	s8 =	smax.u32 s9, $0x1  }
0xd: {  	s12 =	sadd.s32 s10, s4;
	s4 =	sadd.s32 $0x9600, s5;
	s11 =	sadd.s32 s10, s11  }
0xe: {  	s10 =	sadd.s32 s13, s10;
	s13 =	simm.s32 $0x430;
	s5 =	sadd.s32 $0x18000, s12  }
0xf: {  	s6 =	sadd.s32 $0x18600, s12;
	s7 =	sadd.s32 $0x18C00, s12;
	s9 =	sadd.s32 $0x600, s11  }
0x10: {  	s10 =	sadd.s32 s31, s10;
	s11 =	simm.s32 $0x5;
	s12 =	simm.s32 $0xC  }
.LBB2_1:
0x11: {  	[tilespmem:s2], [sflag:$0x5] =	stream.linear.gather [hbm4b:s4+s2], $0x430, $0x38;
	[tilespmem:$0x6430] =	vst v63  }
0x12: {  	_ =	swait.ge [sflag:s11], $0x430  }
0x13: {  	[sflag:s11] =	ssyncset.done $0x0  }
0x14: {  	[sflag:s11] =	ssyncadd.s32 $0xFFFFFBD0  }
0x15: {  	[tilespmem:s13], [sflag:$0x1] =	stream.indirect.gather [hbm4b:s3+s12], $0x400, s2, s12, $0xb8;
	[tilespmem:$0x6430] =	vst v63  }
0x16: {  	_ = 	snop  }
0x17: {  	[tilespmem:s15], [sflag:$0x2] =	stream.indirect.gather [hbm4b:s3+s12], $0x400, s14, s12, $0xb8;
	[tilespmem:$0x6430] =	vst v63  }
0x18: {  	_ =	swait.ge [sflag:s16], $0x3000  }
0x19: {  	[sflag:s16] =	ssyncset.done $0x0  }
0x1a: {  	s22 =	sadd.s32 $0x0, s10;
	[sflag:s16] =	ssyncadd.s32 $0xFFFFD000  }
0x1b: {  	[hbm4b:s22+s2] =	stream.linear.scatter [tilespmem:s13], [sflag:$0x3], $0x3000, $0x38;
	[tilespmem:$0x6430] =	vst v63  }
0x1c: {  	_ =	swait.ge [sflag:s17], $0x3000  }
0x1d: {  	[sflag:s17] =	ssyncset.done $0x0  }
0x1e: {  	s30 =	simm.s32 $0x20;
	[sflag:s17] =	ssyncadd.s32 $0xFFFFD000  }
0x1f: {  	[tilespmem:s13], [sflag:$0x1] =	stream.indirect.gather [hbm4b:s3+s12], $0x400, s30, s12, $0xb8;
	[tilespmem:$0x6430] =	vst v63  }
0x20: {  	_ =	swait.ge [sflag:s18], $0x3000  }
0x21: {  	[sflag:s18] =	ssyncset.done $0x0  }
0x22: {  	s31 =	sadd.s32 $0x0, s9;
	[sflag:s18] =	ssyncadd.s32 $0xFFFFD000  }
0x23: {  	[hbm4b:s31+s2] =	stream.linear.scatter [tilespmem:s15], [sflag:$0x4], $0x3000, $0x38;
	[tilespmem:$0x6430] =	vst v63  }
0x24: {  	_ =	swait.ge [sflag:s19], $0x3000  }
0x25: {  	s23 =	simm.s32 $0xC00;
	[sflag:s19] =	ssyncset.done $0x0  }
0x26: {  	s24 =	simm.s32 $0x50;
	s22 =	simm.s32 $0x30;
	[sflag:s19] =	ssyncadd.s32 $0xFFFFD000  }
.LBB2_2:
0x27: {  	[tilespmem:s15], [sflag:$0x2] =	stream.indirect.gather [hbm4b:s3+s12], $0x400, s22, s12, $0xb8;
	[tilespmem:$0x6430] =	vst v63  }
0x28: {  	s25 =	smov.u32 s23;
	s22 =	smov.u32 s24  }
0x29: {  	p0 =	sne.s32 s23, $0x17400;
	s23 =	sadd.s32 $0xC00, s23;
	_ =	swait.ge [sflag:s16], $0x3000  }
0x2a: {  	[sflag:s16] =	ssyncset.done $0x0  }
0x2b: {  	s26 =	sadd.s32 s25, s10;
	[sflag:s16] =	ssyncadd.s32 $0xFFFFD000  }
0x2c: {  	[hbm4b:s26+s2] =	stream.linear.scatter [tilespmem:s13], [sflag:$0x3], $0x3000, $0x38;
	[tilespmem:$0x6430] =	vst v63  }
0x2d: {  	_ =	swait.ge [sflag:s17], $0x3000  }
0x2e: {  	[sflag:s17] =	ssyncset.done $0x0  }
0x2f: {  	s26 =	sadd.s32 $0xFFFFFFF0, s24;
	[sflag:s17] =	ssyncadd.s32 $0xFFFFD000  }
0x30: {  	[tilespmem:s13], [sflag:$0x1] =	stream.indirect.gather [hbm4b:s3+s12], $0x400, s26, s12, $0xb8;
	[tilespmem:$0x6430] =	vst v63  }
0x31: {  	_ =	swait.ge [sflag:s18], $0x3000  }
0x32: {  	[sflag:s18] =	ssyncset.done $0x0  }
.Ltmp0:
0x33: {  	s25 =	sadd.s32 s25, s9;
	[sflag:s18] =	ssyncadd.s32 $0xFFFFD000;
	(pc) =	sbr.rel @p0 .LBB2_2-.Ltmp0, $4  }
0x34: {  	[hbm4b:s25+s2] =	stream.linear.scatter [tilespmem:s15], [sflag:$0x4], $0x3000, $0x38;
	[tilespmem:$0x6430] =	vst v63  }
0x35: {  	_ =	swait.ge [sflag:s19], $0x3000  }
0x36: {  	[sflag:s19] =	ssyncset.done $0x0  }
0x37: {  	s24 =	sadd.s32 $0x20, s24;
	[sflag:s19] =	ssyncadd.s32 $0xFFFFD000  }
0x38: {  	[tilespmem:s15], [sflag:$0x2] =	stream.indirect.gather [hbm4b:s3+s12], $0x400, s22, s12, $0xb8;
	[tilespmem:$0x6430] =	vst v63  }
0x39: {  	_ =	swait.ge [sflag:s16], $0x3000  }
0x3a: {  	[sflag:s16] =	ssyncset.done $0x0  }
0x3b: {  	[sflag:s16] =	ssyncadd.s32 $0xFFFFD000  }
0x3c: {  	[hbm4b:s5+s2] =	stream.linear.scatter [tilespmem:s13], [sflag:$0x3], $0x3000, $0x38;
	[tilespmem:$0x6430] =	vst v63  }
0x3d: {  	_ =	swait.ge [sflag:s17], $0x3000  }
0x3e: {  	[sflag:s17] =	ssyncset.done $0x0  }
0x3f: {  	[sflag:s17] =	ssyncadd.s32 $0xFFFFD000  }
0x40: {  	_ =	swait.ge [sflag:s18], $0x3000  }
0x41: {  	[sflag:s18] =	ssyncset.done $0x0  }
0x42: {  	[sflag:s18] =	ssyncadd.s32 $0xFFFFD000  }
0x43: {  	[hbm4b:s6+s2] =	stream.linear.scatter [tilespmem:s15], [sflag:$0x4], $0x3000, $0x38;
	[tilespmem:$0x6430] =	vst v63  }
0x44: {  	_ =	swait.ge [sflag:s19], $0x3000  }
0x45: {  	[sflag:s19] =	ssyncset.done $0x0  }
0x46: {  	[sflag:s19] =	ssyncadd.s32 $0xFFFFD000  }
0x47: {  	[tilespmem:s13], [sflag:$0x1] =	stream.indirect.gather [hbm4b:s3+s12], $0x400, s20, s12, $0xb8;
	[tilespmem:$0x6430] =	vst v63  }
0x48: {  	s21 =	sadd.s32 $0x1, s21;
	_ =	swait.ge [sflag:s16], $0x3000  }
0x49: {  	p0 =	sne.s32 s21, s8;
	[sflag:s16] =	ssyncset.done $0x0  }
.Ltmp1:
0x4a: {  	[sflag:s16] =	ssyncadd.s32 $0xFFFFD000;
	(pc) =	sbr.rel @p0 .LBB2_1-.Ltmp1, $4  }
0x4b: {  	[hbm4b:s7+s2] =	stream.linear.scatter [tilespmem:s13], [sflag:$0x3], $0x3000, $0x38;
	[tilespmem:$0x6430] =	vst v63  }
0x4c: {  	_ =	swait.ge [sflag:s17], $0x3000  }
0x4d: {  	[sflag:s17] =	ssyncset.done $0x0  }
0x4e: {  	[sflag:s17] =	ssyncadd.s32 $0xFFFFD000  }
0x4f: {  	_ =	sfence.sel $0x180000  }
0x50: {  	[bflag:$0x0] =	sbarrier.arrive $0xFFFF  }
0x51: {  	p0 =	sne.s32 s0, $0x0;
	_ =	strace $0x9000005C  }
0x52: {  	s0 =	sadd.s32 @!p0 $0x100000, s1;
	[bflag:$0x2] =	sbarrier.arrive $0xFFFF  }
0x53: {  	[sflag:s0] =	ssyncadd.tile.s32 @!p0 $0x1;
	_ =	shalt  }
.Lfunc_end2:
_tile_overlayer_lowered:
.L_overlay_start_2:
0x54: {  	(tag) =	ssettag $0x2  }
0x55: {  	s0 =	rddreg [dreg:$0x0];
	s2 =	stileid.u32  }
0x56: {  	s1 =	rddreg [dreg:$0x1];
	p0 =	sne.s32 s2, $0x0  }
0x57: {  	s3 =	rddreg [dreg:$0x2];
	[bflag:$0x3] =	sbarrier.arrive $0xFFFF;
	s2 =	simm.s32 @!p0 $0x1C05  }
0x58: {  	[timem:s3], [sflag:s2] =	dma.local @!p0 [hbm:s0], s1  }
0x59: {  	s0 =	simm.s32 @!p0 $0x5  }
0x5a: {  	_ =	swait.ge @!p0 [sflag:s0], s1  }
0x5b: {  	s1 =	ssub.s32 @!p0 $0x0, s1;
	[sflag:s0] =	ssyncset.done @!p0 $0x0  }
0x5c: {  	[sflag:s0] =	ssyncadd.s32 @!p0 s1  }
0x5d: {  	[bflag:$0x3] =	sbarrier.arrive $0xFFFF  }
0x5e: {  	_ =	shalt  }

// kernel: kernel.25.cloned.1.call-start
scs
__scs_entry_jumppad:
0x0: {  	(pc) =	sbr.rel $0x88, $3  }
0x1: {  	(tag) =	ssettag $0x0;
	lr =	simm.s32 $0x1  }
0x2: {  	[smem:$0x3F9D] =	sst lr;
	_ =	strace $0xD0000000  }
0x3: {  	_ = 	snop  }
0x4: {  	_ = 	snop  }
0x5: {  	_ = 	snop  }
0x6: {  	_ = 	snop  }
0x7: {  	_ = 	snop  }
__scs_overlays_trampoline_lowered:
0x8: {  	[smem:$0x3FAC] =	sst s0  }
0x9: {  	[smem:$0x3FAD] =	sst s1  }
0xa: {  	[smem:$0x3FAE] =	sst s2  }
0xb: {  	[smem:$0x3FAF] =	sst s3  }
0xc: {  	[smem:$0x3FB0] =	sst s4  }
0xd: {  	[smem:$0x3FB1] =	sst s5  }
0xe: {  	[smem:$0x3FB2] =	sst s6  }
0xf: {  	[smem:$0x3FB3] =	sst s7  }
0x10: {  	[smem:$0x3FB4] =	sst s8  }
0x11: {  	[smem:$0x3FB5] =	sst s9;
	s0 =	simm.s32 @!p0 $0x0  }
0x12: {  	s1 =	sld [smem:$0x3F9B];
	s0 =	simm.s32 @p0 $0x1  }
0x13: {  	[smem:$0x3FB6] =	sst s0;
	s0 =	simm.s32 @!p1 $0x0  }
0x14: {  	s2 =	sld [smem:$0x3F9A];
	s0 =	simm.s32 @p1 $0x1  }
0x15: {  	[smem:$0x3FB7] =	sst s0;
	s0 =	simm.s32 @!p2 $0x0  }
0x16: {  	s3 =	sld [smem:$0x3FDB];
	s0 =	simm.s32 @p2 $0x1  }
0x17: {  	s4 =	simm.s32 $0x1BF5;
	[smem:$0x3FB9] =	sst s0  }
0x18: {  	s0 =	sld [smem:$0x3F9C];
	_ =	swait.ge [sflag:s4], $0x0  }
0x19: {  	s7 =	sld [smem:$0x3F9D]  }
0x1a: {  	s8 =	sadd.s32 $0xFFFFE003, lr  }
0x1b: {  	s9 =	sadd.s32 $0xFFFFFEF7, lr;
	s5 =	simm.s32 $0xFFFFFFFF;
	p2 =	slt.u32 s8, $0xFFFFF086  }
0x1c: {  	p1 =	slt.u32 s9, $0xF7A;
	s5 =	simm.s32 @!p2 $0x0  }
0x1d: {  	s5 =	simm.s32 @p1 $0x1;
	p0 =	seq.s32 s7, s2  }
0x1e: {  	s7 =	smul.u32 @!p0 $0xF7A, s2;
	p2 =	seq.s32 @!p0 s5, $0x0  }
0x1f: {  	s9 =	smul.u32 $0xF7A, s1;
	s8 =	simm.s32 @!p0 $0x1BF5;
	p2 =	por !p2, p0  }
0x20: {  	[sflag:s8] =	ssyncset.s32 @!p0 $0xFFFFF086;
	s6 =	sadd.s32 @!p0 s3, s7;
	s7 =	simm.s32 @!p0 $0x108  }
0x21: {  	s3 =	sadd.s32 s3, s9;
	s6 =	sadd.s32 @!p0 $0x88, s6;
	s7 =	simm.s32 @p2 $0x1082  }
0x22: {  	[simem:s7], [sflag:s8] =	dma.local @!p0 [hbm:s6], $0xF7A  }
0x23: {  	s9 =	sor.u32 $0xD0000000, s2;
	s6 =	simm.s32 $0x108;
	_ =	swait.ge @!p0 [sflag:s8], $0x0  }
0x24: {  	s3 =	sadd.s32 $0x88, s3;
	s6 =	simm.s32 @!p1 $0x1082;
	[sflag:s4] =	ssyncset.s32 $0xFFFFF086  }
0x25: {  	[simem:s6], [sflag:s4] =	dma.local [hbm:s3], $0xF7A  }
0x26: {  	[smem:$0x3F9D] =	sst s1;
	(tag) =	ssettag s2;
	_ =	strace s9  }
0x27: {  	s1 =	sld [smem:$0x3FAD]  }
0x28: {  	s2 =	sld [smem:$0x3FAE]  }
0x29: {  	s4 =	sld [smem:$0x3FB0]  }
0x2a: {  	p0 =	seq.s32 s5, $0x0;
	s5 =	sld [smem:$0x3FB1]  }
0x2b: {  	s6 =	sld [smem:$0x3FB2]  }
0x2c: {  	s7 =	sld [smem:$0x3FB3]  }
0x2d: {  	s3 =	simm.s32 $0x108;
	s8 =	sld [smem:$0x3FB4]  }
0x2e: {  	s3 =	simm.s32 @!p0 $0x1082;
	s9 =	sld [smem:$0x3FB5]  }
0x2f: {  	lr =	sadd.s32 s0, s3;
	s0 =	sld [smem:$0x3FAC]  }
0x30: {  	s3 =	sld [smem:$0x3FAF]  }
0x31: {  	[smem:$0x3FB8] =	sst s10  }
0x32: {  	s10 =	sld [smem:$0x3FB6];
	_ =	sdelay $0x3  }
0x33: {  	p0 =	seq.s32 s10, $0x1;
	s10 =	sld [smem:$0x3FB8];
	_ =	sdelay $0x3  }
0x34: {  	[smem:$0x3FB8] =	sst s10  }
0x35: {  	s10 =	sld [smem:$0x3FB7];
	_ =	sdelay $0x3  }
0x36: {  	p1 =	seq.s32 s10, $0x1;
	s10 =	sld [smem:$0x3FB8];
	_ =	sdelay $0x3  }
0x37: {  	[smem:$0x3FB8] =	sst s10  }
0x38: {  	s10 =	sld [smem:$0x3FB9]  }
0x39: {  	_ = 	snop;
	(pc) =	sbr.ind lr, $3  }
0x3a: {  	_ = 	snop  }
0x3b: {  	_ = 	snop  }
0x3c: {  	p2 =	seq.s32 s10, $0x1;
	s10 =	sld [smem:$0x3FB8]  }
0x3d: {  	_ =	shalt  }
0x3e: {  	_ =	shalt  }
0x3f: {  	_ =	shalt  }
0x40: {  	_ =	shalt  }
0x41: {  	_ =	shalt  }
0x42: {  	_ =	shalt  }
0x43: {  	_ =	shalt  }
0x44: {  	_ =	shalt  }
0x45: {  	_ =	shalt  }
0x46: {  	_ =	shalt  }
0x47: {  	_ =	shalt  }
0x48: {  	_ =	shalt  }
0x49: {  	_ =	shalt  }
0x4a: {  	_ =	shalt  }
0x4b: {  	_ =	shalt  }
0x4c: {  	_ =	shalt  }
0x4d: {  	_ =	shalt  }
0x4e: {  	_ =	shalt  }
0x4f: {  	_ =	shalt  }
0x50: {  	_ =	shalt  }
0x51: {  	_ =	shalt  }
0x52: {  	_ =	shalt  }
0x53: {  	_ =	shalt  }
0x54: {  	_ =	shalt  }
0x55: {  	_ =	shalt  }
0x56: {  	_ =	shalt  }
0x57: {  	_ =	shalt  }
0x58: {  	_ =	shalt  }
0x59: {  	_ =	shalt  }
0x5a: {  	_ =	shalt  }
0x5b: {  	_ =	shalt  }
0x5c: {  	_ =	shalt  }
0x5d: {  	_ =	shalt  }
0x5e: {  	_ =	shalt  }
0x5f: {  	_ =	shalt  }
0x60: {  	_ =	shalt  }
0x61: {  	_ =	shalt  }
0x62: {  	_ =	shalt  }
0x63: {  	_ =	shalt  }
0x64: {  	_ =	shalt  }
0x65: {  	_ =	shalt  }
0x66: {  	_ =	shalt  }
0x67: {  	_ =	shalt  }
0x68: {  	_ =	shalt  }
0x69: {  	_ =	shalt  }
0x6a: {  	_ =	shalt  }
0x6b: {  	_ =	shalt  }
0x6c: {  	_ =	shalt  }
0x6d: {  	_ =	shalt  }
0x6e: {  	_ =	shalt  }
0x6f: {  	_ =	shalt  }
0x70: {  	_ =	shalt  }
0x71: {  	_ =	shalt  }
0x72: {  	_ =	shalt  }
0x73: {  	_ =	shalt  }
0x74: {  	_ =	shalt  }
0x75: {  	_ =	shalt  }
0x76: {  	_ =	shalt  }
0x77: {  	_ =	shalt  }
0x78: {  	_ =	shalt  }
0x79: {  	_ =	shalt  }
0x7a: {  	_ =	shalt  }
0x7b: {  	_ =	shalt  }
0x7c: {  	_ =	shalt  }
0x7d: {  	_ =	shalt  }
0x7e: {  	_ =	shalt  }
0x7f: {  	_ =	shalt  }
0x80: {  	_ =	shalt  }
0x81: {  	_ =	shalt  }
0x82: {  	_ =	shalt  }
0x83: {  	_ =	shalt  }
0x84: {  	_ =	shalt  }
0x85: {  	_ =	shalt  }
0x86: {  	_ =	shalt  }
0x87: {  	_ =	shalt  }
.Lfunc_end0:
.L_simem_size_0:
called_computation.2_lowered:
.L_overlay_start_0:
0x88: {  	s2 =	sld [smem:$0x3FD9]  }
0x89: {  	s3 =	sld [smem:$0x3FFE];
	_ =	sdelay $0x1  }
0x8a: {  	s1 =	srdreg.scid  }
0x8b: {  	s0 =	sand.u32 $0x1, s1  }
0x8c: {  	s17 =	sshll.u32 s0, $0xA;
	s2 =	sadd.s32 s3, s2  }
0x8d: {  	s2 =	sadd.s32 s2, s17  }
0x8e: {  	[smem:$0x3FC4] =	sst s2  }
0x8f: {  	_ = 	snop  }
0x90: {  	(tm) =	ssettm $0x1  }
0x91: {  	s18 =	sld [smem:$0x3FFB];
	_ =	sdelay $0x3  }
0x92: {  	_ =	strace s18  }
0x93: {  	s2 =	sld [smem:$0x3FFC];
	_ =	sdelay $0x3  }
0x94: {  	_ =	strace s2  }
0x95: {  	s2 =	sld [smem:$0x3FFD];
	_ =	sdelay $0x3  }
0x96: {  	_ =	strace s2  }
0x97: {  	_ =	strace $0x8FFFFFFF  }
0x98: {  	s19 =	sld [smem:$0x3FDB];
	_ =	sdelay $0x1  }
0x99: {  	s20 =	simm.s32 $_scs_section_size  }
0x9a: {  	s4 =	simm.s32 $_size__tile_overlayer_lowered;
	s5 =	simm.s32 $_tile_overlayer_lowered  }
0x9b: {  	s6 =	simm.s32 $0x1BFF;
	s21 =	sshll.u32 s5, $0x1;
	s3 =	sadd.s32 s20, s19  }
0x9c: {  	s22 =	simm.s32 $0x0;
	s4 =	sshll.u32 s4, $0x1;
	s5 =	sadd.s32 s21, s3  }
0x9d: {  	[timem:s22], [sflag:s6] =	dma.local [hbm:s5], s4  }
0x9e: {  	_ =	swait.ge [sflag:s6], s4  }
0x9f: {  	s4 =	ssub.s32 $0x0, s4;
	[sflag:s6] =	ssyncset.done $0x0  }
0xa0: {  	[sflag:s6] =	ssyncadd.s32 s4;
	_ =	sdelay $0x1  }
0xa1: {  	s23 =	simm.s32 $0x1B8B  }
0xa2: {  	_ =	swait.ge [sflag:s23], $0x1  }
0xa3: {  	[sflag:s23] =	ssyncset.done $0x0  }
0xa4: {  	[sflag:s23] =	ssyncadd.s32 $0xFFFFFFFF  }
0xa5: {  	s4 =	sld [smem:$0x0]  }
0xa6: {  	s5 =	sand.u32 $0xFFFFFFFE, s1  }
0xa7: {  	p0 =	sne.s32 s1, s5  }
0xa8: {  	s5 =	sshll.u32 @p0 s5, $0xE  }
0xa9: {  	s5 =	sadd.s32 @p0 $0x11B8D, s5;
	s6 =	sshll.u32 @p0 s4, $0x11  }
0xaa: {  	s5 =	sor.u32 @p0 s6, s5  }
0xab: {  	[sflag:s5] =	ssyncadd.remote.s32 @p0 $0x1;
	_ =	sdelay $0x1  }
0xac: {  	s5 =	simm.s32 @p0 $0x1B8D  }
0xad: {  	_ =	swait.eq @p0 [sflag:s5], $0x1  }
0xae: {  	[sflag:s5] =	ssyncadd.s32 @p0 $0xFFFFFFFF  }
0xaf: {  	s6 =	sshll.u32 @!p0 s1, $0xE  }
0xb0: {  	s6 =	sor.u32 @!p0 $0x4000, s6;
	s5 =	simm.s32 @!p0 $0x1B8D  }
0xb1: {  	s4 =	sshll.u32 @!p0 s4, $0x11;
	s6 =	sadd.s32 @!p0 $0x11B8D, s6;
	_ =	swait.eq @!p0 [sflag:s5], $0x1  }
0xb2: {  	s4 =	sor.u32 @!p0 s4, s6;
	[sflag:s5] =	ssyncadd.s32 @!p0 $0xFFFFFFFF  }
0xb3: {  	s25 =	simm.s32 $0x1B8E;
	s24 =	sld [smem:$0x3FFE];
	[sflag:s4] =	ssyncadd.remote.s32 @!p0 $0x1  }
0xb4: {  	s26 =	simm.s32 $execute0_lowered;
	[smem:$0x3FD2] =	sst s25  }
0xb5: {  	s5 =	sshll.u32 s26, $0x1;
	_ =	strace $0x80000055;
	[dreg:$0x1] =	wrdreg $0xFFFFFFFF  }
0xb6: {  	s28 =	simm.s32 $_size_execute0_lowered;
	s3 =	sadd.s32 s3, s5;
	[dreg:$0x0] =	wrdreg $0x0  }
0xb7: {  	s5 =	sshll.u32 s28, $0x1;
	[dreg:$0x2] =	wrdreg s3  }
0xb8: {  	[dreg:$0x3] =	wrdreg s5  }
0xb9: {  	[dreg:$0x4] =	wrdreg $0xC0  }
0xba: {  	_ =	task [dreg:s22], $0x5FFFF  }
0xbb: {  	[dreg:$0x1] =	wrdreg $0xFFFFFFFF  }
0xbc: {  	[dreg:$0x0] =	wrdreg $0x60  }
0xbd: {  	[dreg:$0x2] =	wrdreg s24  }
0xbe: {  	[dreg:$0x3] =	wrdreg $0xB  }
0xbf: {  	_ =	task.clear_ibuf [dreg:s22], $0x4FFFF;
	_ =	strace $0x90000055  }
0xc0: {  	s29 =	simm.s32 $0xB;
	_ =	strace $0x80000057  }
0xc1: {  	_ =	swait.ge [sflag:s29], $0x1  }
0xc2: {  	[sflag:s29] =	ssyncadd.s32 $0xFFFFFFFF  }
0xc3: {  	_ =	strace $0x90000057  }
0xc4: {  	_ =	sfence  }
0xc5: {  	s30 =	sld [smem:$0x0];
	_ =	sdelay $0x2  }
0xc6: {  	s31 =	sshll.u32 s1, $0xD;
	s1 =	sshrl.u32 s1, $0x2  }
0xc7: {  	s4 =	sand.u32 $0x4000, s31;
	s1 =	sadd.s32 s1, s30  }
0xc8: {  	s0 =	sor.u32 s4, s0;
	s1 =	sshll.u32 s1, $0x11  }
0xc9: {  	s0 =	sor.u32 s1, s0  }
0xca: {  	s0 =	sadd.s32 $0x8F2B, s0  }
0xcb: {  	[sflag:s0] =	ssyncadd.remote.s32 $0x1  }
0xcc: {  	_ =	sfence.sel $0xFFFF  }
0xcd: {  	[dreg:$0x0] =	wrdreg $0xFFFFFFFF;
	(pc) =	sbr.abs _section_cstart, $3  }
0xce: {  	[dreg:$0x1] =	wrdreg $0xFFFFFFFF  }
0xcf: {  	_ =	task.clear_ibuf [dreg:s22], $0x2FFFF;
	_ =	strace $0x9FFFFFFF  }
0xd0: {  	(tm) =	ssettm $0x7FFFFFFF  }
0xd1: {  	_ =	shalt  }
tec
execute0_lowered:
.L_overlay_start_1:
0x0: {  	(tag) =	ssettag $0x1  }
0x1: {  	s1 =	srdreg.scid  }
0x2: {  	s0 =	stileid.u32;
	s3 =	rddreg [dreg:$0x0];
	s2 =	simm.s32 $0x0  }
0x3: {  	s14 =	simm.s32 $0x10;
	s15 =	simm.s32 $0x3430;
	s16 =	simm.s32 $0x1  }
0x4: {  	s17 =	simm.s32 $0x3;
	s18 =	simm.s32 $0x2;
	s19 =	simm.s32 $0x4  }
0x5: {  	s20 =	simm.s32 $0x420;
	s21 =	simm.s32 $0x0;
	s7 =	smul.u32 $0x648, s0  }
0x6: {  	s8 =	sand.u32 $0x1, s1;
	s30 =	sshll.u32 s0, $0x1;
	s13 =	smul.u32 $0x32400, s0  }
0x7: {  	s1 =	rddreg [dreg:$0x1];
	s4 =	sor.u32 s8, s30;
	s11 =	smul.u32 $0x324, s8  }
0x8: {  	[smem:$0x7FF] =	sst s2;
	s6 =	ssub.s32 $0x2, s8;
	s5 =	smul.u32 $0x86, s4  }
0x9: {  	s10 =	sadd.s32 $0x1BF7A00, s3;
	s4 =	smul.u32 $0xC9000, s4;
	s9 =	sshrl.u32 s6, $0x1  }
0xa: {  	_ =	strace $0x80000056;
	s31 =	smul.u32 $0x19200, s8;
	s9 =	ssub.s32 s6, s9  }
0xb: {  	s7 =	sadd.s32 s11, s7;
	s5 =	sadd.s32 s5, s3;
	s4 =	sshrl.u32 s4, $0x3  }
0xc: {  	s3 =	sadd.s32 $0xC600, s3;
	s11 =	sshll.u32 s7, $0x7;
	s8 =	smax.u32 s9, $0x1  }
0xd: {  	s12 =	sadd.s32 s10, s4;
	s4 =	sadd.s32 $0x1BF6800, s5;
	s11 =	sadd.s32 s10, s11  }
0xe: {  	s10 =	sadd.s32 s13, s10;
	s13 =	simm.s32 $0x430;
	s5 =	sadd.s32 $0x18000, s12  }
0xf: {  	s6 =	sadd.s32 $0x18600, s12;
	s7 =	sadd.s32 $0x18C00, s12;
	s9 =	sadd.s32 $0x600, s11  }
0x10: {  	s10 =	sadd.s32 s31, s10;
	s11 =	simm.s32 $0x5;
	s12 =	simm.s32 $0xC  }
.LBB2_1:
0x11: {  	[tilespmem:s2], [sflag:$0x5] =	stream.linear.gather [hbm4b:s4+s2], $0x430, $0x38;
	[tilespmem:$0x6430] =	vst v63  }
0x12: {  	_ =	swait.ge [sflag:s11], $0x430  }
0x13: {  	[sflag:s11] =	ssyncset.done $0x0  }
0x14: {  	[sflag:s11] =	ssyncadd.s32 $0xFFFFFBD0  }
0x15: {  	[tilespmem:s13], [sflag:$0x1] =	stream.indirect.gather [hbm4b:s3+s12], $0x400, s2, s12, $0xb8;
	[tilespmem:$0x6430] =	vst v63  }
0x16: {  	_ = 	snop  }
0x17: {  	[tilespmem:s15], [sflag:$0x2] =	stream.indirect.gather [hbm4b:s3+s12], $0x400, s14, s12, $0xb8;
	[tilespmem:$0x6430] =	vst v63  }
0x18: {  	_ =	swait.ge [sflag:s16], $0x3000  }
0x19: {  	[sflag:s16] =	ssyncset.done $0x0  }
0x1a: {  	s22 =	sadd.s32 $0x0, s10;
	[sflag:s16] =	ssyncadd.s32 $0xFFFFD000  }
0x1b: {  	[hbm4b:s22+s2] =	stream.linear.scatter [tilespmem:s13], [sflag:$0x3], $0x3000, $0x38;
	[tilespmem:$0x6430] =	vst v63  }
0x1c: {  	_ =	swait.ge [sflag:s17], $0x3000  }
0x1d: {  	[sflag:s17] =	ssyncset.done $0x0  }
0x1e: {  	s30 =	simm.s32 $0x20;
	[sflag:s17] =	ssyncadd.s32 $0xFFFFD000  }
0x1f: {  	[tilespmem:s13], [sflag:$0x1] =	stream.indirect.gather [hbm4b:s3+s12], $0x400, s30, s12, $0xb8;
	[tilespmem:$0x6430] =	vst v63  }
0x20: {  	_ =	swait.ge [sflag:s18], $0x3000  }
0x21: {  	[sflag:s18] =	ssyncset.done $0x0  }
0x22: {  	s31 =	sadd.s32 $0x0, s9;
	[sflag:s18] =	ssyncadd.s32 $0xFFFFD000  }
0x23: {  	[hbm4b:s31+s2] =	stream.linear.scatter [tilespmem:s15], [sflag:$0x4], $0x3000, $0x38;
	[tilespmem:$0x6430] =	vst v63  }
0x24: {  	_ =	swait.ge [sflag:s19], $0x3000  }
0x25: {  	s23 =	simm.s32 $0xC00;
	[sflag:s19] =	ssyncset.done $0x0  }
0x26: {  	s24 =	simm.s32 $0x50;
	s22 =	simm.s32 $0x30;
	[sflag:s19] =	ssyncadd.s32 $0xFFFFD000  }
.LBB2_2:
0x27: {  	[tilespmem:s15], [sflag:$0x2] =	stream.indirect.gather [hbm4b:s3+s12], $0x400, s22, s12, $0xb8;
	[tilespmem:$0x6430] =	vst v63  }
0x28: {  	s25 =	smov.u32 s23;
	s22 =	smov.u32 s24  }
0x29: {  	p0 =	sne.s32 s23, $0x17400;
	s23 =	sadd.s32 $0xC00, s23;
	_ =	swait.ge [sflag:s16], $0x3000  }
0x2a: {  	[sflag:s16] =	ssyncset.done $0x0  }
0x2b: {  	s26 =	sadd.s32 s25, s10;
	[sflag:s16] =	ssyncadd.s32 $0xFFFFD000  }
0x2c: {  	[hbm4b:s26+s2] =	stream.linear.scatter [tilespmem:s13], [sflag:$0x3], $0x3000, $0x38;
	[tilespmem:$0x6430] =	vst v63  }
0x2d: {  	_ =	swait.ge [sflag:s17], $0x3000  }
0x2e: {  	[sflag:s17] =	ssyncset.done $0x0  }
0x2f: {  	s26 =	sadd.s32 $0xFFFFFFF0, s24;
	[sflag:s17] =	ssyncadd.s32 $0xFFFFD000  }
0x30: {  	[tilespmem:s13], [sflag:$0x1] =	stream.indirect.gather [hbm4b:s3+s12], $0x400, s26, s12, $0xb8;
	[tilespmem:$0x6430] =	vst v63  }
0x31: {  	_ =	swait.ge [sflag:s18], $0x3000  }
0x32: {  	[sflag:s18] =	ssyncset.done $0x0  }
.Ltmp0:
0x33: {  	s25 =	sadd.s32 s25, s9;
	[sflag:s18] =	ssyncadd.s32 $0xFFFFD000;
	(pc) =	sbr.rel @p0 .LBB2_2-.Ltmp0, $4  }
0x34: {  	[hbm4b:s25+s2] =	stream.linear.scatter [tilespmem:s15], [sflag:$0x4], $0x3000, $0x38;
	[tilespmem:$0x6430] =	vst v63  }
0x35: {  	_ =	swait.ge [sflag:s19], $0x3000  }
0x36: {  	[sflag:s19] =	ssyncset.done $0x0  }
0x37: {  	s24 =	sadd.s32 $0x20, s24;
	[sflag:s19] =	ssyncadd.s32 $0xFFFFD000  }
0x38: {  	[tilespmem:s15], [sflag:$0x2] =	stream.indirect.gather [hbm4b:s3+s12], $0x400, s22, s12, $0xb8;
	[tilespmem:$0x6430] =	vst v63  }
0x39: {  	_ =	swait.ge [sflag:s16], $0x3000  }
0x3a: {  	[sflag:s16] =	ssyncset.done $0x0  }
0x3b: {  	[sflag:s16] =	ssyncadd.s32 $0xFFFFD000  }
0x3c: {  	[hbm4b:s5+s2] =	stream.linear.scatter [tilespmem:s13], [sflag:$0x3], $0x3000, $0x38;
	[tilespmem:$0x6430] =	vst v63  }
0x3d: {  	_ =	swait.ge [sflag:s17], $0x3000  }
0x3e: {  	[sflag:s17] =	ssyncset.done $0x0  }
0x3f: {  	[sflag:s17] =	ssyncadd.s32 $0xFFFFD000  }
0x40: {  	_ =	swait.ge [sflag:s18], $0x3000  }
0x41: {  	[sflag:s18] =	ssyncset.done $0x0  }
0x42: {  	[sflag:s18] =	ssyncadd.s32 $0xFFFFD000  }
0x43: {  	[hbm4b:s6+s2] =	stream.linear.scatter [tilespmem:s15], [sflag:$0x4], $0x3000, $0x38;
	[tilespmem:$0x6430] =	vst v63  }
0x44: {  	_ =	swait.ge [sflag:s19], $0x3000  }
0x45: {  	[sflag:s19] =	ssyncset.done $0x0  }
0x46: {  	[sflag:s19] =	ssyncadd.s32 $0xFFFFD000  }
0x47: {  	[tilespmem:s13], [sflag:$0x1] =	stream.indirect.gather [hbm4b:s3+s12], $0x400, s20, s12, $0xb8;
	[tilespmem:$0x6430] =	vst v63  }
0x48: {  	s21 =	sadd.s32 $0x1, s21;
	_ =	swait.ge [sflag:s16], $0x3000  }
0x49: {  	p0 =	sne.s32 s21, s8;
	[sflag:s16] =	ssyncset.done $0x0  }
.Ltmp1:
0x4a: {  	[sflag:s16] =	ssyncadd.s32 $0xFFFFD000;
	(pc) =	sbr.rel @p0 .LBB2_1-.Ltmp1, $4  }
0x4b: {  	[hbm4b:s7+s2] =	stream.linear.scatter [tilespmem:s13], [sflag:$0x3], $0x3000, $0x38;
	[tilespmem:$0x6430] =	vst v63  }
0x4c: {  	_ =	swait.ge [sflag:s17], $0x3000  }
0x4d: {  	[sflag:s17] =	ssyncset.done $0x0  }
0x4e: {  	[sflag:s17] =	ssyncadd.s32 $0xFFFFD000  }
0x4f: {  	_ =	sfence.sel $0x180000  }
0x50: {  	[bflag:$0x0] =	sbarrier.arrive $0xFFFF  }
0x51: {  	p0 =	sne.s32 s0, $0x0;
	_ =	strace $0x90000056  }
0x52: {  	s0 =	sadd.s32 @!p0 $0x100000, s1;
	[bflag:$0x2] =	sbarrier.arrive $0xFFFF  }
0x53: {  	[sflag:s0] =	ssyncadd.tile.s32 @!p0 $0x1;
	_ =	shalt  }
.Lfunc_end2:
_tile_overlayer_lowered:
.L_overlay_start_2:
0x54: {  	(tag) =	ssettag $0x2  }
0x55: {  	s0 =	rddreg [dreg:$0x0];
	s2 =	stileid.u32  }
0x56: {  	s1 =	rddreg [dreg:$0x1];
	p0 =	sne.s32 s2, $0x0  }
0x57: {  	s3 =	rddreg [dreg:$0x2];
	[bflag:$0x3] =	sbarrier.arrive $0xFFFF;
	s2 =	simm.s32 @!p0 $0x1C05  }
0x58: {  	[timem:s3], [sflag:s2] =	dma.local @!p0 [hbm:s0], s1  }
0x59: {  	s0 =	simm.s32 @!p0 $0x5  }
0x5a: {  	_ =	swait.ge @!p0 [sflag:s0], s1  }
0x5b: {  	s1 =	ssub.s32 @!p0 $0x0, s1;
	[sflag:s0] =	ssyncset.done @!p0 $0x0  }
0x5c: {  	[sflag:s0] =	ssyncadd.s32 @!p0 s1  }
0x5d: {  	[bflag:$0x3] =	sbarrier.arrive $0xFFFF  }
0x5e: {  	_ =	shalt  }

// kernel: kernel.28.cloned.1.call-start
scs
__scs_entry_jumppad:
0x0: {  	(pc) =	sbr.rel $0x88, $3  }
0x1: {  	(tag) =	ssettag $0x0;
	lr =	simm.s32 $0x1  }
0x2: {  	[smem:$0x3F9D] =	sst lr;
	_ =	strace $0xD0000000  }
0x3: {  	_ = 	snop  }
0x4: {  	_ = 	snop  }
0x5: {  	_ = 	snop  }
0x6: {  	_ = 	snop  }
0x7: {  	_ = 	snop  }
__scs_overlays_trampoline_lowered:
0x8: {  	[smem:$0x3FAC] =	sst s0  }
0x9: {  	[smem:$0x3FAD] =	sst s1  }
0xa: {  	[smem:$0x3FAE] =	sst s2  }
0xb: {  	[smem:$0x3FAF] =	sst s3  }
0xc: {  	[smem:$0x3FB0] =	sst s4  }
0xd: {  	[smem:$0x3FB1] =	sst s5  }
0xe: {  	[smem:$0x3FB2] =	sst s6  }
0xf: {  	[smem:$0x3FB3] =	sst s7  }
0x10: {  	[smem:$0x3FB4] =	sst s8  }
0x11: {  	[smem:$0x3FB5] =	sst s9;
	s0 =	simm.s32 @!p0 $0x0  }
0x12: {  	s1 =	sld [smem:$0x3F9B];
	s0 =	simm.s32 @p0 $0x1  }
0x13: {  	[smem:$0x3FB6] =	sst s0;
	s0 =	simm.s32 @!p1 $0x0  }
0x14: {  	s2 =	sld [smem:$0x3F9A];
	s0 =	simm.s32 @p1 $0x1  }
0x15: {  	[smem:$0x3FB7] =	sst s0;
	s0 =	simm.s32 @!p2 $0x0  }
0x16: {  	s3 =	sld [smem:$0x3FDB];
	s0 =	simm.s32 @p2 $0x1  }
0x17: {  	s4 =	simm.s32 $0x1BF5;
	[smem:$0x3FB9] =	sst s0  }
0x18: {  	s0 =	sld [smem:$0x3F9C];
	_ =	swait.ge [sflag:s4], $0x0  }
0x19: {  	s7 =	sld [smem:$0x3F9D]  }
0x1a: {  	s8 =	sadd.s32 $0xFFFFE003, lr  }
0x1b: {  	s9 =	sadd.s32 $0xFFFFFEF7, lr;
	s5 =	simm.s32 $0xFFFFFFFF;
	p2 =	slt.u32 s8, $0xFFFFF086  }
0x1c: {  	p1 =	slt.u32 s9, $0xF7A;
	s5 =	simm.s32 @!p2 $0x0  }
0x1d: {  	s5 =	simm.s32 @p1 $0x1;
	p0 =	seq.s32 s7, s2  }
0x1e: {  	s7 =	smul.u32 @!p0 $0xF7A, s2;
	p2 =	seq.s32 @!p0 s5, $0x0  }
0x1f: {  	s9 =	smul.u32 $0xF7A, s1;
	s8 =	simm.s32 @!p0 $0x1BF5;
	p2 =	por !p2, p0  }
0x20: {  	[sflag:s8] =	ssyncset.s32 @!p0 $0xFFFFF086;
	s6 =	sadd.s32 @!p0 s3, s7;
	s7 =	simm.s32 @!p0 $0x108  }
0x21: {  	s3 =	sadd.s32 s3, s9;
	s6 =	sadd.s32 @!p0 $0x88, s6;
	s7 =	simm.s32 @p2 $0x1082  }
0x22: {  	[simem:s7], [sflag:s8] =	dma.local @!p0 [hbm:s6], $0xF7A  }
0x23: {  	s9 =	sor.u32 $0xD0000000, s2;
	s6 =	simm.s32 $0x108;
	_ =	swait.ge @!p0 [sflag:s8], $0x0  }
0x24: {  	s3 =	sadd.s32 $0x88, s3;
	s6 =	simm.s32 @!p1 $0x1082;
	[sflag:s4] =	ssyncset.s32 $0xFFFFF086  }
0x25: {  	[simem:s6], [sflag:s4] =	dma.local [hbm:s3], $0xF7A  }
0x26: {  	[smem:$0x3F9D] =	sst s1;
	(tag) =	ssettag s2;
	_ =	strace s9  }
0x27: {  	s1 =	sld [smem:$0x3FAD]  }
0x28: {  	s2 =	sld [smem:$0x3FAE]  }
0x29: {  	s4 =	sld [smem:$0x3FB0]  }
0x2a: {  	p0 =	seq.s32 s5, $0x0;
	s5 =	sld [smem:$0x3FB1]  }
0x2b: {  	s6 =	sld [smem:$0x3FB2]  }
0x2c: {  	s7 =	sld [smem:$0x3FB3]  }
0x2d: {  	s3 =	simm.s32 $0x108;
	s8 =	sld [smem:$0x3FB4]  }
0x2e: {  	s3 =	simm.s32 @!p0 $0x1082;
	s9 =	sld [smem:$0x3FB5]  }
0x2f: {  	lr =	sadd.s32 s0, s3;
	s0 =	sld [smem:$0x3FAC]  }
0x30: {  	s3 =	sld [smem:$0x3FAF]  }
0x31: {  	[smem:$0x3FB8] =	sst s10  }
0x32: {  	s10 =	sld [smem:$0x3FB6];
	_ =	sdelay $0x3  }
0x33: {  	p0 =	seq.s32 s10, $0x1;
	s10 =	sld [smem:$0x3FB8];
	_ =	sdelay $0x3  }
0x34: {  	[smem:$0x3FB8] =	sst s10  }
0x35: {  	s10 =	sld [smem:$0x3FB7];
	_ =	sdelay $0x3  }
0x36: {  	p1 =	seq.s32 s10, $0x1;
	s10 =	sld [smem:$0x3FB8];
	_ =	sdelay $0x3  }
0x37: {  	[smem:$0x3FB8] =	sst s10  }
0x38: {  	s10 =	sld [smem:$0x3FB9]  }
0x39: {  	_ = 	snop;
	(pc) =	sbr.ind lr, $3  }
0x3a: {  	_ = 	snop  }
0x3b: {  	_ = 	snop  }
0x3c: {  	p2 =	seq.s32 s10, $0x1;
	s10 =	sld [smem:$0x3FB8]  }
0x3d: {  	_ =	shalt  }
0x3e: {  	_ =	shalt  }
0x3f: {  	_ =	shalt  }
0x40: {  	_ =	shalt  }
0x41: {  	_ =	shalt  }
0x42: {  	_ =	shalt  }
0x43: {  	_ =	shalt  }
0x44: {  	_ =	shalt  }
0x45: {  	_ =	shalt  }
0x46: {  	_ =	shalt  }
0x47: {  	_ =	shalt  }
0x48: {  	_ =	shalt  }
0x49: {  	_ =	shalt  }
0x4a: {  	_ =	shalt  }
0x4b: {  	_ =	shalt  }
0x4c: {  	_ =	shalt  }
0x4d: {  	_ =	shalt  }
0x4e: {  	_ =	shalt  }
0x4f: {  	_ =	shalt  }
0x50: {  	_ =	shalt  }
0x51: {  	_ =	shalt  }
0x52: {  	_ =	shalt  }
0x53: {  	_ =	shalt  }
0x54: {  	_ =	shalt  }
0x55: {  	_ =	shalt  }
0x56: {  	_ =	shalt  }
0x57: {  	_ =	shalt  }
0x58: {  	_ =	shalt  }
0x59: {  	_ =	shalt  }
0x5a: {  	_ =	shalt  }
0x5b: {  	_ =	shalt  }
0x5c: {  	_ =	shalt  }
0x5d: {  	_ =	shalt  }
0x5e: {  	_ =	shalt  }
0x5f: {  	_ =	shalt  }
0x60: {  	_ =	shalt  }
0x61: {  	_ =	shalt  }
0x62: {  	_ =	shalt  }
0x63: {  	_ =	shalt  }
0x64: {  	_ =	shalt  }
0x65: {  	_ =	shalt  }
0x66: {  	_ =	shalt  }
0x67: {  	_ =	shalt  }
0x68: {  	_ =	shalt  }
0x69: {  	_ =	shalt  }
0x6a: {  	_ =	shalt  }
0x6b: {  	_ =	shalt  }
0x6c: {  	_ =	shalt  }
0x6d: {  	_ =	shalt  }
0x6e: {  	_ =	shalt  }
0x6f: {  	_ =	shalt  }
0x70: {  	_ =	shalt  }
0x71: {  	_ =	shalt  }
0x72: {  	_ =	shalt  }
0x73: {  	_ =	shalt  }
0x74: {  	_ =	shalt  }
0x75: {  	_ =	shalt  }
0x76: {  	_ =	shalt  }
0x77: {  	_ =	shalt  }
0x78: {  	_ =	shalt  }
0x79: {  	_ =	shalt  }
0x7a: {  	_ =	shalt  }
0x7b: {  	_ =	shalt  }
0x7c: {  	_ =	shalt  }
0x7d: {  	_ =	shalt  }
0x7e: {  	_ =	shalt  }
0x7f: {  	_ =	shalt  }
0x80: {  	_ =	shalt  }
0x81: {  	_ =	shalt  }
0x82: {  	_ =	shalt  }
0x83: {  	_ =	shalt  }
0x84: {  	_ =	shalt  }
0x85: {  	_ =	shalt  }
0x86: {  	_ =	shalt  }
0x87: {  	_ =	shalt  }
.Lfunc_end0:
.L_simem_size_0:
called_computation.3_lowered:
.L_overlay_start_0:
0x88: {  	s2 =	sld [smem:$0x3FD9]  }
0x89: {  	s3 =	sld [smem:$0x3FFE];
	_ =	sdelay $0x1  }
0x8a: {  	s1 =	srdreg.scid  }
0x8b: {  	s0 =	sand.u32 $0x1, s1  }
0x8c: {  	s17 =	sshll.u32 s0, $0xA;
	s2 =	sadd.s32 s3, s2  }
0x8d: {  	s2 =	sadd.s32 s2, s17  }
0x8e: {  	[smem:$0x3FC4] =	sst s2  }
0x8f: {  	_ = 	snop  }
0x90: {  	(tm) =	ssettm $0x1  }
0x91: {  	s18 =	sld [smem:$0x3FFB];
	_ =	sdelay $0x3  }
0x92: {  	_ =	strace s18  }
0x93: {  	s2 =	sld [smem:$0x3FFC];
	_ =	sdelay $0x3  }
0x94: {  	_ =	strace s2  }
0x95: {  	s2 =	sld [smem:$0x3FFD];
	_ =	sdelay $0x3  }
0x96: {  	_ =	strace s2  }
0x97: {  	_ =	strace $0x8FFFFFFF  }
0x98: {  	s19 =	sld [smem:$0x3FDB];
	_ =	sdelay $0x1  }
0x99: {  	s20 =	simm.s32 $_scs_section_size  }
0x9a: {  	s4 =	simm.s32 $_size__tile_overlayer_lowered;
	s5 =	simm.s32 $_tile_overlayer_lowered  }
0x9b: {  	s6 =	simm.s32 $0x1BFF;
	s21 =	sshll.u32 s5, $0x1;
	s3 =	sadd.s32 s20, s19  }
0x9c: {  	s22 =	simm.s32 $0x0;
	s4 =	sshll.u32 s4, $0x1;
	s5 =	sadd.s32 s21, s3  }
0x9d: {  	[timem:s22], [sflag:s6] =	dma.local [hbm:s5], s4  }
0x9e: {  	_ =	swait.ge [sflag:s6], s4  }
0x9f: {  	s4 =	ssub.s32 $0x0, s4;
	[sflag:s6] =	ssyncset.done $0x0  }
0xa0: {  	[sflag:s6] =	ssyncadd.s32 s4;
	_ =	sdelay $0x1  }
0xa1: {  	s23 =	simm.s32 $0x1B8B  }
0xa2: {  	_ =	swait.ge [sflag:s23], $0x1  }
0xa3: {  	[sflag:s23] =	ssyncset.done $0x0  }
0xa4: {  	[sflag:s23] =	ssyncadd.s32 $0xFFFFFFFF  }
0xa5: {  	s4 =	sld [smem:$0x0]  }
0xa6: {  	s5 =	sand.u32 $0xFFFFFFFE, s1  }
0xa7: {  	p0 =	sne.s32 s1, s5  }
0xa8: {  	s5 =	sshll.u32 @p0 s5, $0xE  }
0xa9: {  	s5 =	sadd.s32 @p0 $0x11B8D, s5;
	s6 =	sshll.u32 @p0 s4, $0x11  }
0xaa: {  	s5 =	sor.u32 @p0 s6, s5  }
0xab: {  	[sflag:s5] =	ssyncadd.remote.s32 @p0 $0x1;
	_ =	sdelay $0x1  }
0xac: {  	s5 =	simm.s32 @p0 $0x1B8D  }
0xad: {  	_ =	swait.eq @p0 [sflag:s5], $0x1  }
0xae: {  	[sflag:s5] =	ssyncadd.s32 @p0 $0xFFFFFFFF  }
0xaf: {  	s6 =	sshll.u32 @!p0 s1, $0xE  }
0xb0: {  	s6 =	sor.u32 @!p0 $0x4000, s6;
	s5 =	simm.s32 @!p0 $0x1B8D  }
0xb1: {  	s4 =	sshll.u32 @!p0 s4, $0x11;
	s6 =	sadd.s32 @!p0 $0x11B8D, s6;
	_ =	swait.eq @!p0 [sflag:s5], $0x1  }
0xb2: {  	s4 =	sor.u32 @!p0 s4, s6;
	[sflag:s5] =	ssyncadd.s32 @!p0 $0xFFFFFFFF  }
0xb3: {  	s25 =	simm.s32 $0x1B8E;
	s24 =	sld [smem:$0x3FFE];
	[sflag:s4] =	ssyncadd.remote.s32 @!p0 $0x1  }
0xb4: {  	s26 =	simm.s32 $execute0_lowered;
	[smem:$0x3FD2] =	sst s25  }
0xb5: {  	s5 =	sshll.u32 s26, $0x1;
	_ =	strace $0x80000052;
	[dreg:$0x1] =	wrdreg $0xFFFFFFFF  }
0xb6: {  	s28 =	simm.s32 $_size_execute0_lowered;
	s3 =	sadd.s32 s3, s5;
	[dreg:$0x0] =	wrdreg $0x0  }
0xb7: {  	s5 =	sshll.u32 s28, $0x1;
	[dreg:$0x2] =	wrdreg s3  }
0xb8: {  	[dreg:$0x3] =	wrdreg s5  }
0xb9: {  	[dreg:$0x4] =	wrdreg $0xC0  }
0xba: {  	_ =	task [dreg:s22], $0x5FFFF  }
0xbb: {  	[dreg:$0x1] =	wrdreg $0xFFFFFFFF  }
0xbc: {  	[dreg:$0x0] =	wrdreg $0x60  }
0xbd: {  	[dreg:$0x2] =	wrdreg s24  }
0xbe: {  	[dreg:$0x3] =	wrdreg $0xC  }
0xbf: {  	_ =	task.clear_ibuf [dreg:s22], $0x4FFFF;
	_ =	strace $0x90000052  }
0xc0: {  	s29 =	simm.s32 $0xC;
	_ =	strace $0x80000054  }
0xc1: {  	_ =	swait.ge [sflag:s29], $0x1  }
0xc2: {  	[sflag:s29] =	ssyncadd.s32 $0xFFFFFFFF  }
0xc3: {  	_ =	strace $0x90000054  }
0xc4: {  	_ =	sfence  }
0xc5: {  	s30 =	sld [smem:$0x0];
	_ =	sdelay $0x2  }
0xc6: {  	s31 =	sshll.u32 s1, $0xD;
	s1 =	sshrl.u32 s1, $0x2  }
0xc7: {  	s4 =	sand.u32 $0x4000, s31;
	s1 =	sadd.s32 s1, s30  }
0xc8: {  	s0 =	sor.u32 s4, s0;
	s1 =	sshll.u32 s1, $0x11  }
0xc9: {  	s0 =	sor.u32 s1, s0  }
0xca: {  	s0 =	sadd.s32 $0x8F2B, s0  }
0xcb: {  	[sflag:s0] =	ssyncadd.remote.s32 $0x1  }
0xcc: {  	_ =	sfence.sel $0xFFFF  }
0xcd: {  	[dreg:$0x0] =	wrdreg $0xFFFFFFFF;
	(pc) =	sbr.abs _section_cstart, $3  }
0xce: {  	[dreg:$0x1] =	wrdreg $0xFFFFFFFF  }
0xcf: {  	_ =	task.clear_ibuf [dreg:s22], $0x2FFFF;
	_ =	strace $0x9FFFFFFF  }
0xd0: {  	(tm) =	ssettm $0x7FFFFFFF  }
0xd1: {  	_ =	shalt  }
tec
execute0_lowered:
.L_overlay_start_1:
0x0: {  	(tag) =	ssettag $0x1  }
0x1: {  	s1 =	srdreg.scid  }
0x2: {  	s0 =	stileid.u32;
	s3 =	rddreg [dreg:$0x0];
	s2 =	simm.s32 $0x0  }
0x3: {  	s14 =	simm.s32 $0x10;
	s15 =	simm.s32 $0x3430;
	s16 =	simm.s32 $0x1  }
0x4: {  	s17 =	simm.s32 $0x3;
	s18 =	simm.s32 $0x2;
	s19 =	simm.s32 $0x4  }
0x5: {  	s20 =	simm.s32 $0x420;
	s21 =	simm.s32 $0x0;
	s7 =	smul.u32 $0x648, s0  }
0x6: {  	s8 =	sand.u32 $0x1, s1;
	s30 =	sshll.u32 s0, $0x1;
	s13 =	smul.u32 $0x32400, s0  }
0x7: {  	s1 =	rddreg [dreg:$0x1];
	s4 =	sor.u32 s8, s30;
	s11 =	smul.u32 $0x324, s8  }
0x8: {  	[smem:$0x7FF] =	sst s2;
	s6 =	ssub.s32 $0x2, s8;
	s5 =	smul.u32 $0x86, s4  }
0x9: {  	s10 =	sadd.s32 $0x18D2800, s3;
	s4 =	smul.u32 $0xC9000, s4;
	s9 =	sshrl.u32 s6, $0x1  }
0xa: {  	_ =	strace $0x80000053;
	s31 =	smul.u32 $0x19200, s8;
	s9 =	ssub.s32 s6, s9  }
0xb: {  	s7 =	sadd.s32 s11, s7;
	s5 =	sadd.s32 s5, s3;
	s4 =	sshrl.u32 s4, $0x3  }
0xc: {  	s3 =	sadd.s32 $0xC600, s3;
	s11 =	sshll.u32 s7, $0x7;
	s8 =	smax.u32 s9, $0x1  }
0xd: {  	s12 =	sadd.s32 s10, s4;
	s4 =	sadd.s32 $0x8400, s5;
	s11 =	sadd.s32 s10, s11  }
0xe: {  	s10 =	sadd.s32 s13, s10;
	s13 =	simm.s32 $0x430;
	s5 =	sadd.s32 $0x18000, s12  }
0xf: {  	s6 =	sadd.s32 $0x18600, s12;
	s7 =	sadd.s32 $0x18C00, s12;
	s9 =	sadd.s32 $0x600, s11  }
0x10: {  	s10 =	sadd.s32 s31, s10;
	s11 =	simm.s32 $0x5;
	s12 =	simm.s32 $0xC  }
.LBB2_1:
0x11: {  	[tilespmem:s2], [sflag:$0x5] =	stream.linear.gather [hbm4b:s4+s2], $0x430, $0x38;
	[tilespmem:$0x6430] =	vst v63  }
0x12: {  	_ =	swait.ge [sflag:s11], $0x430  }
0x13: {  	[sflag:s11] =	ssyncset.done $0x0  }
0x14: {  	[sflag:s11] =	ssyncadd.s32 $0xFFFFFBD0  }
0x15: {  	[tilespmem:s13], [sflag:$0x1] =	stream.indirect.gather [hbm4b:s3+s12], $0x400, s2, s12, $0xb8;
	[tilespmem:$0x6430] =	vst v63  }
0x16: {  	_ = 	snop  }
0x17: {  	[tilespmem:s15], [sflag:$0x2] =	stream.indirect.gather [hbm4b:s3+s12], $0x400, s14, s12, $0xb8;
	[tilespmem:$0x6430] =	vst v63  }
0x18: {  	_ =	swait.ge [sflag:s16], $0x3000  }
0x19: {  	[sflag:s16] =	ssyncset.done $0x0  }
0x1a: {  	s22 =	sadd.s32 $0x0, s10;
	[sflag:s16] =	ssyncadd.s32 $0xFFFFD000  }
0x1b: {  	[hbm4b:s22+s2] =	stream.linear.scatter [tilespmem:s13], [sflag:$0x3], $0x3000, $0x38;
	[tilespmem:$0x6430] =	vst v63  }
0x1c: {  	_ =	swait.ge [sflag:s17], $0x3000  }
0x1d: {  	[sflag:s17] =	ssyncset.done $0x0  }
0x1e: {  	s30 =	simm.s32 $0x20;
	[sflag:s17] =	ssyncadd.s32 $0xFFFFD000  }
0x1f: {  	[tilespmem:s13], [sflag:$0x1] =	stream.indirect.gather [hbm4b:s3+s12], $0x400, s30, s12, $0xb8;
	[tilespmem:$0x6430] =	vst v63  }
0x20: {  	_ =	swait.ge [sflag:s18], $0x3000  }
0x21: {  	[sflag:s18] =	ssyncset.done $0x0  }
0x22: {  	s31 =	sadd.s32 $0x0, s9;
	[sflag:s18] =	ssyncadd.s32 $0xFFFFD000  }
0x23: {  	[hbm4b:s31+s2] =	stream.linear.scatter [tilespmem:s15], [sflag:$0x4], $0x3000, $0x38;
	[tilespmem:$0x6430] =	vst v63  }
0x24: {  	_ =	swait.ge [sflag:s19], $0x3000  }
0x25: {  	s23 =	simm.s32 $0xC00;
	[sflag:s19] =	ssyncset.done $0x0  }
0x26: {  	s24 =	simm.s32 $0x50;
	s22 =	simm.s32 $0x30;
	[sflag:s19] =	ssyncadd.s32 $0xFFFFD000  }
.LBB2_2:
0x27: {  	[tilespmem:s15], [sflag:$0x2] =	stream.indirect.gather [hbm4b:s3+s12], $0x400, s22, s12, $0xb8;
	[tilespmem:$0x6430] =	vst v63  }
0x28: {  	s25 =	smov.u32 s23;
	s22 =	smov.u32 s24  }
0x29: {  	p0 =	sne.s32 s23, $0x17400;
	s23 =	sadd.s32 $0xC00, s23;
	_ =	swait.ge [sflag:s16], $0x3000  }
0x2a: {  	[sflag:s16] =	ssyncset.done $0x0  }
0x2b: {  	s26 =	sadd.s32 s25, s10;
	[sflag:s16] =	ssyncadd.s32 $0xFFFFD000  }
0x2c: {  	[hbm4b:s26+s2] =	stream.linear.scatter [tilespmem:s13], [sflag:$0x3], $0x3000, $0x38;
	[tilespmem:$0x6430] =	vst v63  }
0x2d: {  	_ =	swait.ge [sflag:s17], $0x3000  }
0x2e: {  	[sflag:s17] =	ssyncset.done $0x0  }
0x2f: {  	s26 =	sadd.s32 $0xFFFFFFF0, s24;
	[sflag:s17] =	ssyncadd.s32 $0xFFFFD000  }
0x30: {  	[tilespmem:s13], [sflag:$0x1] =	stream.indirect.gather [hbm4b:s3+s12], $0x400, s26, s12, $0xb8;
	[tilespmem:$0x6430] =	vst v63  }
0x31: {  	_ =	swait.ge [sflag:s18], $0x3000  }
0x32: {  	[sflag:s18] =	ssyncset.done $0x0  }
.Ltmp0:
0x33: {  	s25 =	sadd.s32 s25, s9;
	[sflag:s18] =	ssyncadd.s32 $0xFFFFD000;
	(pc) =	sbr.rel @p0 .LBB2_2-.Ltmp0, $4  }
0x34: {  	[hbm4b:s25+s2] =	stream.linear.scatter [tilespmem:s15], [sflag:$0x4], $0x3000, $0x38;
	[tilespmem:$0x6430] =	vst v63  }
0x35: {  	_ =	swait.ge [sflag:s19], $0x3000  }
0x36: {  	[sflag:s19] =	ssyncset.done $0x0  }
0x37: {  	s24 =	sadd.s32 $0x20, s24;
	[sflag:s19] =	ssyncadd.s32 $0xFFFFD000  }
0x38: {  	[tilespmem:s15], [sflag:$0x2] =	stream.indirect.gather [hbm4b:s3+s12], $0x400, s22, s12, $0xb8;
	[tilespmem:$0x6430] =	vst v63  }
0x39: {  	_ =	swait.ge [sflag:s16], $0x3000  }
0x3a: {  	[sflag:s16] =	ssyncset.done $0x0  }
0x3b: {  	[sflag:s16] =	ssyncadd.s32 $0xFFFFD000  }
0x3c: {  	[hbm4b:s5+s2] =	stream.linear.scatter [tilespmem:s13], [sflag:$0x3], $0x3000, $0x38;
	[tilespmem:$0x6430] =	vst v63  }
0x3d: {  	_ =	swait.ge [sflag:s17], $0x3000  }
0x3e: {  	[sflag:s17] =	ssyncset.done $0x0  }
0x3f: {  	[sflag:s17] =	ssyncadd.s32 $0xFFFFD000  }
0x40: {  	_ =	swait.ge [sflag:s18], $0x3000  }
0x41: {  	[sflag:s18] =	ssyncset.done $0x0  }
0x42: {  	[sflag:s18] =	ssyncadd.s32 $0xFFFFD000  }
0x43: {  	[hbm4b:s6+s2] =	stream.linear.scatter [tilespmem:s15], [sflag:$0x4], $0x3000, $0x38;
	[tilespmem:$0x6430] =	vst v63  }
0x44: {  	_ =	swait.ge [sflag:s19], $0x3000  }
0x45: {  	[sflag:s19] =	ssyncset.done $0x0  }
0x46: {  	[sflag:s19] =	ssyncadd.s32 $0xFFFFD000  }
0x47: {  	[tilespmem:s13], [sflag:$0x1] =	stream.indirect.gather [hbm4b:s3+s12], $0x400, s20, s12, $0xb8;
	[tilespmem:$0x6430] =	vst v63  }
0x48: {  	s21 =	sadd.s32 $0x1, s21;
	_ =	swait.ge [sflag:s16], $0x3000  }
0x49: {  	p0 =	sne.s32 s21, s8;
	[sflag:s16] =	ssyncset.done $0x0  }
.Ltmp1:
0x4a: {  	[sflag:s16] =	ssyncadd.s32 $0xFFFFD000;
	(pc) =	sbr.rel @p0 .LBB2_1-.Ltmp1, $4  }
0x4b: {  	[hbm4b:s7+s2] =	stream.linear.scatter [tilespmem:s13], [sflag:$0x3], $0x3000, $0x38;
	[tilespmem:$0x6430] =	vst v63  }
0x4c: {  	_ =	swait.ge [sflag:s17], $0x3000  }
0x4d: {  	[sflag:s17] =	ssyncset.done $0x0  }
0x4e: {  	[sflag:s17] =	ssyncadd.s32 $0xFFFFD000  }
0x4f: {  	_ =	sfence.sel $0x180000  }
0x50: {  	[bflag:$0x0] =	sbarrier.arrive $0xFFFF  }
0x51: {  	p0 =	sne.s32 s0, $0x0;
	_ =	strace $0x90000053  }
0x52: {  	s0 =	sadd.s32 @!p0 $0x100000, s1;
	[bflag:$0x2] =	sbarrier.arrive $0xFFFF  }
0x53: {  	[sflag:s0] =	ssyncadd.tile.s32 @!p0 $0x1;
	_ =	shalt  }
.Lfunc_end2:
_tile_overlayer_lowered:
.L_overlay_start_2:
0x54: {  	(tag) =	ssettag $0x2  }
0x55: {  	s0 =	rddreg [dreg:$0x0];
	s2 =	stileid.u32  }
0x56: {  	s1 =	rddreg [dreg:$0x1];
	p0 =	sne.s32 s2, $0x0  }
0x57: {  	s3 =	rddreg [dreg:$0x2];
	[bflag:$0x3] =	sbarrier.arrive $0xFFFF;
	s2 =	simm.s32 @!p0 $0x1C05  }
0x58: {  	[timem:s3], [sflag:s2] =	dma.local @!p0 [hbm:s0], s1  }
0x59: {  	s0 =	simm.s32 @!p0 $0x5  }
0x5a: {  	_ =	swait.ge @!p0 [sflag:s0], s1  }
0x5b: {  	s1 =	ssub.s32 @!p0 $0x0, s1;
	[sflag:s0] =	ssyncset.done @!p0 $0x0  }
0x5c: {  	[sflag:s0] =	ssyncadd.s32 @!p0 s1  }
0x5d: {  	[bflag:$0x3] =	sbarrier.arrive $0xFFFF  }
0x5e: {  	_ =	shalt  }

// kernel: kernel.31.cloned.1.call-start
scs
__scs_entry_jumppad:
0x0: {  	(pc) =	sbr.rel $0x88, $3  }
0x1: {  	(tag) =	ssettag $0x0;
	lr =	simm.s32 $0x1  }
0x2: {  	[smem:$0x3F9D] =	sst lr;
	_ =	strace $0xD0000000  }
0x3: {  	_ = 	snop  }
0x4: {  	_ = 	snop  }
0x5: {  	_ = 	snop  }
0x6: {  	_ = 	snop  }
0x7: {  	_ = 	snop  }
__scs_overlays_trampoline_lowered:
0x8: {  	[smem:$0x3FAC] =	sst s0  }
0x9: {  	[smem:$0x3FAD] =	sst s1  }
0xa: {  	[smem:$0x3FAE] =	sst s2  }
0xb: {  	[smem:$0x3FAF] =	sst s3  }
0xc: {  	[smem:$0x3FB0] =	sst s4  }
0xd: {  	[smem:$0x3FB1] =	sst s5  }
0xe: {  	[smem:$0x3FB2] =	sst s6  }
0xf: {  	[smem:$0x3FB3] =	sst s7  }
0x10: {  	[smem:$0x3FB4] =	sst s8  }
0x11: {  	[smem:$0x3FB5] =	sst s9;
	s0 =	simm.s32 @!p0 $0x0  }
0x12: {  	s1 =	sld [smem:$0x3F9B];
	s0 =	simm.s32 @p0 $0x1  }
0x13: {  	[smem:$0x3FB6] =	sst s0;
	s0 =	simm.s32 @!p1 $0x0  }
0x14: {  	s2 =	sld [smem:$0x3F9A];
	s0 =	simm.s32 @p1 $0x1  }
0x15: {  	[smem:$0x3FB7] =	sst s0;
	s0 =	simm.s32 @!p2 $0x0  }
0x16: {  	s3 =	sld [smem:$0x3FDB];
	s0 =	simm.s32 @p2 $0x1  }
0x17: {  	s4 =	simm.s32 $0x1BF5;
	[smem:$0x3FB9] =	sst s0  }
0x18: {  	s0 =	sld [smem:$0x3F9C];
	_ =	swait.ge [sflag:s4], $0x0  }
0x19: {  	s7 =	sld [smem:$0x3F9D]  }
0x1a: {  	s8 =	sadd.s32 $0xFFFFE003, lr  }
0x1b: {  	s9 =	sadd.s32 $0xFFFFFEF7, lr;
	s5 =	simm.s32 $0xFFFFFFFF;
	p2 =	slt.u32 s8, $0xFFFFF086  }
0x1c: {  	p1 =	slt.u32 s9, $0xF7A;
	s5 =	simm.s32 @!p2 $0x0  }
0x1d: {  	s5 =	simm.s32 @p1 $0x1;
	p0 =	seq.s32 s7, s2  }
0x1e: {  	s7 =	smul.u32 @!p0 $0xF7A, s2;
	p2 =	seq.s32 @!p0 s5, $0x0  }
0x1f: {  	s9 =	smul.u32 $0xF7A, s1;
	s8 =	simm.s32 @!p0 $0x1BF5;
	p2 =	por !p2, p0  }
0x20: {  	[sflag:s8] =	ssyncset.s32 @!p0 $0xFFFFF086;
	s6 =	sadd.s32 @!p0 s3, s7;
	s7 =	simm.s32 @!p0 $0x108  }
0x21: {  	s3 =	sadd.s32 s3, s9;
	s6 =	sadd.s32 @!p0 $0x88, s6;
	s7 =	simm.s32 @p2 $0x1082  }
0x22: {  	[simem:s7], [sflag:s8] =	dma.local @!p0 [hbm:s6], $0xF7A  }
0x23: {  	s9 =	sor.u32 $0xD0000000, s2;
	s6 =	simm.s32 $0x108;
	_ =	swait.ge @!p0 [sflag:s8], $0x0  }
0x24: {  	s3 =	sadd.s32 $0x88, s3;
	s6 =	simm.s32 @!p1 $0x1082;
	[sflag:s4] =	ssyncset.s32 $0xFFFFF086  }
0x25: {  	[simem:s6], [sflag:s4] =	dma.local [hbm:s3], $0xF7A  }
0x26: {  	[smem:$0x3F9D] =	sst s1;
	(tag) =	ssettag s2;
	_ =	strace s9  }
0x27: {  	s1 =	sld [smem:$0x3FAD]  }
0x28: {  	s2 =	sld [smem:$0x3FAE]  }
0x29: {  	s4 =	sld [smem:$0x3FB0]  }
0x2a: {  	p0 =	seq.s32 s5, $0x0;
	s5 =	sld [smem:$0x3FB1]  }
0x2b: {  	s6 =	sld [smem:$0x3FB2]  }
0x2c: {  	s7 =	sld [smem:$0x3FB3]  }
0x2d: {  	s3 =	simm.s32 $0x108;
	s8 =	sld [smem:$0x3FB4]  }
0x2e: {  	s3 =	simm.s32 @!p0 $0x1082;
	s9 =	sld [smem:$0x3FB5]  }
0x2f: {  	lr =	sadd.s32 s0, s3;
	s0 =	sld [smem:$0x3FAC]  }
0x30: {  	s3 =	sld [smem:$0x3FAF]  }
0x31: {  	[smem:$0x3FB8] =	sst s10  }
0x32: {  	s10 =	sld [smem:$0x3FB6];
	_ =	sdelay $0x3  }
0x33: {  	p0 =	seq.s32 s10, $0x1;
	s10 =	sld [smem:$0x3FB8];
	_ =	sdelay $0x3  }
0x34: {  	[smem:$0x3FB8] =	sst s10  }
0x35: {  	s10 =	sld [smem:$0x3FB7];
	_ =	sdelay $0x3  }
0x36: {  	p1 =	seq.s32 s10, $0x1;
	s10 =	sld [smem:$0x3FB8];
	_ =	sdelay $0x3  }
0x37: {  	[smem:$0x3FB8] =	sst s10  }
0x38: {  	s10 =	sld [smem:$0x3FB9]  }
0x39: {  	_ = 	snop;
	(pc) =	sbr.ind lr, $3  }
0x3a: {  	_ = 	snop  }
0x3b: {  	_ = 	snop  }
0x3c: {  	p2 =	seq.s32 s10, $0x1;
	s10 =	sld [smem:$0x3FB8]  }
0x3d: {  	_ =	shalt  }
0x3e: {  	_ =	shalt  }
0x3f: {  	_ =	shalt  }
0x40: {  	_ =	shalt  }
0x41: {  	_ =	shalt  }
0x42: {  	_ =	shalt  }
0x43: {  	_ =	shalt  }
0x44: {  	_ =	shalt  }
0x45: {  	_ =	shalt  }
0x46: {  	_ =	shalt  }
0x47: {  	_ =	shalt  }
0x48: {  	_ =	shalt  }
0x49: {  	_ =	shalt  }
0x4a: {  	_ =	shalt  }
0x4b: {  	_ =	shalt  }
0x4c: {  	_ =	shalt  }
0x4d: {  	_ =	shalt  }
0x4e: {  	_ =	shalt  }
0x4f: {  	_ =	shalt  }
0x50: {  	_ =	shalt  }
0x51: {  	_ =	shalt  }
0x52: {  	_ =	shalt  }
0x53: {  	_ =	shalt  }
0x54: {  	_ =	shalt  }
0x55: {  	_ =	shalt  }
0x56: {  	_ =	shalt  }
0x57: {  	_ =	shalt  }
0x58: {  	_ =	shalt  }
0x59: {  	_ =	shalt  }
0x5a: {  	_ =	shalt  }
0x5b: {  	_ =	shalt  }
0x5c: {  	_ =	shalt  }
0x5d: {  	_ =	shalt  }
0x5e: {  	_ =	shalt  }
0x5f: {  	_ =	shalt  }
0x60: {  	_ =	shalt  }
0x61: {  	_ =	shalt  }
0x62: {  	_ =	shalt  }
0x63: {  	_ =	shalt  }
0x64: {  	_ =	shalt  }
0x65: {  	_ =	shalt  }
0x66: {  	_ =	shalt  }
0x67: {  	_ =	shalt  }
0x68: {  	_ =	shalt  }
0x69: {  	_ =	shalt  }
0x6a: {  	_ =	shalt  }
0x6b: {  	_ =	shalt  }
0x6c: {  	_ =	shalt  }
0x6d: {  	_ =	shalt  }
0x6e: {  	_ =	shalt  }
0x6f: {  	_ =	shalt  }
0x70: {  	_ =	shalt  }
0x71: {  	_ =	shalt  }
0x72: {  	_ =	shalt  }
0x73: {  	_ =	shalt  }
0x74: {  	_ =	shalt  }
0x75: {  	_ =	shalt  }
0x76: {  	_ =	shalt  }
0x77: {  	_ =	shalt  }
0x78: {  	_ =	shalt  }
0x79: {  	_ =	shalt  }
0x7a: {  	_ =	shalt  }
0x7b: {  	_ =	shalt  }
0x7c: {  	_ =	shalt  }
0x7d: {  	_ =	shalt  }
0x7e: {  	_ =	shalt  }
0x7f: {  	_ =	shalt  }
0x80: {  	_ =	shalt  }
0x81: {  	_ =	shalt  }
0x82: {  	_ =	shalt  }
0x83: {  	_ =	shalt  }
0x84: {  	_ =	shalt  }
0x85: {  	_ =	shalt  }
0x86: {  	_ =	shalt  }
0x87: {  	_ =	shalt  }
.Lfunc_end0:
.L_simem_size_0:
called_computation.4_lowered:
.L_overlay_start_0:
0x88: {  	s2 =	sld [smem:$0x3FD9]  }
0x89: {  	s3 =	sld [smem:$0x3FFE];
	_ =	sdelay $0x1  }
0x8a: {  	s1 =	srdreg.scid  }
0x8b: {  	s0 =	sand.u32 $0x1, s1  }
0x8c: {  	s17 =	sshll.u32 s0, $0xA;
	s2 =	sadd.s32 s3, s2  }
0x8d: {  	s2 =	sadd.s32 s2, s17  }
0x8e: {  	[smem:$0x3FC4] =	sst s2  }
0x8f: {  	_ = 	snop  }
0x90: {  	(tm) =	ssettm $0x1  }
0x91: {  	s18 =	sld [smem:$0x3FFB];
	_ =	sdelay $0x3  }
0x92: {  	_ =	strace s18  }
0x93: {  	s2 =	sld [smem:$0x3FFC];
	_ =	sdelay $0x3  }
0x94: {  	_ =	strace s2  }
0x95: {  	s2 =	sld [smem:$0x3FFD];
	_ =	sdelay $0x3  }
0x96: {  	_ =	strace s2  }
0x97: {  	_ =	strace $0x8FFFFFFF  }
0x98: {  	s19 =	sld [smem:$0x3FDB];
	_ =	sdelay $0x1  }
0x99: {  	s20 =	simm.s32 $_scs_section_size  }
0x9a: {  	s4 =	simm.s32 $_size__tile_overlayer_lowered;
	s5 =	simm.s32 $_tile_overlayer_lowered  }
0x9b: {  	s6 =	simm.s32 $0x1BFF;
	s21 =	sshll.u32 s5, $0x1;
	s3 =	sadd.s32 s20, s19  }
0x9c: {  	s22 =	simm.s32 $0x0;
	s4 =	sshll.u32 s4, $0x1;
	s5 =	sadd.s32 s21, s3  }
0x9d: {  	[timem:s22], [sflag:s6] =	dma.local [hbm:s5], s4  }
0x9e: {  	_ =	swait.ge [sflag:s6], s4  }
0x9f: {  	s4 =	ssub.s32 $0x0, s4;
	[sflag:s6] =	ssyncset.done $0x0  }
0xa0: {  	[sflag:s6] =	ssyncadd.s32 s4;
	_ =	sdelay $0x1  }
0xa1: {  	s23 =	simm.s32 $0x1B8B  }
0xa2: {  	_ =	swait.ge [sflag:s23], $0x1  }
0xa3: {  	[sflag:s23] =	ssyncset.done $0x0  }
0xa4: {  	[sflag:s23] =	ssyncadd.s32 $0xFFFFFFFF  }
0xa5: {  	s4 =	sld [smem:$0x0]  }
0xa6: {  	s5 =	sand.u32 $0xFFFFFFFE, s1  }
0xa7: {  	p0 =	sne.s32 s1, s5  }
0xa8: {  	s5 =	sshll.u32 @p0 s5, $0xE  }
0xa9: {  	s5 =	sadd.s32 @p0 $0x11B8D, s5;
	s6 =	sshll.u32 @p0 s4, $0x11  }
0xaa: {  	s5 =	sor.u32 @p0 s6, s5  }
0xab: {  	[sflag:s5] =	ssyncadd.remote.s32 @p0 $0x1;
	_ =	sdelay $0x1  }
0xac: {  	s5 =	simm.s32 @p0 $0x1B8D  }
0xad: {  	_ =	swait.eq @p0 [sflag:s5], $0x1  }
0xae: {  	[sflag:s5] =	ssyncadd.s32 @p0 $0xFFFFFFFF  }
0xaf: {  	s6 =	sshll.u32 @!p0 s1, $0xE  }
0xb0: {  	s6 =	sor.u32 @!p0 $0x4000, s6;
	s5 =	simm.s32 @!p0 $0x1B8D  }
0xb1: {  	s4 =	sshll.u32 @!p0 s4, $0x11;
	s6 =	sadd.s32 @!p0 $0x11B8D, s6;
	_ =	swait.eq @!p0 [sflag:s5], $0x1  }
0xb2: {  	s4 =	sor.u32 @!p0 s4, s6;
	[sflag:s5] =	ssyncadd.s32 @!p0 $0xFFFFFFFF  }
0xb3: {  	s25 =	simm.s32 $0x1B8E;
	s24 =	sld [smem:$0x3FFE];
	[sflag:s4] =	ssyncadd.remote.s32 @!p0 $0x1  }
0xb4: {  	s26 =	simm.s32 $execute0_lowered;
	[smem:$0x3FD2] =	sst s25  }
0xb5: {  	s5 =	sshll.u32 s26, $0x1;
	_ =	strace $0x8000004F;
	[dreg:$0x1] =	wrdreg $0xFFFFFFFF  }
0xb6: {  	s28 =	simm.s32 $_size_execute0_lowered;
	s3 =	sadd.s32 s3, s5;
	[dreg:$0x0] =	wrdreg $0x0  }
0xb7: {  	s5 =	sshll.u32 s28, $0x1;
	[dreg:$0x2] =	wrdreg s3  }
0xb8: {  	[dreg:$0x3] =	wrdreg s5  }
0xb9: {  	[dreg:$0x4] =	wrdreg $0xC0  }
0xba: {  	_ =	task [dreg:s22], $0x5FFFF  }
0xbb: {  	[dreg:$0x1] =	wrdreg $0xFFFFFFFF  }
0xbc: {  	[dreg:$0x0] =	wrdreg $0x60  }
0xbd: {  	[dreg:$0x2] =	wrdreg s24  }
0xbe: {  	[dreg:$0x3] =	wrdreg $0xD  }
0xbf: {  	_ =	task.clear_ibuf [dreg:s22], $0x4FFFF;
	_ =	strace $0x9000004F  }
0xc0: {  	s29 =	simm.s32 $0xD;
	_ =	strace $0x80000051  }
0xc1: {  	_ =	swait.ge [sflag:s29], $0x1  }
0xc2: {  	[sflag:s29] =	ssyncadd.s32 $0xFFFFFFFF  }
0xc3: {  	_ =	strace $0x90000051  }
0xc4: {  	_ =	sfence  }
0xc5: {  	s30 =	sld [smem:$0x0];
	_ =	sdelay $0x2  }
0xc6: {  	s31 =	sshll.u32 s1, $0xD;
	s1 =	sshrl.u32 s1, $0x2  }
0xc7: {  	s4 =	sand.u32 $0x4000, s31;
	s1 =	sadd.s32 s1, s30  }
0xc8: {  	s0 =	sor.u32 s4, s0;
	s1 =	sshll.u32 s1, $0x11  }
0xc9: {  	s0 =	sor.u32 s1, s0  }
0xca: {  	s0 =	sadd.s32 $0x8F2B, s0  }
0xcb: {  	[sflag:s0] =	ssyncadd.remote.s32 $0x1  }
0xcc: {  	_ =	sfence.sel $0xFFFF  }
0xcd: {  	[dreg:$0x0] =	wrdreg $0xFFFFFFFF;
	(pc) =	sbr.abs _section_cstart, $3  }
0xce: {  	[dreg:$0x1] =	wrdreg $0xFFFFFFFF  }
0xcf: {  	_ =	task.clear_ibuf [dreg:s22], $0x2FFFF;
	_ =	strace $0x9FFFFFFF  }
0xd0: {  	(tm) =	ssettm $0x7FFFFFFF  }
0xd1: {  	_ =	shalt  }
tec
execute0_lowered:
.L_overlay_start_1:
0x0: {  	(tag) =	ssettag $0x1  }
0x1: {  	s1 =	srdreg.scid  }
0x2: {  	s0 =	stileid.u32;
	s3 =	rddreg [dreg:$0x0];
	s2 =	simm.s32 $0x0  }
0x3: {  	s14 =	simm.s32 $0x10;
	s15 =	simm.s32 $0x3430;
	s16 =	simm.s32 $0x1  }
0x4: {  	s17 =	simm.s32 $0x3;
	s18 =	simm.s32 $0x2;
	s19 =	simm.s32 $0x4  }
0x5: {  	s20 =	simm.s32 $0x420;
	s21 =	simm.s32 $0x0;
	s7 =	smul.u32 $0x648, s0  }
0x6: {  	s8 =	sand.u32 $0x1, s1;
	s30 =	sshll.u32 s0, $0x1;
	s13 =	smul.u32 $0x32400, s0  }
0x7: {  	s1 =	rddreg [dreg:$0x1];
	s4 =	sor.u32 s8, s30;
	s11 =	smul.u32 $0x324, s8  }
0x8: {  	[smem:$0x7FF] =	sst s2;
	s6 =	ssub.s32 $0x2, s8;
	s5 =	smul.u32 $0x86, s4  }
0x9: {  	s10 =	sadd.s32 $0x15AE800, s3;
	s4 =	smul.u32 $0xC9000, s4;
	s9 =	sshrl.u32 s6, $0x1  }
0xa: {  	_ =	strace $0x80000050;
	s31 =	smul.u32 $0x19200, s8;
	s9 =	ssub.s32 s6, s9  }
0xb: {  	s7 =	sadd.s32 s11, s7;
	s5 =	sadd.s32 s5, s3;
	s4 =	sshrl.u32 s4, $0x3  }
0xc: {  	s3 =	sadd.s32 $0xC600, s3;
	s11 =	sshll.u32 s7, $0x7;
	s8 =	smax.u32 s9, $0x1  }
0xd: {  	s12 =	sadd.s32 s10, s4;
	s4 =	sadd.s32 $0x7200, s5;
	s11 =	sadd.s32 s10, s11  }
0xe: {  	s10 =	sadd.s32 s13, s10;
	s13 =	simm.s32 $0x430;
	s5 =	sadd.s32 $0x18000, s12  }
0xf: {  	s6 =	sadd.s32 $0x18600, s12;
	s7 =	sadd.s32 $0x18C00, s12;
	s9 =	sadd.s32 $0x600, s11  }
0x10: {  	s10 =	sadd.s32 s31, s10;
	s11 =	simm.s32 $0x5;
	s12 =	simm.s32 $0xC  }
.LBB2_1:
0x11: {  	[tilespmem:s2], [sflag:$0x5] =	stream.linear.gather [hbm4b:s4+s2], $0x430, $0x38;
	[tilespmem:$0x6430] =	vst v63  }
0x12: {  	_ =	swait.ge [sflag:s11], $0x430  }
0x13: {  	[sflag:s11] =	ssyncset.done $0x0  }
0x14: {  	[sflag:s11] =	ssyncadd.s32 $0xFFFFFBD0  }
0x15: {  	[tilespmem:s13], [sflag:$0x1] =	stream.indirect.gather [hbm4b:s3+s12], $0x400, s2, s12, $0xb8;
	[tilespmem:$0x6430] =	vst v63  }
0x16: {  	_ = 	snop  }
0x17: {  	[tilespmem:s15], [sflag:$0x2] =	stream.indirect.gather [hbm4b:s3+s12], $0x400, s14, s12, $0xb8;
	[tilespmem:$0x6430] =	vst v63  }
0x18: {  	_ =	swait.ge [sflag:s16], $0x3000  }
0x19: {  	[sflag:s16] =	ssyncset.done $0x0  }
0x1a: {  	s22 =	sadd.s32 $0x0, s10;
	[sflag:s16] =	ssyncadd.s32 $0xFFFFD000  }
0x1b: {  	[hbm4b:s22+s2] =	stream.linear.scatter [tilespmem:s13], [sflag:$0x3], $0x3000, $0x38;
	[tilespmem:$0x6430] =	vst v63  }
0x1c: {  	_ =	swait.ge [sflag:s17], $0x3000  }
0x1d: {  	[sflag:s17] =	ssyncset.done $0x0  }
0x1e: {  	s30 =	simm.s32 $0x20;
	[sflag:s17] =	ssyncadd.s32 $0xFFFFD000  }
0x1f: {  	[tilespmem:s13], [sflag:$0x1] =	stream.indirect.gather [hbm4b:s3+s12], $0x400, s30, s12, $0xb8;
	[tilespmem:$0x6430] =	vst v63  }
0x20: {  	_ =	swait.ge [sflag:s18], $0x3000  }
0x21: {  	[sflag:s18] =	ssyncset.done $0x0  }
0x22: {  	s31 =	sadd.s32 $0x0, s9;
	[sflag:s18] =	ssyncadd.s32 $0xFFFFD000  }
0x23: {  	[hbm4b:s31+s2] =	stream.linear.scatter [tilespmem:s15], [sflag:$0x4], $0x3000, $0x38;
	[tilespmem:$0x6430] =	vst v63  }
0x24: {  	_ =	swait.ge [sflag:s19], $0x3000  }
0x25: {  	s23 =	simm.s32 $0xC00;
	[sflag:s19] =	ssyncset.done $0x0  }
0x26: {  	s24 =	simm.s32 $0x50;
	s22 =	simm.s32 $0x30;
	[sflag:s19] =	ssyncadd.s32 $0xFFFFD000  }
.LBB2_2:
0x27: {  	[tilespmem:s15], [sflag:$0x2] =	stream.indirect.gather [hbm4b:s3+s12], $0x400, s22, s12, $0xb8;
	[tilespmem:$0x6430] =	vst v63  }
0x28: {  	s25 =	smov.u32 s23;
	s22 =	smov.u32 s24  }
0x29: {  	p0 =	sne.s32 s23, $0x17400;
	s23 =	sadd.s32 $0xC00, s23;
	_ =	swait.ge [sflag:s16], $0x3000  }
0x2a: {  	[sflag:s16] =	ssyncset.done $0x0  }
0x2b: {  	s26 =	sadd.s32 s25, s10;
	[sflag:s16] =	ssyncadd.s32 $0xFFFFD000  }
0x2c: {  	[hbm4b:s26+s2] =	stream.linear.scatter [tilespmem:s13], [sflag:$0x3], $0x3000, $0x38;
	[tilespmem:$0x6430] =	vst v63  }
0x2d: {  	_ =	swait.ge [sflag:s17], $0x3000  }
0x2e: {  	[sflag:s17] =	ssyncset.done $0x0  }
0x2f: {  	s26 =	sadd.s32 $0xFFFFFFF0, s24;
	[sflag:s17] =	ssyncadd.s32 $0xFFFFD000  }
0x30: {  	[tilespmem:s13], [sflag:$0x1] =	stream.indirect.gather [hbm4b:s3+s12], $0x400, s26, s12, $0xb8;
	[tilespmem:$0x6430] =	vst v63  }
0x31: {  	_ =	swait.ge [sflag:s18], $0x3000  }
0x32: {  	[sflag:s18] =	ssyncset.done $0x0  }
.Ltmp0:
0x33: {  	s25 =	sadd.s32 s25, s9;
	[sflag:s18] =	ssyncadd.s32 $0xFFFFD000;
	(pc) =	sbr.rel @p0 .LBB2_2-.Ltmp0, $4  }
0x34: {  	[hbm4b:s25+s2] =	stream.linear.scatter [tilespmem:s15], [sflag:$0x4], $0x3000, $0x38;
	[tilespmem:$0x6430] =	vst v63  }
0x35: {  	_ =	swait.ge [sflag:s19], $0x3000  }
0x36: {  	[sflag:s19] =	ssyncset.done $0x0  }
0x37: {  	s24 =	sadd.s32 $0x20, s24;
	[sflag:s19] =	ssyncadd.s32 $0xFFFFD000  }
0x38: {  	[tilespmem:s15], [sflag:$0x2] =	stream.indirect.gather [hbm4b:s3+s12], $0x400, s22, s12, $0xb8;
	[tilespmem:$0x6430] =	vst v63  }
0x39: {  	_ =	swait.ge [sflag:s16], $0x3000  }
0x3a: {  	[sflag:s16] =	ssyncset.done $0x0  }
0x3b: {  	[sflag:s16] =	ssyncadd.s32 $0xFFFFD000  }
0x3c: {  	[hbm4b:s5+s2] =	stream.linear.scatter [tilespmem:s13], [sflag:$0x3], $0x3000, $0x38;
	[tilespmem:$0x6430] =	vst v63  }
0x3d: {  	_ =	swait.ge [sflag:s17], $0x3000  }
0x3e: {  	[sflag:s17] =	ssyncset.done $0x0  }
0x3f: {  	[sflag:s17] =	ssyncadd.s32 $0xFFFFD000  }
0x40: {  	_ =	swait.ge [sflag:s18], $0x3000  }
0x41: {  	[sflag:s18] =	ssyncset.done $0x0  }
0x42: {  	[sflag:s18] =	ssyncadd.s32 $0xFFFFD000  }
0x43: {  	[hbm4b:s6+s2] =	stream.linear.scatter [tilespmem:s15], [sflag:$0x4], $0x3000, $0x38;
	[tilespmem:$0x6430] =	vst v63  }
0x44: {  	_ =	swait.ge [sflag:s19], $0x3000  }
0x45: {  	[sflag:s19] =	ssyncset.done $0x0  }
0x46: {  	[sflag:s19] =	ssyncadd.s32 $0xFFFFD000  }
0x47: {  	[tilespmem:s13], [sflag:$0x1] =	stream.indirect.gather [hbm4b:s3+s12], $0x400, s20, s12, $0xb8;
	[tilespmem:$0x6430] =	vst v63  }
0x48: {  	s21 =	sadd.s32 $0x1, s21;
	_ =	swait.ge [sflag:s16], $0x3000  }
0x49: {  	p0 =	sne.s32 s21, s8;
	[sflag:s16] =	ssyncset.done $0x0  }
.Ltmp1:
0x4a: {  	[sflag:s16] =	ssyncadd.s32 $0xFFFFD000;
	(pc) =	sbr.rel @p0 .LBB2_1-.Ltmp1, $4  }
0x4b: {  	[hbm4b:s7+s2] =	stream.linear.scatter [tilespmem:s13], [sflag:$0x3], $0x3000, $0x38;
	[tilespmem:$0x6430] =	vst v63  }
0x4c: {  	_ =	swait.ge [sflag:s17], $0x3000  }
0x4d: {  	[sflag:s17] =	ssyncset.done $0x0  }
0x4e: {  	[sflag:s17] =	ssyncadd.s32 $0xFFFFD000  }
0x4f: {  	_ =	sfence.sel $0x180000  }
0x50: {  	[bflag:$0x0] =	sbarrier.arrive $0xFFFF  }
0x51: {  	p0 =	sne.s32 s0, $0x0;
	_ =	strace $0x90000050  }
0x52: {  	s0 =	sadd.s32 @!p0 $0x100000, s1;
	[bflag:$0x2] =	sbarrier.arrive $0xFFFF  }
0x53: {  	[sflag:s0] =	ssyncadd.tile.s32 @!p0 $0x1;
	_ =	shalt  }
.Lfunc_end2:
_tile_overlayer_lowered:
.L_overlay_start_2:
0x54: {  	(tag) =	ssettag $0x2  }
0x55: {  	s0 =	rddreg [dreg:$0x0];
	s2 =	stileid.u32  }
0x56: {  	s1 =	rddreg [dreg:$0x1];
	p0 =	sne.s32 s2, $0x0  }
0x57: {  	s3 =	rddreg [dreg:$0x2];
	[bflag:$0x3] =	sbarrier.arrive $0xFFFF;
	s2 =	simm.s32 @!p0 $0x1C05  }
0x58: {  	[timem:s3], [sflag:s2] =	dma.local @!p0 [hbm:s0], s1  }
0x59: {  	s0 =	simm.s32 @!p0 $0x5  }
0x5a: {  	_ =	swait.ge @!p0 [sflag:s0], s1  }
0x5b: {  	s1 =	ssub.s32 @!p0 $0x0, s1;
	[sflag:s0] =	ssyncset.done @!p0 $0x0  }
0x5c: {  	[sflag:s0] =	ssyncadd.s32 @!p0 s1  }
0x5d: {  	[bflag:$0x3] =	sbarrier.arrive $0xFFFF  }
0x5e: {  	_ =	shalt  }

// kernel: kernel.34.cloned.1.call-start
scs
__scs_entry_jumppad:
0x0: {  	(pc) =	sbr.rel $0x88, $3  }
0x1: {  	(tag) =	ssettag $0x0;
	lr =	simm.s32 $0x1  }
0x2: {  	[smem:$0x3F9D] =	sst lr;
	_ =	strace $0xD0000000  }
0x3: {  	_ = 	snop  }
0x4: {  	_ = 	snop  }
0x5: {  	_ = 	snop  }
0x6: {  	_ = 	snop  }
0x7: {  	_ = 	snop  }
__scs_overlays_trampoline_lowered:
0x8: {  	[smem:$0x3FAC] =	sst s0  }
0x9: {  	[smem:$0x3FAD] =	sst s1  }
0xa: {  	[smem:$0x3FAE] =	sst s2  }
0xb: {  	[smem:$0x3FAF] =	sst s3  }
0xc: {  	[smem:$0x3FB0] =	sst s4  }
0xd: {  	[smem:$0x3FB1] =	sst s5  }
0xe: {  	[smem:$0x3FB2] =	sst s6  }
0xf: {  	[smem:$0x3FB3] =	sst s7  }
0x10: {  	[smem:$0x3FB4] =	sst s8  }
0x11: {  	[smem:$0x3FB5] =	sst s9;
	s0 =	simm.s32 @!p0 $0x0  }
0x12: {  	s1 =	sld [smem:$0x3F9B];
	s0 =	simm.s32 @p0 $0x1  }
0x13: {  	[smem:$0x3FB6] =	sst s0;
	s0 =	simm.s32 @!p1 $0x0  }
0x14: {  	s2 =	sld [smem:$0x3F9A];
	s0 =	simm.s32 @p1 $0x1  }
0x15: {  	[smem:$0x3FB7] =	sst s0;
	s0 =	simm.s32 @!p2 $0x0  }
0x16: {  	s3 =	sld [smem:$0x3FDB];
	s0 =	simm.s32 @p2 $0x1  }
0x17: {  	s4 =	simm.s32 $0x1BF5;
	[smem:$0x3FB9] =	sst s0  }
0x18: {  	s0 =	sld [smem:$0x3F9C];
	_ =	swait.ge [sflag:s4], $0x0  }
0x19: {  	s7 =	sld [smem:$0x3F9D]  }
0x1a: {  	s8 =	sadd.s32 $0xFFFFE003, lr  }
0x1b: {  	s9 =	sadd.s32 $0xFFFFFEF7, lr;
	s5 =	simm.s32 $0xFFFFFFFF;
	p2 =	slt.u32 s8, $0xFFFFF086  }
0x1c: {  	p1 =	slt.u32 s9, $0xF7A;
	s5 =	simm.s32 @!p2 $0x0  }
0x1d: {  	s5 =	simm.s32 @p1 $0x1;
	p0 =	seq.s32 s7, s2  }
0x1e: {  	s7 =	smul.u32 @!p0 $0xF7A, s2;
	p2 =	seq.s32 @!p0 s5, $0x0  }
0x1f: {  	s9 =	smul.u32 $0xF7A, s1;
	s8 =	simm.s32 @!p0 $0x1BF5;
	p2 =	por !p2, p0  }
0x20: {  	[sflag:s8] =	ssyncset.s32 @!p0 $0xFFFFF086;
	s6 =	sadd.s32 @!p0 s3, s7;
	s7 =	simm.s32 @!p0 $0x108  }
0x21: {  	s3 =	sadd.s32 s3, s9;
	s6 =	sadd.s32 @!p0 $0x88, s6;
	s7 =	simm.s32 @p2 $0x1082  }
0x22: {  	[simem:s7], [sflag:s8] =	dma.local @!p0 [hbm:s6], $0xF7A  }
0x23: {  	s9 =	sor.u32 $0xD0000000, s2;
	s6 =	simm.s32 $0x108;
	_ =	swait.ge @!p0 [sflag:s8], $0x0  }
0x24: {  	s3 =	sadd.s32 $0x88, s3;
	s6 =	simm.s32 @!p1 $0x1082;
	[sflag:s4] =	ssyncset.s32 $0xFFFFF086  }
0x25: {  	[simem:s6], [sflag:s4] =	dma.local [hbm:s3], $0xF7A  }
0x26: {  	[smem:$0x3F9D] =	sst s1;
	(tag) =	ssettag s2;
	_ =	strace s9  }
0x27: {  	s1 =	sld [smem:$0x3FAD]  }
0x28: {  	s2 =	sld [smem:$0x3FAE]  }
0x29: {  	s4 =	sld [smem:$0x3FB0]  }
0x2a: {  	p0 =	seq.s32 s5, $0x0;
	s5 =	sld [smem:$0x3FB1]  }
0x2b: {  	s6 =	sld [smem:$0x3FB2]  }
0x2c: {  	s7 =	sld [smem:$0x3FB3]  }
0x2d: {  	s3 =	simm.s32 $0x108;
	s8 =	sld [smem:$0x3FB4]  }
0x2e: {  	s3 =	simm.s32 @!p0 $0x1082;
	s9 =	sld [smem:$0x3FB5]  }
0x2f: {  	lr =	sadd.s32 s0, s3;
	s0 =	sld [smem:$0x3FAC]  }
0x30: {  	s3 =	sld [smem:$0x3FAF]  }
0x31: {  	[smem:$0x3FB8] =	sst s10  }
0x32: {  	s10 =	sld [smem:$0x3FB6];
	_ =	sdelay $0x3  }
0x33: {  	p0 =	seq.s32 s10, $0x1;
	s10 =	sld [smem:$0x3FB8];
	_ =	sdelay $0x3  }
0x34: {  	[smem:$0x3FB8] =	sst s10  }
0x35: {  	s10 =	sld [smem:$0x3FB7];
	_ =	sdelay $0x3  }
0x36: {  	p1 =	seq.s32 s10, $0x1;
	s10 =	sld [smem:$0x3FB8];
	_ =	sdelay $0x3  }
0x37: {  	[smem:$0x3FB8] =	sst s10  }
0x38: {  	s10 =	sld [smem:$0x3FB9]  }
0x39: {  	_ = 	snop;
	(pc) =	sbr.ind lr, $3  }
0x3a: {  	_ = 	snop  }
0x3b: {  	_ = 	snop  }
0x3c: {  	p2 =	seq.s32 s10, $0x1;
	s10 =	sld [smem:$0x3FB8]  }
0x3d: {  	_ =	shalt  }
0x3e: {  	_ =	shalt  }
0x3f: {  	_ =	shalt  }
0x40: {  	_ =	shalt  }
0x41: {  	_ =	shalt  }
0x42: {  	_ =	shalt  }
0x43: {  	_ =	shalt  }
0x44: {  	_ =	shalt  }
0x45: {  	_ =	shalt  }
0x46: {  	_ =	shalt  }
0x47: {  	_ =	shalt  }
0x48: {  	_ =	shalt  }
0x49: {  	_ =	shalt  }
0x4a: {  	_ =	shalt  }
0x4b: {  	_ =	shalt  }
0x4c: {  	_ =	shalt  }
0x4d: {  	_ =	shalt  }
0x4e: {  	_ =	shalt  }
0x4f: {  	_ =	shalt  }
0x50: {  	_ =	shalt  }
0x51: {  	_ =	shalt  }
0x52: {  	_ =	shalt  }
0x53: {  	_ =	shalt  }
0x54: {  	_ =	shalt  }
0x55: {  	_ =	shalt  }
0x56: {  	_ =	shalt  }
0x57: {  	_ =	shalt  }
0x58: {  	_ =	shalt  }
0x59: {  	_ =	shalt  }
0x5a: {  	_ =	shalt  }
0x5b: {  	_ =	shalt  }
0x5c: {  	_ =	shalt  }
0x5d: {  	_ =	shalt  }
0x5e: {  	_ =	shalt  }
0x5f: {  	_ =	shalt  }
0x60: {  	_ =	shalt  }
0x61: {  	_ =	shalt  }
0x62: {  	_ =	shalt  }
0x63: {  	_ =	shalt  }
0x64: {  	_ =	shalt  }
0x65: {  	_ =	shalt  }
0x66: {  	_ =	shalt  }
0x67: {  	_ =	shalt  }
0x68: {  	_ =	shalt  }
0x69: {  	_ =	shalt  }
0x6a: {  	_ =	shalt  }
0x6b: {  	_ =	shalt  }
0x6c: {  	_ =	shalt  }
0x6d: {  	_ =	shalt  }
0x6e: {  	_ =	shalt  }
0x6f: {  	_ =	shalt  }
0x70: {  	_ =	shalt  }
0x71: {  	_ =	shalt  }
0x72: {  	_ =	shalt  }
0x73: {  	_ =	shalt  }
0x74: {  	_ =	shalt  }
0x75: {  	_ =	shalt  }
0x76: {  	_ =	shalt  }
0x77: {  	_ =	shalt  }
0x78: {  	_ =	shalt  }
0x79: {  	_ =	shalt  }
0x7a: {  	_ =	shalt  }
0x7b: {  	_ =	shalt  }
0x7c: {  	_ =	shalt  }
0x7d: {  	_ =	shalt  }
0x7e: {  	_ =	shalt  }
0x7f: {  	_ =	shalt  }
0x80: {  	_ =	shalt  }
0x81: {  	_ =	shalt  }
0x82: {  	_ =	shalt  }
0x83: {  	_ =	shalt  }
0x84: {  	_ =	shalt  }
0x85: {  	_ =	shalt  }
0x86: {  	_ =	shalt  }
0x87: {  	_ =	shalt  }
.Lfunc_end0:
.L_simem_size_0:
called_computation.5_lowered:
.L_overlay_start_0:
0x88: {  	s2 =	sld [smem:$0x3FD9]  }
0x89: {  	s3 =	sld [smem:$0x3FFE];
	_ =	sdelay $0x1  }
0x8a: {  	s1 =	srdreg.scid  }
0x8b: {  	s0 =	sand.u32 $0x1, s1  }
0x8c: {  	s17 =	sshll.u32 s0, $0xA;
	s2 =	sadd.s32 s3, s2  }
0x8d: {  	s2 =	sadd.s32 s2, s17  }
0x8e: {  	[smem:$0x3FC4] =	sst s2  }
0x8f: {  	_ = 	snop  }
0x90: {  	(tm) =	ssettm $0x1  }
0x91: {  	s18 =	sld [smem:$0x3FFB];
	_ =	sdelay $0x3  }
0x92: {  	_ =	strace s18  }
0x93: {  	s2 =	sld [smem:$0x3FFC];
	_ =	sdelay $0x3  }
0x94: {  	_ =	strace s2  }
0x95: {  	s2 =	sld [smem:$0x3FFD];
	_ =	sdelay $0x3  }
0x96: {  	_ =	strace s2  }
0x97: {  	_ =	strace $0x8FFFFFFF  }
0x98: {  	s19 =	sld [smem:$0x3FDB];
	_ =	sdelay $0x1  }
0x99: {  	s20 =	simm.s32 $_scs_section_size  }
0x9a: {  	s4 =	simm.s32 $_size__tile_overlayer_lowered;
	s5 =	simm.s32 $_tile_overlayer_lowered  }
0x9b: {  	s6 =	simm.s32 $0x1BFF;
	s21 =	sshll.u32 s5, $0x1;
	s3 =	sadd.s32 s20, s19  }
0x9c: {  	s22 =	simm.s32 $0x0;
	s4 =	sshll.u32 s4, $0x1;
	s5 =	sadd.s32 s21, s3  }
0x9d: {  	[timem:s22], [sflag:s6] =	dma.local [hbm:s5], s4  }
0x9e: {  	_ =	swait.ge [sflag:s6], s4  }
0x9f: {  	s4 =	ssub.s32 $0x0, s4;
	[sflag:s6] =	ssyncset.done $0x0  }
0xa0: {  	[sflag:s6] =	ssyncadd.s32 s4;
	_ =	sdelay $0x1  }
0xa1: {  	s23 =	simm.s32 $0x1B8B  }
0xa2: {  	_ =	swait.ge [sflag:s23], $0x1  }
0xa3: {  	[sflag:s23] =	ssyncset.done $0x0  }
0xa4: {  	[sflag:s23] =	ssyncadd.s32 $0xFFFFFFFF  }
0xa5: {  	s4 =	sld [smem:$0x0]  }
0xa6: {  	s5 =	sand.u32 $0xFFFFFFFE, s1  }
0xa7: {  	p0 =	sne.s32 s1, s5  }
0xa8: {  	s5 =	sshll.u32 @p0 s5, $0xE  }
0xa9: {  	s5 =	sadd.s32 @p0 $0x11B8D, s5;
	s6 =	sshll.u32 @p0 s4, $0x11  }
0xaa: {  	s5 =	sor.u32 @p0 s6, s5  }
0xab: {  	[sflag:s5] =	ssyncadd.remote.s32 @p0 $0x1;
	_ =	sdelay $0x1  }
0xac: {  	s5 =	simm.s32 @p0 $0x1B8D  }
0xad: {  	_ =	swait.eq @p0 [sflag:s5], $0x1  }
0xae: {  	[sflag:s5] =	ssyncadd.s32 @p0 $0xFFFFFFFF  }
0xaf: {  	s6 =	sshll.u32 @!p0 s1, $0xE  }
0xb0: {  	s6 =	sor.u32 @!p0 $0x4000, s6;
	s5 =	simm.s32 @!p0 $0x1B8D  }
0xb1: {  	s4 =	sshll.u32 @!p0 s4, $0x11;
	s6 =	sadd.s32 @!p0 $0x11B8D, s6;
	_ =	swait.eq @!p0 [sflag:s5], $0x1  }
0xb2: {  	s4 =	sor.u32 @!p0 s4, s6;
	[sflag:s5] =	ssyncadd.s32 @!p0 $0xFFFFFFFF  }
0xb3: {  	s25 =	simm.s32 $0x1B8E;
	s24 =	sld [smem:$0x3FFE];
	[sflag:s4] =	ssyncadd.remote.s32 @!p0 $0x1  }
0xb4: {  	s26 =	simm.s32 $execute0_lowered;
	[smem:$0x3FD2] =	sst s25  }
0xb5: {  	s5 =	sshll.u32 s26, $0x1;
	_ =	strace $0x8000004C;
	[dreg:$0x1] =	wrdreg $0xFFFFFFFF  }
0xb6: {  	s28 =	simm.s32 $_size_execute0_lowered;
	s3 =	sadd.s32 s3, s5;
	[dreg:$0x0] =	wrdreg $0x0  }
0xb7: {  	s5 =	sshll.u32 s28, $0x1;
	[dreg:$0x2] =	wrdreg s3  }
0xb8: {  	[dreg:$0x3] =	wrdreg s5  }
0xb9: {  	[dreg:$0x4] =	wrdreg $0xC0  }
0xba: {  	_ =	task [dreg:s22], $0x5FFFF  }
0xbb: {  	[dreg:$0x1] =	wrdreg $0xFFFFFFFF  }
0xbc: {  	[dreg:$0x0] =	wrdreg $0x60  }
0xbd: {  	[dreg:$0x2] =	wrdreg s24  }
0xbe: {  	[dreg:$0x3] =	wrdreg $0xE  }
0xbf: {  	_ =	task.clear_ibuf [dreg:s22], $0x4FFFF;
	_ =	strace $0x9000004C  }
0xc0: {  	s29 =	simm.s32 $0xE;
	_ =	strace $0x8000004E  }
0xc1: {  	_ =	swait.ge [sflag:s29], $0x1  }
0xc2: {  	[sflag:s29] =	ssyncadd.s32 $0xFFFFFFFF  }
0xc3: {  	_ =	strace $0x9000004E  }
0xc4: {  	_ =	sfence  }
0xc5: {  	s30 =	sld [smem:$0x0];
	_ =	sdelay $0x2  }
0xc6: {  	s31 =	sshll.u32 s1, $0xD;
	s1 =	sshrl.u32 s1, $0x2  }
0xc7: {  	s4 =	sand.u32 $0x4000, s31;
	s1 =	sadd.s32 s1, s30  }
0xc8: {  	s0 =	sor.u32 s4, s0;
	s1 =	sshll.u32 s1, $0x11  }
0xc9: {  	s0 =	sor.u32 s1, s0  }
0xca: {  	s0 =	sadd.s32 $0x8F2B, s0  }
0xcb: {  	[sflag:s0] =	ssyncadd.remote.s32 $0x1  }
0xcc: {  	_ =	sfence.sel $0xFFFF  }
0xcd: {  	[dreg:$0x0] =	wrdreg $0xFFFFFFFF;
	(pc) =	sbr.abs _section_cstart, $3  }
0xce: {  	[dreg:$0x1] =	wrdreg $0xFFFFFFFF  }
0xcf: {  	_ =	task.clear_ibuf [dreg:s22], $0x2FFFF;
	_ =	strace $0x9FFFFFFF  }
0xd0: {  	(tm) =	ssettm $0x7FFFFFFF  }
0xd1: {  	_ =	shalt  }
tec
execute0_lowered:
.L_overlay_start_1:
0x0: {  	(tag) =	ssettag $0x1  }
0x1: {  	s1 =	srdreg.scid  }
0x2: {  	s0 =	stileid.u32;
	s3 =	rddreg [dreg:$0x0];
	s2 =	simm.s32 $0x0  }
0x3: {  	s14 =	simm.s32 $0x10;
	s15 =	simm.s32 $0x3430;
	s16 =	simm.s32 $0x1  }
0x4: {  	s17 =	simm.s32 $0x3;
	s18 =	simm.s32 $0x2;
	s19 =	simm.s32 $0x4  }
0x5: {  	s20 =	simm.s32 $0x420;
	s21 =	simm.s32 $0x0;
	s7 =	smul.u32 $0x648, s0  }
0x6: {  	s8 =	sand.u32 $0x1, s1;
	s30 =	sshll.u32 s0, $0x1;
	s13 =	smul.u32 $0x32400, s0  }
0x7: {  	s1 =	rddreg [dreg:$0x1];
	s4 =	sor.u32 s8, s30;
	s11 =	smul.u32 $0x324, s8  }
0x8: {  	[smem:$0x7FF] =	sst s2;
	s6 =	ssub.s32 $0x2, s8;
	s5 =	smul.u32 $0x86, s4  }
0x9: {  	s10 =	sadd.s32 $0x128A800, s3;
	s4 =	smul.u32 $0xC9000, s4;
	s9 =	sshrl.u32 s6, $0x1  }
0xa: {  	_ =	strace $0x8000004D;
	s31 =	smul.u32 $0x19200, s8;
	s9 =	ssub.s32 s6, s9  }
0xb: {  	s7 =	sadd.s32 s11, s7;
	s5 =	sadd.s32 s5, s3;
	s4 =	sshrl.u32 s4, $0x3  }
0xc: {  	s3 =	sadd.s32 $0xC600, s3;
	s11 =	sshll.u32 s7, $0x7;
	s8 =	smax.u32 s9, $0x1  }
0xd: {  	s12 =	sadd.s32 s10, s4;
	s4 =	sadd.s32 $0x6000, s5;
	s11 =	sadd.s32 s10, s11  }
0xe: {  	s10 =	sadd.s32 s13, s10;
	s13 =	simm.s32 $0x430;
	s5 =	sadd.s32 $0x18000, s12  }
0xf: {  	s6 =	sadd.s32 $0x18600, s12;
	s7 =	sadd.s32 $0x18C00, s12;
	s9 =	sadd.s32 $0x600, s11  }
0x10: {  	s10 =	sadd.s32 s31, s10;
	s11 =	simm.s32 $0x5;
	s12 =	simm.s32 $0xC  }
.LBB2_1:
0x11: {  	[tilespmem:s2], [sflag:$0x5] =	stream.linear.gather [hbm4b:s4+s2], $0x430, $0x38;
	[tilespmem:$0x6430] =	vst v63  }
0x12: {  	_ =	swait.ge [sflag:s11], $0x430  }
0x13: {  	[sflag:s11] =	ssyncset.done $0x0  }
0x14: {  	[sflag:s11] =	ssyncadd.s32 $0xFFFFFBD0  }
0x15: {  	[tilespmem:s13], [sflag:$0x1] =	stream.indirect.gather [hbm4b:s3+s12], $0x400, s2, s12, $0xb8;
	[tilespmem:$0x6430] =	vst v63  }
0x16: {  	_ = 	snop  }
0x17: {  	[tilespmem:s15], [sflag:$0x2] =	stream.indirect.gather [hbm4b:s3+s12], $0x400, s14, s12, $0xb8;
	[tilespmem:$0x6430] =	vst v63  }
0x18: {  	_ =	swait.ge [sflag:s16], $0x3000  }
0x19: {  	[sflag:s16] =	ssyncset.done $0x0  }
0x1a: {  	s22 =	sadd.s32 $0x0, s10;
	[sflag:s16] =	ssyncadd.s32 $0xFFFFD000  }
0x1b: {  	[hbm4b:s22+s2] =	stream.linear.scatter [tilespmem:s13], [sflag:$0x3], $0x3000, $0x38;
	[tilespmem:$0x6430] =	vst v63  }
0x1c: {  	_ =	swait.ge [sflag:s17], $0x3000  }
0x1d: {  	[sflag:s17] =	ssyncset.done $0x0  }
0x1e: {  	s30 =	simm.s32 $0x20;
	[sflag:s17] =	ssyncadd.s32 $0xFFFFD000  }
0x1f: {  	[tilespmem:s13], [sflag:$0x1] =	stream.indirect.gather [hbm4b:s3+s12], $0x400, s30, s12, $0xb8;
	[tilespmem:$0x6430] =	vst v63  }
0x20: {  	_ =	swait.ge [sflag:s18], $0x3000  }
0x21: {  	[sflag:s18] =	ssyncset.done $0x0  }
0x22: {  	s31 =	sadd.s32 $0x0, s9;
	[sflag:s18] =	ssyncadd.s32 $0xFFFFD000  }
0x23: {  	[hbm4b:s31+s2] =	stream.linear.scatter [tilespmem:s15], [sflag:$0x4], $0x3000, $0x38;
	[tilespmem:$0x6430] =	vst v63  }
0x24: {  	_ =	swait.ge [sflag:s19], $0x3000  }
0x25: {  	s23 =	simm.s32 $0xC00;
	[sflag:s19] =	ssyncset.done $0x0  }
0x26: {  	s24 =	simm.s32 $0x50;
	s22 =	simm.s32 $0x30;
	[sflag:s19] =	ssyncadd.s32 $0xFFFFD000  }
.LBB2_2:
0x27: {  	[tilespmem:s15], [sflag:$0x2] =	stream.indirect.gather [hbm4b:s3+s12], $0x400, s22, s12, $0xb8;
	[tilespmem:$0x6430] =	vst v63  }
0x28: {  	s25 =	smov.u32 s23;
	s22 =	smov.u32 s24  }
0x29: {  	p0 =	sne.s32 s23, $0x17400;
	s23 =	sadd.s32 $0xC00, s23;
	_ =	swait.ge [sflag:s16], $0x3000  }
0x2a: {  	[sflag:s16] =	ssyncset.done $0x0  }
0x2b: {  	s26 =	sadd.s32 s25, s10;
	[sflag:s16] =	ssyncadd.s32 $0xFFFFD000  }
0x2c: {  	[hbm4b:s26+s2] =	stream.linear.scatter [tilespmem:s13], [sflag:$0x3], $0x3000, $0x38;
	[tilespmem:$0x6430] =	vst v63  }
0x2d: {  	_ =	swait.ge [sflag:s17], $0x3000  }
0x2e: {  	[sflag:s17] =	ssyncset.done $0x0  }
0x2f: {  	s26 =	sadd.s32 $0xFFFFFFF0, s24;
	[sflag:s17] =	ssyncadd.s32 $0xFFFFD000  }
0x30: {  	[tilespmem:s13], [sflag:$0x1] =	stream.indirect.gather [hbm4b:s3+s12], $0x400, s26, s12, $0xb8;
	[tilespmem:$0x6430] =	vst v63  }
0x31: {  	_ =	swait.ge [sflag:s18], $0x3000  }
0x32: {  	[sflag:s18] =	ssyncset.done $0x0  }
.Ltmp0:
0x33: {  	s25 =	sadd.s32 s25, s9;
	[sflag:s18] =	ssyncadd.s32 $0xFFFFD000;
	(pc) =	sbr.rel @p0 .LBB2_2-.Ltmp0, $4  }
0x34: {  	[hbm4b:s25+s2] =	stream.linear.scatter [tilespmem:s15], [sflag:$0x4], $0x3000, $0x38;
	[tilespmem:$0x6430] =	vst v63  }
0x35: {  	_ =	swait.ge [sflag:s19], $0x3000  }
0x36: {  	[sflag:s19] =	ssyncset.done $0x0  }
0x37: {  	s24 =	sadd.s32 $0x20, s24;
	[sflag:s19] =	ssyncadd.s32 $0xFFFFD000  }
0x38: {  	[tilespmem:s15], [sflag:$0x2] =	stream.indirect.gather [hbm4b:s3+s12], $0x400, s22, s12, $0xb8;
	[tilespmem:$0x6430] =	vst v63  }
0x39: {  	_ =	swait.ge [sflag:s16], $0x3000  }
0x3a: {  	[sflag:s16] =	ssyncset.done $0x0  }
0x3b: {  	[sflag:s16] =	ssyncadd.s32 $0xFFFFD000  }
0x3c: {  	[hbm4b:s5+s2] =	stream.linear.scatter [tilespmem:s13], [sflag:$0x3], $0x3000, $0x38;
	[tilespmem:$0x6430] =	vst v63  }
0x3d: {  	_ =	swait.ge [sflag:s17], $0x3000  }
0x3e: {  	[sflag:s17] =	ssyncset.done $0x0  }
0x3f: {  	[sflag:s17] =	ssyncadd.s32 $0xFFFFD000  }
0x40: {  	_ =	swait.ge [sflag:s18], $0x3000  }
0x41: {  	[sflag:s18] =	ssyncset.done $0x0  }
0x42: {  	[sflag:s18] =	ssyncadd.s32 $0xFFFFD000  }
0x43: {  	[hbm4b:s6+s2] =	stream.linear.scatter [tilespmem:s15], [sflag:$0x4], $0x3000, $0x38;
	[tilespmem:$0x6430] =	vst v63  }
0x44: {  	_ =	swait.ge [sflag:s19], $0x3000  }
0x45: {  	[sflag:s19] =	ssyncset.done $0x0  }
0x46: {  	[sflag:s19] =	ssyncadd.s32 $0xFFFFD000  }
0x47: {  	[tilespmem:s13], [sflag:$0x1] =	stream.indirect.gather [hbm4b:s3+s12], $0x400, s20, s12, $0xb8;
	[tilespmem:$0x6430] =	vst v63  }
0x48: {  	s21 =	sadd.s32 $0x1, s21;
	_ =	swait.ge [sflag:s16], $0x3000  }
0x49: {  	p0 =	sne.s32 s21, s8;
	[sflag:s16] =	ssyncset.done $0x0  }
.Ltmp1:
0x4a: {  	[sflag:s16] =	ssyncadd.s32 $0xFFFFD000;
	(pc) =	sbr.rel @p0 .LBB2_1-.Ltmp1, $4  }
0x4b: {  	[hbm4b:s7+s2] =	stream.linear.scatter [tilespmem:s13], [sflag:$0x3], $0x3000, $0x38;
	[tilespmem:$0x6430] =	vst v63  }
0x4c: {  	_ =	swait.ge [sflag:s17], $0x3000  }
0x4d: {  	[sflag:s17] =	ssyncset.done $0x0  }
0x4e: {  	[sflag:s17] =	ssyncadd.s32 $0xFFFFD000  }
0x4f: {  	_ =	sfence.sel $0x180000  }
0x50: {  	[bflag:$0x0] =	sbarrier.arrive $0xFFFF  }
0x51: {  	p0 =	sne.s32 s0, $0x0;
	_ =	strace $0x9000004D  }
0x52: {  	s0 =	sadd.s32 @!p0 $0x100000, s1;
	[bflag:$0x2] =	sbarrier.arrive $0xFFFF  }
0x53: {  	[sflag:s0] =	ssyncadd.tile.s32 @!p0 $0x1;
	_ =	shalt  }
.Lfunc_end2:
_tile_overlayer_lowered:
.L_overlay_start_2:
0x54: {  	(tag) =	ssettag $0x2  }
0x55: {  	s0 =	rddreg [dreg:$0x0];
	s2 =	stileid.u32  }
0x56: {  	s1 =	rddreg [dreg:$0x1];
	p0 =	sne.s32 s2, $0x0  }
0x57: {  	s3 =	rddreg [dreg:$0x2];
	[bflag:$0x3] =	sbarrier.arrive $0xFFFF;
	s2 =	simm.s32 @!p0 $0x1C05  }
0x58: {  	[timem:s3], [sflag:s2] =	dma.local @!p0 [hbm:s0], s1  }
0x59: {  	s0 =	simm.s32 @!p0 $0x5  }
0x5a: {  	_ =	swait.ge @!p0 [sflag:s0], s1  }
0x5b: {  	s1 =	ssub.s32 @!p0 $0x0, s1;
	[sflag:s0] =	ssyncset.done @!p0 $0x0  }
0x5c: {  	[sflag:s0] =	ssyncadd.s32 @!p0 s1  }
0x5d: {  	[bflag:$0x3] =	sbarrier.arrive $0xFFFF  }
0x5e: {  	_ =	shalt  }

// kernel: kernel.37.cloned.1.call-start
scs
__scs_entry_jumppad:
0x0: {  	(pc) =	sbr.rel $0x88, $3  }
0x1: {  	(tag) =	ssettag $0x0;
	lr =	simm.s32 $0x1  }
0x2: {  	[smem:$0x3F9D] =	sst lr;
	_ =	strace $0xD0000000  }
0x3: {  	_ = 	snop  }
0x4: {  	_ = 	snop  }
0x5: {  	_ = 	snop  }
0x6: {  	_ = 	snop  }
0x7: {  	_ = 	snop  }
__scs_overlays_trampoline_lowered:
0x8: {  	[smem:$0x3FAC] =	sst s0  }
0x9: {  	[smem:$0x3FAD] =	sst s1  }
0xa: {  	[smem:$0x3FAE] =	sst s2  }
0xb: {  	[smem:$0x3FAF] =	sst s3  }
0xc: {  	[smem:$0x3FB0] =	sst s4  }
0xd: {  	[smem:$0x3FB1] =	sst s5  }
0xe: {  	[smem:$0x3FB2] =	sst s6  }
0xf: {  	[smem:$0x3FB3] =	sst s7  }
0x10: {  	[smem:$0x3FB4] =	sst s8  }
0x11: {  	[smem:$0x3FB5] =	sst s9;
	s0 =	simm.s32 @!p0 $0x0  }
0x12: {  	s1 =	sld [smem:$0x3F9B];
	s0 =	simm.s32 @p0 $0x1  }
0x13: {  	[smem:$0x3FB6] =	sst s0;
	s0 =	simm.s32 @!p1 $0x0  }
0x14: {  	s2 =	sld [smem:$0x3F9A];
	s0 =	simm.s32 @p1 $0x1  }
0x15: {  	[smem:$0x3FB7] =	sst s0;
	s0 =	simm.s32 @!p2 $0x0  }
0x16: {  	s3 =	sld [smem:$0x3FDB];
	s0 =	simm.s32 @p2 $0x1  }
0x17: {  	s4 =	simm.s32 $0x1BF5;
	[smem:$0x3FB9] =	sst s0  }
0x18: {  	s0 =	sld [smem:$0x3F9C];
	_ =	swait.ge [sflag:s4], $0x0  }
0x19: {  	s7 =	sld [smem:$0x3F9D]  }
0x1a: {  	s8 =	sadd.s32 $0xFFFFE003, lr  }
0x1b: {  	s9 =	sadd.s32 $0xFFFFFEF7, lr;
	s5 =	simm.s32 $0xFFFFFFFF;
	p2 =	slt.u32 s8, $0xFFFFF086  }
0x1c: {  	p1 =	slt.u32 s9, $0xF7A;
	s5 =	simm.s32 @!p2 $0x0  }
0x1d: {  	s5 =	simm.s32 @p1 $0x1;
	p0 =	seq.s32 s7, s2  }
0x1e: {  	s7 =	smul.u32 @!p0 $0xF7A, s2;
	p2 =	seq.s32 @!p0 s5, $0x0  }
0x1f: {  	s9 =	smul.u32 $0xF7A, s1;
	s8 =	simm.s32 @!p0 $0x1BF5;
	p2 =	por !p2, p0  }
0x20: {  	[sflag:s8] =	ssyncset.s32 @!p0 $0xFFFFF086;
	s6 =	sadd.s32 @!p0 s3, s7;
	s7 =	simm.s32 @!p0 $0x108  }
0x21: {  	s3 =	sadd.s32 s3, s9;
	s6 =	sadd.s32 @!p0 $0x88, s6;
	s7 =	simm.s32 @p2 $0x1082  }
0x22: {  	[simem:s7], [sflag:s8] =	dma.local @!p0 [hbm:s6], $0xF7A  }
0x23: {  	s9 =	sor.u32 $0xD0000000, s2;
	s6 =	simm.s32 $0x108;
	_ =	swait.ge @!p0 [sflag:s8], $0x0  }
0x24: {  	s3 =	sadd.s32 $0x88, s3;
	s6 =	simm.s32 @!p1 $0x1082;
	[sflag:s4] =	ssyncset.s32 $0xFFFFF086  }
0x25: {  	[simem:s6], [sflag:s4] =	dma.local [hbm:s3], $0xF7A  }
0x26: {  	[smem:$0x3F9D] =	sst s1;
	(tag) =	ssettag s2;
	_ =	strace s9  }
0x27: {  	s1 =	sld [smem:$0x3FAD]  }
0x28: {  	s2 =	sld [smem:$0x3FAE]  }
0x29: {  	s4 =	sld [smem:$0x3FB0]  }
0x2a: {  	p0 =	seq.s32 s5, $0x0;
	s5 =	sld [smem:$0x3FB1]  }
0x2b: {  	s6 =	sld [smem:$0x3FB2]  }
0x2c: {  	s7 =	sld [smem:$0x3FB3]  }
0x2d: {  	s3 =	simm.s32 $0x108;
	s8 =	sld [smem:$0x3FB4]  }
0x2e: {  	s3 =	simm.s32 @!p0 $0x1082;
	s9 =	sld [smem:$0x3FB5]  }
0x2f: {  	lr =	sadd.s32 s0, s3;
	s0 =	sld [smem:$0x3FAC]  }
0x30: {  	s3 =	sld [smem:$0x3FAF]  }
0x31: {  	[smem:$0x3FB8] =	sst s10  }
0x32: {  	s10 =	sld [smem:$0x3FB6];
	_ =	sdelay $0x3  }
0x33: {  	p0 =	seq.s32 s10, $0x1;
	s10 =	sld [smem:$0x3FB8];
	_ =	sdelay $0x3  }
0x34: {  	[smem:$0x3FB8] =	sst s10  }
0x35: {  	s10 =	sld [smem:$0x3FB7];
	_ =	sdelay $0x3  }
0x36: {  	p1 =	seq.s32 s10, $0x1;
	s10 =	sld [smem:$0x3FB8];
	_ =	sdelay $0x3  }
0x37: {  	[smem:$0x3FB8] =	sst s10  }
0x38: {  	s10 =	sld [smem:$0x3FB9]  }
0x39: {  	_ = 	snop;
	(pc) =	sbr.ind lr, $3  }
0x3a: {  	_ = 	snop  }
0x3b: {  	_ = 	snop  }
0x3c: {  	p2 =	seq.s32 s10, $0x1;
	s10 =	sld [smem:$0x3FB8]  }
0x3d: {  	_ =	shalt  }
0x3e: {  	_ =	shalt  }
0x3f: {  	_ =	shalt  }
0x40: {  	_ =	shalt  }
0x41: {  	_ =	shalt  }
0x42: {  	_ =	shalt  }
0x43: {  	_ =	shalt  }
0x44: {  	_ =	shalt  }
0x45: {  	_ =	shalt  }
0x46: {  	_ =	shalt  }
0x47: {  	_ =	shalt  }
0x48: {  	_ =	shalt  }
0x49: {  	_ =	shalt  }
0x4a: {  	_ =	shalt  }
0x4b: {  	_ =	shalt  }
0x4c: {  	_ =	shalt  }
0x4d: {  	_ =	shalt  }
0x4e: {  	_ =	shalt  }
0x4f: {  	_ =	shalt  }
0x50: {  	_ =	shalt  }
0x51: {  	_ =	shalt  }
0x52: {  	_ =	shalt  }
0x53: {  	_ =	shalt  }
0x54: {  	_ =	shalt  }
0x55: {  	_ =	shalt  }
0x56: {  	_ =	shalt  }
0x57: {  	_ =	shalt  }
0x58: {  	_ =	shalt  }
0x59: {  	_ =	shalt  }
0x5a: {  	_ =	shalt  }
0x5b: {  	_ =	shalt  }
0x5c: {  	_ =	shalt  }
0x5d: {  	_ =	shalt  }
0x5e: {  	_ =	shalt  }
0x5f: {  	_ =	shalt  }
0x60: {  	_ =	shalt  }
0x61: {  	_ =	shalt  }
0x62: {  	_ =	shalt  }
0x63: {  	_ =	shalt  }
0x64: {  	_ =	shalt  }
0x65: {  	_ =	shalt  }
0x66: {  	_ =	shalt  }
0x67: {  	_ =	shalt  }
0x68: {  	_ =	shalt  }
0x69: {  	_ =	shalt  }
0x6a: {  	_ =	shalt  }
0x6b: {  	_ =	shalt  }
0x6c: {  	_ =	shalt  }
0x6d: {  	_ =	shalt  }
0x6e: {  	_ =	shalt  }
0x6f: {  	_ =	shalt  }
0x70: {  	_ =	shalt  }
0x71: {  	_ =	shalt  }
0x72: {  	_ =	shalt  }
0x73: {  	_ =	shalt  }
0x74: {  	_ =	shalt  }
0x75: {  	_ =	shalt  }
0x76: {  	_ =	shalt  }
0x77: {  	_ =	shalt  }
0x78: {  	_ =	shalt  }
0x79: {  	_ =	shalt  }
0x7a: {  	_ =	shalt  }
0x7b: {  	_ =	shalt  }
0x7c: {  	_ =	shalt  }
0x7d: {  	_ =	shalt  }
0x7e: {  	_ =	shalt  }
0x7f: {  	_ =	shalt  }
0x80: {  	_ =	shalt  }
0x81: {  	_ =	shalt  }
0x82: {  	_ =	shalt  }
0x83: {  	_ =	shalt  }
0x84: {  	_ =	shalt  }
0x85: {  	_ =	shalt  }
0x86: {  	_ =	shalt  }
0x87: {  	_ =	shalt  }
.Lfunc_end0:
.L_simem_size_0:
called_computation.6_lowered:
.L_overlay_start_0:
0x88: {  	s2 =	sld [smem:$0x3FD9]  }
0x89: {  	s3 =	sld [smem:$0x3FFE];
	_ =	sdelay $0x1  }
0x8a: {  	s1 =	srdreg.scid  }
0x8b: {  	s0 =	sand.u32 $0x1, s1  }
0x8c: {  	s17 =	sshll.u32 s0, $0xA;
	s2 =	sadd.s32 s3, s2  }
0x8d: {  	s2 =	sadd.s32 s2, s17  }
0x8e: {  	[smem:$0x3FC4] =	sst s2  }
0x8f: {  	_ = 	snop  }
0x90: {  	(tm) =	ssettm $0x1  }
0x91: {  	s18 =	sld [smem:$0x3FFB];
	_ =	sdelay $0x3  }
0x92: {  	_ =	strace s18  }
0x93: {  	s2 =	sld [smem:$0x3FFC];
	_ =	sdelay $0x3  }
0x94: {  	_ =	strace s2  }
0x95: {  	s2 =	sld [smem:$0x3FFD];
	_ =	sdelay $0x3  }
0x96: {  	_ =	strace s2  }
0x97: {  	_ =	strace $0x8FFFFFFF  }
0x98: {  	s19 =	sld [smem:$0x3FDB];
	_ =	sdelay $0x1  }
0x99: {  	s20 =	simm.s32 $_scs_section_size  }
0x9a: {  	s4 =	simm.s32 $_size__tile_overlayer_lowered;
	s5 =	simm.s32 $_tile_overlayer_lowered  }
0x9b: {  	s6 =	simm.s32 $0x1BFF;
	s21 =	sshll.u32 s5, $0x1;
	s3 =	sadd.s32 s20, s19  }
0x9c: {  	s22 =	simm.s32 $0x0;
	s4 =	sshll.u32 s4, $0x1;
	s5 =	sadd.s32 s21, s3  }
0x9d: {  	[timem:s22], [sflag:s6] =	dma.local [hbm:s5], s4  }
0x9e: {  	_ =	swait.ge [sflag:s6], s4  }
0x9f: {  	s4 =	ssub.s32 $0x0, s4;
	[sflag:s6] =	ssyncset.done $0x0  }
0xa0: {  	[sflag:s6] =	ssyncadd.s32 s4;
	_ =	sdelay $0x1  }
0xa1: {  	s23 =	simm.s32 $0x1B8B  }
0xa2: {  	_ =	swait.ge [sflag:s23], $0x1  }
0xa3: {  	[sflag:s23] =	ssyncset.done $0x0  }
0xa4: {  	[sflag:s23] =	ssyncadd.s32 $0xFFFFFFFF  }
0xa5: {  	s4 =	sld [smem:$0x0]  }
0xa6: {  	s5 =	sand.u32 $0xFFFFFFFE, s1  }
0xa7: {  	p0 =	sne.s32 s1, s5  }
0xa8: {  	s5 =	sshll.u32 @p0 s5, $0xE  }
0xa9: {  	s5 =	sadd.s32 @p0 $0x11B8D, s5;
	s6 =	sshll.u32 @p0 s4, $0x11  }
0xaa: {  	s5 =	sor.u32 @p0 s6, s5  }
0xab: {  	[sflag:s5] =	ssyncadd.remote.s32 @p0 $0x1;
	_ =	sdelay $0x1  }
0xac: {  	s5 =	simm.s32 @p0 $0x1B8D  }
0xad: {  	_ =	swait.eq @p0 [sflag:s5], $0x1  }
0xae: {  	[sflag:s5] =	ssyncadd.s32 @p0 $0xFFFFFFFF  }
0xaf: {  	s6 =	sshll.u32 @!p0 s1, $0xE  }
0xb0: {  	s6 =	sor.u32 @!p0 $0x4000, s6;
	s5 =	simm.s32 @!p0 $0x1B8D  }
0xb1: {  	s4 =	sshll.u32 @!p0 s4, $0x11;
	s6 =	sadd.s32 @!p0 $0x11B8D, s6;
	_ =	swait.eq @!p0 [sflag:s5], $0x1  }
0xb2: {  	s4 =	sor.u32 @!p0 s4, s6;
	[sflag:s5] =	ssyncadd.s32 @!p0 $0xFFFFFFFF  }
0xb3: {  	s25 =	simm.s32 $0x1B8E;
	s24 =	sld [smem:$0x3FFE];
	[sflag:s4] =	ssyncadd.remote.s32 @!p0 $0x1  }
0xb4: {  	s26 =	simm.s32 $execute0_lowered;
	[smem:$0x3FD2] =	sst s25  }
0xb5: {  	s5 =	sshll.u32 s26, $0x1;
	_ =	strace $0x80000049;
	[dreg:$0x1] =	wrdreg $0xFFFFFFFF  }
0xb6: {  	s28 =	simm.s32 $_size_execute0_lowered;
	s3 =	sadd.s32 s3, s5;
	[dreg:$0x0] =	wrdreg $0x0  }
0xb7: {  	s5 =	sshll.u32 s28, $0x1;
	[dreg:$0x2] =	wrdreg s3  }
0xb8: {  	[dreg:$0x3] =	wrdreg s5  }
0xb9: {  	[dreg:$0x4] =	wrdreg $0xC0  }
0xba: {  	_ =	task [dreg:s22], $0x5FFFF  }
0xbb: {  	[dreg:$0x1] =	wrdreg $0xFFFFFFFF  }
0xbc: {  	[dreg:$0x0] =	wrdreg $0x60  }
0xbd: {  	[dreg:$0x2] =	wrdreg s24  }
0xbe: {  	[dreg:$0x3] =	wrdreg $0xF  }
0xbf: {  	_ =	task.clear_ibuf [dreg:s22], $0x4FFFF;
	_ =	strace $0x90000049  }
0xc0: {  	s29 =	simm.s32 $0xF;
	_ =	strace $0x8000004B  }
0xc1: {  	_ =	swait.ge [sflag:s29], $0x1  }
0xc2: {  	[sflag:s29] =	ssyncadd.s32 $0xFFFFFFFF  }
0xc3: {  	_ =	strace $0x9000004B  }
0xc4: {  	_ =	sfence  }
0xc5: {  	s30 =	sld [smem:$0x0];
	_ =	sdelay $0x2  }
0xc6: {  	s31 =	sshll.u32 s1, $0xD;
	s1 =	sshrl.u32 s1, $0x2  }
0xc7: {  	s4 =	sand.u32 $0x4000, s31;
	s1 =	sadd.s32 s1, s30  }
0xc8: {  	s0 =	sor.u32 s4, s0;
	s1 =	sshll.u32 s1, $0x11  }
0xc9: {  	s0 =	sor.u32 s1, s0  }
0xca: {  	s0 =	sadd.s32 $0x8F2B, s0  }
0xcb: {  	[sflag:s0] =	ssyncadd.remote.s32 $0x1  }
0xcc: {  	_ =	sfence.sel $0xFFFF  }
0xcd: {  	[dreg:$0x0] =	wrdreg $0xFFFFFFFF;
	(pc) =	sbr.abs _section_cstart, $3  }
0xce: {  	[dreg:$0x1] =	wrdreg $0xFFFFFFFF  }
0xcf: {  	_ =	task.clear_ibuf [dreg:s22], $0x2FFFF;
	_ =	strace $0x9FFFFFFF  }
0xd0: {  	(tm) =	ssettm $0x7FFFFFFF  }
0xd1: {  	_ =	shalt  }
tec
execute0_lowered:
.L_overlay_start_1:
0x0: {  	(tag) =	ssettag $0x1  }
0x1: {  	s1 =	srdreg.scid  }
0x2: {  	s0 =	stileid.u32;
	s3 =	rddreg [dreg:$0x0];
	s2 =	simm.s32 $0x0  }
0x3: {  	s14 =	simm.s32 $0x10;
	s15 =	simm.s32 $0x3430;
	s16 =	simm.s32 $0x1  }
0x4: {  	s17 =	simm.s32 $0x3;
	s18 =	simm.s32 $0x2;
	s19 =	simm.s32 $0x4  }
0x5: {  	s20 =	simm.s32 $0x420;
	s21 =	simm.s32 $0x0;
	s7 =	smul.u32 $0x648, s0  }
0x6: {  	s8 =	sand.u32 $0x1, s1;
	s30 =	sshll.u32 s0, $0x1;
	s13 =	smul.u32 $0x32400, s0  }
0x7: {  	s1 =	rddreg [dreg:$0x1];
	s4 =	sor.u32 s8, s30;
	s11 =	smul.u32 $0x324, s8  }
0x8: {  	[smem:$0x7FF] =	sst s2;
	s6 =	ssub.s32 $0x2, s8;
	s5 =	smul.u32 $0x86, s4  }
0x9: {  	s10 =	sadd.s32 $0xF66800, s3;
	s4 =	smul.u32 $0xC9000, s4;
	s9 =	sshrl.u32 s6, $0x1  }
0xa: {  	_ =	strace $0x8000004A;
	s31 =	smul.u32 $0x19200, s8;
	s9 =	ssub.s32 s6, s9  }
0xb: {  	s7 =	sadd.s32 s11, s7;
	s5 =	sadd.s32 s5, s3;
	s4 =	sshrl.u32 s4, $0x3  }
0xc: {  	s3 =	sadd.s32 $0xC600, s3;
	s11 =	sshll.u32 s7, $0x7;
	s8 =	smax.u32 s9, $0x1  }
0xd: {  	s12 =	sadd.s32 s10, s4;
	s4 =	sadd.s32 $0xF65600, s5;
	s11 =	sadd.s32 s10, s11  }
0xe: {  	s10 =	sadd.s32 s13, s10;
	s13 =	simm.s32 $0x430;
	s5 =	sadd.s32 $0x18000, s12  }
0xf: {  	s6 =	sadd.s32 $0x18600, s12;
	s7 =	sadd.s32 $0x18C00, s12;
	s9 =	sadd.s32 $0x600, s11  }
0x10: {  	s10 =	sadd.s32 s31, s10;
	s11 =	simm.s32 $0x5;
	s12 =	simm.s32 $0xC  }
.LBB2_1:
0x11: {  	[tilespmem:s2], [sflag:$0x5] =	stream.linear.gather [hbm4b:s4+s2], $0x430, $0x38;
	[tilespmem:$0x6430] =	vst v63  }
0x12: {  	_ =	swait.ge [sflag:s11], $0x430  }
0x13: {  	[sflag:s11] =	ssyncset.done $0x0  }
0x14: {  	[sflag:s11] =	ssyncadd.s32 $0xFFFFFBD0  }
0x15: {  	[tilespmem:s13], [sflag:$0x1] =	stream.indirect.gather [hbm4b:s3+s12], $0x400, s2, s12, $0xb8;
	[tilespmem:$0x6430] =	vst v63  }
0x16: {  	_ = 	snop  }
0x17: {  	[tilespmem:s15], [sflag:$0x2] =	stream.indirect.gather [hbm4b:s3+s12], $0x400, s14, s12, $0xb8;
	[tilespmem:$0x6430] =	vst v63  }
0x18: {  	_ =	swait.ge [sflag:s16], $0x3000  }
0x19: {  	[sflag:s16] =	ssyncset.done $0x0  }
0x1a: {  	s22 =	sadd.s32 $0x0, s10;
	[sflag:s16] =	ssyncadd.s32 $0xFFFFD000  }
0x1b: {  	[hbm4b:s22+s2] =	stream.linear.scatter [tilespmem:s13], [sflag:$0x3], $0x3000, $0x38;
	[tilespmem:$0x6430] =	vst v63  }
0x1c: {  	_ =	swait.ge [sflag:s17], $0x3000  }
0x1d: {  	[sflag:s17] =	ssyncset.done $0x0  }
0x1e: {  	s30 =	simm.s32 $0x20;
	[sflag:s17] =	ssyncadd.s32 $0xFFFFD000  }
0x1f: {  	[tilespmem:s13], [sflag:$0x1] =	stream.indirect.gather [hbm4b:s3+s12], $0x400, s30, s12, $0xb8;
	[tilespmem:$0x6430] =	vst v63  }
0x20: {  	_ =	swait.ge [sflag:s18], $0x3000  }
0x21: {  	[sflag:s18] =	ssyncset.done $0x0  }
0x22: {  	s31 =	sadd.s32 $0x0, s9;
	[sflag:s18] =	ssyncadd.s32 $0xFFFFD000  }
0x23: {  	[hbm4b:s31+s2] =	stream.linear.scatter [tilespmem:s15], [sflag:$0x4], $0x3000, $0x38;
	[tilespmem:$0x6430] =	vst v63  }
0x24: {  	_ =	swait.ge [sflag:s19], $0x3000  }
0x25: {  	s23 =	simm.s32 $0xC00;
	[sflag:s19] =	ssyncset.done $0x0  }
0x26: {  	s24 =	simm.s32 $0x50;
	s22 =	simm.s32 $0x30;
	[sflag:s19] =	ssyncadd.s32 $0xFFFFD000  }
.LBB2_2:
0x27: {  	[tilespmem:s15], [sflag:$0x2] =	stream.indirect.gather [hbm4b:s3+s12], $0x400, s22, s12, $0xb8;
	[tilespmem:$0x6430] =	vst v63  }
0x28: {  	s25 =	smov.u32 s23;
	s22 =	smov.u32 s24  }
0x29: {  	p0 =	sne.s32 s23, $0x17400;
	s23 =	sadd.s32 $0xC00, s23;
	_ =	swait.ge [sflag:s16], $0x3000  }
0x2a: {  	[sflag:s16] =	ssyncset.done $0x0  }
0x2b: {  	s26 =	sadd.s32 s25, s10;
	[sflag:s16] =	ssyncadd.s32 $0xFFFFD000  }
0x2c: {  	[hbm4b:s26+s2] =	stream.linear.scatter [tilespmem:s13], [sflag:$0x3], $0x3000, $0x38;
	[tilespmem:$0x6430] =	vst v63  }
0x2d: {  	_ =	swait.ge [sflag:s17], $0x3000  }
0x2e: {  	[sflag:s17] =	ssyncset.done $0x0  }
0x2f: {  	s26 =	sadd.s32 $0xFFFFFFF0, s24;
	[sflag:s17] =	ssyncadd.s32 $0xFFFFD000  }
0x30: {  	[tilespmem:s13], [sflag:$0x1] =	stream.indirect.gather [hbm4b:s3+s12], $0x400, s26, s12, $0xb8;
	[tilespmem:$0x6430] =	vst v63  }
0x31: {  	_ =	swait.ge [sflag:s18], $0x3000  }
0x32: {  	[sflag:s18] =	ssyncset.done $0x0  }
.Ltmp0:
0x33: {  	s25 =	sadd.s32 s25, s9;
	[sflag:s18] =	ssyncadd.s32 $0xFFFFD000;
	(pc) =	sbr.rel @p0 .LBB2_2-.Ltmp0, $4  }
0x34: {  	[hbm4b:s25+s2] =	stream.linear.scatter [tilespmem:s15], [sflag:$0x4], $0x3000, $0x38;
	[tilespmem:$0x6430] =	vst v63  }
0x35: {  	_ =	swait.ge [sflag:s19], $0x3000  }
0x36: {  	[sflag:s19] =	ssyncset.done $0x0  }
0x37: {  	s24 =	sadd.s32 $0x20, s24;
	[sflag:s19] =	ssyncadd.s32 $0xFFFFD000  }
0x38: {  	[tilespmem:s15], [sflag:$0x2] =	stream.indirect.gather [hbm4b:s3+s12], $0x400, s22, s12, $0xb8;
	[tilespmem:$0x6430] =	vst v63  }
0x39: {  	_ =	swait.ge [sflag:s16], $0x3000  }
0x3a: {  	[sflag:s16] =	ssyncset.done $0x0  }
0x3b: {  	[sflag:s16] =	ssyncadd.s32 $0xFFFFD000  }
0x3c: {  	[hbm4b:s5+s2] =	stream.linear.scatter [tilespmem:s13], [sflag:$0x3], $0x3000, $0x38;
	[tilespmem:$0x6430] =	vst v63  }
0x3d: {  	_ =	swait.ge [sflag:s17], $0x3000  }
0x3e: {  	[sflag:s17] =	ssyncset.done $0x0  }
0x3f: {  	[sflag:s17] =	ssyncadd.s32 $0xFFFFD000  }
0x40: {  	_ =	swait.ge [sflag:s18], $0x3000  }
0x41: {  	[sflag:s18] =	ssyncset.done $0x0  }
0x42: {  	[sflag:s18] =	ssyncadd.s32 $0xFFFFD000  }
0x43: {  	[hbm4b:s6+s2] =	stream.linear.scatter [tilespmem:s15], [sflag:$0x4], $0x3000, $0x38;
	[tilespmem:$0x6430] =	vst v63  }
0x44: {  	_ =	swait.ge [sflag:s19], $0x3000  }
0x45: {  	[sflag:s19] =	ssyncset.done $0x0  }
0x46: {  	[sflag:s19] =	ssyncadd.s32 $0xFFFFD000  }
0x47: {  	[tilespmem:s13], [sflag:$0x1] =	stream.indirect.gather [hbm4b:s3+s12], $0x400, s20, s12, $0xb8;
	[tilespmem:$0x6430] =	vst v63  }
0x48: {  	s21 =	sadd.s32 $0x1, s21;
	_ =	swait.ge [sflag:s16], $0x3000  }
0x49: {  	p0 =	sne.s32 s21, s8;
	[sflag:s16] =	ssyncset.done $0x0  }
.Ltmp1:
0x4a: {  	[sflag:s16] =	ssyncadd.s32 $0xFFFFD000;
	(pc) =	sbr.rel @p0 .LBB2_1-.Ltmp1, $4  }
0x4b: {  	[hbm4b:s7+s2] =	stream.linear.scatter [tilespmem:s13], [sflag:$0x3], $0x3000, $0x38;
	[tilespmem:$0x6430] =	vst v63  }
0x4c: {  	_ =	swait.ge [sflag:s17], $0x3000  }
0x4d: {  	[sflag:s17] =	ssyncset.done $0x0  }
0x4e: {  	[sflag:s17] =	ssyncadd.s32 $0xFFFFD000  }
0x4f: {  	_ =	sfence.sel $0x180000  }
0x50: {  	[bflag:$0x0] =	sbarrier.arrive $0xFFFF  }
0x51: {  	p0 =	sne.s32 s0, $0x0;
	_ =	strace $0x9000004A  }
0x52: {  	s0 =	sadd.s32 @!p0 $0x100000, s1;
	[bflag:$0x2] =	sbarrier.arrive $0xFFFF  }
0x53: {  	[sflag:s0] =	ssyncadd.tile.s32 @!p0 $0x1;
	_ =	shalt  }
.Lfunc_end2:
_tile_overlayer_lowered:
.L_overlay_start_2:
0x54: {  	(tag) =	ssettag $0x2  }
0x55: {  	s0 =	rddreg [dreg:$0x0];
	s2 =	stileid.u32  }
0x56: {  	s1 =	rddreg [dreg:$0x1];
	p0 =	sne.s32 s2, $0x0  }
0x57: {  	s3 =	rddreg [dreg:$0x2];
	[bflag:$0x3] =	sbarrier.arrive $0xFFFF;
	s2 =	simm.s32 @!p0 $0x1C05  }
0x58: {  	[timem:s3], [sflag:s2] =	dma.local @!p0 [hbm:s0], s1  }
0x59: {  	s0 =	simm.s32 @!p0 $0x5  }
0x5a: {  	_ =	swait.ge @!p0 [sflag:s0], s1  }
0x5b: {  	s1 =	ssub.s32 @!p0 $0x0, s1;
	[sflag:s0] =	ssyncset.done @!p0 $0x0  }
0x5c: {  	[sflag:s0] =	ssyncadd.s32 @!p0 s1  }
0x5d: {  	[bflag:$0x3] =	sbarrier.arrive $0xFFFF  }
0x5e: {  	_ =	shalt  }

// kernel: kernel.40.cloned.1.call-start
scs
__scs_entry_jumppad:
0x0: {  	(pc) =	sbr.rel $0x88, $3  }
0x1: {  	(tag) =	ssettag $0x0;
	lr =	simm.s32 $0x1  }
0x2: {  	[smem:$0x3F9D] =	sst lr;
	_ =	strace $0xD0000000  }
0x3: {  	_ = 	snop  }
0x4: {  	_ = 	snop  }
0x5: {  	_ = 	snop  }
0x6: {  	_ = 	snop  }
0x7: {  	_ = 	snop  }
__scs_overlays_trampoline_lowered:
0x8: {  	[smem:$0x3FAC] =	sst s0  }
0x9: {  	[smem:$0x3FAD] =	sst s1  }
0xa: {  	[smem:$0x3FAE] =	sst s2  }
0xb: {  	[smem:$0x3FAF] =	sst s3  }
0xc: {  	[smem:$0x3FB0] =	sst s4  }
0xd: {  	[smem:$0x3FB1] =	sst s5  }
0xe: {  	[smem:$0x3FB2] =	sst s6  }
0xf: {  	[smem:$0x3FB3] =	sst s7  }
0x10: {  	[smem:$0x3FB4] =	sst s8  }
0x11: {  	[smem:$0x3FB5] =	sst s9;
	s0 =	simm.s32 @!p0 $0x0  }
0x12: {  	s1 =	sld [smem:$0x3F9B];
	s0 =	simm.s32 @p0 $0x1  }
0x13: {  	[smem:$0x3FB6] =	sst s0;
	s0 =	simm.s32 @!p1 $0x0  }
0x14: {  	s2 =	sld [smem:$0x3F9A];
	s0 =	simm.s32 @p1 $0x1  }
0x15: {  	[smem:$0x3FB7] =	sst s0;
	s0 =	simm.s32 @!p2 $0x0  }
0x16: {  	s3 =	sld [smem:$0x3FDB];
	s0 =	simm.s32 @p2 $0x1  }
0x17: {  	s4 =	simm.s32 $0x1BF5;
	[smem:$0x3FB9] =	sst s0  }
0x18: {  	s0 =	sld [smem:$0x3F9C];
	_ =	swait.ge [sflag:s4], $0x0  }
0x19: {  	s7 =	sld [smem:$0x3F9D]  }
0x1a: {  	s8 =	sadd.s32 $0xFFFFE003, lr  }
0x1b: {  	s9 =	sadd.s32 $0xFFFFFEF7, lr;
	s5 =	simm.s32 $0xFFFFFFFF;
	p2 =	slt.u32 s8, $0xFFFFF086  }
0x1c: {  	p1 =	slt.u32 s9, $0xF7A;
	s5 =	simm.s32 @!p2 $0x0  }
0x1d: {  	s5 =	simm.s32 @p1 $0x1;
	p0 =	seq.s32 s7, s2  }
0x1e: {  	s7 =	smul.u32 @!p0 $0xF7A, s2;
	p2 =	seq.s32 @!p0 s5, $0x0  }
0x1f: {  	s9 =	smul.u32 $0xF7A, s1;
	s8 =	simm.s32 @!p0 $0x1BF5;
	p2 =	por !p2, p0  }
0x20: {  	[sflag:s8] =	ssyncset.s32 @!p0 $0xFFFFF086;
	s6 =	sadd.s32 @!p0 s3, s7;
	s7 =	simm.s32 @!p0 $0x108  }
0x21: {  	s3 =	sadd.s32 s3, s9;
	s6 =	sadd.s32 @!p0 $0x88, s6;
	s7 =	simm.s32 @p2 $0x1082  }
0x22: {  	[simem:s7], [sflag:s8] =	dma.local @!p0 [hbm:s6], $0xF7A  }
0x23: {  	s9 =	sor.u32 $0xD0000000, s2;
	s6 =	simm.s32 $0x108;
	_ =	swait.ge @!p0 [sflag:s8], $0x0  }
0x24: {  	s3 =	sadd.s32 $0x88, s3;
	s6 =	simm.s32 @!p1 $0x1082;
	[sflag:s4] =	ssyncset.s32 $0xFFFFF086  }
0x25: {  	[simem:s6], [sflag:s4] =	dma.local [hbm:s3], $0xF7A  }
0x26: {  	[smem:$0x3F9D] =	sst s1;
	(tag) =	ssettag s2;
	_ =	strace s9  }
0x27: {  	s1 =	sld [smem:$0x3FAD]  }
0x28: {  	s2 =	sld [smem:$0x3FAE]  }
0x29: {  	s4 =	sld [smem:$0x3FB0]  }
0x2a: {  	p0 =	seq.s32 s5, $0x0;
	s5 =	sld [smem:$0x3FB1]  }
0x2b: {  	s6 =	sld [smem:$0x3FB2]  }
0x2c: {  	s7 =	sld [smem:$0x3FB3]  }
0x2d: {  	s3 =	simm.s32 $0x108;
	s8 =	sld [smem:$0x3FB4]  }
0x2e: {  	s3 =	simm.s32 @!p0 $0x1082;
	s9 =	sld [smem:$0x3FB5]  }
0x2f: {  	lr =	sadd.s32 s0, s3;
	s0 =	sld [smem:$0x3FAC]  }
0x30: {  	s3 =	sld [smem:$0x3FAF]  }
0x31: {  	[smem:$0x3FB8] =	sst s10  }
0x32: {  	s10 =	sld [smem:$0x3FB6];
	_ =	sdelay $0x3  }
0x33: {  	p0 =	seq.s32 s10, $0x1;
	s10 =	sld [smem:$0x3FB8];
	_ =	sdelay $0x3  }
0x34: {  	[smem:$0x3FB8] =	sst s10  }
0x35: {  	s10 =	sld [smem:$0x3FB7];
	_ =	sdelay $0x3  }
0x36: {  	p1 =	seq.s32 s10, $0x1;
	s10 =	sld [smem:$0x3FB8];
	_ =	sdelay $0x3  }
0x37: {  	[smem:$0x3FB8] =	sst s10  }
0x38: {  	s10 =	sld [smem:$0x3FB9]  }
0x39: {  	_ = 	snop;
	(pc) =	sbr.ind lr, $3  }
0x3a: {  	_ = 	snop  }
0x3b: {  	_ = 	snop  }
0x3c: {  	p2 =	seq.s32 s10, $0x1;
	s10 =	sld [smem:$0x3FB8]  }
0x3d: {  	_ =	shalt  }
0x3e: {  	_ =	shalt  }
0x3f: {  	_ =	shalt  }
0x40: {  	_ =	shalt  }
0x41: {  	_ =	shalt  }
0x42: {  	_ =	shalt  }
0x43: {  	_ =	shalt  }
0x44: {  	_ =	shalt  }
0x45: {  	_ =	shalt  }
0x46: {  	_ =	shalt  }
0x47: {  	_ =	shalt  }
0x48: {  	_ =	shalt  }
0x49: {  	_ =	shalt  }
0x4a: {  	_ =	shalt  }
0x4b: {  	_ =	shalt  }
0x4c: {  	_ =	shalt  }
0x4d: {  	_ =	shalt  }
0x4e: {  	_ =	shalt  }
0x4f: {  	_ =	shalt  }
0x50: {  	_ =	shalt  }
0x51: {  	_ =	shalt  }
0x52: {  	_ =	shalt  }
0x53: {  	_ =	shalt  }
0x54: {  	_ =	shalt  }
0x55: {  	_ =	shalt  }
0x56: {  	_ =	shalt  }
0x57: {  	_ =	shalt  }
0x58: {  	_ =	shalt  }
0x59: {  	_ =	shalt  }
0x5a: {  	_ =	shalt  }
0x5b: {  	_ =	shalt  }
0x5c: {  	_ =	shalt  }
0x5d: {  	_ =	shalt  }
0x5e: {  	_ =	shalt  }
0x5f: {  	_ =	shalt  }
0x60: {  	_ =	shalt  }
0x61: {  	_ =	shalt  }
0x62: {  	_ =	shalt  }
0x63: {  	_ =	shalt  }
0x64: {  	_ =	shalt  }
0x65: {  	_ =	shalt  }
0x66: {  	_ =	shalt  }
0x67: {  	_ =	shalt  }
0x68: {  	_ =	shalt  }
0x69: {  	_ =	shalt  }
0x6a: {  	_ =	shalt  }
0x6b: {  	_ =	shalt  }
0x6c: {  	_ =	shalt  }
0x6d: {  	_ =	shalt  }
0x6e: {  	_ =	shalt  }
0x6f: {  	_ =	shalt  }
0x70: {  	_ =	shalt  }
0x71: {  	_ =	shalt  }
0x72: {  	_ =	shalt  }
0x73: {  	_ =	shalt  }
0x74: {  	_ =	shalt  }
0x75: {  	_ =	shalt  }
0x76: {  	_ =	shalt  }
0x77: {  	_ =	shalt  }
0x78: {  	_ =	shalt  }
0x79: {  	_ =	shalt  }
0x7a: {  	_ =	shalt  }
0x7b: {  	_ =	shalt  }
0x7c: {  	_ =	shalt  }
0x7d: {  	_ =	shalt  }
0x7e: {  	_ =	shalt  }
0x7f: {  	_ =	shalt  }
0x80: {  	_ =	shalt  }
0x81: {  	_ =	shalt  }
0x82: {  	_ =	shalt  }
0x83: {  	_ =	shalt  }
0x84: {  	_ =	shalt  }
0x85: {  	_ =	shalt  }
0x86: {  	_ =	shalt  }
0x87: {  	_ =	shalt  }
.Lfunc_end0:
.L_simem_size_0:
called_computation.7_lowered:
.L_overlay_start_0:
0x88: {  	s2 =	sld [smem:$0x3FD9]  }
0x89: {  	s3 =	sld [smem:$0x3FFE];
	_ =	sdelay $0x1  }
0x8a: {  	s1 =	srdreg.scid  }
0x8b: {  	s0 =	sand.u32 $0x1, s1  }
0x8c: {  	s16 =	sshll.u32 s0, $0xA;
	s2 =	sadd.s32 s3, s2  }
0x8d: {  	s2 =	sadd.s32 s2, s16  }
0x8e: {  	[smem:$0x3FC4] =	sst s2  }
0x8f: {  	_ = 	snop  }
0x90: {  	(tm) =	ssettm $0x1  }
0x91: {  	s17 =	sld [smem:$0x3FFB];
	_ =	sdelay $0x3  }
0x92: {  	_ =	strace s17  }
0x93: {  	s2 =	sld [smem:$0x3FFC];
	_ =	sdelay $0x3  }
0x94: {  	_ =	strace s2  }
0x95: {  	s2 =	sld [smem:$0x3FFD];
	_ =	sdelay $0x3  }
0x96: {  	_ =	strace s2  }
0x97: {  	_ =	strace $0x8FFFFFFF  }
0x98: {  	s18 =	sld [smem:$0x3FDB];
	_ =	sdelay $0x1  }
0x99: {  	s19 =	simm.s32 $_scs_section_size  }
0x9a: {  	s4 =	simm.s32 $_size__tile_overlayer_lowered;
	s5 =	simm.s32 $_tile_overlayer_lowered  }
0x9b: {  	s22 =	simm.s32 $0x1BFF;
	s21 =	sshll.u32 s5, $0x1;
	s2 =	sadd.s32 s19, s18  }
0x9c: {  	s6 =	simm.s32 $0x0;
	s20 =	sshll.u32 s4, $0x1;
	s4 =	sadd.s32 s21, s2  }
0x9d: {  	[timem:s6], [sflag:s22] =	dma.local [hbm:s4], s20  }
0x9e: {  	_ =	swait.ge [sflag:s22], s20  }
0x9f: {  	s3 =	ssub.s32 $0x0, s20;
	[sflag:s22] =	ssyncset.done $0x0  }
0xa0: {  	[sflag:s22] =	ssyncadd.s32 s3;
	_ =	sdelay $0x1  }
0xa1: {  	s23 =	simm.s32 $0x1B8B  }
0xa2: {  	_ =	swait.ge [sflag:s23], $0x1  }
0xa3: {  	[sflag:s23] =	ssyncset.done $0x0  }
0xa4: {  	s25 =	simm.s32 $0x1B8E;
	s24 =	sld [smem:$0x3FFE];
	[sflag:s23] =	ssyncadd.s32 $0xFFFFFFFF  }
0xa5: {  	s26 =	simm.s32 $execute0_lowered;
	[smem:$0x3FD2] =	sst s25  }
0xa6: {  	s4 =	sshll.u32 s26, $0x1;
	_ =	strace $0x80000046;
	[dreg:$0x1] =	wrdreg $0xFFFFFFFF  }
0xa7: {  	s28 =	simm.s32 $_size_execute0_lowered;
	s2 =	sadd.s32 s2, s4;
	[dreg:$0x0] =	wrdreg $0x0  }
0xa8: {  	s4 =	sshll.u32 s28, $0x1;
	[dreg:$0x2] =	wrdreg s2  }
0xa9: {  	[dreg:$0x3] =	wrdreg s4  }
0xaa: {  	[dreg:$0x4] =	wrdreg $0xC0  }
0xab: {  	_ =	task [dreg:s6], $0x5FFFF  }
0xac: {  	[dreg:$0x1] =	wrdreg $0xFFFFFFFF  }
0xad: {  	[dreg:$0x0] =	wrdreg $0x60  }
0xae: {  	[dreg:$0x2] =	wrdreg s24  }
0xaf: {  	[dreg:$0x3] =	wrdreg $0x10  }
0xb0: {  	_ =	task.clear_ibuf [dreg:s6], $0x4FFFF;
	_ =	strace $0x90000046  }
0xb1: {  	s29 =	simm.s32 $0x10;
	_ =	strace $0x80000048  }
0xb2: {  	_ =	swait.ge [sflag:s29], $0x1  }
0xb3: {  	[sflag:s29] =	ssyncadd.s32 $0xFFFFFFFF  }
0xb4: {  	_ =	strace $0x90000048  }
0xb5: {  	_ =	sfence  }
0xb6: {  	s30 =	sld [smem:$0x0];
	_ =	sdelay $0x2  }
0xb7: {  	s31 =	sshll.u32 s1, $0xD;
	s1 =	sshrl.u32 s1, $0x2  }
0xb8: {  	s3 =	sand.u32 $0x4000, s31;
	s1 =	sadd.s32 s1, s30  }
0xb9: {  	s0 =	sor.u32 s3, s0;
	s1 =	sshll.u32 s1, $0x11  }
0xba: {  	s0 =	sor.u32 s1, s0  }
0xbb: {  	s0 =	sadd.s32 $0x8F2B, s0  }
0xbc: {  	[sflag:s0] =	ssyncadd.remote.s32 $0x1  }
0xbd: {  	_ =	sfence.sel $0xFFFF  }
0xbe: {  	[dreg:$0x0] =	wrdreg $0xFFFFFFFF;
	(pc) =	sbr.abs _section_cstart, $3  }
0xbf: {  	[dreg:$0x1] =	wrdreg $0xFFFFFFFF  }
0xc0: {  	_ =	task.clear_ibuf [dreg:s6], $0x2FFFF;
	_ =	strace $0x9FFFFFFF  }
0xc1: {  	(tm) =	ssettm $0x7FFFFFFF  }
tec
execute0_lowered:
.L_overlay_start_1:
0x0: {  	(tag) =	ssettag $0x1  }
0x1: {  	s1 =	srdreg.scid  }
0x2: {  	s0 =	stileid.u32;
	s3 =	rddreg [dreg:$0x0];
	s2 =	simm.s32 $0x0  }
0x3: {  	s14 =	simm.s32 $0x10;
	s15 =	simm.s32 $0x3430;
	s16 =	simm.s32 $0x1  }
0x4: {  	s17 =	simm.s32 $0x3;
	s18 =	simm.s32 $0x2;
	s19 =	simm.s32 $0x4  }
0x5: {  	s20 =	simm.s32 $0x420;
	s21 =	simm.s32 $0x0;
	s7 =	smul.u32 $0x648, s0  }
0x6: {  	s8 =	sand.u32 $0x1, s1;
	s30 =	sshll.u32 s0, $0x1;
	s13 =	smul.u32 $0x32400, s0  }
0x7: {  	s1 =	rddreg [dreg:$0x1];
	s4 =	sor.u32 s8, s30;
	s11 =	smul.u32 $0x324, s8  }
0x8: {  	[smem:$0x7FF] =	sst s2;
	s6 =	ssub.s32 $0x2, s8;
	s5 =	smul.u32 $0x86, s4  }
0x9: {  	s10 =	sadd.s32 $0xC41600, s3;
	s4 =	smul.u32 $0xC9000, s4;
	s9 =	sshrl.u32 s6, $0x1  }
0xa: {  	_ =	strace $0x80000047;
	s31 =	smul.u32 $0x19200, s8;
	s9 =	ssub.s32 s6, s9  }
0xb: {  	s7 =	sadd.s32 s11, s7;
	s5 =	sadd.s32 s5, s3;
	s4 =	sshrl.u32 s4, $0x3  }
0xc: {  	s3 =	sadd.s32 $0xC600, s3;
	s11 =	sshll.u32 s7, $0x7;
	s8 =	smax.u32 s9, $0x1  }
0xd: {  	s12 =	sadd.s32 s10, s4;
	s4 =	sadd.s32 $0xB400, s5;
	s11 =	sadd.s32 s10, s11  }
0xe: {  	s10 =	sadd.s32 s13, s10;
	s13 =	simm.s32 $0x430;
	s5 =	sadd.s32 $0x18000, s12  }
0xf: {  	s6 =	sadd.s32 $0x18600, s12;
	s7 =	sadd.s32 $0x18C00, s12;
	s9 =	sadd.s32 $0x600, s11  }
0x10: {  	s10 =	sadd.s32 s31, s10;
	s11 =	simm.s32 $0x5;
	s12 =	simm.s32 $0xC  }
.LBB2_1:
0x11: {  	[tilespmem:s2], [sflag:$0x5] =	stream.linear.gather [hbm4b:s4+s2], $0x430, $0x38;
	[tilespmem:$0x6430] =	vst v63  }
0x12: {  	_ =	swait.ge [sflag:s11], $0x430  }
0x13: {  	[sflag:s11] =	ssyncset.done $0x0  }
0x14: {  	[sflag:s11] =	ssyncadd.s32 $0xFFFFFBD0  }
0x15: {  	[tilespmem:s13], [sflag:$0x1] =	stream.indirect.gather [hbm4b:s3+s12], $0x400, s2, s12, $0xb8;
	[tilespmem:$0x6430] =	vst v63  }
0x16: {  	_ = 	snop  }
0x17: {  	[tilespmem:s15], [sflag:$0x2] =	stream.indirect.gather [hbm4b:s3+s12], $0x400, s14, s12, $0xb8;
	[tilespmem:$0x6430] =	vst v63  }
0x18: {  	_ =	swait.ge [sflag:s16], $0x3000  }
0x19: {  	[sflag:s16] =	ssyncset.done $0x0  }
0x1a: {  	s22 =	sadd.s32 $0x0, s10;
	[sflag:s16] =	ssyncadd.s32 $0xFFFFD000  }
0x1b: {  	[hbm4b:s22+s2] =	stream.linear.scatter [tilespmem:s13], [sflag:$0x3], $0x3000, $0x38;
	[tilespmem:$0x6430] =	vst v63  }
0x1c: {  	_ =	swait.ge [sflag:s17], $0x3000  }
0x1d: {  	[sflag:s17] =	ssyncset.done $0x0  }
0x1e: {  	s30 =	simm.s32 $0x20;
	[sflag:s17] =	ssyncadd.s32 $0xFFFFD000  }
0x1f: {  	[tilespmem:s13], [sflag:$0x1] =	stream.indirect.gather [hbm4b:s3+s12], $0x400, s30, s12, $0xb8;
	[tilespmem:$0x6430] =	vst v63  }
0x20: {  	_ =	swait.ge [sflag:s18], $0x3000  }
0x21: {  	[sflag:s18] =	ssyncset.done $0x0  }
0x22: {  	s31 =	sadd.s32 $0x0, s9;
	[sflag:s18] =	ssyncadd.s32 $0xFFFFD000  }
0x23: {  	[hbm4b:s31+s2] =	stream.linear.scatter [tilespmem:s15], [sflag:$0x4], $0x3000, $0x38;
	[tilespmem:$0x6430] =	vst v63  }
0x24: {  	_ =	swait.ge [sflag:s19], $0x3000  }
0x25: {  	s23 =	simm.s32 $0xC00;
	[sflag:s19] =	ssyncset.done $0x0  }
0x26: {  	s24 =	simm.s32 $0x50;
	s22 =	simm.s32 $0x30;
	[sflag:s19] =	ssyncadd.s32 $0xFFFFD000  }
.LBB2_2:
0x27: {  	[tilespmem:s15], [sflag:$0x2] =	stream.indirect.gather [hbm4b:s3+s12], $0x400, s22, s12, $0xb8;
	[tilespmem:$0x6430] =	vst v63  }
0x28: {  	s25 =	smov.u32 s23;
	s22 =	smov.u32 s24  }
0x29: {  	p0 =	sne.s32 s23, $0x17400;
	s23 =	sadd.s32 $0xC00, s23;
	_ =	swait.ge [sflag:s16], $0x3000  }
0x2a: {  	[sflag:s16] =	ssyncset.done $0x0  }
0x2b: {  	s26 =	sadd.s32 s25, s10;
	[sflag:s16] =	ssyncadd.s32 $0xFFFFD000  }
0x2c: {  	[hbm4b:s26+s2] =	stream.linear.scatter [tilespmem:s13], [sflag:$0x3], $0x3000, $0x38;
	[tilespmem:$0x6430] =	vst v63  }
0x2d: {  	_ =	swait.ge [sflag:s17], $0x3000  }
0x2e: {  	[sflag:s17] =	ssyncset.done $0x0  }
0x2f: {  	s26 =	sadd.s32 $0xFFFFFFF0, s24;
	[sflag:s17] =	ssyncadd.s32 $0xFFFFD000  }
0x30: {  	[tilespmem:s13], [sflag:$0x1] =	stream.indirect.gather [hbm4b:s3+s12], $0x400, s26, s12, $0xb8;
	[tilespmem:$0x6430] =	vst v63  }
0x31: {  	_ =	swait.ge [sflag:s18], $0x3000  }
0x32: {  	[sflag:s18] =	ssyncset.done $0x0  }
.Ltmp0:
0x33: {  	s25 =	sadd.s32 s25, s9;
	[sflag:s18] =	ssyncadd.s32 $0xFFFFD000;
	(pc) =	sbr.rel @p0 .LBB2_2-.Ltmp0, $4  }
0x34: {  	[hbm4b:s25+s2] =	stream.linear.scatter [tilespmem:s15], [sflag:$0x4], $0x3000, $0x38;
	[tilespmem:$0x6430] =	vst v63  }
0x35: {  	_ =	swait.ge [sflag:s19], $0x3000  }
0x36: {  	[sflag:s19] =	ssyncset.done $0x0  }
0x37: {  	s24 =	sadd.s32 $0x20, s24;
	[sflag:s19] =	ssyncadd.s32 $0xFFFFD000  }
0x38: {  	[tilespmem:s15], [sflag:$0x2] =	stream.indirect.gather [hbm4b:s3+s12], $0x400, s22, s12, $0xb8;
	[tilespmem:$0x6430] =	vst v63  }
0x39: {  	_ =	swait.ge [sflag:s16], $0x3000  }
0x3a: {  	[sflag:s16] =	ssyncset.done $0x0  }
0x3b: {  	[sflag:s16] =	ssyncadd.s32 $0xFFFFD000  }
0x3c: {  	[hbm4b:s5+s2] =	stream.linear.scatter [tilespmem:s13], [sflag:$0x3], $0x3000, $0x38;
	[tilespmem:$0x6430] =	vst v63  }
0x3d: {  	_ =	swait.ge [sflag:s17], $0x3000  }
0x3e: {  	[sflag:s17] =	ssyncset.done $0x0  }
0x3f: {  	[sflag:s17] =	ssyncadd.s32 $0xFFFFD000  }
0x40: {  	_ =	swait.ge [sflag:s18], $0x3000  }
0x41: {  	[sflag:s18] =	ssyncset.done $0x0  }
0x42: {  	[sflag:s18] =	ssyncadd.s32 $0xFFFFD000  }
0x43: {  	[hbm4b:s6+s2] =	stream.linear.scatter [tilespmem:s15], [sflag:$0x4], $0x3000, $0x38;
	[tilespmem:$0x6430] =	vst v63  }
0x44: {  	_ =	swait.ge [sflag:s19], $0x3000  }
0x45: {  	[sflag:s19] =	ssyncset.done $0x0  }
0x46: {  	[sflag:s19] =	ssyncadd.s32 $0xFFFFD000  }
0x47: {  	[tilespmem:s13], [sflag:$0x1] =	stream.indirect.gather [hbm4b:s3+s12], $0x400, s20, s12, $0xb8;
	[tilespmem:$0x6430] =	vst v63  }
0x48: {  	s21 =	sadd.s32 $0x1, s21;
	_ =	swait.ge [sflag:s16], $0x3000  }
0x49: {  	p0 =	sne.s32 s21, s8;
	[sflag:s16] =	ssyncset.done $0x0  }
.Ltmp1:
0x4a: {  	[sflag:s16] =	ssyncadd.s32 $0xFFFFD000;
	(pc) =	sbr.rel @p0 .LBB2_1-.Ltmp1, $4  }
0x4b: {  	[hbm4b:s7+s2] =	stream.linear.scatter [tilespmem:s13], [sflag:$0x3], $0x3000, $0x38;
	[tilespmem:$0x6430] =	vst v63  }
0x4c: {  	_ =	swait.ge [sflag:s17], $0x3000  }
0x4d: {  	[sflag:s17] =	ssyncset.done $0x0  }
0x4e: {  	[sflag:s17] =	ssyncadd.s32 $0xFFFFD000  }
0x4f: {  	_ =	sfence.sel $0x180000  }
0x50: {  	[bflag:$0x0] =	sbarrier.arrive $0xFFFF  }
0x51: {  	p0 =	sne.s32 s0, $0x0;
	_ =	strace $0x90000047  }
0x52: {  	s0 =	sadd.s32 @!p0 $0x100000, s1;
	[bflag:$0x2] =	sbarrier.arrive $0xFFFF  }
0x53: {  	[sflag:s0] =	ssyncadd.tile.s32 @!p0 $0x1;
	_ =	shalt  }
.Lfunc_end2:
_tile_overlayer_lowered:
.L_overlay_start_2:
0x54: {  	(tag) =	ssettag $0x2  }
0x55: {  	s0 =	rddreg [dreg:$0x0];
	s2 =	stileid.u32  }
0x56: {  	s1 =	rddreg [dreg:$0x1];
	p0 =	sne.s32 s2, $0x0  }
0x57: {  	s3 =	rddreg [dreg:$0x2];
	[bflag:$0x3] =	sbarrier.arrive $0xFFFF;
	s2 =	simm.s32 @!p0 $0x1C05  }
0x58: {  	[timem:s3], [sflag:s2] =	dma.local @!p0 [hbm:s0], s1  }
0x59: {  	s0 =	simm.s32 @!p0 $0x5  }
0x5a: {  	_ =	swait.ge @!p0 [sflag:s0], s1  }
0x5b: {  	s1 =	ssub.s32 @!p0 $0x0, s1;
	[sflag:s0] =	ssyncset.done @!p0 $0x0  }
0x5c: {  	[sflag:s0] =	ssyncadd.s32 @!p0 s1  }
0x5d: {  	[bflag:$0x3] =	sbarrier.arrive $0xFFFF  }
0x5e: {  	_ =	shalt  }

</sc_bundles>
